<compile_context>
chip_gen: v7x
topology: tpu7x:2x2x1
jax: 0.10.2.dev20260603
libtpu: 0.0.44.dev20260713+nightly
codegen_flags: <defaults>
</compile_context>

<pallas_src>
import jax
import jax.numpy as jnp
from jax import lax
from jax.experimental import pallas as pl
from jax.experimental.pallas import tpu as pltpu
from jax.experimental.pallas import tpu_sc as plsc

EXPERTS = 64
TOPK = 8
TOKENS = 32768
DMODEL = 768
NC, NS = 2, 16
NW = NC * NS
TOK_PER_W = TOKENS // NW
GROUPS = TOK_PER_W // 16
MM_TILE = 4096


def _logits_body(w_ref, h_ref, out_ref):
    acc = lax.dot_general(
        h_ref[...], w_ref[...], (((1,), (1,)), ((), ())),
        preferred_element_type=jnp.float32)
    out_ref[...] = acc.T


def _logits_t(hf, W):
    return pl.pallas_call(
        _logits_body,
        grid=(TOKENS // MM_TILE,),
        in_specs=[
            pl.BlockSpec((EXPERTS, DMODEL), lambda i: (0, 0)),
            pl.BlockSpec((MM_TILE, DMODEL), lambda i: (i, 0)),
        ],
        out_specs=pl.BlockSpec((EXPERTS, MM_TILE), lambda i: (0, i)),
        out_shape=jax.ShapeDtypeStruct((EXPERTS, TOKENS), jnp.float32),
    )(W, hf)


def _topk_tec(lgT, ids_out, w_out, lg_v, ids_v, w_v):
    c = lax.axis_index("c")
    s = lax.axis_index("s")
    wid = s * NC + c
    base = wid * TOK_PER_W
    pltpu.sync_copy(lgT.at[:, pl.ds(base, TOK_PER_W)], lg_v)
    one = jnp.full((16,), 1, jnp.int32)

    def group(g, _):
        g16 = g * 16

        def expert(e):
            return lg_v[e, pl.ds(g16, 16)], one * e

        vs = [None] * TOPK
        ix = [None] * TOPK
        vs[0], ix[0] = expert(0)
        for e in range(1, TOPK):
            x, xi = expert(e)
            for j in range(e):
                cnd = x > vs[j]
                vs[j], x = jnp.where(cnd, x, vs[j]), jnp.where(cnd, vs[j], x)
                ix[j], xi = jnp.where(cnd, xi, ix[j]), jnp.where(cnd, ix[j], xi)
            vs[e], ix[e] = x, xi
        for e in range(TOPK, EXPERTS):
            x, xi = expert(e)
            for j in range(TOPK):
                cnd = x > vs[j]
                vs[j], x = jnp.where(cnd, x, vs[j]), jnp.where(cnd, vs[j], x)
                ix[j], xi = jnp.where(cnd, xi, ix[j]), jnp.where(cnd, ix[j], xi)
        es = [jnp.exp(t - vs[0]) for t in vs]
        tot = es[0]
        for t in es[1:]:
            tot = tot + t
        for j in range(TOPK):
            ids_v[j, pl.ds(g16, 16)] = ix[j]
            w_v[j, pl.ds(g16, 16)] = es[j] / tot
        return 0

    lax.fori_loop(0, GROUPS, group, 0)
    pltpu.sync_copy(ids_v, ids_out.at[:, pl.ds(base, TOK_PER_W)])
    pltpu.sync_copy(w_v, w_out.at[:, pl.ds(base, TOK_PER_W)])


_topk_call = pl.kernel(
    _topk_tec,
    out_type=[
        jax.ShapeDtypeStruct((TOPK, TOKENS), jnp.int32),
        jax.ShapeDtypeStruct((TOPK, TOKENS), jnp.float32),
    ],
    mesh=plsc.VectorSubcoreMesh(
        core_axis_name="c", subcore_axis_name="s",
        num_cores=NC, num_subcores=NS),
    compiler_params=pltpu.CompilerParams(needs_layout_passes=False),
    scratch_types=[
        pltpu.VMEM((EXPERTS, TOK_PER_W), jnp.float32),
        pltpu.VMEM((TOPK, TOK_PER_W), jnp.int32),
        pltpu.VMEM((TOPK, TOK_PER_W), jnp.float32),
    ],
)


def kernel(h, W):
    hf = h.reshape(TOKENS, DMODEL)
    lgT = _logits_t(hf, W)
    ids_sm, w_sm = _topk_call(lgT)
    return (ids_sm.T, w_sm.T, jnp.float32(0.0))

# --- scband reference (transcript-rebuilt; emitter-appended) ---
"""Pipeline reference for scband-moegate-1657857376777 (READ-ONLY COPY).

The authoritative reference and input builder live on the scoring server;
editing this copy changes nothing except your own understanding.
"""

import jax, jax.numpy as jnp
import numpy as np

EXPERT_NUM = 64
EXPERT_USE = 8

def setup_inputs(seed: int = 0) -> dict:
    key = jax.random.key(seed)
    k1, k2 = jax.random.split(key)
    h = jax.random.normal(k1, (4, 8192, 768), dtype=jnp.float32)
    # nn.Linear(embed_dim, expert_num, bias=False) weight: [expert_num, embed_dim]
    bound = 1.0 / np.sqrt(768)
    W = jax.random.uniform(k2, (EXPERT_NUM, 768), dtype=jnp.float32, minval=-bound, maxval=bound)
    return {"h": h, "W": W}

def reference(h, W):
    b, s, d = h.shape
    hf = h.reshape(-1, d)                     # [b*s, d]
    logits = hf @ W.T                          # [b*s, E]
    scores = jax.nn.softmax(logits, axis=-1)   # [b*s, E]
    expert_scores, expert_ids = jax.lax.top_k(scores, EXPERT_USE)  # [b*s, k]
    expert_weight = expert_scores / jnp.sum(expert_scores, axis=-1, keepdims=True)
    aux_loss = jnp.float32(0.0)  # module in eval mode: training branch skipped
    return (expert_ids, expert_weight, aux_loss)

if __name__ == "__main__":
    import jax
    _d = setup_inputs()
    print(jax.jit(kernel)(*tuple(_d.values())))

</pallas_src>

<mosaic_0001>
#map = affine_map<(d0, d1) -> (0, 0)>
module attributes {stable_mosaic.version = 14 : i64} {
  func.func @_topk_tec(%arg0: i32, %arg1: i32, %arg2: memref<64x32768xf32, #tpu.memory_space<hbm>>, %arg3: memref<8x32768xi32, #tpu.memory_space<hbm>>, %arg4: memref<8x32768xf32, #tpu.memory_space<hbm>>, %arg5: memref<64x1024xf32, #tpu.memory_space<vmem>>, %arg6: memref<8x1024xi32, #tpu.memory_space<vmem>>, %arg7: memref<8x1024xf32, #tpu.memory_space<vmem>>) attributes {dimension_semantics = [#tpu.dimension_semantics<core_parallel>, #tpu.dimension_semantics<subcore_parallel>], iteration_bounds = array<i64: 2, 16>, scalar_prefetch = 0 : i64, scratch_operands = 3 : i64, tpu.core_type = #tpu.core_type<sc_vector_subcore>, window_params = [{transform_indices = #map}, {transform_indices = #map}, {transform_indices = #map}]} {
    %mul3A = arith.constant 2 : i32
    %mul3A_0 = arith.muli %arg1, %mul3A : i32
    %add3A = arith.addi %mul3A_0, %arg0 : i32
    %mul3A_1 = arith.constant 1024 : i32
    %mul3A_2 = arith.muli %add3A, %mul3A_1 : i32
    "tpu.region"() ({
      %run_scoped3A = tpu.sem_alloc : memref<!tpu.dma_semaphore, #tpu.memory_space<semaphore_mem>>
      %dma_start3A = arith.constant 0 : i32
      %dma_start3A_10 = tpu.memref_slice %arg2[%dma_start3A, %mul3A_2] : memref<64x32768xf32, #tpu.memory_space<hbm>> -> memref<64x1024xf32, #tpu.memory_space<hbm>>
      %dma_start3A_11 = arith.constant 0 : i32
      %dma_start3A_12 = tpu.memref_slice %arg2[%dma_start3A_11, %mul3A_2] : memref<64x32768xf32, #tpu.memory_space<hbm>> -> memref<64x1024xf32, #tpu.memory_space<hbm>>
      tpu.enqueue_dma source(%dma_start3A_12 : memref<64x1024xf32, #tpu.memory_space<hbm>>) target(%arg5 : memref<64x1024xf32, #tpu.memory_space<vmem>>) target_semaphore(%run_scoped3A : memref<!tpu.dma_semaphore, #tpu.memory_space<semaphore_mem>>)
      %dma_wait3A = arith.constant 0 : i32
      %dma_wait3A_13 = tpu.memref_slice %arg2[%dma_wait3A, %mul3A_2] : memref<64x32768xf32, #tpu.memory_space<hbm>> -> memref<64x1024xf32, #tpu.memory_space<hbm>>
      %dma_wait3A_14 = arith.constant 0 : i32
      %dma_wait3A_15 = tpu.memref_slice %arg2[%dma_wait3A_14, %mul3A_2] : memref<64x32768xf32, #tpu.memory_space<hbm>> -> memref<64x1024xf32, #tpu.memory_space<hbm>>
      tpu.wait_dma2 semaphore(%run_scoped3A : memref<!tpu.dma_semaphore, #tpu.memory_space<semaphore_mem>>) src(%dma_wait3A_15 : memref<64x1024xf32, #tpu.memory_space<hbm>>) dst(%arg5 : memref<64x1024xf32, #tpu.memory_space<vmem>>)
      tpu.yield
    }) : () -> ()
    %broadcast_in_dim3A = arith.constant 1 : i32
    %broadcast_in_dim3A_3 = vector.broadcast %broadcast_in_dim3A : i32 to vector<16xi32>
    %scan3A = arith.constant 0 : i32
    %scan3A_4 = arith.constant 0 : i32
    %scan3A_5 = arith.constant 64 : i32
    %scan3A_6 = arith.addi %scan3A_4, %scan3A_5 : i32
    %scan3A_7 = arith.constant 1 : i32
    %scan3A_8 = scf.for %scan3A_10 = %scan3A_4 to %scan3A_6 step %scan3A_7 iter_args(%scan3A_11 = %scan3A) -> (i32)  : i32 {
      %mul3A_12 = arith.constant 16 : i32
      %mul3A_13 = arith.muli %scan3A_10, %mul3A_12 : i32
      %get3A = arith.constant 0 : i32
      %get3A_14 = arith.index_cast %get3A : i32 to index
      %get3A_15 = arith.index_cast %mul3A_13 : i32 to index
      %get3A_16 = tpu.vector_load %arg5[%get3A_14, %get3A_15] {strides = array<i32>} : memref<64x1024xf32, #tpu.memory_space<vmem>>, vector<16xf32>,
      %mul3A_17 = arith.constant 0 : i32
      %mul3A_18 = vector.broadcast %mul3A_17 : i32 to vector<16xi32>
      %mul3A_19 = arith.muli %broadcast_in_dim3A_3, %mul3A_18 : vector<16xi32>
      %get3A_20 = arith.constant 1 : i32
      %get3A_21 = arith.index_cast %get3A_20 : i32 to index
      %get3A_22 = arith.index_cast %mul3A_13 : i32 to index
      %get3A_23 = tpu.vector_load %arg5[%get3A_21, %get3A_22] {strides = array<i32>} : memref<64x1024xf32, #tpu.memory_space<vmem>>, vector<16xf32>,
      %mul3A_24 = arith.constant 1 : i32
      %mul3A_25 = vector.broadcast %mul3A_24 : i32 to vector<16xi32>
      %mul3A_26 = arith.muli %broadcast_in_dim3A_3, %mul3A_25 : vector<16xi32>
      %gt3A = arith.cmpf ogt, %get3A_23, %get3A_16 : vector<16xf32>
      %select_n3A = arith.select %gt3A, %get3A_23, %get3A_16 : vector<16xi1>, vector<16xf32>
      %select_n3A_27 = arith.select %gt3A, %get3A_16, %get3A_23 : vector<16xi1>, vector<16xf32>
      %select_n3A_28 = arith.select %gt3A, %mul3A_26, %mul3A_19 : vector<16xi1>, vector<16xi32>
      %select_n3A_29 = arith.select %gt3A, %mul3A_19, %mul3A_26 : vector<16xi1>, vector<16xi32>
      %get3A_30 = arith.constant 2 : i32
      %get3A_31 = arith.index_cast %get3A_30 : i32 to index
      %get3A_32 = arith.index_cast %mul3A_13 : i32 to index
      %get3A_33 = tpu.vector_load %arg5[%get3A_31, %get3A_32] {strides = array<i32>} : memref<64x1024xf32, #tpu.memory_space<vmem>>, vector<16xf32>,
      %mul3A_34 = arith.constant 2 : i32
      %mul3A_35 = vector.broadcast %mul3A_34 : i32 to vector<16xi32>
      %mul3A_36 = arith.muli %broadcast_in_dim3A_3, %mul3A_35 : vector<16xi32>
      %gt3A_37 = arith.cmpf ogt, %get3A_33, %select_n3A : vector<16xf32>
      %select_n3A_38 = arith.select %gt3A_37, %get3A_33, %select_n3A : vector<16xi1>, vector<16xf32>
      %select_n3A_39 = arith.select %gt3A_37, %select_n3A, %get3A_33 : vector<16xi1>, vector<16xf32>
      %select_n3A_40 = arith.select %gt3A_37, %mul3A_36, %select_n3A_28 : vector<16xi1>, vector<16xi32>
      %select_n3A_41 = arith.select %gt3A_37, %select_n3A_28, %mul3A_36 : vector<16xi1>, vector<16xi32>
      %gt3A_42 = arith.cmpf ogt, %select_n3A_39, %select_n3A_27 : vector<16xf32>
      %select_n3A_43 = arith.select %gt3A_42, %select_n3A_39, %select_n3A_27 : vector<16xi1>, vector<16xf32>
      %select_n3A_44 = arith.select %gt3A_42, %select_n3A_27, %select_n3A_39 : vector<16xi1>, vector<16xf32>
      %select_n3A_45 = arith.select %gt3A_42, %select_n3A_41, %select_n3A_29 : vector<16xi1>, vector<16xi32>
      %select_n3A_46 = arith.select %gt3A_42, %select_n3A_29, %select_n3A_41 : vector<16xi1>, vector<16xi32>
      %get3A_47 = arith.constant 3 : i32
      %get3A_48 = arith.index_cast %get3A_47 : i32 to index
      %get3A_49 = arith.index_cast %mul3A_13 : i32 to index
      %get3A_50 = tpu.vector_load %arg5[%get3A_48, %get3A_49] {strides = array<i32>} : memref<64x1024xf32, #tpu.memory_space<vmem>>, vector<16xf32>,
      %mul3A_51 = arith.constant 3 : i32
      %mul3A_52 = vector.broadcast %mul3A_51 : i32 to vector<16xi32>
      %mul3A_53 = arith.muli %broadcast_in_dim3A_3, %mul3A_52 : vector<16xi32>
      %gt3A_54 = arith.cmpf ogt, %get3A_50, %select_n3A_38 : vector<16xf32>
      %select_n3A_55 = arith.select %gt3A_54, %get3A_50, %select_n3A_38 : vector<16xi1>, vector<16xf32>
      %select_n3A_56 = arith.select %gt3A_54, %select_n3A_38, %get3A_50 : vector<16xi1>, vector<16xf32>
      %select_n3A_57 = arith.select %gt3A_54, %mul3A_53, %select_n3A_40 : vector<16xi1>, vector<16xi32>
      %select_n3A_58 = arith.select %gt3A_54, %select_n3A_40, %mul3A_53 : vector<16xi1>, vector<16xi32>
      %gt3A_59 = arith.cmpf ogt, %select_n3A_56, %select_n3A_43 : vector<16xf32>
      %select_n3A_60 = arith.select %gt3A_59, %select_n3A_56, %select_n3A_43 : vector<16xi1>, vector<16xf32>
      %select_n3A_61 = arith.select %gt3A_59, %select_n3A_43, %select_n3A_56 : vector<16xi1>, vector<16xf32>
      %select_n3A_62 = arith.select %gt3A_59, %select_n3A_58, %select_n3A_45 : vector<16xi1>, vector<16xi32>
      %select_n3A_63 = arith.select %gt3A_59, %select_n3A_45, %select_n3A_58 : vector<16xi1>, vector<16xi32>
      %gt3A_64 = arith.cmpf ogt, %select_n3A_61, %select_n3A_44 : vector<16xf32>
      %select_n3A_65 = arith.select %gt3A_64, %select_n3A_61, %select_n3A_44 : vector<16xi1>, vector<16xf32>
      %select_n3A_66 = arith.select %gt3A_64, %select_n3A_44, %select_n3A_61 : vector<16xi1>, vector<16xf32>
      %select_n3A_67 = arith.select %gt3A_64, %select_n3A_63, %select_n3A_46 : vector<16xi1>, vector<16xi32>
      %select_n3A_68 = arith.select %gt3A_64, %select_n3A_46, %select_n3A_63 : vector<16xi1>, vector<16xi32>
      %get3A_69 = arith.constant 4 : i32
      %get3A_70 = arith.index_cast %get3A_69 : i32 to index
      %get3A_71 = arith.index_cast %mul3A_13 : i32 to index
      %get3A_72 = tpu.vector_load %arg5[%get3A_70, %get3A_71] {strides = array<i32>} : memref<64x1024xf32, #tpu.memory_space<vmem>>, vector<16xf32>,
      %mul3A_73 = arith.constant 4 : i32
      %mul3A_74 = vector.broadcast %mul3A_73 : i32 to vector<16xi32>
      %mul3A_75 = arith.muli %broadcast_in_dim3A_3, %mul3A_74 : vector<16xi32>
      %gt3A_76 = arith.cmpf ogt, %get3A_72, %select_n3A_55 : vector<16xf32>
      %select_n3A_77 = arith.select %gt3A_76, %get3A_72, %select_n3A_55 : vector<16xi1>, vector<16xf32>
      %select_n3A_78 = arith.select %gt3A_76, %select_n3A_55, %get3A_72 : vector<16xi1>, vector<16xf32>
      %select_n3A_79 = arith.select %gt3A_76, %mul3A_75, %select_n3A_57 : vector<16xi1>, vector<16xi32>
      %select_n3A_80 = arith.select %gt3A_76, %select_n3A_57, %mul3A_75 : vector<16xi1>, vector<16xi32>
      %gt3A_81 = arith.cmpf ogt, %select_n3A_78, %select_n3A_60 : vector<16xf32>
      %select_n3A_82 = arith.select %gt3A_81, %select_n3A_78, %select_n3A_60 : vector<16xi1>, vector<16xf32>
      %select_n3A_83 = arith.select %gt3A_81, %select_n3A_60, %select_n3A_78 : vector<16xi1>, vector<16xf32>
      %select_n3A_84 = arith.select %gt3A_81, %select_n3A_80, %select_n3A_62 : vector<16xi1>, vector<16xi32>
      %select_n3A_85 = arith.select %gt3A_81, %select_n3A_62, %select_n3A_80 : vector<16xi1>, vector<16xi32>
      %gt3A_86 = arith.cmpf ogt, %select_n3A_83, %select_n3A_65 : vector<16xf32>
      %select_n3A_87 = arith.select %gt3A_86, %select_n3A_83, %select_n3A_65 : vector<16xi1>, vector<16xf32>
      %select_n3A_88 = arith.select %gt3A_86, %select_n3A_65, %select_n3A_83 : vector<16xi1>, vector<16xf32>
      %select_n3A_89 = arith.select %gt3A_86, %select_n3A_85, %select_n3A_67 : vector<16xi1>, vector<16xi32>
      %select_n3A_90 = arith.select %gt3A_86, %select_n3A_67, %select_n3A_85 : vector<16xi1>, vector<16xi32>
      %gt3A_91 = arith.cmpf ogt, %select_n3A_88, %select_n3A_66 : vector<16xf32>
      %select_n3A_92 = arith.select %gt3A_91, %select_n3A_88, %select_n3A_66 : vector<16xi1>, vector<16xf32>
      %select_n3A_93 = arith.select %gt3A_91, %select_n3A_66, %select_n3A_88 : vector<16xi1>, vector<16xf32>
      %select_n3A_94 = arith.select %gt3A_91, %select_n3A_90, %select_n3A_68 : vector<16xi1>, vector<16xi32>
      %select_n3A_95 = arith.select %gt3A_91, %select_n3A_68, %select_n3A_90 : vector<16xi1>, vector<16xi32>
      %get3A_96 = arith.constant 5 : i32
      %get3A_97 = arith.index_cast %get3A_96 : i32 to index
      %get3A_98 = arith.index_cast %mul3A_13 : i32 to index
      %get3A_99 = tpu.vector_load %arg5[%get3A_97, %get3A_98] {strides = array<i32>} : memref<64x1024xf32, #tpu.memory_space<vmem>>, vector<16xf32>,
      %mul3A_100 = arith.constant 5 : i32
      %mul3A_101 = vector.broadcast %mul3A_100 : i32 to vector<16xi32>
      %mul3A_102 = arith.muli %broadcast_in_dim3A_3, %mul3A_101 : vector<16xi32>
      %gt3A_103 = arith.cmpf ogt, %get3A_99, %select_n3A_77 : vector<16xf32>
      %select_n3A_104 = arith.select %gt3A_103, %get3A_99, %select_n3A_77 : vector<16xi1>, vector<16xf32>
      %select_n3A_105 = arith.select %gt3A_103, %select_n3A_77, %get3A_99 : vector<16xi1>, vector<16xf32>
      %select_n3A_106 = arith.select %gt3A_103, %mul3A_102, %select_n3A_79 : vector<16xi1>, vector<16xi32>
      %select_n3A_107 = arith.select %gt3A_103, %select_n3A_79, %mul3A_102 : vector<16xi1>, vector<16xi32>
      %gt3A_108 = arith.cmpf ogt, %select_n3A_105, %select_n3A_82 : vector<16xf32>
      %select_n3A_109 = arith.select %gt3A_108, %select_n3A_105, %select_n3A_82 : vector<16xi1>, vector<16xf32>
      %select_n3A_110 = arith.select %gt3A_108, %select_n3A_82, %select_n3A_105 : vector<16xi1>, vector<16xf32>
      %select_n3A_111 = arith.select %gt3A_108, %select_n3A_107, %select_n3A_84 : vector<16xi1>, vector<16xi32>
      %select_n3A_112 = arith.select %gt3A_108, %select_n3A_84, %select_n3A_107 : vector<16xi1>, vector<16xi32>
      %gt3A_113 = arith.cmpf ogt, %select_n3A_110, %select_n3A_87 : vector<16xf32>
      %select_n3A_114 = arith.select %gt3A_113, %select_n3A_110, %select_n3A_87 : vector<16xi1>, vector<16xf32>
      %select_n3A_115 = arith.select %gt3A_113, %select_n3A_87, %select_n3A_110 : vector<16xi1>, vector<16xf32>
      %select_n3A_116 = arith.select %gt3A_113, %select_n3A_112, %select_n3A_89 : vector<16xi1>, vector<16xi32>
      %select_n3A_117 = arith.select %gt3A_113, %select_n3A_89, %select_n3A_112 : vector<16xi1>, vector<16xi32>
      %gt3A_118 = arith.cmpf ogt, %select_n3A_115, %select_n3A_92 : vector<16xf32>
      %select_n3A_119 = arith.select %gt3A_118, %select_n3A_115, %select_n3A_92 : vector<16xi1>, vector<16xf32>
      %select_n3A_120 = arith.select %gt3A_118, %select_n3A_92, %select_n3A_115 : vector<16xi1>, vector<16xf32>
      %select_n3A_121 = arith.select %gt3A_118, %select_n3A_117, %select_n3A_94 : vector<16xi1>, vector<16xi32>
      %select_n3A_122 = arith.select %gt3A_118, %select_n3A_94, %select_n3A_117 : vector<16xi1>, vector<16xi32>
      %gt3A_123 = arith.cmpf ogt, %select_n3A_120, %select_n3A_93 : vector<16xf32>
      %select_n3A_124 = arith.select %gt3A_123, %select_n3A_120, %select_n3A_93 : vector<16xi1>, vector<16xf32>
      %select_n3A_125 = arith.select %gt3A_123, %select_n3A_93, %select_n3A_120 : vector<16xi1>, vector<16xf32>
      %select_n3A_126 = arith.select %gt3A_123, %select_n3A_122, %select_n3A_95 : vector<16xi1>, vector<16xi32>
      %select_n3A_127 = arith.select %gt3A_123, %select_n3A_95, %select_n3A_122 : vector<16xi1>, vector<16xi32>
      %get3A_128 = arith.constant 6 : i32
      %get3A_129 = arith.index_cast %get3A_128 : i32 to index
      %get3A_130 = arith.index_cast %mul3A_13 : i32 to index
      %get3A_131 = tpu.vector_load %arg5[%get3A_129, %get3A_130] {strides = array<i32>} : memref<64x1024xf32, #tpu.memory_space<vmem>>, vector<16xf32>,
      %mul3A_132 = arith.constant 6 : i32
      %mul3A_133 = vector.broadcast %mul3A_132 : i32 to vector<16xi32>
      %mul3A_134 = arith.muli %broadcast_in_dim3A_3, %mul3A_133 : vector<16xi32>
      %gt3A_135 = arith.cmpf ogt, %get3A_131, %select_n3A_104 : vector<16xf32>
      %select_n3A_136 = arith.select %gt3A_135, %get3A_131, %select_n3A_104 : vector<16xi1>, vector<16xf32>
      %select_n3A_137 = arith.select %gt3A_135, %select_n3A_104, %get3A_131 : vector<16xi1>, vector<16xf32>
      %select_n3A_138 = arith.select %gt3A_135, %mul3A_134, %select_n3A_106 : vector<16xi1>, vector<16xi32>
      %select_n3A_139 = arith.select %gt3A_135, %select_n3A_106, %mul3A_134 : vector<16xi1>, vector<16xi32>
      %gt3A_140 = arith.cmpf ogt, %select_n3A_137, %select_n3A_109 : vector<16xf32>
      %select_n3A_141 = arith.select %gt3A_140, %select_n3A_137, %select_n3A_109 : vector<16xi1>, vector<16xf32>
      %select_n3A_142 = arith.select %gt3A_140, %select_n3A_109, %select_n3A_137 : vector<16xi1>, vector<16xf32>
      %select_n3A_143 = arith.select %gt3A_140, %select_n3A_139, %select_n3A_111 : vector<16xi1>, vector<16xi32>
      %select_n3A_144 = arith.select %gt3A_140, %select_n3A_111, %select_n3A_139 : vector<16xi1>, vector<16xi32>
      %gt3A_145 = arith.cmpf ogt, %select_n3A_142, %select_n3A_114 : vector<16xf32>
      %select_n3A_146 = arith.select %gt3A_145, %select_n3A_142, %select_n3A_114 : vector<16xi1>, vector<16xf32>
      %select_n3A_147 = arith.select %gt3A_145, %select_n3A_114, %select_n3A_142 : vector<16xi1>, vector<16xf32>
      %select_n3A_148 = arith.select %gt3A_145, %select_n3A_144, %select_n3A_116 : vector<16xi1>, vector<16xi32>
      %select_n3A_149 = arith.select %gt3A_145, %select_n3A_116, %select_n3A_144 : vector<16xi1>, vector<16xi32>
      %gt3A_150 = arith.cmpf ogt, %select_n3A_147, %select_n3A_119 : vector<16xf32>
      %select_n3A_151 = arith.select %gt3A_150, %select_n3A_147, %select_n3A_119 : vector<16xi1>, vector<16xf32>
      %select_n3A_152 = arith.select %gt3A_150, %select_n3A_119, %select_n3A_147 : vector<16xi1>, vector<16xf32>
      %select_n3A_153 = arith.select %gt3A_150, %select_n3A_149, %select_n3A_121 : vector<16xi1>, vector<16xi32>
      %select_n3A_154 = arith.select %gt3A_150, %select_n3A_121, %select_n3A_149 : vector<16xi1>, vector<16xi32>
      %gt3A_155 = arith.cmpf ogt, %select_n3A_152, %select_n3A_124 : vector<16xf32>
      %select_n3A_156 = arith.select %gt3A_155, %select_n3A_152, %select_n3A_124 : vector<16xi1>, vector<16xf32>
      %select_n3A_157 = arith.select %gt3A_155, %select_n3A_124, %select_n3A_152 : vector<16xi1>, vector<16xf32>
      %select_n3A_158 = arith.select %gt3A_155, %select_n3A_154, %select_n3A_126 : vector<16xi1>, vector<16xi32>
      %select_n3A_159 = arith.select %gt3A_155, %select_n3A_126, %select_n3A_154 : vector<16xi1>, vector<16xi32>
      %gt3A_160 = arith.cmpf ogt, %select_n3A_157, %select_n3A_125 : vector<16xf32>
      %select_n3A_161 = arith.select %gt3A_160, %select_n3A_157, %select_n3A_125 : vector<16xi1>, vector<16xf32>
      %select_n3A_162 = arith.select %gt3A_160, %select_n3A_125, %select_n3A_157 : vector<16xi1>, vector<16xf32>
      %select_n3A_163 = arith.select %gt3A_160, %select_n3A_159, %select_n3A_127 : vector<16xi1>, vector<16xi32>
      %select_n3A_164 = arith.select %gt3A_160, %select_n3A_127, %select_n3A_159 : vector<16xi1>, vector<16xi32>
      %get3A_165 = arith.constant 7 : i32
      %get3A_166 = arith.index_cast %get3A_165 : i32 to index
      %get3A_167 = arith.index_cast %mul3A_13 : i32 to index
      %get3A_168 = tpu.vector_load %arg5[%get3A_166, %get3A_167] {strides = array<i32>} : memref<64x1024xf32, #tpu.memory_space<vmem>>, vector<16xf32>,
      %mul3A_169 = arith.constant 7 : i32
      %mul3A_170 = vector.broadcast %mul3A_169 : i32 to vector<16xi32>
      %mul3A_171 = arith.muli %broadcast_in_dim3A_3, %mul3A_170 : vector<16xi32>
      %gt3A_172 = arith.cmpf ogt, %get3A_168, %select_n3A_136 : vector<16xf32>
      %select_n3A_173 = arith.select %gt3A_172, %get3A_168, %select_n3A_136 : vector<16xi1>, vector<16xf32>
      %select_n3A_174 = arith.select %gt3A_172, %select_n3A_136, %get3A_168 : vector<16xi1>, vector<16xf32>
      %select_n3A_175 = arith.select %gt3A_172, %mul3A_171, %select_n3A_138 : vector<16xi1>, vector<16xi32>
      %select_n3A_176 = arith.select %gt3A_172, %select_n3A_138, %mul3A_171 : vector<16xi1>, vector<16xi32>
      %gt3A_177 = arith.cmpf ogt, %select_n3A_174, %select_n3A_141 : vector<16xf32>
      %select_n3A_178 = arith.select %gt3A_177, %select_n3A_174, %select_n3A_141 : vector<16xi1>, vector<16xf32>
      %select_n3A_179 = arith.select %gt3A_177, %select_n3A_141, %select_n3A_174 : vector<16xi1>, vector<16xf32>
      %select_n3A_180 = arith.select %gt3A_177, %select_n3A_176, %select_n3A_143 : vector<16xi1>, vector<16xi32>
      %select_n3A_181 = arith.select %gt3A_177, %select_n3A_143, %select_n3A_176 : vector<16xi1>, vector<16xi32>
      %gt3A_182 = arith.cmpf ogt, %select_n3A_179, %select_n3A_146 : vector<16xf32>
      %select_n3A_183 = arith.select %gt3A_182, %select_n3A_179, %select_n3A_146 : vector<16xi1>, vector<16xf32>
      %select_n3A_184 = arith.select %gt3A_182, %select_n3A_146, %select_n3A_179 : vector<16xi1>, vector<16xf32>
      %select_n3A_185 = arith.select %gt3A_182, %select_n3A_181, %select_n3A_148 : vector<16xi1>, vector<16xi32>
      %select_n3A_186 = arith.select %gt3A_182, %select_n3A_148, %select_n3A_181 : vector<16xi1>, vector<16xi32>
      %gt3A_187 = arith.cmpf ogt, %select_n3A_184, %select_n3A_151 : vector<16xf32>
      %select_n3A_188 = arith.select %gt3A_187, %select_n3A_184, %select_n3A_151 : vector<16xi1>, vector<16xf32>
      %select_n3A_189 = arith.select %gt3A_187, %select_n3A_151, %select_n3A_184 : vector<16xi1>, vector<16xf32>
      %select_n3A_190 = arith.select %gt3A_187, %select_n3A_186, %select_n3A_153 : vector<16xi1>, vector<16xi32>
      %select_n3A_191 = arith.select %gt3A_187, %select_n3A_153, %select_n3A_186 : vector<16xi1>, vector<16xi32>
      %gt3A_192 = arith.cmpf ogt, %select_n3A_189, %select_n3A_156 : vector<16xf32>
      %select_n3A_193 = arith.select %gt3A_192, %select_n3A_189, %select_n3A_156 : vector<16xi1>, vector<16xf32>
      %select_n3A_194 = arith.select %gt3A_192, %select_n3A_156, %select_n3A_189 : vector<16xi1>, vector<16xf32>
      %select_n3A_195 = arith.select %gt3A_192, %select_n3A_191, %select_n3A_158 : vector<16xi1>, vector<16xi32>
      %select_n3A_196 = arith.select %gt3A_192, %select_n3A_158, %select_n3A_191 : vector<16xi1>, vector<16xi32>
      %gt3A_197 = arith.cmpf ogt, %select_n3A_194, %select_n3A_161 : vector<16xf32>
      %select_n3A_198 = arith.select %gt3A_197, %select_n3A_194, %select_n3A_161 : vector<16xi1>, vector<16xf32>
      %select_n3A_199 = arith.select %gt3A_197, %select_n3A_161, %select_n3A_194 : vector<16xi1>, vector<16xf32>
      %select_n3A_200 = arith.select %gt3A_197, %select_n3A_196, %select_n3A_163 : vector<16xi1>, vector<16xi32>
      %select_n3A_201 = arith.select %gt3A_197, %select_n3A_163, %select_n3A_196 : vector<16xi1>, vector<16xi32>
      %gt3A_202 = arith.cmpf ogt, %select_n3A_199, %select_n3A_162 : vector<16xf32>
      %select_n3A_203 = arith.select %gt3A_202, %select_n3A_199, %select_n3A_162 : vector<16xi1>, vector<16xf32>
      %select_n3A_204 = arith.select %gt3A_202, %select_n3A_162, %select_n3A_199 : vector<16xi1>, vector<16xf32>
      %select_n3A_205 = arith.select %gt3A_202, %select_n3A_201, %select_n3A_164 : vector<16xi1>, vector<16xi32>
      %select_n3A_206 = arith.select %gt3A_202, %select_n3A_164, %select_n3A_201 : vector<16xi1>, vector<16xi32>
      %get3A_207 = arith.constant 8 : i32
      %get3A_208 = arith.index_cast %get3A_207 : i32 to index
      %get3A_209 = arith.index_cast %mul3A_13 : i32 to index
      %get3A_210 = tpu.vector_load %arg5[%get3A_208, %get3A_209] {strides = array<i32>} : memref<64x1024xf32, #tpu.memory_space<vmem>>, vector<16xf32>,
      %mul3A_211 = arith.constant 8 : i32
      %mul3A_212 = vector.broadcast %mul3A_211 : i32 to vector<16xi32>
      %mul3A_213 = arith.muli %broadcast_in_dim3A_3, %mul3A_212 : vector<16xi32>
      %gt3A_214 = arith.cmpf ogt, %get3A_210, %select_n3A_173 : vector<16xf32>
      %select_n3A_215 = arith.select %gt3A_214, %get3A_210, %select_n3A_173 : vector<16xi1>, vector<16xf32>
      %select_n3A_216 = arith.select %gt3A_214, %select_n3A_173, %get3A_210 : vector<16xi1>, vector<16xf32>
      %select_n3A_217 = arith.select %gt3A_214, %mul3A_213, %select_n3A_175 : vector<16xi1>, vector<16xi32>
      %select_n3A_218 = arith.select %gt3A_214, %select_n3A_175, %mul3A_213 : vector<16xi1>, vector<16xi32>
      %gt3A_219 = arith.cmpf ogt, %select_n3A_216, %select_n3A_178 : vector<16xf32>
      %select_n3A_220 = arith.select %gt3A_219, %select_n3A_216, %select_n3A_178 : vector<16xi1>, vector<16xf32>
      %select_n3A_221 = arith.select %gt3A_219, %select_n3A_178, %select_n3A_216 : vector<16xi1>, vector<16xf32>
      %select_n3A_222 = arith.select %gt3A_219, %select_n3A_218, %select_n3A_180 : vector<16xi1>, vector<16xi32>
      %select_n3A_223 = arith.select %gt3A_219, %select_n3A_180, %select_n3A_218 : vector<16xi1>, vector<16xi32>
      %gt3A_224 = arith.cmpf ogt, %select_n3A_221, %select_n3A_183 : vector<16xf32>
      %select_n3A_225 = arith.select %gt3A_224, %select_n3A_221, %select_n3A_183 : vector<16xi1>, vector<16xf32>
      %select_n3A_226 = arith.select %gt3A_224, %select_n3A_183, %select_n3A_221 : vector<16xi1>, vector<16xf32>
      %select_n3A_227 = arith.select %gt3A_224, %select_n3A_223, %select_n3A_185 : vector<16xi1>, vector<16xi32>
      %select_n3A_228 = arith.select %gt3A_224, %select_n3A_185, %select_n3A_223 : vector<16xi1>, vector<16xi32>
      %gt3A_229 = arith.cmpf ogt, %select_n3A_226, %select_n3A_188 : vector<16xf32>
      %select_n3A_230 = arith.select %gt3A_229, %select_n3A_226, %select_n3A_188 : vector<16xi1>, vector<16xf32>
      %select_n3A_231 = arith.select %gt3A_229, %select_n3A_188, %select_n3A_226 : vector<16xi1>, vector<16xf32>
      %select_n3A_232 = arith.select %gt3A_229, %select_n3A_228, %select_n3A_190 : vector<16xi1>, vector<16xi32>
      %select_n3A_233 = arith.select %gt3A_229, %select_n3A_190, %select_n3A_228 : vector<16xi1>, vector<16xi32>
      %gt3A_234 = arith.cmpf ogt, %select_n3A_231, %select_n3A_193 : vector<16xf32>
      %select_n3A_235 = arith.select %gt3A_234, %select_n3A_231, %select_n3A_193 : vector<16xi1>, vector<16xf32>
      %select_n3A_236 = arith.select %gt3A_234, %select_n3A_193, %select_n3A_231 : vector<16xi1>, vector<16xf32>
      %select_n3A_237 = arith.select %gt3A_234, %select_n3A_233, %select_n3A_195 : vector<16xi1>, vector<16xi32>
      %select_n3A_238 = arith.select %gt3A_234, %select_n3A_195, %select_n3A_233 : vector<16xi1>, vector<16xi32>
      %gt3A_239 = arith.cmpf ogt, %select_n3A_236, %select_n3A_198 : vector<16xf32>
      %select_n3A_240 = arith.select %gt3A_239, %select_n3A_236, %select_n3A_198 : vector<16xi1>, vector<16xf32>
      %select_n3A_241 = arith.select %gt3A_239, %select_n3A_198, %select_n3A_236 : vector<16xi1>, vector<16xf32>
      %select_n3A_242 = arith.select %gt3A_239, %select_n3A_238, %select_n3A_200 : vector<16xi1>, vector<16xi32>
      %select_n3A_243 = arith.select %gt3A_239, %select_n3A_200, %select_n3A_238 : vector<16xi1>, vector<16xi32>
      %gt3A_244 = arith.cmpf ogt, %select_n3A_241, %select_n3A_203 : vector<16xf32>
      %select_n3A_245 = arith.select %gt3A_244, %select_n3A_241, %select_n3A_203 : vector<16xi1>, vector<16xf32>
      %select_n3A_246 = arith.select %gt3A_244, %select_n3A_203, %select_n3A_241 : vector<16xi1>, vector<16xf32>
      %select_n3A_247 = arith.select %gt3A_244, %select_n3A_243, %select_n3A_205 : vector<16xi1>, vector<16xi32>
      %select_n3A_248 = arith.select %gt3A_244, %select_n3A_205, %select_n3A_243 : vector<16xi1>, vector<16xi32>
      %gt3A_249 = arith.cmpf ogt, %select_n3A_246, %select_n3A_204 : vector<16xf32>
      %select_n3A_250 = arith.select %gt3A_249, %select_n3A_246, %select_n3A_204 : vector<16xi1>, vector<16xf32>
      %select_n3A_251 = arith.select %gt3A_249, %select_n3A_204, %select_n3A_246 : vector<16xi1>, vector<16xf32>
      %select_n3A_252 = arith.select %gt3A_249, %select_n3A_248, %select_n3A_206 : vector<16xi1>, vector<16xi32>
      %select_n3A_253 = arith.select %gt3A_249, %select_n3A_206, %select_n3A_248 : vector<16xi1>, vector<16xi32>
      %get3A_254 = arith.constant 9 : i32
      %get3A_255 = arith.index_cast %get3A_254 : i32 to index
      %get3A_256 = arith.index_cast %mul3A_13 : i32 to index
      %get3A_257 = tpu.vector_load %arg5[%get3A_255, %get3A_256] {strides = array<i32>} : memref<64x1024xf32, #tpu.memory_space<vmem>>, vector<16xf32>,
      %mul3A_258 = arith.constant 9 : i32
      %mul3A_259 = vector.broadcast %mul3A_258 : i32 to vector<16xi32>
      %mul3A_260 = arith.muli %broadcast_in_dim3A_3, %mul3A_259 : vector<16xi32>
      %gt3A_261 = arith.cmpf ogt, %get3A_257, %select_n3A_215 : vector<16xf32>
      %select_n3A_262 = arith.select %gt3A_261, %get3A_257, %select_n3A_215 : vector<16xi1>, vector<16xf32>
      %select_n3A_263 = arith.select %gt3A_261, %select_n3A_215, %get3A_257 : vector<16xi1>, vector<16xf32>
      %select_n3A_264 = arith.select %gt3A_261, %mul3A_260, %select_n3A_217 : vector<16xi1>, vector<16xi32>
      %select_n3A_265 = arith.select %gt3A_261, %select_n3A_217, %mul3A_260 : vector<16xi1>, vector<16xi32>
      %gt3A_266 = arith.cmpf ogt, %select_n3A_263, %select_n3A_220 : vector<16xf32>
      %select_n3A_267 = arith.select %gt3A_266, %select_n3A_263, %select_n3A_220 : vector<16xi1>, vector<16xf32>
      %select_n3A_268 = arith.select %gt3A_266, %select_n3A_220, %select_n3A_263 : vector<16xi1>, vector<16xf32>
      %select_n3A_269 = arith.select %gt3A_266, %select_n3A_265, %select_n3A_222 : vector<16xi1>, vector<16xi32>
      %select_n3A_270 = arith.select %gt3A_266, %select_n3A_222, %select_n3A_265 : vector<16xi1>, vector<16xi32>
      %gt3A_271 = arith.cmpf ogt, %select_n3A_268, %select_n3A_225 : vector<16xf32>
      %select_n3A_272 = arith.select %gt3A_271, %select_n3A_268, %select_n3A_225 : vector<16xi1>, vector<16xf32>
      %select_n3A_273 = arith.select %gt3A_271, %select_n3A_225, %select_n3A_268 : vector<16xi1>, vector<16xf32>
      %select_n3A_274 = arith.select %gt3A_271, %select_n3A_270, %select_n3A_227 : vector<16xi1>, vector<16xi32>
      %select_n3A_275 = arith.select %gt3A_271, %select_n3A_227, %select_n3A_270 : vector<16xi1>, vector<16xi32>
      %gt3A_276 = arith.cmpf ogt, %select_n3A_273, %select_n3A_230 : vector<16xf32>
      %select_n3A_277 = arith.select %gt3A_276, %select_n3A_273, %select_n3A_230 : vector<16xi1>, vector<16xf32>
      %select_n3A_278 = arith.select %gt3A_276, %select_n3A_230, %select_n3A_273 : vector<16xi1>, vector<16xf32>
      %select_n3A_279 = arith.select %gt3A_276, %select_n3A_275, %select_n3A_232 : vector<16xi1>, vector<16xi32>
      %select_n3A_280 = arith.select %gt3A_276, %select_n3A_232, %select_n3A_275 : vector<16xi1>, vector<16xi32>
      %gt3A_281 = arith.cmpf ogt, %select_n3A_278, %select_n3A_235 : vector<16xf32>
      %select_n3A_282 = arith.select %gt3A_281, %select_n3A_278, %select_n3A_235 : vector<16xi1>, vector<16xf32>
      %select_n3A_283 = arith.select %gt3A_281, %select_n3A_235, %select_n3A_278 : vector<16xi1>, vector<16xf32>
      %select_n3A_284 = arith.select %gt3A_281, %select_n3A_280, %select_n3A_237 : vector<16xi1>, vector<16xi32>
      %select_n3A_285 = arith.select %gt3A_281, %select_n3A_237, %select_n3A_280 : vector<16xi1>, vector<16xi32>
      %gt3A_286 = arith.cmpf ogt, %select_n3A_283, %select_n3A_240 : vector<16xf32>
      %select_n3A_287 = arith.select %gt3A_286, %select_n3A_283, %select_n3A_240 : vector<16xi1>, vector<16xf32>
      %select_n3A_288 = arith.select %gt3A_286, %select_n3A_240, %select_n3A_283 : vector<16xi1>, vector<16xf32>
      %select_n3A_289 = arith.select %gt3A_286, %select_n3A_285, %select_n3A_242 : vector<16xi1>, vector<16xi32>
      %select_n3A_290 = arith.select %gt3A_286, %select_n3A_242, %select_n3A_285 : vector<16xi1>, vector<16xi32>
      %gt3A_291 = arith.cmpf ogt, %select_n3A_288, %select_n3A_245 : vector<16xf32>
      %select_n3A_292 = arith.select %gt3A_291, %select_n3A_288, %select_n3A_245 : vector<16xi1>, vector<16xf32>
      %select_n3A_293 = arith.select %gt3A_291, %select_n3A_245, %select_n3A_288 : vector<16xi1>, vector<16xf32>
      %select_n3A_294 = arith.select %gt3A_291, %select_n3A_290, %select_n3A_247 : vector<16xi1>, vector<16xi32>
      %select_n3A_295 = arith.select %gt3A_291, %select_n3A_247, %select_n3A_290 : vector<16xi1>, vector<16xi32>
      %gt3A_296 = arith.cmpf ogt, %select_n3A_293, %select_n3A_250 : vector<16xf32>
      %select_n3A_297 = arith.select %gt3A_296, %select_n3A_293, %select_n3A_250 : vector<16xi1>, vector<16xf32>
      %select_n3A_298 = arith.select %gt3A_296, %select_n3A_250, %select_n3A_293 : vector<16xi1>, vector<16xf32>
      %select_n3A_299 = arith.select %gt3A_296, %select_n3A_295, %select_n3A_252 : vector<16xi1>, vector<16xi32>
      %select_n3A_300 = arith.select %gt3A_296, %select_n3A_252, %select_n3A_295 : vector<16xi1>, vector<16xi32>
      %get3A_301 = arith.constant 10 : i32
      %get3A_302 = arith.index_cast %get3A_301 : i32 to index
      %get3A_303 = arith.index_cast %mul3A_13 : i32 to index
      %get3A_304 = tpu.vector_load %arg5[%get3A_302, %get3A_303] {strides = array<i32>} : memref<64x1024xf32, #tpu.memory_space<vmem>>, vector<16xf32>,
      %mul3A_305 = arith.constant 10 : i32
      %mul3A_306 = vector.broadcast %mul3A_305 : i32 to vector<16xi32>
      %mul3A_307 = arith.muli %broadcast_in_dim3A_3, %mul3A_306 : vector<16xi32>
      %gt3A_308 = arith.cmpf ogt, %get3A_304, %select_n3A_262 : vector<16xf32>
      %select_n3A_309 = arith.select %gt3A_308, %get3A_304, %select_n3A_262 : vector<16xi1>, vector<16xf32>
      %select_n3A_310 = arith.select %gt3A_308, %select_n3A_262, %get3A_304 : vector<16xi1>, vector<16xf32>
      %select_n3A_311 = arith.select %gt3A_308, %mul3A_307, %select_n3A_264 : vector<16xi1>, vector<16xi32>
      %select_n3A_312 = arith.select %gt3A_308, %select_n3A_264, %mul3A_307 : vector<16xi1>, vector<16xi32>
      %gt3A_313 = arith.cmpf ogt, %select_n3A_310, %select_n3A_267 : vector<16xf32>
      %select_n3A_314 = arith.select %gt3A_313, %select_n3A_310, %select_n3A_267 : vector<16xi1>, vector<16xf32>
      %select_n3A_315 = arith.select %gt3A_313, %select_n3A_267, %select_n3A_310 : vector<16xi1>, vector<16xf32>
      %select_n3A_316 = arith.select %gt3A_313, %select_n3A_312, %select_n3A_269 : vector<16xi1>, vector<16xi32>
      %select_n3A_317 = arith.select %gt3A_313, %select_n3A_269, %select_n3A_312 : vector<16xi1>, vector<16xi32>
      %gt3A_318 = arith.cmpf ogt, %select_n3A_315, %select_n3A_272 : vector<16xf32>
      %select_n3A_319 = arith.select %gt3A_318, %select_n3A_315, %select_n3A_272 : vector<16xi1>, vector<16xf32>
      %select_n3A_320 = arith.select %gt3A_318, %select_n3A_272, %select_n3A_315 : vector<16xi1>, vector<16xf32>
      %select_n3A_321 = arith.select %gt3A_318, %select_n3A_317, %select_n3A_274 : vector<16xi1>, vector<16xi32>
      %select_n3A_322 = arith.select %gt3A_318, %select_n3A_274, %select_n3A_317 : vector<16xi1>, vector<16xi32>
      %gt3A_323 = arith.cmpf ogt, %select_n3A_320, %select_n3A_277 : vector<16xf32>
      %select_n3A_324 = arith.select %gt3A_323, %select_n3A_320, %select_n3A_277 : vector<16xi1>, vector<16xf32>
      %select_n3A_325 = arith.select %gt3A_323, %select_n3A_277, %select_n3A_320 : vector<16xi1>, vector<16xf32>
      %select_n3A_326 = arith.select %gt3A_323, %select_n3A_322, %select_n3A_279 : vector<16xi1>, vector<16xi32>
      %select_n3A_327 = arith.select %gt3A_323, %select_n3A_279, %select_n3A_322 : vector<16xi1>, vector<16xi32>
      %gt3A_328 = arith.cmpf ogt, %select_n3A_325, %select_n3A_282 : vector<16xf32>
      %select_n3A_329 = arith.select %gt3A_328, %select_n3A_325, %select_n3A_282 : vector<16xi1>, vector<16xf32>
      %select_n3A_330 = arith.select %gt3A_328, %select_n3A_282, %select_n3A_325 : vector<16xi1>, vector<16xf32>
      %select_n3A_331 = arith.select %gt3A_328, %select_n3A_327, %select_n3A_284 : vector<16xi1>, vector<16xi32>
      %select_n3A_332 = arith.select %gt3A_328, %select_n3A_284, %select_n3A_327 : vector<16xi1>, vector<16xi32>
      %gt3A_333 = arith.cmpf ogt, %select_n3A_330, %select_n3A_287 : vector<16xf32>
      %select_n3A_334 = arith.select %gt3A_333, %select_n3A_330, %select_n3A_287 : vector<16xi1>, vector<16xf32>
      %select_n3A_335 = arith.select %gt3A_333, %select_n3A_287, %select_n3A_330 : vector<16xi1>, vector<16xf32>
      %select_n3A_336 = arith.select %gt3A_333, %select_n3A_332, %select_n3A_289 : vector<16xi1>, vector<16xi32>
      %select_n3A_337 = arith.select %gt3A_333, %select_n3A_289, %select_n3A_332 : vector<16xi1>, vector<16xi32>
      %gt3A_338 = arith.cmpf ogt, %select_n3A_335, %select_n3A_292 : vector<16xf32>
      %select_n3A_339 = arith.select %gt3A_338, %select_n3A_335, %select_n3A_292 : vector<16xi1>, vector<16xf32>
      %select_n3A_340 = arith.select %gt3A_338, %select_n3A_292, %select_n3A_335 : vector<16xi1>, vector<16xf32>
      %select_n3A_341 = arith.select %gt3A_338, %select_n3A_337, %select_n3A_294 : vector<16xi1>, vector<16xi32>
      %select_n3A_342 = arith.select %gt3A_338, %select_n3A_294, %select_n3A_337 : vector<16xi1>, vector<16xi32>
      %gt3A_343 = arith.cmpf ogt, %select_n3A_340, %select_n3A_297 : vector<16xf32>
      %select_n3A_344 = arith.select %gt3A_343, %select_n3A_340, %select_n3A_297 : vector<16xi1>, vector<16xf32>
      %select_n3A_345 = arith.select %gt3A_343, %select_n3A_297, %select_n3A_340 : vector<16xi1>, vector<16xf32>
      %select_n3A_346 = arith.select %gt3A_343, %select_n3A_342, %select_n3A_299 : vector<16xi1>, vector<16xi32>
      %select_n3A_347 = arith.select %gt3A_343, %select_n3A_299, %select_n3A_342 : vector<16xi1>, vector<16xi32>
      %get3A_348 = arith.constant 11 : i32
      %get3A_349 = arith.index_cast %get3A_348 : i32 to index
      %get3A_350 = arith.index_cast %mul3A_13 : i32 to index
      %get3A_351 = tpu.vector_load %arg5[%get3A_349, %get3A_350] {strides = array<i32>} : memref<64x1024xf32, #tpu.memory_space<vmem>>, vector<16xf32>,
      %mul3A_352 = arith.constant 11 : i32
      %mul3A_353 = vector.broadcast %mul3A_352 : i32 to vector<16xi32>
      %mul3A_354 = arith.muli %broadcast_in_dim3A_3, %mul3A_353 : vector<16xi32>
      %gt3A_355 = arith.cmpf ogt, %get3A_351, %select_n3A_309 : vector<16xf32>
      %select_n3A_356 = arith.select %gt3A_355, %get3A_351, %select_n3A_309 : vector<16xi1>, vector<16xf32>
      %select_n3A_357 = arith.select %gt3A_355, %select_n3A_309, %get3A_351 : vector<16xi1>, vector<16xf32>
      %select_n3A_358 = arith.select %gt3A_355, %mul3A_354, %select_n3A_311 : vector<16xi1>, vector<16xi32>
      %select_n3A_359 = arith.select %gt3A_355, %select_n3A_311, %mul3A_354 : vector<16xi1>, vector<16xi32>
      %gt3A_360 = arith.cmpf ogt, %select_n3A_357, %select_n3A_314 : vector<16xf32>
      %select_n3A_361 = arith.select %gt3A_360, %select_n3A_357, %select_n3A_314 : vector<16xi1>, vector<16xf32>
      %select_n3A_362 = arith.select %gt3A_360, %select_n3A_314, %select_n3A_357 : vector<16xi1>, vector<16xf32>
      %select_n3A_363 = arith.select %gt3A_360, %select_n3A_359, %select_n3A_316 : vector<16xi1>, vector<16xi32>
      %select_n3A_364 = arith.select %gt3A_360, %select_n3A_316, %select_n3A_359 : vector<16xi1>, vector<16xi32>
      %gt3A_365 = arith.cmpf ogt, %select_n3A_362, %select_n3A_319 : vector<16xf32>
      %select_n3A_366 = arith.select %gt3A_365, %select_n3A_362, %select_n3A_319 : vector<16xi1>, vector<16xf32>
      %select_n3A_367 = arith.select %gt3A_365, %select_n3A_319, %select_n3A_362 : vector<16xi1>, vector<16xf32>
      %select_n3A_368 = arith.select %gt3A_365, %select_n3A_364, %select_n3A_321 : vector<16xi1>, vector<16xi32>
      %select_n3A_369 = arith.select %gt3A_365, %select_n3A_321, %select_n3A_364 : vector<16xi1>, vector<16xi32>
      %gt3A_370 = arith.cmpf ogt, %select_n3A_367, %select_n3A_324 : vector<16xf32>
      %select_n3A_371 = arith.select %gt3A_370, %select_n3A_367, %select_n3A_324 : vector<16xi1>, vector<16xf32>
      %select_n3A_372 = arith.select %gt3A_370, %select_n3A_324, %select_n3A_367 : vector<16xi1>, vector<16xf32>
      %select_n3A_373 = arith.select %gt3A_370, %select_n3A_369, %select_n3A_326 : vector<16xi1>, vector<16xi32>
      %select_n3A_374 = arith.select %gt3A_370, %select_n3A_326, %select_n3A_369 : vector<16xi1>, vector<16xi32>
      %gt3A_375 = arith.cmpf ogt, %select_n3A_372, %select_n3A_329 : vector<16xf32>
      %select_n3A_376 = arith.select %gt3A_375, %select_n3A_372, %select_n3A_329 : vector<16xi1>, vector<16xf32>
      %select_n3A_377 = arith.select %gt3A_375, %select_n3A_329, %select_n3A_372 : vector<16xi1>, vector<16xf32>
      %select_n3A_378 = arith.select %gt3A_375, %select_n3A_374, %select_n3A_331 : vector<16xi1>, vector<16xi32>
      %select_n3A_379 = arith.select %gt3A_375, %select_n3A_331, %select_n3A_374 : vector<16xi1>, vector<16xi32>
      %gt3A_380 = arith.cmpf ogt, %select_n3A_377, %select_n3A_334 : vector<16xf32>
      %select_n3A_381 = arith.select %gt3A_380, %select_n3A_377, %select_n3A_334 : vector<16xi1>, vector<16xf32>
      %select_n3A_382 = arith.select %gt3A_380, %select_n3A_334, %select_n3A_377 : vector<16xi1>, vector<16xf32>
      %select_n3A_383 = arith.select %gt3A_380, %select_n3A_379, %select_n3A_336 : vector<16xi1>, vector<16xi32>
      %select_n3A_384 = arith.select %gt3A_380, %select_n3A_336, %select_n3A_379 : vector<16xi1>, vector<16xi32>
      %gt3A_385 = arith.cmpf ogt, %select_n3A_382, %select_n3A_339 : vector<16xf32>
      %select_n3A_386 = arith.select %gt3A_385, %select_n3A_382, %select_n3A_339 : vector<16xi1>, vector<16xf32>
      %select_n3A_387 = arith.select %gt3A_385, %select_n3A_339, %select_n3A_382 : vector<16xi1>, vector<16xf32>
      %select_n3A_388 = arith.select %gt3A_385, %select_n3A_384, %select_n3A_341 : vector<16xi1>, vector<16xi32>
      %select_n3A_389 = arith.select %gt3A_385, %select_n3A_341, %select_n3A_384 : vector<16xi1>, vector<16xi32>
      %gt3A_390 = arith.cmpf ogt, %select_n3A_387, %select_n3A_344 : vector<16xf32>
      %select_n3A_391 = arith.select %gt3A_390, %select_n3A_387, %select_n3A_344 : vector<16xi1>, vector<16xf32>
      %select_n3A_392 = arith.select %gt3A_390, %select_n3A_344, %select_n3A_387 : vector<16xi1>, vector<16xf32>
      %select_n3A_393 = arith.select %gt3A_390, %select_n3A_389, %select_n3A_346 : vector<16xi1>, vector<16xi32>
      %select_n3A_394 = arith.select %gt3A_390, %select_n3A_346, %select_n3A_389 : vector<16xi1>, vector<16xi32>
      %get3A_395 = arith.constant 12 : i32
      %get3A_396 = arith.index_cast %get3A_395 : i32 to index
      %get3A_397 = arith.index_cast %mul3A_13 : i32 to index
      %get3A_398 = tpu.vector_load %arg5[%get3A_396, %get3A_397] {strides = array<i32>} : memref<64x1024xf32, #tpu.memory_space<vmem>>, vector<16xf32>,
      %mul3A_399 = arith.constant 12 : i32
      %mul3A_400 = vector.broadcast %mul3A_399 : i32 to vector<16xi32>
      %mul3A_401 = arith.muli %broadcast_in_dim3A_3, %mul3A_400 : vector<16xi32>
      %gt3A_402 = arith.cmpf ogt, %get3A_398, %select_n3A_356 : vector<16xf32>
      %select_n3A_403 = arith.select %gt3A_402, %get3A_398, %select_n3A_356 : vector<16xi1>, vector<16xf32>
      %select_n3A_404 = arith.select %gt3A_402, %select_n3A_356, %get3A_398 : vector<16xi1>, vector<16xf32>
      %select_n3A_405 = arith.select %gt3A_402, %mul3A_401, %select_n3A_358 : vector<16xi1>, vector<16xi32>
      %select_n3A_406 = arith.select %gt3A_402, %select_n3A_358, %mul3A_401 : vector<16xi1>, vector<16xi32>
      %gt3A_407 = arith.cmpf ogt, %select_n3A_404, %select_n3A_361 : vector<16xf32>
      %select_n3A_408 = arith.select %gt3A_407, %select_n3A_404, %select_n3A_361 : vector<16xi1>, vector<16xf32>
      %select_n3A_409 = arith.select %gt3A_407, %select_n3A_361, %select_n3A_404 : vector<16xi1>, vector<16xf32>
      %select_n3A_410 = arith.select %gt3A_407, %select_n3A_406, %select_n3A_363 : vector<16xi1>, vector<16xi32>
      %select_n3A_411 = arith.select %gt3A_407, %select_n3A_363, %select_n3A_406 : vector<16xi1>, vector<16xi32>
      %gt3A_412 = arith.cmpf ogt, %select_n3A_409, %select_n3A_366 : vector<16xf32>
      %select_n3A_413 = arith.select %gt3A_412, %select_n3A_409, %select_n3A_366 : vector<16xi1>, vector<16xf32>
      %select_n3A_414 = arith.select %gt3A_412, %select_n3A_366, %select_n3A_409 : vector<16xi1>, vector<16xf32>
      %select_n3A_415 = arith.select %gt3A_412, %select_n3A_411, %select_n3A_368 : vector<16xi1>, vector<16xi32>
      %select_n3A_416 = arith.select %gt3A_412, %select_n3A_368, %select_n3A_411 : vector<16xi1>, vector<16xi32>
      %gt3A_417 = arith.cmpf ogt, %select_n3A_414, %select_n3A_371 : vector<16xf32>
      %select_n3A_418 = arith.select %gt3A_417, %select_n3A_414, %select_n3A_371 : vector<16xi1>, vector<16xf32>
      %select_n3A_419 = arith.select %gt3A_417, %select_n3A_371, %select_n3A_414 : vector<16xi1>, vector<16xf32>
      %select_n3A_420 = arith.select %gt3A_417, %select_n3A_416, %select_n3A_373 : vector<16xi1>, vector<16xi32>
      %select_n3A_421 = arith.select %gt3A_417, %select_n3A_373, %select_n3A_416 : vector<16xi1>, vector<16xi32>
      %gt3A_422 = arith.cmpf ogt, %select_n3A_419, %select_n3A_376 : vector<16xf32>
      %select_n3A_423 = arith.select %gt3A_422, %select_n3A_419, %select_n3A_376 : vector<16xi1>, vector<16xf32>
      %select_n3A_424 = arith.select %gt3A_422, %select_n3A_376, %select_n3A_419 : vector<16xi1>, vector<16xf32>
      %select_n3A_425 = arith.select %gt3A_422, %select_n3A_421, %select_n3A_378 : vector<16xi1>, vector<16xi32>
      %select_n3A_426 = arith.select %gt3A_422, %select_n3A_378, %select_n3A_421 : vector<16xi1>, vector<16xi32>
      %gt3A_427 = arith.cmpf ogt, %select_n3A_424, %select_n3A_381 : vector<16xf32>
      %select_n3A_428 = arith.select %gt3A_427, %select_n3A_424, %select_n3A_381 : vector<16xi1>, vector<16xf32>
      %select_n3A_429 = arith.select %gt3A_427, %select_n3A_381, %select_n3A_424 : vector<16xi1>, vector<16xf32>
      %select_n3A_430 = arith.select %gt3A_427, %select_n3A_426, %select_n3A_383 : vector<16xi1>, vector<16xi32>
      %select_n3A_431 = arith.select %gt3A_427, %select_n3A_383, %select_n3A_426 : vector<16xi1>, vector<16xi32>
      %gt3A_432 = arith.cmpf ogt, %select_n3A_429, %select_n3A_386 : vector<16xf32>
      %select_n3A_433 = arith.select %gt3A_432, %select_n3A_429, %select_n3A_386 : vector<16xi1>, vector<16xf32>
      %select_n3A_434 = arith.select %gt3A_432, %select_n3A_386, %select_n3A_429 : vector<16xi1>, vector<16xf32>
      %select_n3A_435 = arith.select %gt3A_432, %select_n3A_431, %select_n3A_388 : vector<16xi1>, vector<16xi32>
      %select_n3A_436 = arith.select %gt3A_432, %select_n3A_388, %select_n3A_431 : vector<16xi1>, vector<16xi32>
      %gt3A_437 = arith.cmpf ogt, %select_n3A_434, %select_n3A_391 : vector<16xf32>
      %select_n3A_438 = arith.select %gt3A_437, %select_n3A_434, %select_n3A_391 : vector<16xi1>, vector<16xf32>
      %select_n3A_439 = arith.select %gt3A_437, %select_n3A_391, %select_n3A_434 : vector<16xi1>, vector<16xf32>
      %select_n3A_440 = arith.select %gt3A_437, %select_n3A_436, %select_n3A_393 : vector<16xi1>, vector<16xi32>
      %select_n3A_441 = arith.select %gt3A_437, %select_n3A_393, %select_n3A_436 : vector<16xi1>, vector<16xi32>
      %get3A_442 = arith.constant 13 : i32
      %get3A_443 = arith.index_cast %get3A_442 : i32 to index
      %get3A_444 = arith.index_cast %mul3A_13 : i32 to index
      %get3A_445 = tpu.vector_load %arg5[%get3A_443, %get3A_444] {strides = array<i32>} : memref<64x1024xf32, #tpu.memory_space<vmem>>, vector<16xf32>,
      %mul3A_446 = arith.constant 13 : i32
      %mul3A_447 = vector.broadcast %mul3A_446 : i32 to vector<16xi32>
      %mul3A_448 = arith.muli %broadcast_in_dim3A_3, %mul3A_447 : vector<16xi32>
      %gt3A_449 = arith.cmpf ogt, %get3A_445, %select_n3A_403 : vector<16xf32>
      %select_n3A_450 = arith.select %gt3A_449, %get3A_445, %select_n3A_403 : vector<16xi1>, vector<16xf32>
      %select_n3A_451 = arith.select %gt3A_449, %select_n3A_403, %get3A_445 : vector<16xi1>, vector<16xf32>
      %select_n3A_452 = arith.select %gt3A_449, %mul3A_448, %select_n3A_405 : vector<16xi1>, vector<16xi32>
      %select_n3A_453 = arith.select %gt3A_449, %select_n3A_405, %mul3A_448 : vector<16xi1>, vector<16xi32>
      %gt3A_454 = arith.cmpf ogt, %select_n3A_451, %select_n3A_408 : vector<16xf32>
      %select_n3A_455 = arith.select %gt3A_454, %select_n3A_451, %select_n3A_408 : vector<16xi1>, vector<16xf32>
      %select_n3A_456 = arith.select %gt3A_454, %select_n3A_408, %select_n3A_451 : vector<16xi1>, vector<16xf32>
      %select_n3A_457 = arith.select %gt3A_454, %select_n3A_453, %select_n3A_410 : vector<16xi1>, vector<16xi32>
      %select_n3A_458 = arith.select %gt3A_454, %select_n3A_410, %select_n3A_453 : vector<16xi1>, vector<16xi32>
      %gt3A_459 = arith.cmpf ogt, %select_n3A_456, %select_n3A_413 : vector<16xf32>
      %select_n3A_460 = arith.select %gt3A_459, %select_n3A_456, %select_n3A_413 : vector<16xi1>, vector<16xf32>
      %select_n3A_461 = arith.select %gt3A_459, %select_n3A_413, %select_n3A_456 : vector<16xi1>, vector<16xf32>
      %select_n3A_462 = arith.select %gt3A_459, %select_n3A_458, %select_n3A_415 : vector<16xi1>, vector<16xi32>
      %select_n3A_463 = arith.select %gt3A_459, %select_n3A_415, %select_n3A_458 : vector<16xi1>, vector<16xi32>
      %gt3A_464 = arith.cmpf ogt, %select_n3A_461, %select_n3A_418 : vector<16xf32>
      %select_n3A_465 = arith.select %gt3A_464, %select_n3A_461, %select_n3A_418 : vector<16xi1>, vector<16xf32>
      %select_n3A_466 = arith.select %gt3A_464, %select_n3A_418, %select_n3A_461 : vector<16xi1>, vector<16xf32>
      %select_n3A_467 = arith.select %gt3A_464, %select_n3A_463, %select_n3A_420 : vector<16xi1>, vector<16xi32>
      %select_n3A_468 = arith.select %gt3A_464, %select_n3A_420, %select_n3A_463 : vector<16xi1>, vector<16xi32>
      %gt3A_469 = arith.cmpf ogt, %select_n3A_466, %select_n3A_423 : vector<16xf32>
      %select_n3A_470 = arith.select %gt3A_469, %select_n3A_466, %select_n3A_423 : vector<16xi1>, vector<16xf32>
      %select_n3A_471 = arith.select %gt3A_469, %select_n3A_423, %select_n3A_466 : vector<16xi1>, vector<16xf32>
      %select_n3A_472 = arith.select %gt3A_469, %select_n3A_468, %select_n3A_425 : vector<16xi1>, vector<16xi32>
      %select_n3A_473 = arith.select %gt3A_469, %select_n3A_425, %select_n3A_468 : vector<16xi1>, vector<16xi32>
      %gt3A_474 = arith.cmpf ogt, %select_n3A_471, %select_n3A_428 : vector<16xf32>
      %select_n3A_475 = arith.select %gt3A_474, %select_n3A_471, %select_n3A_428 : vector<16xi1>, vector<16xf32>
      %select_n3A_476 = arith.select %gt3A_474, %select_n3A_428, %select_n3A_471 : vector<16xi1>, vector<16xf32>
      %select_n3A_477 = arith.select %gt3A_474, %select_n3A_473, %select_n3A_430 : vector<16xi1>, vector<16xi32>
      %select_n3A_478 = arith.select %gt3A_474, %select_n3A_430, %select_n3A_473 : vector<16xi1>, vector<16xi32>
      %gt3A_479 = arith.cmpf ogt, %select_n3A_476, %select_n3A_433 : vector<16xf32>
      %select_n3A_480 = arith.select %gt3A_479, %select_n3A_476, %select_n3A_433 : vector<16xi1>, vector<16xf32>
      %select_n3A_481 = arith.select %gt3A_479, %select_n3A_433, %select_n3A_476 : vector<16xi1>, vector<16xf32>
      %select_n3A_482 = arith.select %gt3A_479, %select_n3A_478, %select_n3A_435 : vector<16xi1>, vector<16xi32>
      %select_n3A_483 = arith.select %gt3A_479, %select_n3A_435, %select_n3A_478 : vector<16xi1>, vector<16xi32>
      %gt3A_484 = arith.cmpf ogt, %select_n3A_481, %select_n3A_438 : vector<16xf32>
      %select_n3A_485 = arith.select %gt3A_484, %select_n3A_481, %select_n3A_438 : vector<16xi1>, vector<16xf32>
      %select_n3A_486 = arith.select %gt3A_484, %select_n3A_438, %select_n3A_481 : vector<16xi1>, vector<16xf32>
      %select_n3A_487 = arith.select %gt3A_484, %select_n3A_483, %select_n3A_440 : vector<16xi1>, vector<16xi32>
      %select_n3A_488 = arith.select %gt3A_484, %select_n3A_440, %select_n3A_483 : vector<16xi1>, vector<16xi32>
      %get3A_489 = arith.constant 14 : i32
      %get3A_490 = arith.index_cast %get3A_489 : i32 to index
      %get3A_491 = arith.index_cast %mul3A_13 : i32 to index
      %get3A_492 = tpu.vector_load %arg5[%get3A_490, %get3A_491] {strides = array<i32>} : memref<64x1024xf32, #tpu.memory_space<vmem>>, vector<16xf32>,
      %mul3A_493 = arith.constant 14 : i32
      %mul3A_494 = vector.broadcast %mul3A_493 : i32 to vector<16xi32>
      %mul3A_495 = arith.muli %broadcast_in_dim3A_3, %mul3A_494 : vector<16xi32>
      %gt3A_496 = arith.cmpf ogt, %get3A_492, %select_n3A_450 : vector<16xf32>
      %select_n3A_497 = arith.select %gt3A_496, %get3A_492, %select_n3A_450 : vector<16xi1>, vector<16xf32>
      %select_n3A_498 = arith.select %gt3A_496, %select_n3A_450, %get3A_492 : vector<16xi1>, vector<16xf32>
      %select_n3A_499 = arith.select %gt3A_496, %mul3A_495, %select_n3A_452 : vector<16xi1>, vector<16xi32>
      %select_n3A_500 = arith.select %gt3A_496, %select_n3A_452, %mul3A_495 : vector<16xi1>, vector<16xi32>
      %gt3A_501 = arith.cmpf ogt, %select_n3A_498, %select_n3A_455 : vector<16xf32>
      %select_n3A_502 = arith.select %gt3A_501, %select_n3A_498, %select_n3A_455 : vector<16xi1>, vector<16xf32>
      %select_n3A_503 = arith.select %gt3A_501, %select_n3A_455, %select_n3A_498 : vector<16xi1>, vector<16xf32>
      %select_n3A_504 = arith.select %gt3A_501, %select_n3A_500, %select_n3A_457 : vector<16xi1>, vector<16xi32>
      %select_n3A_505 = arith.select %gt3A_501, %select_n3A_457, %select_n3A_500 : vector<16xi1>, vector<16xi32>
      %gt3A_506 = arith.cmpf ogt, %select_n3A_503, %select_n3A_460 : vector<16xf32>
      %select_n3A_507 = arith.select %gt3A_506, %select_n3A_503, %select_n3A_460 : vector<16xi1>, vector<16xf32>
      %select_n3A_508 = arith.select %gt3A_506, %select_n3A_460, %select_n3A_503 : vector<16xi1>, vector<16xf32>
      %select_n3A_509 = arith.select %gt3A_506, %select_n3A_505, %select_n3A_462 : vector<16xi1>, vector<16xi32>
      %select_n3A_510 = arith.select %gt3A_506, %select_n3A_462, %select_n3A_505 : vector<16xi1>, vector<16xi32>
      %gt3A_511 = arith.cmpf ogt, %select_n3A_508, %select_n3A_465 : vector<16xf32>
      %select_n3A_512 = arith.select %gt3A_511, %select_n3A_508, %select_n3A_465 : vector<16xi1>, vector<16xf32>
      %select_n3A_513 = arith.select %gt3A_511, %select_n3A_465, %select_n3A_508 : vector<16xi1>, vector<16xf32>
      %select_n3A_514 = arith.select %gt3A_511, %select_n3A_510, %select_n3A_467 : vector<16xi1>, vector<16xi32>
      %select_n3A_515 = arith.select %gt3A_511, %select_n3A_467, %select_n3A_510 : vector<16xi1>, vector<16xi32>
      %gt3A_516 = arith.cmpf ogt, %select_n3A_513, %select_n3A_470 : vector<16xf32>
      %select_n3A_517 = arith.select %gt3A_516, %select_n3A_513, %select_n3A_470 : vector<16xi1>, vector<16xf32>
      %select_n3A_518 = arith.select %gt3A_516, %select_n3A_470, %select_n3A_513 : vector<16xi1>, vector<16xf32>
      %select_n3A_519 = arith.select %gt3A_516, %select_n3A_515, %select_n3A_472 : vector<16xi1>, vector<16xi32>
      %select_n3A_520 = arith.select %gt3A_516, %select_n3A_472, %select_n3A_515 : vector<16xi1>, vector<16xi32>
      %gt3A_521 = arith.cmpf ogt, %select_n3A_518, %select_n3A_475 : vector<16xf32>
      %select_n3A_522 = arith.select %gt3A_521, %select_n3A_518, %select_n3A_475 : vector<16xi1>, vector<16xf32>
      %select_n3A_523 = arith.select %gt3A_521, %select_n3A_475, %select_n3A_518 : vector<16xi1>, vector<16xf32>
      %select_n3A_524 = arith.select %gt3A_521, %select_n3A_520, %select_n3A_477 : vector<16xi1>, vector<16xi32>
      %select_n3A_525 = arith.select %gt3A_521, %select_n3A_477, %select_n3A_520 : vector<16xi1>, vector<16xi32>
      %gt3A_526 = arith.cmpf ogt, %select_n3A_523, %select_n3A_480 : vector<16xf32>
      %select_n3A_527 = arith.select %gt3A_526, %select_n3A_523, %select_n3A_480 : vector<16xi1>, vector<16xf32>
      %select_n3A_528 = arith.select %gt3A_526, %select_n3A_480, %select_n3A_523 : vector<16xi1>, vector<16xf32>
      %select_n3A_529 = arith.select %gt3A_526, %select_n3A_525, %select_n3A_482 : vector<16xi1>, vector<16xi32>
      %select_n3A_530 = arith.select %gt3A_526, %select_n3A_482, %select_n3A_525 : vector<16xi1>, vector<16xi32>
      %gt3A_531 = arith.cmpf ogt, %select_n3A_528, %select_n3A_485 : vector<16xf32>
      %select_n3A_532 = arith.select %gt3A_531, %select_n3A_528, %select_n3A_485 : vector<16xi1>, vector<16xf32>
      %select_n3A_533 = arith.select %gt3A_531, %select_n3A_485, %select_n3A_528 : vector<16xi1>, vector<16xf32>
      %select_n3A_534 = arith.select %gt3A_531, %select_n3A_530, %select_n3A_487 : vector<16xi1>, vector<16xi32>
      %select_n3A_535 = arith.select %gt3A_531, %select_n3A_487, %select_n3A_530 : vector<16xi1>, vector<16xi32>
      %get3A_536 = arith.constant 15 : i32
      %get3A_537 = arith.index_cast %get3A_536 : i32 to index
      %get3A_538 = arith.index_cast %mul3A_13 : i32 to index
      %get3A_539 = tpu.vector_load %arg5[%get3A_537, %get3A_538] {strides = array<i32>} : memref<64x1024xf32, #tpu.memory_space<vmem>>, vector<16xf32>,
      %mul3A_540 = arith.constant 15 : i32
      %mul3A_541 = vector.broadcast %mul3A_540 : i32 to vector<16xi32>
      %mul3A_542 = arith.muli %broadcast_in_dim3A_3, %mul3A_541 : vector<16xi32>
      %gt3A_543 = arith.cmpf ogt, %get3A_539, %select_n3A_497 : vector<16xf32>
      %select_n3A_544 = arith.select %gt3A_543, %get3A_539, %select_n3A_497 : vector<16xi1>, vector<16xf32>
      %select_n3A_545 = arith.select %gt3A_543, %select_n3A_497, %get3A_539 : vector<16xi1>, vector<16xf32>
      %select_n3A_546 = arith.select %gt3A_543, %mul3A_542, %select_n3A_499 : vector<16xi1>, vector<16xi32>
      %select_n3A_547 = arith.select %gt3A_543, %select_n3A_499, %mul3A_542 : vector<16xi1>, vector<16xi32>
      %gt3A_548 = arith.cmpf ogt, %select_n3A_545, %select_n3A_502 : vector<16xf32>
      %select_n3A_549 = arith.select %gt3A_548, %select_n3A_545, %select_n3A_502 : vector<16xi1>, vector<16xf32>
      %select_n3A_550 = arith.select %gt3A_548, %select_n3A_502, %select_n3A_545 : vector<16xi1>, vector<16xf32>
      %select_n3A_551 = arith.select %gt3A_548, %select_n3A_547, %select_n3A_504 : vector<16xi1>, vector<16xi32>
      %select_n3A_552 = arith.select %gt3A_548, %select_n3A_504, %select_n3A_547 : vector<16xi1>, vector<16xi32>
      %gt3A_553 = arith.cmpf ogt, %select_n3A_550, %select_n3A_507 : vector<16xf32>
      %select_n3A_554 = arith.select %gt3A_553, %select_n3A_550, %select_n3A_507 : vector<16xi1>, vector<16xf32>
      %select_n3A_555 = arith.select %gt3A_553, %select_n3A_507, %select_n3A_550 : vector<16xi1>, vector<16xf32>
      %select_n3A_556 = arith.select %gt3A_553, %select_n3A_552, %select_n3A_509 : vector<16xi1>, vector<16xi32>
      %select_n3A_557 = arith.select %gt3A_553, %select_n3A_509, %select_n3A_552 : vector<16xi1>, vector<16xi32>
      %gt3A_558 = arith.cmpf ogt, %select_n3A_555, %select_n3A_512 : vector<16xf32>
      %select_n3A_559 = arith.select %gt3A_558, %select_n3A_555, %select_n3A_512 : vector<16xi1>, vector<16xf32>
      %select_n3A_560 = arith.select %gt3A_558, %select_n3A_512, %select_n3A_555 : vector<16xi1>, vector<16xf32>
      %select_n3A_561 = arith.select %gt3A_558, %select_n3A_557, %select_n3A_514 : vector<16xi1>, vector<16xi32>
      %select_n3A_562 = arith.select %gt3A_558, %select_n3A_514, %select_n3A_557 : vector<16xi1>, vector<16xi32>
      %gt3A_563 = arith.cmpf ogt, %select_n3A_560, %select_n3A_517 : vector<16xf32>
      %select_n3A_564 = arith.select %gt3A_563, %select_n3A_560, %select_n3A_517 : vector<16xi1>, vector<16xf32>
      %select_n3A_565 = arith.select %gt3A_563, %select_n3A_517, %select_n3A_560 : vector<16xi1>, vector<16xf32>
      %select_n3A_566 = arith.select %gt3A_563, %select_n3A_562, %select_n3A_519 : vector<16xi1>, vector<16xi32>
      %select_n3A_567 = arith.select %gt3A_563, %select_n3A_519, %select_n3A_562 : vector<16xi1>, vector<16xi32>
      %gt3A_568 = arith.cmpf ogt, %select_n3A_565, %select_n3A_522 : vector<16xf32>
      %select_n3A_569 = arith.select %gt3A_568, %select_n3A_565, %select_n3A_522 : vector<16xi1>, vector<16xf32>
      %select_n3A_570 = arith.select %gt3A_568, %select_n3A_522, %select_n3A_565 : vector<16xi1>, vector<16xf32>
      %select_n3A_571 = arith.select %gt3A_568, %select_n3A_567, %select_n3A_524 : vector<16xi1>, vector<16xi32>
      %select_n3A_572 = arith.select %gt3A_568, %select_n3A_524, %select_n3A_567 : vector<16xi1>, vector<16xi32>
      %gt3A_573 = arith.cmpf ogt, %select_n3A_570, %select_n3A_527 : vector<16xf32>
      %select_n3A_574 = arith.select %gt3A_573, %select_n3A_570, %select_n3A_527 : vector<16xi1>, vector<16xf32>
      %select_n3A_575 = arith.select %gt3A_573, %select_n3A_527, %select_n3A_570 : vector<16xi1>, vector<16xf32>
      %select_n3A_576 = arith.select %gt3A_573, %select_n3A_572, %select_n3A_529 : vector<16xi1>, vector<16xi32>
      %select_n3A_577 = arith.select %gt3A_573, %select_n3A_529, %select_n3A_572 : vector<16xi1>, vector<16xi32>
      %gt3A_578 = arith.cmpf ogt, %select_n3A_575, %select_n3A_532 : vector<16xf32>
      %select_n3A_579 = arith.select %gt3A_578, %select_n3A_575, %select_n3A_532 : vector<16xi1>, vector<16xf32>
      %select_n3A_580 = arith.select %gt3A_578, %select_n3A_532, %select_n3A_575 : vector<16xi1>, vector<16xf32>
      %select_n3A_581 = arith.select %gt3A_578, %select_n3A_577, %select_n3A_534 : vector<16xi1>, vector<16xi32>
      %select_n3A_582 = arith.select %gt3A_578, %select_n3A_534, %select_n3A_577 : vector<16xi1>, vector<16xi32>
      %get3A_583 = arith.constant 16 : i32
      %get3A_584 = arith.index_cast %get3A_583 : i32 to index
      %get3A_585 = arith.index_cast %mul3A_13 : i32 to index
      %get3A_586 = tpu.vector_load %arg5[%get3A_584, %get3A_585] {strides = array<i32>} : memref<64x1024xf32, #tpu.memory_space<vmem>>, vector<16xf32>,
      %mul3A_587 = arith.constant 16 : i32
      %mul3A_588 = vector.broadcast %mul3A_587 : i32 to vector<16xi32>
      %mul3A_589 = arith.muli %broadcast_in_dim3A_3, %mul3A_588 : vector<16xi32>
      %gt3A_590 = arith.cmpf ogt, %get3A_586, %select_n3A_544 : vector<16xf32>
      %select_n3A_591 = arith.select %gt3A_590, %get3A_586, %select_n3A_544 : vector<16xi1>, vector<16xf32>
      %select_n3A_592 = arith.select %gt3A_590, %select_n3A_544, %get3A_586 : vector<16xi1>, vector<16xf32>
      %select_n3A_593 = arith.select %gt3A_590, %mul3A_589, %select_n3A_546 : vector<16xi1>, vector<16xi32>
      %select_n3A_594 = arith.select %gt3A_590, %select_n3A_546, %mul3A_589 : vector<16xi1>, vector<16xi32>
      %gt3A_595 = arith.cmpf ogt, %select_n3A_592, %select_n3A_549 : vector<16xf32>
      %select_n3A_596 = arith.select %gt3A_595, %select_n3A_592, %select_n3A_549 : vector<16xi1>, vector<16xf32>
      %select_n3A_597 = arith.select %gt3A_595, %select_n3A_549, %select_n3A_592 : vector<16xi1>, vector<16xf32>
      %select_n3A_598 = arith.select %gt3A_595, %select_n3A_594, %select_n3A_551 : vector<16xi1>, vector<16xi32>
      %select_n3A_599 = arith.select %gt3A_595, %select_n3A_551, %select_n3A_594 : vector<16xi1>, vector<16xi32>
      %gt3A_600 = arith.cmpf ogt, %select_n3A_597, %select_n3A_554 : vector<16xf32>
      %select_n3A_601 = arith.select %gt3A_600, %select_n3A_597, %select_n3A_554 : vector<16xi1>, vector<16xf32>
      %select_n3A_602 = arith.select %gt3A_600, %select_n3A_554, %select_n3A_597 : vector<16xi1>, vector<16xf32>
      %select_n3A_603 = arith.select %gt3A_600, %select_n3A_599, %select_n3A_556 : vector<16xi1>, vector<16xi32>
      %select_n3A_604 = arith.select %gt3A_600, %select_n3A_556, %select_n3A_599 : vector<16xi1>, vector<16xi32>
      %gt3A_605 = arith.cmpf ogt, %select_n3A_602, %select_n3A_559 : vector<16xf32>
      %select_n3A_606 = arith.select %gt3A_605, %select_n3A_602, %select_n3A_559 : vector<16xi1>, vector<16xf32>
      %select_n3A_607 = arith.select %gt3A_605, %select_n3A_559, %select_n3A_602 : vector<16xi1>, vector<16xf32>
      %select_n3A_608 = arith.select %gt3A_605, %select_n3A_604, %select_n3A_561 : vector<16xi1>, vector<16xi32>
      %select_n3A_609 = arith.select %gt3A_605, %select_n3A_561, %select_n3A_604 : vector<16xi1>, vector<16xi32>
      %gt3A_610 = arith.cmpf ogt, %select_n3A_607, %select_n3A_564 : vector<16xf32>
      %select_n3A_611 = arith.select %gt3A_610, %select_n3A_607, %select_n3A_564 : vector<16xi1>, vector<16xf32>
      %select_n3A_612 = arith.select %gt3A_610, %select_n3A_564, %select_n3A_607 : vector<16xi1>, vector<16xf32>
      %select_n3A_613 = arith.select %gt3A_610, %select_n3A_609, %select_n3A_566 : vector<16xi1>, vector<16xi32>
      %select_n3A_614 = arith.select %gt3A_610, %select_n3A_566, %select_n3A_609 : vector<16xi1>, vector<16xi32>
      %gt3A_615 = arith.cmpf ogt, %select_n3A_612, %select_n3A_569 : vector<16xf32>
      %select_n3A_616 = arith.select %gt3A_615, %select_n3A_612, %select_n3A_569 : vector<16xi1>, vector<16xf32>
      %select_n3A_617 = arith.select %gt3A_615, %select_n3A_569, %select_n3A_612 : vector<16xi1>, vector<16xf32>
      %select_n3A_618 = arith.select %gt3A_615, %select_n3A_614, %select_n3A_571 : vector<16xi1>, vector<16xi32>
      %select_n3A_619 = arith.select %gt3A_615, %select_n3A_571, %select_n3A_614 : vector<16xi1>, vector<16xi32>
      %gt3A_620 = arith.cmpf ogt, %select_n3A_617, %select_n3A_574 : vector<16xf32>
      %select_n3A_621 = arith.select %gt3A_620, %select_n3A_617, %select_n3A_574 : vector<16xi1>, vector<16xf32>
      %select_n3A_622 = arith.select %gt3A_620, %select_n3A_574, %select_n3A_617 : vector<16xi1>, vector<16xf32>
      %select_n3A_623 = arith.select %gt3A_620, %select_n3A_619, %select_n3A_576 : vector<16xi1>, vector<16xi32>
      %select_n3A_624 = arith.select %gt3A_620, %select_n3A_576, %select_n3A_619 : vector<16xi1>, vector<16xi32>
      %gt3A_625 = arith.cmpf ogt, %select_n3A_622, %select_n3A_579 : vector<16xf32>
      %select_n3A_626 = arith.select %gt3A_625, %select_n3A_622, %select_n3A_579 : vector<16xi1>, vector<16xf32>
      %select_n3A_627 = arith.select %gt3A_625, %select_n3A_579, %select_n3A_622 : vector<16xi1>, vector<16xf32>
      %select_n3A_628 = arith.select %gt3A_625, %select_n3A_624, %select_n3A_581 : vector<16xi1>, vector<16xi32>
      %select_n3A_629 = arith.select %gt3A_625, %select_n3A_581, %select_n3A_624 : vector<16xi1>, vector<16xi32>
      %get3A_630 = arith.constant 17 : i32
      %get3A_631 = arith.index_cast %get3A_630 : i32 to index
      %get3A_632 = arith.index_cast %mul3A_13 : i32 to index
      %get3A_633 = tpu.vector_load %arg5[%get3A_631, %get3A_632] {strides = array<i32>} : memref<64x1024xf32, #tpu.memory_space<vmem>>, vector<16xf32>,
      %mul3A_634 = arith.constant 17 : i32
      %mul3A_635 = vector.broadcast %mul3A_634 : i32 to vector<16xi32>
      %mul3A_636 = arith.muli %broadcast_in_dim3A_3, %mul3A_635 : vector<16xi32>
      %gt3A_637 = arith.cmpf ogt, %get3A_633, %select_n3A_591 : vector<16xf32>
      %select_n3A_638 = arith.select %gt3A_637, %get3A_633, %select_n3A_591 : vector<16xi1>, vector<16xf32>
      %select_n3A_639 = arith.select %gt3A_637, %select_n3A_591, %get3A_633 : vector<16xi1>, vector<16xf32>
      %select_n3A_640 = arith.select %gt3A_637, %mul3A_636, %select_n3A_593 : vector<16xi1>, vector<16xi32>
      %select_n3A_641 = arith.select %gt3A_637, %select_n3A_593, %mul3A_636 : vector<16xi1>, vector<16xi32>
      %gt3A_642 = arith.cmpf ogt, %select_n3A_639, %select_n3A_596 : vector<16xf32>
      %select_n3A_643 = arith.select %gt3A_642, %select_n3A_639, %select_n3A_596 : vector<16xi1>, vector<16xf32>
      %select_n3A_644 = arith.select %gt3A_642, %select_n3A_596, %select_n3A_639 : vector<16xi1>, vector<16xf32>
      %select_n3A_645 = arith.select %gt3A_642, %select_n3A_641, %select_n3A_598 : vector<16xi1>, vector<16xi32>
      %select_n3A_646 = arith.select %gt3A_642, %select_n3A_598, %select_n3A_641 : vector<16xi1>, vector<16xi32>
      %gt3A_647 = arith.cmpf ogt, %select_n3A_644, %select_n3A_601 : vector<16xf32>
      %select_n3A_648 = arith.select %gt3A_647, %select_n3A_644, %select_n3A_601 : vector<16xi1>, vector<16xf32>
      %select_n3A_649 = arith.select %gt3A_647, %select_n3A_601, %select_n3A_644 : vector<16xi1>, vector<16xf32>
      %select_n3A_650 = arith.select %gt3A_647, %select_n3A_646, %select_n3A_603 : vector<16xi1>, vector<16xi32>
      %select_n3A_651 = arith.select %gt3A_647, %select_n3A_603, %select_n3A_646 : vector<16xi1>, vector<16xi32>
      %gt3A_652 = arith.cmpf ogt, %select_n3A_649, %select_n3A_606 : vector<16xf32>
      %select_n3A_653 = arith.select %gt3A_652, %select_n3A_649, %select_n3A_606 : vector<16xi1>, vector<16xf32>
      %select_n3A_654 = arith.select %gt3A_652, %select_n3A_606, %select_n3A_649 : vector<16xi1>, vector<16xf32>
      %select_n3A_655 = arith.select %gt3A_652, %select_n3A_651, %select_n3A_608 : vector<16xi1>, vector<16xi32>
      %select_n3A_656 = arith.select %gt3A_652, %select_n3A_608, %select_n3A_651 : vector<16xi1>, vector<16xi32>
      %gt3A_657 = arith.cmpf ogt, %select_n3A_654, %select_n3A_611 : vector<16xf32>
      %select_n3A_658 = arith.select %gt3A_657, %select_n3A_654, %select_n3A_611 : vector<16xi1>, vector<16xf32>
      %select_n3A_659 = arith.select %gt3A_657, %select_n3A_611, %select_n3A_654 : vector<16xi1>, vector<16xf32>
      %select_n3A_660 = arith.select %gt3A_657, %select_n3A_656, %select_n3A_613 : vector<16xi1>, vector<16xi32>
      %select_n3A_661 = arith.select %gt3A_657, %select_n3A_613, %select_n3A_656 : vector<16xi1>, vector<16xi32>
      %gt3A_662 = arith.cmpf ogt, %select_n3A_659, %select_n3A_616 : vector<16xf32>
      %select_n3A_663 = arith.select %gt3A_662, %select_n3A_659, %select_n3A_616 : vector<16xi1>, vector<16xf32>
      %select_n3A_664 = arith.select %gt3A_662, %select_n3A_616, %select_n3A_659 : vector<16xi1>, vector<16xf32>
      %select_n3A_665 = arith.select %gt3A_662, %select_n3A_661, %select_n3A_618 : vector<16xi1>, vector<16xi32>
      %select_n3A_666 = arith.select %gt3A_662, %select_n3A_618, %select_n3A_661 : vector<16xi1>, vector<16xi32>
      %gt3A_667 = arith.cmpf ogt, %select_n3A_664, %select_n3A_621 : vector<16xf32>
      %select_n3A_668 = arith.select %gt3A_667, %select_n3A_664, %select_n3A_621 : vector<16xi1>, vector<16xf32>
      %select_n3A_669 = arith.select %gt3A_667, %select_n3A_621, %select_n3A_664 : vector<16xi1>, vector<16xf32>
      %select_n3A_670 = arith.select %gt3A_667, %select_n3A_666, %select_n3A_623 : vector<16xi1>, vector<16xi32>
      %select_n3A_671 = arith.select %gt3A_667, %select_n3A_623, %select_n3A_666 : vector<16xi1>, vector<16xi32>
      %gt3A_672 = arith.cmpf ogt, %select_n3A_669, %select_n3A_626 : vector<16xf32>
      %select_n3A_673 = arith.select %gt3A_672, %select_n3A_669, %select_n3A_626 : vector<16xi1>, vector<16xf32>
      %select_n3A_674 = arith.select %gt3A_672, %select_n3A_626, %select_n3A_669 : vector<16xi1>, vector<16xf32>
      %select_n3A_675 = arith.select %gt3A_672, %select_n3A_671, %select_n3A_628 : vector<16xi1>, vector<16xi32>
      %select_n3A_676 = arith.select %gt3A_672, %select_n3A_628, %select_n3A_671 : vector<16xi1>, vector<16xi32>
      %get3A_677 = arith.constant 18 : i32
      %get3A_678 = arith.index_cast %get3A_677 : i32 to index
      %get3A_679 = arith.index_cast %mul3A_13 : i32 to index
      %get3A_680 = tpu.vector_load %arg5[%get3A_678, %get3A_679] {strides = array<i32>} : memref<64x1024xf32, #tpu.memory_space<vmem>>, vector<16xf32>,
      %mul3A_681 = arith.constant 18 : i32
      %mul3A_682 = vector.broadcast %mul3A_681 : i32 to vector<16xi32>
      %mul3A_683 = arith.muli %broadcast_in_dim3A_3, %mul3A_682 : vector<16xi32>
      %gt3A_684 = arith.cmpf ogt, %get3A_680, %select_n3A_638 : vector<16xf32>
      %select_n3A_685 = arith.select %gt3A_684, %get3A_680, %select_n3A_638 : vector<16xi1>, vector<16xf32>
      %select_n3A_686 = arith.select %gt3A_684, %select_n3A_638, %get3A_680 : vector<16xi1>, vector<16xf32>
      %select_n3A_687 = arith.select %gt3A_684, %mul3A_683, %select_n3A_640 : vector<16xi1>, vector<16xi32>
      %select_n3A_688 = arith.select %gt3A_684, %select_n3A_640, %mul3A_683 : vector<16xi1>, vector<16xi32>
      %gt3A_689 = arith.cmpf ogt, %select_n3A_686, %select_n3A_643 : vector<16xf32>
      %select_n3A_690 = arith.select %gt3A_689, %select_n3A_686, %select_n3A_643 : vector<16xi1>, vector<16xf32>
      %select_n3A_691 = arith.select %gt3A_689, %select_n3A_643, %select_n3A_686 : vector<16xi1>, vector<16xf32>
      %select_n3A_692 = arith.select %gt3A_689, %select_n3A_688, %select_n3A_645 : vector<16xi1>, vector<16xi32>
      %select_n3A_693 = arith.select %gt3A_689, %select_n3A_645, %select_n3A_688 : vector<16xi1>, vector<16xi32>
      %gt3A_694 = arith.cmpf ogt, %select_n3A_691, %select_n3A_648 : vector<16xf32>
      %select_n3A_695 = arith.select %gt3A_694, %select_n3A_691, %select_n3A_648 : vector<16xi1>, vector<16xf32>
      %select_n3A_696 = arith.select %gt3A_694, %select_n3A_648, %select_n3A_691 : vector<16xi1>, vector<16xf32>
      %select_n3A_697 = arith.select %gt3A_694, %select_n3A_693, %select_n3A_650 : vector<16xi1>, vector<16xi32>
      %select_n3A_698 = arith.select %gt3A_694, %select_n3A_650, %select_n3A_693 : vector<16xi1>, vector<16xi32>
      %gt3A_699 = arith.cmpf ogt, %select_n3A_696, %select_n3A_653 : vector<16xf32>
      %select_n3A_700 = arith.select %gt3A_699, %select_n3A_696, %select_n3A_653 : vector<16xi1>, vector<16xf32>
      %select_n3A_701 = arith.select %gt3A_699, %select_n3A_653, %select_n3A_696 : vector<16xi1>, vector<16xf32>
      %select_n3A_702 = arith.select %gt3A_699, %select_n3A_698, %select_n3A_655 : vector<16xi1>, vector<16xi32>
      %select_n3A_703 = arith.select %gt3A_699, %select_n3A_655, %select_n3A_698 : vector<16xi1>, vector<16xi32>
      %gt3A_704 = arith.cmpf ogt, %select_n3A_701, %select_n3A_658 : vector<16xf32>
      %select_n3A_705 = arith.select %gt3A_704, %select_n3A_701, %select_n3A_658 : vector<16xi1>, vector<16xf32>
      %select_n3A_706 = arith.select %gt3A_704, %select_n3A_658, %select_n3A_701 : vector<16xi1>, vector<16xf32>
      %select_n3A_707 = arith.select %gt3A_704, %select_n3A_703, %select_n3A_660 : vector<16xi1>, vector<16xi32>
      %select_n3A_708 = arith.select %gt3A_704, %select_n3A_660, %select_n3A_703 : vector<16xi1>, vector<16xi32>
      %gt3A_709 = arith.cmpf ogt, %select_n3A_706, %select_n3A_663 : vector<16xf32>
      %select_n3A_710 = arith.select %gt3A_709, %select_n3A_706, %select_n3A_663 : vector<16xi1>, vector<16xf32>
      %select_n3A_711 = arith.select %gt3A_709, %select_n3A_663, %select_n3A_706 : vector<16xi1>, vector<16xf32>
      %select_n3A_712 = arith.select %gt3A_709, %select_n3A_708, %select_n3A_665 : vector<16xi1>, vector<16xi32>
      %select_n3A_713 = arith.select %gt3A_709, %select_n3A_665, %select_n3A_708 : vector<16xi1>, vector<16xi32>
      %gt3A_714 = arith.cmpf ogt, %select_n3A_711, %select_n3A_668 : vector<16xf32>
      %select_n3A_715 = arith.select %gt3A_714, %select_n3A_711, %select_n3A_668 : vector<16xi1>, vector<16xf32>
      %select_n3A_716 = arith.select %gt3A_714, %select_n3A_668, %select_n3A_711 : vector<16xi1>, vector<16xf32>
      %select_n3A_717 = arith.select %gt3A_714, %select_n3A_713, %select_n3A_670 : vector<16xi1>, vector<16xi32>
      %select_n3A_718 = arith.select %gt3A_714, %select_n3A_670, %select_n3A_713 : vector<16xi1>, vector<16xi32>
      %gt3A_719 = arith.cmpf ogt, %select_n3A_716, %select_n3A_673 : vector<16xf32>
      %select_n3A_720 = arith.select %gt3A_719, %select_n3A_716, %select_n3A_673 : vector<16xi1>, vector<16xf32>
      %select_n3A_721 = arith.select %gt3A_719, %select_n3A_673, %select_n3A_716 : vector<16xi1>, vector<16xf32>
      %select_n3A_722 = arith.select %gt3A_719, %select_n3A_718, %select_n3A_675 : vector<16xi1>, vector<16xi32>
      %select_n3A_723 = arith.select %gt3A_719, %select_n3A_675, %select_n3A_718 : vector<16xi1>, vector<16xi32>
      %get3A_724 = arith.constant 19 : i32
      %get3A_725 = arith.index_cast %get3A_724 : i32 to index
      %get3A_726 = arith.index_cast %mul3A_13 : i32 to index
      %get3A_727 = tpu.vector_load %arg5[%get3A_725, %get3A_726] {strides = array<i32>} : memref<64x1024xf32, #tpu.memory_space<vmem>>, vector<16xf32>,
      %mul3A_728 = arith.constant 19 : i32
      %mul3A_729 = vector.broadcast %mul3A_728 : i32 to vector<16xi32>
      %mul3A_730 = arith.muli %broadcast_in_dim3A_3, %mul3A_729 : vector<16xi32>
      %gt3A_731 = arith.cmpf ogt, %get3A_727, %select_n3A_685 : vector<16xf32>
      %select_n3A_732 = arith.select %gt3A_731, %get3A_727, %select_n3A_685 : vector<16xi1>, vector<16xf32>
      %select_n3A_733 = arith.select %gt3A_731, %select_n3A_685, %get3A_727 : vector<16xi1>, vector<16xf32>
      %select_n3A_734 = arith.select %gt3A_731, %mul3A_730, %select_n3A_687 : vector<16xi1>, vector<16xi32>
      %select_n3A_735 = arith.select %gt3A_731, %select_n3A_687, %mul3A_730 : vector<16xi1>, vector<16xi32>
      %gt3A_736 = arith.cmpf ogt, %select_n3A_733, %select_n3A_690 : vector<16xf32>
      %select_n3A_737 = arith.select %gt3A_736, %select_n3A_733, %select_n3A_690 : vector<16xi1>, vector<16xf32>
      %select_n3A_738 = arith.select %gt3A_736, %select_n3A_690, %select_n3A_733 : vector<16xi1>, vector<16xf32>
      %select_n3A_739 = arith.select %gt3A_736, %select_n3A_735, %select_n3A_692 : vector<16xi1>, vector<16xi32>
      %select_n3A_740 = arith.select %gt3A_736, %select_n3A_692, %select_n3A_735 : vector<16xi1>, vector<16xi32>
      %gt3A_741 = arith.cmpf ogt, %select_n3A_738, %select_n3A_695 : vector<16xf32>
      %select_n3A_742 = arith.select %gt3A_741, %select_n3A_738, %select_n3A_695 : vector<16xi1>, vector<16xf32>
      %select_n3A_743 = arith.select %gt3A_741, %select_n3A_695, %select_n3A_738 : vector<16xi1>, vector<16xf32>
      %select_n3A_744 = arith.select %gt3A_741, %select_n3A_740, %select_n3A_697 : vector<16xi1>, vector<16xi32>
      %select_n3A_745 = arith.select %gt3A_741, %select_n3A_697, %select_n3A_740 : vector<16xi1>, vector<16xi32>
      %gt3A_746 = arith.cmpf ogt, %select_n3A_743, %select_n3A_700 : vector<16xf32>
      %select_n3A_747 = arith.select %gt3A_746, %select_n3A_743, %select_n3A_700 : vector<16xi1>, vector<16xf32>
      %select_n3A_748 = arith.select %gt3A_746, %select_n3A_700, %select_n3A_743 : vector<16xi1>, vector<16xf32>
      %select_n3A_749 = arith.select %gt3A_746, %select_n3A_745, %select_n3A_702 : vector<16xi1>, vector<16xi32>
      %select_n3A_750 = arith.select %gt3A_746, %select_n3A_702, %select_n3A_745 : vector<16xi1>, vector<16xi32>
      %gt3A_751 = arith.cmpf ogt, %select_n3A_748, %select_n3A_705 : vector<16xf32>
      %select_n3A_752 = arith.select %gt3A_751, %select_n3A_748, %select_n3A_705 : vector<16xi1>, vector<16xf32>
      %select_n3A_753 = arith.select %gt3A_751, %select_n3A_705, %select_n3A_748 : vector<16xi1>, vector<16xf32>
      %select_n3A_754 = arith.select %gt3A_751, %select_n3A_750, %select_n3A_707 : vector<16xi1>, vector<16xi32>
      %select_n3A_755 = arith.select %gt3A_751, %select_n3A_707, %select_n3A_750 : vector<16xi1>, vector<16xi32>
      %gt3A_756 = arith.cmpf ogt, %select_n3A_753, %select_n3A_710 : vector<16xf32>
      %select_n3A_757 = arith.select %gt3A_756, %select_n3A_753, %select_n3A_710 : vector<16xi1>, vector<16xf32>
      %select_n3A_758 = arith.select %gt3A_756, %select_n3A_710, %select_n3A_753 : vector<16xi1>, vector<16xf32>
      %select_n3A_759 = arith.select %gt3A_756, %select_n3A_755, %select_n3A_712 : vector<16xi1>, vector<16xi32>
      %select_n3A_760 = arith.select %gt3A_756, %select_n3A_712, %select_n3A_755 : vector<16xi1>, vector<16xi32>
      %gt3A_761 = arith.cmpf ogt, %select_n3A_758, %select_n3A_715 : vector<16xf32>
      %select_n3A_762 = arith.select %gt3A_761, %select_n3A_758, %select_n3A_715 : vector<16xi1>, vector<16xf32>
      %select_n3A_763 = arith.select %gt3A_761, %select_n3A_715, %select_n3A_758 : vector<16xi1>, vector<16xf32>
      %select_n3A_764 = arith.select %gt3A_761, %select_n3A_760, %select_n3A_717 : vector<16xi1>, vector<16xi32>
      %select_n3A_765 = arith.select %gt3A_761, %select_n3A_717, %select_n3A_760 : vector<16xi1>, vector<16xi32>
      %gt3A_766 = arith.cmpf ogt, %select_n3A_763, %select_n3A_720 : vector<16xf32>
      %select_n3A_767 = arith.select %gt3A_766, %select_n3A_763, %select_n3A_720 : vector<16xi1>, vector<16xf32>
      %select_n3A_768 = arith.select %gt3A_766, %select_n3A_720, %select_n3A_763 : vector<16xi1>, vector<16xf32>
      %select_n3A_769 = arith.select %gt3A_766, %select_n3A_765, %select_n3A_722 : vector<16xi1>, vector<16xi32>
      %select_n3A_770 = arith.select %gt3A_766, %select_n3A_722, %select_n3A_765 : vector<16xi1>, vector<16xi32>
      %get3A_771 = arith.constant 20 : i32
      %get3A_772 = arith.index_cast %get3A_771 : i32 to index
      %get3A_773 = arith.index_cast %mul3A_13 : i32 to index
      %get3A_774 = tpu.vector_load %arg5[%get3A_772, %get3A_773] {strides = array<i32>} : memref<64x1024xf32, #tpu.memory_space<vmem>>, vector<16xf32>,
      %mul3A_775 = arith.constant 20 : i32
      %mul3A_776 = vector.broadcast %mul3A_775 : i32 to vector<16xi32>
      %mul3A_777 = arith.muli %broadcast_in_dim3A_3, %mul3A_776 : vector<16xi32>
      %gt3A_778 = arith.cmpf ogt, %get3A_774, %select_n3A_732 : vector<16xf32>
      %select_n3A_779 = arith.select %gt3A_778, %get3A_774, %select_n3A_732 : vector<16xi1>, vector<16xf32>
      %select_n3A_780 = arith.select %gt3A_778, %select_n3A_732, %get3A_774 : vector<16xi1>, vector<16xf32>
      %select_n3A_781 = arith.select %gt3A_778, %mul3A_777, %select_n3A_734 : vector<16xi1>, vector<16xi32>
      %select_n3A_782 = arith.select %gt3A_778, %select_n3A_734, %mul3A_777 : vector<16xi1>, vector<16xi32>
      %gt3A_783 = arith.cmpf ogt, %select_n3A_780, %select_n3A_737 : vector<16xf32>
      %select_n3A_784 = arith.select %gt3A_783, %select_n3A_780, %select_n3A_737 : vector<16xi1>, vector<16xf32>
      %select_n3A_785 = arith.select %gt3A_783, %select_n3A_737, %select_n3A_780 : vector<16xi1>, vector<16xf32>
      %select_n3A_786 = arith.select %gt3A_783, %select_n3A_782, %select_n3A_739 : vector<16xi1>, vector<16xi32>
      %select_n3A_787 = arith.select %gt3A_783, %select_n3A_739, %select_n3A_782 : vector<16xi1>, vector<16xi32>
      %gt3A_788 = arith.cmpf ogt, %select_n3A_785, %select_n3A_742 : vector<16xf32>
      %select_n3A_789 = arith.select %gt3A_788, %select_n3A_785, %select_n3A_742 : vector<16xi1>, vector<16xf32>
      %select_n3A_790 = arith.select %gt3A_788, %select_n3A_742, %select_n3A_785 : vector<16xi1>, vector<16xf32>
      %select_n3A_791 = arith.select %gt3A_788, %select_n3A_787, %select_n3A_744 : vector<16xi1>, vector<16xi32>
      %select_n3A_792 = arith.select %gt3A_788, %select_n3A_744, %select_n3A_787 : vector<16xi1>, vector<16xi32>
      %gt3A_793 = arith.cmpf ogt, %select_n3A_790, %select_n3A_747 : vector<16xf32>
      %select_n3A_794 = arith.select %gt3A_793, %select_n3A_790, %select_n3A_747 : vector<16xi1>, vector<16xf32>
      %select_n3A_795 = arith.select %gt3A_793, %select_n3A_747, %select_n3A_790 : vector<16xi1>, vector<16xf32>
      %select_n3A_796 = arith.select %gt3A_793, %select_n3A_792, %select_n3A_749 : vector<16xi1>, vector<16xi32>
      %select_n3A_797 = arith.select %gt3A_793, %select_n3A_749, %select_n3A_792 : vector<16xi1>, vector<16xi32>
      %gt3A_798 = arith.cmpf ogt, %select_n3A_795, %select_n3A_752 : vector<16xf32>
      %select_n3A_799 = arith.select %gt3A_798, %select_n3A_795, %select_n3A_752 : vector<16xi1>, vector<16xf32>
      %select_n3A_800 = arith.select %gt3A_798, %select_n3A_752, %select_n3A_795 : vector<16xi1>, vector<16xf32>
      %select_n3A_801 = arith.select %gt3A_798, %select_n3A_797, %select_n3A_754 : vector<16xi1>, vector<16xi32>
      %select_n3A_802 = arith.select %gt3A_798, %select_n3A_754, %select_n3A_797 : vector<16xi1>, vector<16xi32>
      %gt3A_803 = arith.cmpf ogt, %select_n3A_800, %select_n3A_757 : vector<16xf32>
      %select_n3A_804 = arith.select %gt3A_803, %select_n3A_800, %select_n3A_757 : vector<16xi1>, vector<16xf32>
      %select_n3A_805 = arith.select %gt3A_803, %select_n3A_757, %select_n3A_800 : vector<16xi1>, vector<16xf32>
      %select_n3A_806 = arith.select %gt3A_803, %select_n3A_802, %select_n3A_759 : vector<16xi1>, vector<16xi32>
      %select_n3A_807 = arith.select %gt3A_803, %select_n3A_759, %select_n3A_802 : vector<16xi1>, vector<16xi32>
      %gt3A_808 = arith.cmpf ogt, %select_n3A_805, %select_n3A_762 : vector<16xf32>
      %select_n3A_809 = arith.select %gt3A_808, %select_n3A_805, %select_n3A_762 : vector<16xi1>, vector<16xf32>
      %select_n3A_810 = arith.select %gt3A_808, %select_n3A_762, %select_n3A_805 : vector<16xi1>, vector<16xf32>
      %select_n3A_811 = arith.select %gt3A_808, %select_n3A_807, %select_n3A_764 : vector<16xi1>, vector<16xi32>
      %select_n3A_812 = arith.select %gt3A_808, %select_n3A_764, %select_n3A_807 : vector<16xi1>, vector<16xi32>
      %gt3A_813 = arith.cmpf ogt, %select_n3A_810, %select_n3A_767 : vector<16xf32>
      %select_n3A_814 = arith.select %gt3A_813, %select_n3A_810, %select_n3A_767 : vector<16xi1>, vector<16xf32>
      %select_n3A_815 = arith.select %gt3A_813, %select_n3A_767, %select_n3A_810 : vector<16xi1>, vector<16xf32>
      %select_n3A_816 = arith.select %gt3A_813, %select_n3A_812, %select_n3A_769 : vector<16xi1>, vector<16xi32>
      %select_n3A_817 = arith.select %gt3A_813, %select_n3A_769, %select_n3A_812 : vector<16xi1>, vector<16xi32>
      %get3A_818 = arith.constant 21 : i32
      %get3A_819 = arith.index_cast %get3A_818 : i32 to index
      %get3A_820 = arith.index_cast %mul3A_13 : i32 to index
      %get3A_821 = tpu.vector_load %arg5[%get3A_819, %get3A_820] {strides = array<i32>} : memref<64x1024xf32, #tpu.memory_space<vmem>>, vector<16xf32>,
      %mul3A_822 = arith.constant 21 : i32
      %mul3A_823 = vector.broadcast %mul3A_822 : i32 to vector<16xi32>
      %mul3A_824 = arith.muli %broadcast_in_dim3A_3, %mul3A_823 : vector<16xi32>
      %gt3A_825 = arith.cmpf ogt, %get3A_821, %select_n3A_779 : vector<16xf32>
      %select_n3A_826 = arith.select %gt3A_825, %get3A_821, %select_n3A_779 : vector<16xi1>, vector<16xf32>
      %select_n3A_827 = arith.select %gt3A_825, %select_n3A_779, %get3A_821 : vector<16xi1>, vector<16xf32>
      %select_n3A_828 = arith.select %gt3A_825, %mul3A_824, %select_n3A_781 : vector<16xi1>, vector<16xi32>
      %select_n3A_829 = arith.select %gt3A_825, %select_n3A_781, %mul3A_824 : vector<16xi1>, vector<16xi32>
      %gt3A_830 = arith.cmpf ogt, %select_n3A_827, %select_n3A_784 : vector<16xf32>
      %select_n3A_831 = arith.select %gt3A_830, %select_n3A_827, %select_n3A_784 : vector<16xi1>, vector<16xf32>
      %select_n3A_832 = arith.select %gt3A_830, %select_n3A_784, %select_n3A_827 : vector<16xi1>, vector<16xf32>
      %select_n3A_833 = arith.select %gt3A_830, %select_n3A_829, %select_n3A_786 : vector<16xi1>, vector<16xi32>
      %select_n3A_834 = arith.select %gt3A_830, %select_n3A_786, %select_n3A_829 : vector<16xi1>, vector<16xi32>
      %gt3A_835 = arith.cmpf ogt, %select_n3A_832, %select_n3A_789 : vector<16xf32>
      %select_n3A_836 = arith.select %gt3A_835, %select_n3A_832, %select_n3A_789 : vector<16xi1>, vector<16xf32>
      %select_n3A_837 = arith.select %gt3A_835, %select_n3A_789, %select_n3A_832 : vector<16xi1>, vector<16xf32>
      %select_n3A_838 = arith.select %gt3A_835, %select_n3A_834, %select_n3A_791 : vector<16xi1>, vector<16xi32>
      %select_n3A_839 = arith.select %gt3A_835, %select_n3A_791, %select_n3A_834 : vector<16xi1>, vector<16xi32>
      %gt3A_840 = arith.cmpf ogt, %select_n3A_837, %select_n3A_794 : vector<16xf32>
      %select_n3A_841 = arith.select %gt3A_840, %select_n3A_837, %select_n3A_794 : vector<16xi1>, vector<16xf32>
      %select_n3A_842 = arith.select %gt3A_840, %select_n3A_794, %select_n3A_837 : vector<16xi1>, vector<16xf32>
      %select_n3A_843 = arith.select %gt3A_840, %select_n3A_839, %select_n3A_796 : vector<16xi1>, vector<16xi32>
      %select_n3A_844 = arith.select %gt3A_840, %select_n3A_796, %select_n3A_839 : vector<16xi1>, vector<16xi32>
      %gt3A_845 = arith.cmpf ogt, %select_n3A_842, %select_n3A_799 : vector<16xf32>
      %select_n3A_846 = arith.select %gt3A_845, %select_n3A_842, %select_n3A_799 : vector<16xi1>, vector<16xf32>
      %select_n3A_847 = arith.select %gt3A_845, %select_n3A_799, %select_n3A_842 : vector<16xi1>, vector<16xf32>
      %select_n3A_848 = arith.select %gt3A_845, %select_n3A_844, %select_n3A_801 : vector<16xi1>, vector<16xi32>
      %select_n3A_849 = arith.select %gt3A_845, %select_n3A_801, %select_n3A_844 : vector<16xi1>, vector<16xi32>
      %gt3A_850 = arith.cmpf ogt, %select_n3A_847, %select_n3A_804 : vector<16xf32>
      %select_n3A_851 = arith.select %gt3A_850, %select_n3A_847, %select_n3A_804 : vector<16xi1>, vector<16xf32>
      %select_n3A_852 = arith.select %gt3A_850, %select_n3A_804, %select_n3A_847 : vector<16xi1>, vector<16xf32>
      %select_n3A_853 = arith.select %gt3A_850, %select_n3A_849, %select_n3A_806 : vector<16xi1>, vector<16xi32>
      %select_n3A_854 = arith.select %gt3A_850, %select_n3A_806, %select_n3A_849 : vector<16xi1>, vector<16xi32>
      %gt3A_855 = arith.cmpf ogt, %select_n3A_852, %select_n3A_809 : vector<16xf32>
      %select_n3A_856 = arith.select %gt3A_855, %select_n3A_852, %select_n3A_809 : vector<16xi1>, vector<16xf32>
      %select_n3A_857 = arith.select %gt3A_855, %select_n3A_809, %select_n3A_852 : vector<16xi1>, vector<16xf32>
      %select_n3A_858 = arith.select %gt3A_855, %select_n3A_854, %select_n3A_811 : vector<16xi1>, vector<16xi32>
      %select_n3A_859 = arith.select %gt3A_855, %select_n3A_811, %select_n3A_854 : vector<16xi1>, vector<16xi32>
      %gt3A_860 = arith.cmpf ogt, %select_n3A_857, %select_n3A_814 : vector<16xf32>
      %select_n3A_861 = arith.select %gt3A_860, %select_n3A_857, %select_n3A_814 : vector<16xi1>, vector<16xf32>
      %select_n3A_862 = arith.select %gt3A_860, %select_n3A_814, %select_n3A_857 : vector<16xi1>, vector<16xf32>
      %select_n3A_863 = arith.select %gt3A_860, %select_n3A_859, %select_n3A_816 : vector<16xi1>, vector<16xi32>
      %select_n3A_864 = arith.select %gt3A_860, %select_n3A_816, %select_n3A_859 : vector<16xi1>, vector<16xi32>
      %get3A_865 = arith.constant 22 : i32
      %get3A_866 = arith.index_cast %get3A_865 : i32 to index
      %get3A_867 = arith.index_cast %mul3A_13 : i32 to index
      %get3A_868 = tpu.vector_load %arg5[%get3A_866, %get3A_867] {strides = array<i32>} : memref<64x1024xf32, #tpu.memory_space<vmem>>, vector<16xf32>,
      %mul3A_869 = arith.constant 22 : i32
      %mul3A_870 = vector.broadcast %mul3A_869 : i32 to vector<16xi32>
      %mul3A_871 = arith.muli %broadcast_in_dim3A_3, %mul3A_870 : vector<16xi32>
      %gt3A_872 = arith.cmpf ogt, %get3A_868, %select_n3A_826 : vector<16xf32>
      %select_n3A_873 = arith.select %gt3A_872, %get3A_868, %select_n3A_826 : vector<16xi1>, vector<16xf32>
      %select_n3A_874 = arith.select %gt3A_872, %select_n3A_826, %get3A_868 : vector<16xi1>, vector<16xf32>
      %select_n3A_875 = arith.select %gt3A_872, %mul3A_871, %select_n3A_828 : vector<16xi1>, vector<16xi32>
      %select_n3A_876 = arith.select %gt3A_872, %select_n3A_828, %mul3A_871 : vector<16xi1>, vector<16xi32>
      %gt3A_877 = arith.cmpf ogt, %select_n3A_874, %select_n3A_831 : vector<16xf32>
      %select_n3A_878 = arith.select %gt3A_877, %select_n3A_874, %select_n3A_831 : vector<16xi1>, vector<16xf32>
      %select_n3A_879 = arith.select %gt3A_877, %select_n3A_831, %select_n3A_874 : vector<16xi1>, vector<16xf32>
      %select_n3A_880 = arith.select %gt3A_877, %select_n3A_876, %select_n3A_833 : vector<16xi1>, vector<16xi32>
      %select_n3A_881 = arith.select %gt3A_877, %select_n3A_833, %select_n3A_876 : vector<16xi1>, vector<16xi32>
      %gt3A_882 = arith.cmpf ogt, %select_n3A_879, %select_n3A_836 : vector<16xf32>
      %select_n3A_883 = arith.select %gt3A_882, %select_n3A_879, %select_n3A_836 : vector<16xi1>, vector<16xf32>
      %select_n3A_884 = arith.select %gt3A_882, %select_n3A_836, %select_n3A_879 : vector<16xi1>, vector<16xf32>
      %select_n3A_885 = arith.select %gt3A_882, %select_n3A_881, %select_n3A_838 : vector<16xi1>, vector<16xi32>
      %select_n3A_886 = arith.select %gt3A_882, %select_n3A_838, %select_n3A_881 : vector<16xi1>, vector<16xi32>
      %gt3A_887 = arith.cmpf ogt, %select_n3A_884, %select_n3A_841 : vector<16xf32>
      %select_n3A_888 = arith.select %gt3A_887, %select_n3A_884, %select_n3A_841 : vector<16xi1>, vector<16xf32>
      %select_n3A_889 = arith.select %gt3A_887, %select_n3A_841, %select_n3A_884 : vector<16xi1>, vector<16xf32>
      %select_n3A_890 = arith.select %gt3A_887, %select_n3A_886, %select_n3A_843 : vector<16xi1>, vector<16xi32>
      %select_n3A_891 = arith.select %gt3A_887, %select_n3A_843, %select_n3A_886 : vector<16xi1>, vector<16xi32>
      %gt3A_892 = arith.cmpf ogt, %select_n3A_889, %select_n3A_846 : vector<16xf32>
      %select_n3A_893 = arith.select %gt3A_892, %select_n3A_889, %select_n3A_846 : vector<16xi1>, vector<16xf32>
      %select_n3A_894 = arith.select %gt3A_892, %select_n3A_846, %select_n3A_889 : vector<16xi1>, vector<16xf32>
      %select_n3A_895 = arith.select %gt3A_892, %select_n3A_891, %select_n3A_848 : vector<16xi1>, vector<16xi32>
      %select_n3A_896 = arith.select %gt3A_892, %select_n3A_848, %select_n3A_891 : vector<16xi1>, vector<16xi32>
      %gt3A_897 = arith.cmpf ogt, %select_n3A_894, %select_n3A_851 : vector<16xf32>
      %select_n3A_898 = arith.select %gt3A_897, %select_n3A_894, %select_n3A_851 : vector<16xi1>, vector<16xf32>
      %select_n3A_899 = arith.select %gt3A_897, %select_n3A_851, %select_n3A_894 : vector<16xi1>, vector<16xf32>
      %select_n3A_900 = arith.select %gt3A_897, %select_n3A_896, %select_n3A_853 : vector<16xi1>, vector<16xi32>
      %select_n3A_901 = arith.select %gt3A_897, %select_n3A_853, %select_n3A_896 : vector<16xi1>, vector<16xi32>
      %gt3A_902 = arith.cmpf ogt, %select_n3A_899, %select_n3A_856 : vector<16xf32>
      %select_n3A_903 = arith.select %gt3A_902, %select_n3A_899, %select_n3A_856 : vector<16xi1>, vector<16xf32>
      %select_n3A_904 = arith.select %gt3A_902, %select_n3A_856, %select_n3A_899 : vector<16xi1>, vector<16xf32>
      %select_n3A_905 = arith.select %gt3A_902, %select_n3A_901, %select_n3A_858 : vector<16xi1>, vector<16xi32>
      %select_n3A_906 = arith.select %gt3A_902, %select_n3A_858, %select_n3A_901 : vector<16xi1>, vector<16xi32>
      %gt3A_907 = arith.cmpf ogt, %select_n3A_904, %select_n3A_861 : vector<16xf32>
      %select_n3A_908 = arith.select %gt3A_907, %select_n3A_904, %select_n3A_861 : vector<16xi1>, vector<16xf32>
      %select_n3A_909 = arith.select %gt3A_907, %select_n3A_861, %select_n3A_904 : vector<16xi1>, vector<16xf32>
      %select_n3A_910 = arith.select %gt3A_907, %select_n3A_906, %select_n3A_863 : vector<16xi1>, vector<16xi32>
      %select_n3A_911 = arith.select %gt3A_907, %select_n3A_863, %select_n3A_906 : vector<16xi1>, vector<16xi32>
      %get3A_912 = arith.constant 23 : i32
      %get3A_913 = arith.index_cast %get3A_912 : i32 to index
      %get3A_914 = arith.index_cast %mul3A_13 : i32 to index
      %get3A_915 = tpu.vector_load %arg5[%get3A_913, %get3A_914] {strides = array<i32>} : memref<64x1024xf32, #tpu.memory_space<vmem>>, vector<16xf32>,
      %mul3A_916 = arith.constant 23 : i32
      %mul3A_917 = vector.broadcast %mul3A_916 : i32 to vector<16xi32>
      %mul3A_918 = arith.muli %broadcast_in_dim3A_3, %mul3A_917 : vector<16xi32>
      %gt3A_919 = arith.cmpf ogt, %get3A_915, %select_n3A_873 : vector<16xf32>
      %select_n3A_920 = arith.select %gt3A_919, %get3A_915, %select_n3A_873 : vector<16xi1>, vector<16xf32>
      %select_n3A_921 = arith.select %gt3A_919, %select_n3A_873, %get3A_915 : vector<16xi1>, vector<16xf32>
      %select_n3A_922 = arith.select %gt3A_919, %mul3A_918, %select_n3A_875 : vector<16xi1>, vector<16xi32>
      %select_n3A_923 = arith.select %gt3A_919, %select_n3A_875, %mul3A_918 : vector<16xi1>, vector<16xi32>
      %gt3A_924 = arith.cmpf ogt, %select_n3A_921, %select_n3A_878 : vector<16xf32>
      %select_n3A_925 = arith.select %gt3A_924, %select_n3A_921, %select_n3A_878 : vector<16xi1>, vector<16xf32>
      %select_n3A_926 = arith.select %gt3A_924, %select_n3A_878, %select_n3A_921 : vector<16xi1>, vector<16xf32>
      %select_n3A_927 = arith.select %gt3A_924, %select_n3A_923, %select_n3A_880 : vector<16xi1>, vector<16xi32>
      %select_n3A_928 = arith.select %gt3A_924, %select_n3A_880, %select_n3A_923 : vector<16xi1>, vector<16xi32>
      %gt3A_929 = arith.cmpf ogt, %select_n3A_926, %select_n3A_883 : vector<16xf32>
      %select_n3A_930 = arith.select %gt3A_929, %select_n3A_926, %select_n3A_883 : vector<16xi1>, vector<16xf32>
      %select_n3A_931 = arith.select %gt3A_929, %select_n3A_883, %select_n3A_926 : vector<16xi1>, vector<16xf32>
      %select_n3A_932 = arith.select %gt3A_929, %select_n3A_928, %select_n3A_885 : vector<16xi1>, vector<16xi32>
      %select_n3A_933 = arith.select %gt3A_929, %select_n3A_885, %select_n3A_928 : vector<16xi1>, vector<16xi32>
      %gt3A_934 = arith.cmpf ogt, %select_n3A_931, %select_n3A_888 : vector<16xf32>
      %select_n3A_935 = arith.select %gt3A_934, %select_n3A_931, %select_n3A_888 : vector<16xi1>, vector<16xf32>
      %select_n3A_936 = arith.select %gt3A_934, %select_n3A_888, %select_n3A_931 : vector<16xi1>, vector<16xf32>
      %select_n3A_937 = arith.select %gt3A_934, %select_n3A_933, %select_n3A_890 : vector<16xi1>, vector<16xi32>
      %select_n3A_938 = arith.select %gt3A_934, %select_n3A_890, %select_n3A_933 : vector<16xi1>, vector<16xi32>
      %gt3A_939 = arith.cmpf ogt, %select_n3A_936, %select_n3A_893 : vector<16xf32>
      %select_n3A_940 = arith.select %gt3A_939, %select_n3A_936, %select_n3A_893 : vector<16xi1>, vector<16xf32>
      %select_n3A_941 = arith.select %gt3A_939, %select_n3A_893, %select_n3A_936 : vector<16xi1>, vector<16xf32>
      %select_n3A_942 = arith.select %gt3A_939, %select_n3A_938, %select_n3A_895 : vector<16xi1>, vector<16xi32>
      %select_n3A_943 = arith.select %gt3A_939, %select_n3A_895, %select_n3A_938 : vector<16xi1>, vector<16xi32>
      %gt3A_944 = arith.cmpf ogt, %select_n3A_941, %select_n3A_898 : vector<16xf32>
      %select_n3A_945 = arith.select %gt3A_944, %select_n3A_941, %select_n3A_898 : vector<16xi1>, vector<16xf32>
      %select_n3A_946 = arith.select %gt3A_944, %select_n3A_898, %select_n3A_941 : vector<16xi1>, vector<16xf32>
      %select_n3A_947 = arith.select %gt3A_944, %select_n3A_943, %select_n3A_900 : vector<16xi1>, vector<16xi32>
      %select_n3A_948 = arith.select %gt3A_944, %select_n3A_900, %select_n3A_943 : vector<16xi1>, vector<16xi32>
      %gt3A_949 = arith.cmpf ogt, %select_n3A_946, %select_n3A_903 : vector<16xf32>
      %select_n3A_950 = arith.select %gt3A_949, %select_n3A_946, %select_n3A_903 : vector<16xi1>, vector<16xf32>
      %select_n3A_951 = arith.select %gt3A_949, %select_n3A_903, %select_n3A_946 : vector<16xi1>, vector<16xf32>
      %select_n3A_952 = arith.select %gt3A_949, %select_n3A_948, %select_n3A_905 : vector<16xi1>, vector<16xi32>
      %select_n3A_953 = arith.select %gt3A_949, %select_n3A_905, %select_n3A_948 : vector<16xi1>, vector<16xi32>
      %gt3A_954 = arith.cmpf ogt, %select_n3A_951, %select_n3A_908 : vector<16xf32>
      %select_n3A_955 = arith.select %gt3A_954, %select_n3A_951, %select_n3A_908 : vector<16xi1>, vector<16xf32>
      %select_n3A_956 = arith.select %gt3A_954, %select_n3A_908, %select_n3A_951 : vector<16xi1>, vector<16xf32>
      %select_n3A_957 = arith.select %gt3A_954, %select_n3A_953, %select_n3A_910 : vector<16xi1>, vector<16xi32>
      %select_n3A_958 = arith.select %gt3A_954, %select_n3A_910, %select_n3A_953 : vector<16xi1>, vector<16xi32>
      %get3A_959 = arith.constant 24 : i32
      %get3A_960 = arith.index_cast %get3A_959 : i32 to index
      %get3A_961 = arith.index_cast %mul3A_13 : i32 to index
      %get3A_962 = tpu.vector_load %arg5[%get3A_960, %get3A_961] {strides = array<i32>} : memref<64x1024xf32, #tpu.memory_space<vmem>>, vector<16xf32>,
      %mul3A_963 = arith.constant 24 : i32
      %mul3A_964 = vector.broadcast %mul3A_963 : i32 to vector<16xi32>
      %mul3A_965 = arith.muli %broadcast_in_dim3A_3, %mul3A_964 : vector<16xi32>
      %gt3A_966 = arith.cmpf ogt, %get3A_962, %select_n3A_920 : vector<16xf32>
      %select_n3A_967 = arith.select %gt3A_966, %get3A_962, %select_n3A_920 : vector<16xi1>, vector<16xf32>
      %select_n3A_968 = arith.select %gt3A_966, %select_n3A_920, %get3A_962 : vector<16xi1>, vector<16xf32>
      %select_n3A_969 = arith.select %gt3A_966, %mul3A_965, %select_n3A_922 : vector<16xi1>, vector<16xi32>
      %select_n3A_970 = arith.select %gt3A_966, %select_n3A_922, %mul3A_965 : vector<16xi1>, vector<16xi32>
      %gt3A_971 = arith.cmpf ogt, %select_n3A_968, %select_n3A_925 : vector<16xf32>
      %select_n3A_972 = arith.select %gt3A_971, %select_n3A_968, %select_n3A_925 : vector<16xi1>, vector<16xf32>
      %select_n3A_973 = arith.select %gt3A_971, %select_n3A_925, %select_n3A_968 : vector<16xi1>, vector<16xf32>
      %select_n3A_974 = arith.select %gt3A_971, %select_n3A_970, %select_n3A_927 : vector<16xi1>, vector<16xi32>
      %select_n3A_975 = arith.select %gt3A_971, %select_n3A_927, %select_n3A_970 : vector<16xi1>, vector<16xi32>
      %gt3A_976 = arith.cmpf ogt, %select_n3A_973, %select_n3A_930 : vector<16xf32>
      %select_n3A_977 = arith.select %gt3A_976, %select_n3A_973, %select_n3A_930 : vector<16xi1>, vector<16xf32>
      %select_n3A_978 = arith.select %gt3A_976, %select_n3A_930, %select_n3A_973 : vector<16xi1>, vector<16xf32>
      %select_n3A_979 = arith.select %gt3A_976, %select_n3A_975, %select_n3A_932 : vector<16xi1>, vector<16xi32>
      %select_n3A_980 = arith.select %gt3A_976, %select_n3A_932, %select_n3A_975 : vector<16xi1>, vector<16xi32>
      %gt3A_981 = arith.cmpf ogt, %select_n3A_978, %select_n3A_935 : vector<16xf32>
      %select_n3A_982 = arith.select %gt3A_981, %select_n3A_978, %select_n3A_935 : vector<16xi1>, vector<16xf32>
      %select_n3A_983 = arith.select %gt3A_981, %select_n3A_935, %select_n3A_978 : vector<16xi1>, vector<16xf32>
      %select_n3A_984 = arith.select %gt3A_981, %select_n3A_980, %select_n3A_937 : vector<16xi1>, vector<16xi32>
      %select_n3A_985 = arith.select %gt3A_981, %select_n3A_937, %select_n3A_980 : vector<16xi1>, vector<16xi32>
      %gt3A_986 = arith.cmpf ogt, %select_n3A_983, %select_n3A_940 : vector<16xf32>
      %select_n3A_987 = arith.select %gt3A_986, %select_n3A_983, %select_n3A_940 : vector<16xi1>, vector<16xf32>
      %select_n3A_988 = arith.select %gt3A_986, %select_n3A_940, %select_n3A_983 : vector<16xi1>, vector<16xf32>
      %select_n3A_989 = arith.select %gt3A_986, %select_n3A_985, %select_n3A_942 : vector<16xi1>, vector<16xi32>
      %select_n3A_990 = arith.select %gt3A_986, %select_n3A_942, %select_n3A_985 : vector<16xi1>, vector<16xi32>
      %gt3A_991 = arith.cmpf ogt, %select_n3A_988, %select_n3A_945 : vector<16xf32>
      %select_n3A_992 = arith.select %gt3A_991, %select_n3A_988, %select_n3A_945 : vector<16xi1>, vector<16xf32>
      %select_n3A_993 = arith.select %gt3A_991, %select_n3A_945, %select_n3A_988 : vector<16xi1>, vector<16xf32>
      %select_n3A_994 = arith.select %gt3A_991, %select_n3A_990, %select_n3A_947 : vector<16xi1>, vector<16xi32>
      %select_n3A_995 = arith.select %gt3A_991, %select_n3A_947, %select_n3A_990 : vector<16xi1>, vector<16xi32>
      %gt3A_996 = arith.cmpf ogt, %select_n3A_993, %select_n3A_950 : vector<16xf32>
      %select_n3A_997 = arith.select %gt3A_996, %select_n3A_993, %select_n3A_950 : vector<16xi1>, vector<16xf32>
      %select_n3A_998 = arith.select %gt3A_996, %select_n3A_950, %select_n3A_993 : vector<16xi1>, vector<16xf32>
      %select_n3A_999 = arith.select %gt3A_996, %select_n3A_995, %select_n3A_952 : vector<16xi1>, vector<16xi32>
      %select_n3A_1000 = arith.select %gt3A_996, %select_n3A_952, %select_n3A_995 : vector<16xi1>, vector<16xi32>
      %gt3A_1001 = arith.cmpf ogt, %select_n3A_998, %select_n3A_955 : vector<16xf32>
      %select_n3A_1002 = arith.select %gt3A_1001, %select_n3A_998, %select_n3A_955 : vector<16xi1>, vector<16xf32>
      %select_n3A_1003 = arith.select %gt3A_1001, %select_n3A_955, %select_n3A_998 : vector<16xi1>, vector<16xf32>
      %select_n3A_1004 = arith.select %gt3A_1001, %select_n3A_1000, %select_n3A_957 : vector<16xi1>, vector<16xi32>
      %select_n3A_1005 = arith.select %gt3A_1001, %select_n3A_957, %select_n3A_1000 : vector<16xi1>, vector<16xi32>
      %get3A_1006 = arith.constant 25 : i32
      %get3A_1007 = arith.index_cast %get3A_1006 : i32 to index
      %get3A_1008 = arith.index_cast %mul3A_13 : i32 to index
      %get3A_1009 = tpu.vector_load %arg5[%get3A_1007, %get3A_1008] {strides = array<i32>} : memref<64x1024xf32, #tpu.memory_space<vmem>>, vector<16xf32>,
      %mul3A_1010 = arith.constant 25 : i32
      %mul3A_1011 = vector.broadcast %mul3A_1010 : i32 to vector<16xi32>
      %mul3A_1012 = arith.muli %broadcast_in_dim3A_3, %mul3A_1011 : vector<16xi32>
      %gt3A_1013 = arith.cmpf ogt, %get3A_1009, %select_n3A_967 : vector<16xf32>
      %select_n3A_1014 = arith.select %gt3A_1013, %get3A_1009, %select_n3A_967 : vector<16xi1>, vector<16xf32>
      %select_n3A_1015 = arith.select %gt3A_1013, %select_n3A_967, %get3A_1009 : vector<16xi1>, vector<16xf32>
      %select_n3A_1016 = arith.select %gt3A_1013, %mul3A_1012, %select_n3A_969 : vector<16xi1>, vector<16xi32>
      %select_n3A_1017 = arith.select %gt3A_1013, %select_n3A_969, %mul3A_1012 : vector<16xi1>, vector<16xi32>
      %gt3A_1018 = arith.cmpf ogt, %select_n3A_1015, %select_n3A_972 : vector<16xf32>
      %select_n3A_1019 = arith.select %gt3A_1018, %select_n3A_1015, %select_n3A_972 : vector<16xi1>, vector<16xf32>
      %select_n3A_1020 = arith.select %gt3A_1018, %select_n3A_972, %select_n3A_1015 : vector<16xi1>, vector<16xf32>
      %select_n3A_1021 = arith.select %gt3A_1018, %select_n3A_1017, %select_n3A_974 : vector<16xi1>, vector<16xi32>
      %select_n3A_1022 = arith.select %gt3A_1018, %select_n3A_974, %select_n3A_1017 : vector<16xi1>, vector<16xi32>
      %gt3A_1023 = arith.cmpf ogt, %select_n3A_1020, %select_n3A_977 : vector<16xf32>
      %select_n3A_1024 = arith.select %gt3A_1023, %select_n3A_1020, %select_n3A_977 : vector<16xi1>, vector<16xf32>
      %select_n3A_1025 = arith.select %gt3A_1023, %select_n3A_977, %select_n3A_1020 : vector<16xi1>, vector<16xf32>
      %select_n3A_1026 = arith.select %gt3A_1023, %select_n3A_1022, %select_n3A_979 : vector<16xi1>, vector<16xi32>
      %select_n3A_1027 = arith.select %gt3A_1023, %select_n3A_979, %select_n3A_1022 : vector<16xi1>, vector<16xi32>
      %gt3A_1028 = arith.cmpf ogt, %select_n3A_1025, %select_n3A_982 : vector<16xf32>
      %select_n3A_1029 = arith.select %gt3A_1028, %select_n3A_1025, %select_n3A_982 : vector<16xi1>, vector<16xf32>
      %select_n3A_1030 = arith.select %gt3A_1028, %select_n3A_982, %select_n3A_1025 : vector<16xi1>, vector<16xf32>
      %select_n3A_1031 = arith.select %gt3A_1028, %select_n3A_1027, %select_n3A_984 : vector<16xi1>, vector<16xi32>
      %select_n3A_1032 = arith.select %gt3A_1028, %select_n3A_984, %select_n3A_1027 : vector<16xi1>, vector<16xi32>
      %gt3A_1033 = arith.cmpf ogt, %select_n3A_1030, %select_n3A_987 : vector<16xf32>
      %select_n3A_1034 = arith.select %gt3A_1033, %select_n3A_1030, %select_n3A_987 : vector<16xi1>, vector<16xf32>
      %select_n3A_1035 = arith.select %gt3A_1033, %select_n3A_987, %select_n3A_1030 : vector<16xi1>, vector<16xf32>
      %select_n3A_1036 = arith.select %gt3A_1033, %select_n3A_1032, %select_n3A_989 : vector<16xi1>, vector<16xi32>
      %select_n3A_1037 = arith.select %gt3A_1033, %select_n3A_989, %select_n3A_1032 : vector<16xi1>, vector<16xi32>
      %gt3A_1038 = arith.cmpf ogt, %select_n3A_1035, %select_n3A_992 : vector<16xf32>
      %select_n3A_1039 = arith.select %gt3A_1038, %select_n3A_1035, %select_n3A_992 : vector<16xi1>, vector<16xf32>
      %select_n3A_1040 = arith.select %gt3A_1038, %select_n3A_992, %select_n3A_1035 : vector<16xi1>, vector<16xf32>
      %select_n3A_1041 = arith.select %gt3A_1038, %select_n3A_1037, %select_n3A_994 : vector<16xi1>, vector<16xi32>
      %select_n3A_1042 = arith.select %gt3A_1038, %select_n3A_994, %select_n3A_1037 : vector<16xi1>, vector<16xi32>
      %gt3A_1043 = arith.cmpf ogt, %select_n3A_1040, %select_n3A_997 : vector<16xf32>
      %select_n3A_1044 = arith.select %gt3A_1043, %select_n3A_1040, %select_n3A_997 : vector<16xi1>, vector<16xf32>
      %select_n3A_1045 = arith.select %gt3A_1043, %select_n3A_997, %select_n3A_1040 : vector<16xi1>, vector<16xf32>
      %select_n3A_1046 = arith.select %gt3A_1043, %select_n3A_1042, %select_n3A_999 : vector<16xi1>, vector<16xi32>
      %select_n3A_1047 = arith.select %gt3A_1043, %select_n3A_999, %select_n3A_1042 : vector<16xi1>, vector<16xi32>
      %gt3A_1048 = arith.cmpf ogt, %select_n3A_1045, %select_n3A_1002 : vector<16xf32>
      %select_n3A_1049 = arith.select %gt3A_1048, %select_n3A_1045, %select_n3A_1002 : vector<16xi1>, vector<16xf32>
      %select_n3A_1050 = arith.select %gt3A_1048, %select_n3A_1002, %select_n3A_1045 : vector<16xi1>, vector<16xf32>
      %select_n3A_1051 = arith.select %gt3A_1048, %select_n3A_1047, %select_n3A_1004 : vector<16xi1>, vector<16xi32>
      %select_n3A_1052 = arith.select %gt3A_1048, %select_n3A_1004, %select_n3A_1047 : vector<16xi1>, vector<16xi32>
      %get3A_1053 = arith.constant 26 : i32
      %get3A_1054 = arith.index_cast %get3A_1053 : i32 to index
      %get3A_1055 = arith.index_cast %mul3A_13 : i32 to index
      %get3A_1056 = tpu.vector_load %arg5[%get3A_1054, %get3A_1055] {strides = array<i32>} : memref<64x1024xf32, #tpu.memory_space<vmem>>, vector<16xf32>,
      %mul3A_1057 = arith.constant 26 : i32
      %mul3A_1058 = vector.broadcast %mul3A_1057 : i32 to vector<16xi32>
      %mul3A_1059 = arith.muli %broadcast_in_dim3A_3, %mul3A_1058 : vector<16xi32>
      %gt3A_1060 = arith.cmpf ogt, %get3A_1056, %select_n3A_1014 : vector<16xf32>
      %select_n3A_1061 = arith.select %gt3A_1060, %get3A_1056, %select_n3A_1014 : vector<16xi1>, vector<16xf32>
      %select_n3A_1062 = arith.select %gt3A_1060, %select_n3A_1014, %get3A_1056 : vector<16xi1>, vector<16xf32>
      %select_n3A_1063 = arith.select %gt3A_1060, %mul3A_1059, %select_n3A_1016 : vector<16xi1>, vector<16xi32>
      %select_n3A_1064 = arith.select %gt3A_1060, %select_n3A_1016, %mul3A_1059 : vector<16xi1>, vector<16xi32>
      %gt3A_1065 = arith.cmpf ogt, %select_n3A_1062, %select_n3A_1019 : vector<16xf32>
      %select_n3A_1066 = arith.select %gt3A_1065, %select_n3A_1062, %select_n3A_1019 : vector<16xi1>, vector<16xf32>
      %select_n3A_1067 = arith.select %gt3A_1065, %select_n3A_1019, %select_n3A_1062 : vector<16xi1>, vector<16xf32>
      %select_n3A_1068 = arith.select %gt3A_1065, %select_n3A_1064, %select_n3A_1021 : vector<16xi1>, vector<16xi32>
      %select_n3A_1069 = arith.select %gt3A_1065, %select_n3A_1021, %select_n3A_1064 : vector<16xi1>, vector<16xi32>
      %gt3A_1070 = arith.cmpf ogt, %select_n3A_1067, %select_n3A_1024 : vector<16xf32>
      %select_n3A_1071 = arith.select %gt3A_1070, %select_n3A_1067, %select_n3A_1024 : vector<16xi1>, vector<16xf32>
      %select_n3A_1072 = arith.select %gt3A_1070, %select_n3A_1024, %select_n3A_1067 : vector<16xi1>, vector<16xf32>
      %select_n3A_1073 = arith.select %gt3A_1070, %select_n3A_1069, %select_n3A_1026 : vector<16xi1>, vector<16xi32>
      %select_n3A_1074 = arith.select %gt3A_1070, %select_n3A_1026, %select_n3A_1069 : vector<16xi1>, vector<16xi32>
      %gt3A_1075 = arith.cmpf ogt, %select_n3A_1072, %select_n3A_1029 : vector<16xf32>
      %select_n3A_1076 = arith.select %gt3A_1075, %select_n3A_1072, %select_n3A_1029 : vector<16xi1>, vector<16xf32>
      %select_n3A_1077 = arith.select %gt3A_1075, %select_n3A_1029, %select_n3A_1072 : vector<16xi1>, vector<16xf32>
      %select_n3A_1078 = arith.select %gt3A_1075, %select_n3A_1074, %select_n3A_1031 : vector<16xi1>, vector<16xi32>
      %select_n3A_1079 = arith.select %gt3A_1075, %select_n3A_1031, %select_n3A_1074 : vector<16xi1>, vector<16xi32>
      %gt3A_1080 = arith.cmpf ogt, %select_n3A_1077, %select_n3A_1034 : vector<16xf32>
      %select_n3A_1081 = arith.select %gt3A_1080, %select_n3A_1077, %select_n3A_1034 : vector<16xi1>, vector<16xf32>
      %select_n3A_1082 = arith.select %gt3A_1080, %select_n3A_1034, %select_n3A_1077 : vector<16xi1>, vector<16xf32>
      %select_n3A_1083 = arith.select %gt3A_1080, %select_n3A_1079, %select_n3A_1036 : vector<16xi1>, vector<16xi32>
      %select_n3A_1084 = arith.select %gt3A_1080, %select_n3A_1036, %select_n3A_1079 : vector<16xi1>, vector<16xi32>
      %gt3A_1085 = arith.cmpf ogt, %select_n3A_1082, %select_n3A_1039 : vector<16xf32>
      %select_n3A_1086 = arith.select %gt3A_1085, %select_n3A_1082, %select_n3A_1039 : vector<16xi1>, vector<16xf32>
      %select_n3A_1087 = arith.select %gt3A_1085, %select_n3A_1039, %select_n3A_1082 : vector<16xi1>, vector<16xf32>
      %select_n3A_1088 = arith.select %gt3A_1085, %select_n3A_1084, %select_n3A_1041 : vector<16xi1>, vector<16xi32>
      %select_n3A_1089 = arith.select %gt3A_1085, %select_n3A_1041, %select_n3A_1084 : vector<16xi1>, vector<16xi32>
      %gt3A_1090 = arith.cmpf ogt, %select_n3A_1087, %select_n3A_1044 : vector<16xf32>
      %select_n3A_1091 = arith.select %gt3A_1090, %select_n3A_1087, %select_n3A_1044 : vector<16xi1>, vector<16xf32>
      %select_n3A_1092 = arith.select %gt3A_1090, %select_n3A_1044, %select_n3A_1087 : vector<16xi1>, vector<16xf32>
      %select_n3A_1093 = arith.select %gt3A_1090, %select_n3A_1089, %select_n3A_1046 : vector<16xi1>, vector<16xi32>
      %select_n3A_1094 = arith.select %gt3A_1090, %select_n3A_1046, %select_n3A_1089 : vector<16xi1>, vector<16xi32>
      %gt3A_1095 = arith.cmpf ogt, %select_n3A_1092, %select_n3A_1049 : vector<16xf32>
      %select_n3A_1096 = arith.select %gt3A_1095, %select_n3A_1092, %select_n3A_1049 : vector<16xi1>, vector<16xf32>
      %select_n3A_1097 = arith.select %gt3A_1095, %select_n3A_1049, %select_n3A_1092 : vector<16xi1>, vector<16xf32>
      %select_n3A_1098 = arith.select %gt3A_1095, %select_n3A_1094, %select_n3A_1051 : vector<16xi1>, vector<16xi32>
      %select_n3A_1099 = arith.select %gt3A_1095, %select_n3A_1051, %select_n3A_1094 : vector<16xi1>, vector<16xi32>
      %get3A_1100 = arith.constant 27 : i32
      %get3A_1101 = arith.index_cast %get3A_1100 : i32 to index
      %get3A_1102 = arith.index_cast %mul3A_13 : i32 to index
      %get3A_1103 = tpu.vector_load %arg5[%get3A_1101, %get3A_1102] {strides = array<i32>} : memref<64x1024xf32, #tpu.memory_space<vmem>>, vector<16xf32>,
      %mul3A_1104 = arith.constant 27 : i32
      %mul3A_1105 = vector.broadcast %mul3A_1104 : i32 to vector<16xi32>
      %mul3A_1106 = arith.muli %broadcast_in_dim3A_3, %mul3A_1105 : vector<16xi32>
      %gt3A_1107 = arith.cmpf ogt, %get3A_1103, %select_n3A_1061 : vector<16xf32>
      %select_n3A_1108 = arith.select %gt3A_1107, %get3A_1103, %select_n3A_1061 : vector<16xi1>, vector<16xf32>
      %select_n3A_1109 = arith.select %gt3A_1107, %select_n3A_1061, %get3A_1103 : vector<16xi1>, vector<16xf32>
      %select_n3A_1110 = arith.select %gt3A_1107, %mul3A_1106, %select_n3A_1063 : vector<16xi1>, vector<16xi32>
      %select_n3A_1111 = arith.select %gt3A_1107, %select_n3A_1063, %mul3A_1106 : vector<16xi1>, vector<16xi32>
      %gt3A_1112 = arith.cmpf ogt, %select_n3A_1109, %select_n3A_1066 : vector<16xf32>
      %select_n3A_1113 = arith.select %gt3A_1112, %select_n3A_1109, %select_n3A_1066 : vector<16xi1>, vector<16xf32>
      %select_n3A_1114 = arith.select %gt3A_1112, %select_n3A_1066, %select_n3A_1109 : vector<16xi1>, vector<16xf32>
      %select_n3A_1115 = arith.select %gt3A_1112, %select_n3A_1111, %select_n3A_1068 : vector<16xi1>, vector<16xi32>
      %select_n3A_1116 = arith.select %gt3A_1112, %select_n3A_1068, %select_n3A_1111 : vector<16xi1>, vector<16xi32>
      %gt3A_1117 = arith.cmpf ogt, %select_n3A_1114, %select_n3A_1071 : vector<16xf32>
      %select_n3A_1118 = arith.select %gt3A_1117, %select_n3A_1114, %select_n3A_1071 : vector<16xi1>, vector<16xf32>
      %select_n3A_1119 = arith.select %gt3A_1117, %select_n3A_1071, %select_n3A_1114 : vector<16xi1>, vector<16xf32>
      %select_n3A_1120 = arith.select %gt3A_1117, %select_n3A_1116, %select_n3A_1073 : vector<16xi1>, vector<16xi32>
      %select_n3A_1121 = arith.select %gt3A_1117, %select_n3A_1073, %select_n3A_1116 : vector<16xi1>, vector<16xi32>
      %gt3A_1122 = arith.cmpf ogt, %select_n3A_1119, %select_n3A_1076 : vector<16xf32>
      %select_n3A_1123 = arith.select %gt3A_1122, %select_n3A_1119, %select_n3A_1076 : vector<16xi1>, vector<16xf32>
      %select_n3A_1124 = arith.select %gt3A_1122, %select_n3A_1076, %select_n3A_1119 : vector<16xi1>, vector<16xf32>
      %select_n3A_1125 = arith.select %gt3A_1122, %select_n3A_1121, %select_n3A_1078 : vector<16xi1>, vector<16xi32>
      %select_n3A_1126 = arith.select %gt3A_1122, %select_n3A_1078, %select_n3A_1121 : vector<16xi1>, vector<16xi32>
      %gt3A_1127 = arith.cmpf ogt, %select_n3A_1124, %select_n3A_1081 : vector<16xf32>
      %select_n3A_1128 = arith.select %gt3A_1127, %select_n3A_1124, %select_n3A_1081 : vector<16xi1>, vector<16xf32>
      %select_n3A_1129 = arith.select %gt3A_1127, %select_n3A_1081, %select_n3A_1124 : vector<16xi1>, vector<16xf32>
      %select_n3A_1130 = arith.select %gt3A_1127, %select_n3A_1126, %select_n3A_1083 : vector<16xi1>, vector<16xi32>
      %select_n3A_1131 = arith.select %gt3A_1127, %select_n3A_1083, %select_n3A_1126 : vector<16xi1>, vector<16xi32>
      %gt3A_1132 = arith.cmpf ogt, %select_n3A_1129, %select_n3A_1086 : vector<16xf32>
      %select_n3A_1133 = arith.select %gt3A_1132, %select_n3A_1129, %select_n3A_1086 : vector<16xi1>, vector<16xf32>
      %select_n3A_1134 = arith.select %gt3A_1132, %select_n3A_1086, %select_n3A_1129 : vector<16xi1>, vector<16xf32>
      %select_n3A_1135 = arith.select %gt3A_1132, %select_n3A_1131, %select_n3A_1088 : vector<16xi1>, vector<16xi32>
      %select_n3A_1136 = arith.select %gt3A_1132, %select_n3A_1088, %select_n3A_1131 : vector<16xi1>, vector<16xi32>
      %gt3A_1137 = arith.cmpf ogt, %select_n3A_1134, %select_n3A_1091 : vector<16xf32>
      %select_n3A_1138 = arith.select %gt3A_1137, %select_n3A_1134, %select_n3A_1091 : vector<16xi1>, vector<16xf32>
      %select_n3A_1139 = arith.select %gt3A_1137, %select_n3A_1091, %select_n3A_1134 : vector<16xi1>, vector<16xf32>
      %select_n3A_1140 = arith.select %gt3A_1137, %select_n3A_1136, %select_n3A_1093 : vector<16xi1>, vector<16xi32>
      %select_n3A_1141 = arith.select %gt3A_1137, %select_n3A_1093, %select_n3A_1136 : vector<16xi1>, vector<16xi32>
      %gt3A_1142 = arith.cmpf ogt, %select_n3A_1139, %select_n3A_1096 : vector<16xf32>
      %select_n3A_1143 = arith.select %gt3A_1142, %select_n3A_1139, %select_n3A_1096 : vector<16xi1>, vector<16xf32>
      %select_n3A_1144 = arith.select %gt3A_1142, %select_n3A_1096, %select_n3A_1139 : vector<16xi1>, vector<16xf32>
      %select_n3A_1145 = arith.select %gt3A_1142, %select_n3A_1141, %select_n3A_1098 : vector<16xi1>, vector<16xi32>
      %select_n3A_1146 = arith.select %gt3A_1142, %select_n3A_1098, %select_n3A_1141 : vector<16xi1>, vector<16xi32>
      %get3A_1147 = arith.constant 28 : i32
      %get3A_1148 = arith.index_cast %get3A_1147 : i32 to index
      %get3A_1149 = arith.index_cast %mul3A_13 : i32 to index
      %get3A_1150 = tpu.vector_load %arg5[%get3A_1148, %get3A_1149] {strides = array<i32>} : memref<64x1024xf32, #tpu.memory_space<vmem>>, vector<16xf32>,
      %mul3A_1151 = arith.constant 28 : i32
      %mul3A_1152 = vector.broadcast %mul3A_1151 : i32 to vector<16xi32>
      %mul3A_1153 = arith.muli %broadcast_in_dim3A_3, %mul3A_1152 : vector<16xi32>
      %gt3A_1154 = arith.cmpf ogt, %get3A_1150, %select_n3A_1108 : vector<16xf32>
      %select_n3A_1155 = arith.select %gt3A_1154, %get3A_1150, %select_n3A_1108 : vector<16xi1>, vector<16xf32>
      %select_n3A_1156 = arith.select %gt3A_1154, %select_n3A_1108, %get3A_1150 : vector<16xi1>, vector<16xf32>
      %select_n3A_1157 = arith.select %gt3A_1154, %mul3A_1153, %select_n3A_1110 : vector<16xi1>, vector<16xi32>
      %select_n3A_1158 = arith.select %gt3A_1154, %select_n3A_1110, %mul3A_1153 : vector<16xi1>, vector<16xi32>
      %gt3A_1159 = arith.cmpf ogt, %select_n3A_1156, %select_n3A_1113 : vector<16xf32>
      %select_n3A_1160 = arith.select %gt3A_1159, %select_n3A_1156, %select_n3A_1113 : vector<16xi1>, vector<16xf32>
      %select_n3A_1161 = arith.select %gt3A_1159, %select_n3A_1113, %select_n3A_1156 : vector<16xi1>, vector<16xf32>
      %select_n3A_1162 = arith.select %gt3A_1159, %select_n3A_1158, %select_n3A_1115 : vector<16xi1>, vector<16xi32>
      %select_n3A_1163 = arith.select %gt3A_1159, %select_n3A_1115, %select_n3A_1158 : vector<16xi1>, vector<16xi32>
      %gt3A_1164 = arith.cmpf ogt, %select_n3A_1161, %select_n3A_1118 : vector<16xf32>
      %select_n3A_1165 = arith.select %gt3A_1164, %select_n3A_1161, %select_n3A_1118 : vector<16xi1>, vector<16xf32>
      %select_n3A_1166 = arith.select %gt3A_1164, %select_n3A_1118, %select_n3A_1161 : vector<16xi1>, vector<16xf32>
      %select_n3A_1167 = arith.select %gt3A_1164, %select_n3A_1163, %select_n3A_1120 : vector<16xi1>, vector<16xi32>
      %select_n3A_1168 = arith.select %gt3A_1164, %select_n3A_1120, %select_n3A_1163 : vector<16xi1>, vector<16xi32>
      %gt3A_1169 = arith.cmpf ogt, %select_n3A_1166, %select_n3A_1123 : vector<16xf32>
      %select_n3A_1170 = arith.select %gt3A_1169, %select_n3A_1166, %select_n3A_1123 : vector<16xi1>, vector<16xf32>
      %select_n3A_1171 = arith.select %gt3A_1169, %select_n3A_1123, %select_n3A_1166 : vector<16xi1>, vector<16xf32>
      %select_n3A_1172 = arith.select %gt3A_1169, %select_n3A_1168, %select_n3A_1125 : vector<16xi1>, vector<16xi32>
      %select_n3A_1173 = arith.select %gt3A_1169, %select_n3A_1125, %select_n3A_1168 : vector<16xi1>, vector<16xi32>
      %gt3A_1174 = arith.cmpf ogt, %select_n3A_1171, %select_n3A_1128 : vector<16xf32>
      %select_n3A_1175 = arith.select %gt3A_1174, %select_n3A_1171, %select_n3A_1128 : vector<16xi1>, vector<16xf32>
      %select_n3A_1176 = arith.select %gt3A_1174, %select_n3A_1128, %select_n3A_1171 : vector<16xi1>, vector<16xf32>
      %select_n3A_1177 = arith.select %gt3A_1174, %select_n3A_1173, %select_n3A_1130 : vector<16xi1>, vector<16xi32>
      %select_n3A_1178 = arith.select %gt3A_1174, %select_n3A_1130, %select_n3A_1173 : vector<16xi1>, vector<16xi32>
      %gt3A_1179 = arith.cmpf ogt, %select_n3A_1176, %select_n3A_1133 : vector<16xf32>
      %select_n3A_1180 = arith.select %gt3A_1179, %select_n3A_1176, %select_n3A_1133 : vector<16xi1>, vector<16xf32>
      %select_n3A_1181 = arith.select %gt3A_1179, %select_n3A_1133, %select_n3A_1176 : vector<16xi1>, vector<16xf32>
      %select_n3A_1182 = arith.select %gt3A_1179, %select_n3A_1178, %select_n3A_1135 : vector<16xi1>, vector<16xi32>
      %select_n3A_1183 = arith.select %gt3A_1179, %select_n3A_1135, %select_n3A_1178 : vector<16xi1>, vector<16xi32>
      %gt3A_1184 = arith.cmpf ogt, %select_n3A_1181, %select_n3A_1138 : vector<16xf32>
      %select_n3A_1185 = arith.select %gt3A_1184, %select_n3A_1181, %select_n3A_1138 : vector<16xi1>, vector<16xf32>
      %select_n3A_1186 = arith.select %gt3A_1184, %select_n3A_1138, %select_n3A_1181 : vector<16xi1>, vector<16xf32>
      %select_n3A_1187 = arith.select %gt3A_1184, %select_n3A_1183, %select_n3A_1140 : vector<16xi1>, vector<16xi32>
      %select_n3A_1188 = arith.select %gt3A_1184, %select_n3A_1140, %select_n3A_1183 : vector<16xi1>, vector<16xi32>
      %gt3A_1189 = arith.cmpf ogt, %select_n3A_1186, %select_n3A_1143 : vector<16xf32>
      %select_n3A_1190 = arith.select %gt3A_1189, %select_n3A_1186, %select_n3A_1143 : vector<16xi1>, vector<16xf32>
      %select_n3A_1191 = arith.select %gt3A_1189, %select_n3A_1143, %select_n3A_1186 : vector<16xi1>, vector<16xf32>
      %select_n3A_1192 = arith.select %gt3A_1189, %select_n3A_1188, %select_n3A_1145 : vector<16xi1>, vector<16xi32>
      %select_n3A_1193 = arith.select %gt3A_1189, %select_n3A_1145, %select_n3A_1188 : vector<16xi1>, vector<16xi32>
      %get3A_1194 = arith.constant 29 : i32
      %get3A_1195 = arith.index_cast %get3A_1194 : i32 to index
      %get3A_1196 = arith.index_cast %mul3A_13 : i32 to index
      %get3A_1197 = tpu.vector_load %arg5[%get3A_1195, %get3A_1196] {strides = array<i32>} : memref<64x1024xf32, #tpu.memory_space<vmem>>, vector<16xf32>,
      %mul3A_1198 = arith.constant 29 : i32
      %mul3A_1199 = vector.broadcast %mul3A_1198 : i32 to vector<16xi32>
      %mul3A_1200 = arith.muli %broadcast_in_dim3A_3, %mul3A_1199 : vector<16xi32>
      %gt3A_1201 = arith.cmpf ogt, %get3A_1197, %select_n3A_1155 : vector<16xf32>
      %select_n3A_1202 = arith.select %gt3A_1201, %get3A_1197, %select_n3A_1155 : vector<16xi1>, vector<16xf32>
      %select_n3A_1203 = arith.select %gt3A_1201, %select_n3A_1155, %get3A_1197 : vector<16xi1>, vector<16xf32>
      %select_n3A_1204 = arith.select %gt3A_1201, %mul3A_1200, %select_n3A_1157 : vector<16xi1>, vector<16xi32>
      %select_n3A_1205 = arith.select %gt3A_1201, %select_n3A_1157, %mul3A_1200 : vector<16xi1>, vector<16xi32>
      %gt3A_1206 = arith.cmpf ogt, %select_n3A_1203, %select_n3A_1160 : vector<16xf32>
      %select_n3A_1207 = arith.select %gt3A_1206, %select_n3A_1203, %select_n3A_1160 : vector<16xi1>, vector<16xf32>
      %select_n3A_1208 = arith.select %gt3A_1206, %select_n3A_1160, %select_n3A_1203 : vector<16xi1>, vector<16xf32>
      %select_n3A_1209 = arith.select %gt3A_1206, %select_n3A_1205, %select_n3A_1162 : vector<16xi1>, vector<16xi32>
      %select_n3A_1210 = arith.select %gt3A_1206, %select_n3A_1162, %select_n3A_1205 : vector<16xi1>, vector<16xi32>
      %gt3A_1211 = arith.cmpf ogt, %select_n3A_1208, %select_n3A_1165 : vector<16xf32>
      %select_n3A_1212 = arith.select %gt3A_1211, %select_n3A_1208, %select_n3A_1165 : vector<16xi1>, vector<16xf32>
      %select_n3A_1213 = arith.select %gt3A_1211, %select_n3A_1165, %select_n3A_1208 : vector<16xi1>, vector<16xf32>
      %select_n3A_1214 = arith.select %gt3A_1211, %select_n3A_1210, %select_n3A_1167 : vector<16xi1>, vector<16xi32>
      %select_n3A_1215 = arith.select %gt3A_1211, %select_n3A_1167, %select_n3A_1210 : vector<16xi1>, vector<16xi32>
      %gt3A_1216 = arith.cmpf ogt, %select_n3A_1213, %select_n3A_1170 : vector<16xf32>
      %select_n3A_1217 = arith.select %gt3A_1216, %select_n3A_1213, %select_n3A_1170 : vector<16xi1>, vector<16xf32>
      %select_n3A_1218 = arith.select %gt3A_1216, %select_n3A_1170, %select_n3A_1213 : vector<16xi1>, vector<16xf32>
      %select_n3A_1219 = arith.select %gt3A_1216, %select_n3A_1215, %select_n3A_1172 : vector<16xi1>, vector<16xi32>
      %select_n3A_1220 = arith.select %gt3A_1216, %select_n3A_1172, %select_n3A_1215 : vector<16xi1>, vector<16xi32>
      %gt3A_1221 = arith.cmpf ogt, %select_n3A_1218, %select_n3A_1175 : vector<16xf32>
      %select_n3A_1222 = arith.select %gt3A_1221, %select_n3A_1218, %select_n3A_1175 : vector<16xi1>, vector<16xf32>
      %select_n3A_1223 = arith.select %gt3A_1221, %select_n3A_1175, %select_n3A_1218 : vector<16xi1>, vector<16xf32>
      %select_n3A_1224 = arith.select %gt3A_1221, %select_n3A_1220, %select_n3A_1177 : vector<16xi1>, vector<16xi32>
      %select_n3A_1225 = arith.select %gt3A_1221, %select_n3A_1177, %select_n3A_1220 : vector<16xi1>, vector<16xi32>
      %gt3A_1226 = arith.cmpf ogt, %select_n3A_1223, %select_n3A_1180 : vector<16xf32>
      %select_n3A_1227 = arith.select %gt3A_1226, %select_n3A_1223, %select_n3A_1180 : vector<16xi1>, vector<16xf32>
      %select_n3A_1228 = arith.select %gt3A_1226, %select_n3A_1180, %select_n3A_1223 : vector<16xi1>, vector<16xf32>
      %select_n3A_1229 = arith.select %gt3A_1226, %select_n3A_1225, %select_n3A_1182 : vector<16xi1>, vector<16xi32>
      %select_n3A_1230 = arith.select %gt3A_1226, %select_n3A_1182, %select_n3A_1225 : vector<16xi1>, vector<16xi32>
      %gt3A_1231 = arith.cmpf ogt, %select_n3A_1228, %select_n3A_1185 : vector<16xf32>
      %select_n3A_1232 = arith.select %gt3A_1231, %select_n3A_1228, %select_n3A_1185 : vector<16xi1>, vector<16xf32>
      %select_n3A_1233 = arith.select %gt3A_1231, %select_n3A_1185, %select_n3A_1228 : vector<16xi1>, vector<16xf32>
      %select_n3A_1234 = arith.select %gt3A_1231, %select_n3A_1230, %select_n3A_1187 : vector<16xi1>, vector<16xi32>
      %select_n3A_1235 = arith.select %gt3A_1231, %select_n3A_1187, %select_n3A_1230 : vector<16xi1>, vector<16xi32>
      %gt3A_1236 = arith.cmpf ogt, %select_n3A_1233, %select_n3A_1190 : vector<16xf32>
      %select_n3A_1237 = arith.select %gt3A_1236, %select_n3A_1233, %select_n3A_1190 : vector<16xi1>, vector<16xf32>
      %select_n3A_1238 = arith.select %gt3A_1236, %select_n3A_1190, %select_n3A_1233 : vector<16xi1>, vector<16xf32>
      %select_n3A_1239 = arith.select %gt3A_1236, %select_n3A_1235, %select_n3A_1192 : vector<16xi1>, vector<16xi32>
      %select_n3A_1240 = arith.select %gt3A_1236, %select_n3A_1192, %select_n3A_1235 : vector<16xi1>, vector<16xi32>
      %get3A_1241 = arith.constant 30 : i32
      %get3A_1242 = arith.index_cast %get3A_1241 : i32 to index
      %get3A_1243 = arith.index_cast %mul3A_13 : i32 to index
      %get3A_1244 = tpu.vector_load %arg5[%get3A_1242, %get3A_1243] {strides = array<i32>} : memref<64x1024xf32, #tpu.memory_space<vmem>>, vector<16xf32>,
      %mul3A_1245 = arith.constant 30 : i32
      %mul3A_1246 = vector.broadcast %mul3A_1245 : i32 to vector<16xi32>
      %mul3A_1247 = arith.muli %broadcast_in_dim3A_3, %mul3A_1246 : vector<16xi32>
      %gt3A_1248 = arith.cmpf ogt, %get3A_1244, %select_n3A_1202 : vector<16xf32>
      %select_n3A_1249 = arith.select %gt3A_1248, %get3A_1244, %select_n3A_1202 : vector<16xi1>, vector<16xf32>
      %select_n3A_1250 = arith.select %gt3A_1248, %select_n3A_1202, %get3A_1244 : vector<16xi1>, vector<16xf32>
      %select_n3A_1251 = arith.select %gt3A_1248, %mul3A_1247, %select_n3A_1204 : vector<16xi1>, vector<16xi32>
      %select_n3A_1252 = arith.select %gt3A_1248, %select_n3A_1204, %mul3A_1247 : vector<16xi1>, vector<16xi32>
      %gt3A_1253 = arith.cmpf ogt, %select_n3A_1250, %select_n3A_1207 : vector<16xf32>
      %select_n3A_1254 = arith.select %gt3A_1253, %select_n3A_1250, %select_n3A_1207 : vector<16xi1>, vector<16xf32>
      %select_n3A_1255 = arith.select %gt3A_1253, %select_n3A_1207, %select_n3A_1250 : vector<16xi1>, vector<16xf32>
      %select_n3A_1256 = arith.select %gt3A_1253, %select_n3A_1252, %select_n3A_1209 : vector<16xi1>, vector<16xi32>
      %select_n3A_1257 = arith.select %gt3A_1253, %select_n3A_1209, %select_n3A_1252 : vector<16xi1>, vector<16xi32>
      %gt3A_1258 = arith.cmpf ogt, %select_n3A_1255, %select_n3A_1212 : vector<16xf32>
      %select_n3A_1259 = arith.select %gt3A_1258, %select_n3A_1255, %select_n3A_1212 : vector<16xi1>, vector<16xf32>
      %select_n3A_1260 = arith.select %gt3A_1258, %select_n3A_1212, %select_n3A_1255 : vector<16xi1>, vector<16xf32>
      %select_n3A_1261 = arith.select %gt3A_1258, %select_n3A_1257, %select_n3A_1214 : vector<16xi1>, vector<16xi32>
      %select_n3A_1262 = arith.select %gt3A_1258, %select_n3A_1214, %select_n3A_1257 : vector<16xi1>, vector<16xi32>
      %gt3A_1263 = arith.cmpf ogt, %select_n3A_1260, %select_n3A_1217 : vector<16xf32>
      %select_n3A_1264 = arith.select %gt3A_1263, %select_n3A_1260, %select_n3A_1217 : vector<16xi1>, vector<16xf32>
      %select_n3A_1265 = arith.select %gt3A_1263, %select_n3A_1217, %select_n3A_1260 : vector<16xi1>, vector<16xf32>
      %select_n3A_1266 = arith.select %gt3A_1263, %select_n3A_1262, %select_n3A_1219 : vector<16xi1>, vector<16xi32>
      %select_n3A_1267 = arith.select %gt3A_1263, %select_n3A_1219, %select_n3A_1262 : vector<16xi1>, vector<16xi32>
      %gt3A_1268 = arith.cmpf ogt, %select_n3A_1265, %select_n3A_1222 : vector<16xf32>
      %select_n3A_1269 = arith.select %gt3A_1268, %select_n3A_1265, %select_n3A_1222 : vector<16xi1>, vector<16xf32>
      %select_n3A_1270 = arith.select %gt3A_1268, %select_n3A_1222, %select_n3A_1265 : vector<16xi1>, vector<16xf32>
      %select_n3A_1271 = arith.select %gt3A_1268, %select_n3A_1267, %select_n3A_1224 : vector<16xi1>, vector<16xi32>
      %select_n3A_1272 = arith.select %gt3A_1268, %select_n3A_1224, %select_n3A_1267 : vector<16xi1>, vector<16xi32>
      %gt3A_1273 = arith.cmpf ogt, %select_n3A_1270, %select_n3A_1227 : vector<16xf32>
      %select_n3A_1274 = arith.select %gt3A_1273, %select_n3A_1270, %select_n3A_1227 : vector<16xi1>, vector<16xf32>
      %select_n3A_1275 = arith.select %gt3A_1273, %select_n3A_1227, %select_n3A_1270 : vector<16xi1>, vector<16xf32>
      %select_n3A_1276 = arith.select %gt3A_1273, %select_n3A_1272, %select_n3A_1229 : vector<16xi1>, vector<16xi32>
      %select_n3A_1277 = arith.select %gt3A_1273, %select_n3A_1229, %select_n3A_1272 : vector<16xi1>, vector<16xi32>
      %gt3A_1278 = arith.cmpf ogt, %select_n3A_1275, %select_n3A_1232 : vector<16xf32>
      %select_n3A_1279 = arith.select %gt3A_1278, %select_n3A_1275, %select_n3A_1232 : vector<16xi1>, vector<16xf32>
      %select_n3A_1280 = arith.select %gt3A_1278, %select_n3A_1232, %select_n3A_1275 : vector<16xi1>, vector<16xf32>
      %select_n3A_1281 = arith.select %gt3A_1278, %select_n3A_1277, %select_n3A_1234 : vector<16xi1>, vector<16xi32>
      %select_n3A_1282 = arith.select %gt3A_1278, %select_n3A_1234, %select_n3A_1277 : vector<16xi1>, vector<16xi32>
      %gt3A_1283 = arith.cmpf ogt, %select_n3A_1280, %select_n3A_1237 : vector<16xf32>
      %select_n3A_1284 = arith.select %gt3A_1283, %select_n3A_1280, %select_n3A_1237 : vector<16xi1>, vector<16xf32>
      %select_n3A_1285 = arith.select %gt3A_1283, %select_n3A_1237, %select_n3A_1280 : vector<16xi1>, vector<16xf32>
      %select_n3A_1286 = arith.select %gt3A_1283, %select_n3A_1282, %select_n3A_1239 : vector<16xi1>, vector<16xi32>
      %select_n3A_1287 = arith.select %gt3A_1283, %select_n3A_1239, %select_n3A_1282 : vector<16xi1>, vector<16xi32>
      %get3A_1288 = arith.constant 31 : i32
      %get3A_1289 = arith.index_cast %get3A_1288 : i32 to index
      %get3A_1290 = arith.index_cast %mul3A_13 : i32 to index
      %get3A_1291 = tpu.vector_load %arg5[%get3A_1289, %get3A_1290] {strides = array<i32>} : memref<64x1024xf32, #tpu.memory_space<vmem>>, vector<16xf32>,
      %mul3A_1292 = arith.constant 31 : i32
      %mul3A_1293 = vector.broadcast %mul3A_1292 : i32 to vector<16xi32>
      %mul3A_1294 = arith.muli %broadcast_in_dim3A_3, %mul3A_1293 : vector<16xi32>
      %gt3A_1295 = arith.cmpf ogt, %get3A_1291, %select_n3A_1249 : vector<16xf32>
      %select_n3A_1296 = arith.select %gt3A_1295, %get3A_1291, %select_n3A_1249 : vector<16xi1>, vector<16xf32>
      %select_n3A_1297 = arith.select %gt3A_1295, %select_n3A_1249, %get3A_1291 : vector<16xi1>, vector<16xf32>
      %select_n3A_1298 = arith.select %gt3A_1295, %mul3A_1294, %select_n3A_1251 : vector<16xi1>, vector<16xi32>
      %select_n3A_1299 = arith.select %gt3A_1295, %select_n3A_1251, %mul3A_1294 : vector<16xi1>, vector<16xi32>
      %gt3A_1300 = arith.cmpf ogt, %select_n3A_1297, %select_n3A_1254 : vector<16xf32>
      %select_n3A_1301 = arith.select %gt3A_1300, %select_n3A_1297, %select_n3A_1254 : vector<16xi1>, vector<16xf32>
      %select_n3A_1302 = arith.select %gt3A_1300, %select_n3A_1254, %select_n3A_1297 : vector<16xi1>, vector<16xf32>
      %select_n3A_1303 = arith.select %gt3A_1300, %select_n3A_1299, %select_n3A_1256 : vector<16xi1>, vector<16xi32>
      %select_n3A_1304 = arith.select %gt3A_1300, %select_n3A_1256, %select_n3A_1299 : vector<16xi1>, vector<16xi32>
      %gt3A_1305 = arith.cmpf ogt, %select_n3A_1302, %select_n3A_1259 : vector<16xf32>
      %select_n3A_1306 = arith.select %gt3A_1305, %select_n3A_1302, %select_n3A_1259 : vector<16xi1>, vector<16xf32>
      %select_n3A_1307 = arith.select %gt3A_1305, %select_n3A_1259, %select_n3A_1302 : vector<16xi1>, vector<16xf32>
      %select_n3A_1308 = arith.select %gt3A_1305, %select_n3A_1304, %select_n3A_1261 : vector<16xi1>, vector<16xi32>
      %select_n3A_1309 = arith.select %gt3A_1305, %select_n3A_1261, %select_n3A_1304 : vector<16xi1>, vector<16xi32>
      %gt3A_1310 = arith.cmpf ogt, %select_n3A_1307, %select_n3A_1264 : vector<16xf32>
      %select_n3A_1311 = arith.select %gt3A_1310, %select_n3A_1307, %select_n3A_1264 : vector<16xi1>, vector<16xf32>
      %select_n3A_1312 = arith.select %gt3A_1310, %select_n3A_1264, %select_n3A_1307 : vector<16xi1>, vector<16xf32>
      %select_n3A_1313 = arith.select %gt3A_1310, %select_n3A_1309, %select_n3A_1266 : vector<16xi1>, vector<16xi32>
      %select_n3A_1314 = arith.select %gt3A_1310, %select_n3A_1266, %select_n3A_1309 : vector<16xi1>, vector<16xi32>
      %gt3A_1315 = arith.cmpf ogt, %select_n3A_1312, %select_n3A_1269 : vector<16xf32>
      %select_n3A_1316 = arith.select %gt3A_1315, %select_n3A_1312, %select_n3A_1269 : vector<16xi1>, vector<16xf32>
      %select_n3A_1317 = arith.select %gt3A_1315, %select_n3A_1269, %select_n3A_1312 : vector<16xi1>, vector<16xf32>
      %select_n3A_1318 = arith.select %gt3A_1315, %select_n3A_1314, %select_n3A_1271 : vector<16xi1>, vector<16xi32>
      %select_n3A_1319 = arith.select %gt3A_1315, %select_n3A_1271, %select_n3A_1314 : vector<16xi1>, vector<16xi32>
      %gt3A_1320 = arith.cmpf ogt, %select_n3A_1317, %select_n3A_1274 : vector<16xf32>
      %select_n3A_1321 = arith.select %gt3A_1320, %select_n3A_1317, %select_n3A_1274 : vector<16xi1>, vector<16xf32>
      %select_n3A_1322 = arith.select %gt3A_1320, %select_n3A_1274, %select_n3A_1317 : vector<16xi1>, vector<16xf32>
      %select_n3A_1323 = arith.select %gt3A_1320, %select_n3A_1319, %select_n3A_1276 : vector<16xi1>, vector<16xi32>
      %select_n3A_1324 = arith.select %gt3A_1320, %select_n3A_1276, %select_n3A_1319 : vector<16xi1>, vector<16xi32>
      %gt3A_1325 = arith.cmpf ogt, %select_n3A_1322, %select_n3A_1279 : vector<16xf32>
      %select_n3A_1326 = arith.select %gt3A_1325, %select_n3A_1322, %select_n3A_1279 : vector<16xi1>, vector<16xf32>
      %select_n3A_1327 = arith.select %gt3A_1325, %select_n3A_1279, %select_n3A_1322 : vector<16xi1>, vector<16xf32>
      %select_n3A_1328 = arith.select %gt3A_1325, %select_n3A_1324, %select_n3A_1281 : vector<16xi1>, vector<16xi32>
      %select_n3A_1329 = arith.select %gt3A_1325, %select_n3A_1281, %select_n3A_1324 : vector<16xi1>, vector<16xi32>
      %gt3A_1330 = arith.cmpf ogt, %select_n3A_1327, %select_n3A_1284 : vector<16xf32>
      %select_n3A_1331 = arith.select %gt3A_1330, %select_n3A_1327, %select_n3A_1284 : vector<16xi1>, vector<16xf32>
      %select_n3A_1332 = arith.select %gt3A_1330, %select_n3A_1284, %select_n3A_1327 : vector<16xi1>, vector<16xf32>
      %select_n3A_1333 = arith.select %gt3A_1330, %select_n3A_1329, %select_n3A_1286 : vector<16xi1>, vector<16xi32>
      %select_n3A_1334 = arith.select %gt3A_1330, %select_n3A_1286, %select_n3A_1329 : vector<16xi1>, vector<16xi32>
      %get3A_1335 = arith.constant 32 : i32
      %get3A_1336 = arith.index_cast %get3A_1335 : i32 to index
      %get3A_1337 = arith.index_cast %mul3A_13 : i32 to index
      %get3A_1338 = tpu.vector_load %arg5[%get3A_1336, %get3A_1337] {strides = array<i32>} : memref<64x1024xf32, #tpu.memory_space<vmem>>, vector<16xf32>,
      %mul3A_1339 = arith.constant 32 : i32
      %mul3A_1340 = vector.broadcast %mul3A_1339 : i32 to vector<16xi32>
      %mul3A_1341 = arith.muli %broadcast_in_dim3A_3, %mul3A_1340 : vector<16xi32>
      %gt3A_1342 = arith.cmpf ogt, %get3A_1338, %select_n3A_1296 : vector<16xf32>
      %select_n3A_1343 = arith.select %gt3A_1342, %get3A_1338, %select_n3A_1296 : vector<16xi1>, vector<16xf32>
      %select_n3A_1344 = arith.select %gt3A_1342, %select_n3A_1296, %get3A_1338 : vector<16xi1>, vector<16xf32>
      %select_n3A_1345 = arith.select %gt3A_1342, %mul3A_1341, %select_n3A_1298 : vector<16xi1>, vector<16xi32>
      %select_n3A_1346 = arith.select %gt3A_1342, %select_n3A_1298, %mul3A_1341 : vector<16xi1>, vector<16xi32>
      %gt3A_1347 = arith.cmpf ogt, %select_n3A_1344, %select_n3A_1301 : vector<16xf32>
      %select_n3A_1348 = arith.select %gt3A_1347, %select_n3A_1344, %select_n3A_1301 : vector<16xi1>, vector<16xf32>
      %select_n3A_1349 = arith.select %gt3A_1347, %select_n3A_1301, %select_n3A_1344 : vector<16xi1>, vector<16xf32>
      %select_n3A_1350 = arith.select %gt3A_1347, %select_n3A_1346, %select_n3A_1303 : vector<16xi1>, vector<16xi32>
      %select_n3A_1351 = arith.select %gt3A_1347, %select_n3A_1303, %select_n3A_1346 : vector<16xi1>, vector<16xi32>
      %gt3A_1352 = arith.cmpf ogt, %select_n3A_1349, %select_n3A_1306 : vector<16xf32>
      %select_n3A_1353 = arith.select %gt3A_1352, %select_n3A_1349, %select_n3A_1306 : vector<16xi1>, vector<16xf32>
      %select_n3A_1354 = arith.select %gt3A_1352, %select_n3A_1306, %select_n3A_1349 : vector<16xi1>, vector<16xf32>
      %select_n3A_1355 = arith.select %gt3A_1352, %select_n3A_1351, %select_n3A_1308 : vector<16xi1>, vector<16xi32>
      %select_n3A_1356 = arith.select %gt3A_1352, %select_n3A_1308, %select_n3A_1351 : vector<16xi1>, vector<16xi32>
      %gt3A_1357 = arith.cmpf ogt, %select_n3A_1354, %select_n3A_1311 : vector<16xf32>
      %select_n3A_1358 = arith.select %gt3A_1357, %select_n3A_1354, %select_n3A_1311 : vector<16xi1>, vector<16xf32>
      %select_n3A_1359 = arith.select %gt3A_1357, %select_n3A_1311, %select_n3A_1354 : vector<16xi1>, vector<16xf32>
      %select_n3A_1360 = arith.select %gt3A_1357, %select_n3A_1356, %select_n3A_1313 : vector<16xi1>, vector<16xi32>
      %select_n3A_1361 = arith.select %gt3A_1357, %select_n3A_1313, %select_n3A_1356 : vector<16xi1>, vector<16xi32>
      %gt3A_1362 = arith.cmpf ogt, %select_n3A_1359, %select_n3A_1316 : vector<16xf32>
      %select_n3A_1363 = arith.select %gt3A_1362, %select_n3A_1359, %select_n3A_1316 : vector<16xi1>, vector<16xf32>
      %select_n3A_1364 = arith.select %gt3A_1362, %select_n3A_1316, %select_n3A_1359 : vector<16xi1>, vector<16xf32>
      %select_n3A_1365 = arith.select %gt3A_1362, %select_n3A_1361, %select_n3A_1318 : vector<16xi1>, vector<16xi32>
      %select_n3A_1366 = arith.select %gt3A_1362, %select_n3A_1318, %select_n3A_1361 : vector<16xi1>, vector<16xi32>
      %gt3A_1367 = arith.cmpf ogt, %select_n3A_1364, %select_n3A_1321 : vector<16xf32>
      %select_n3A_1368 = arith.select %gt3A_1367, %select_n3A_1364, %select_n3A_1321 : vector<16xi1>, vector<16xf32>
      %select_n3A_1369 = arith.select %gt3A_1367, %select_n3A_1321, %select_n3A_1364 : vector<16xi1>, vector<16xf32>
      %select_n3A_1370 = arith.select %gt3A_1367, %select_n3A_1366, %select_n3A_1323 : vector<16xi1>, vector<16xi32>
      %select_n3A_1371 = arith.select %gt3A_1367, %select_n3A_1323, %select_n3A_1366 : vector<16xi1>, vector<16xi32>
      %gt3A_1372 = arith.cmpf ogt, %select_n3A_1369, %select_n3A_1326 : vector<16xf32>
      %select_n3A_1373 = arith.select %gt3A_1372, %select_n3A_1369, %select_n3A_1326 : vector<16xi1>, vector<16xf32>
      %select_n3A_1374 = arith.select %gt3A_1372, %select_n3A_1326, %select_n3A_1369 : vector<16xi1>, vector<16xf32>
      %select_n3A_1375 = arith.select %gt3A_1372, %select_n3A_1371, %select_n3A_1328 : vector<16xi1>, vector<16xi32>
      %select_n3A_1376 = arith.select %gt3A_1372, %select_n3A_1328, %select_n3A_1371 : vector<16xi1>, vector<16xi32>
      %gt3A_1377 = arith.cmpf ogt, %select_n3A_1374, %select_n3A_1331 : vector<16xf32>
      %select_n3A_1378 = arith.select %gt3A_1377, %select_n3A_1374, %select_n3A_1331 : vector<16xi1>, vector<16xf32>
      %select_n3A_1379 = arith.select %gt3A_1377, %select_n3A_1331, %select_n3A_1374 : vector<16xi1>, vector<16xf32>
      %select_n3A_1380 = arith.select %gt3A_1377, %select_n3A_1376, %select_n3A_1333 : vector<16xi1>, vector<16xi32>
      %select_n3A_1381 = arith.select %gt3A_1377, %select_n3A_1333, %select_n3A_1376 : vector<16xi1>, vector<16xi32>
      %get3A_1382 = arith.constant 33 : i32
      %get3A_1383 = arith.index_cast %get3A_1382 : i32 to index
      %get3A_1384 = arith.index_cast %mul3A_13 : i32 to index
      %get3A_1385 = tpu.vector_load %arg5[%get3A_1383, %get3A_1384] {strides = array<i32>} : memref<64x1024xf32, #tpu.memory_space<vmem>>, vector<16xf32>,
      %mul3A_1386 = arith.constant 33 : i32
      %mul3A_1387 = vector.broadcast %mul3A_1386 : i32 to vector<16xi32>
      %mul3A_1388 = arith.muli %broadcast_in_dim3A_3, %mul3A_1387 : vector<16xi32>
      %gt3A_1389 = arith.cmpf ogt, %get3A_1385, %select_n3A_1343 : vector<16xf32>
      %select_n3A_1390 = arith.select %gt3A_1389, %get3A_1385, %select_n3A_1343 : vector<16xi1>, vector<16xf32>
      %select_n3A_1391 = arith.select %gt3A_1389, %select_n3A_1343, %get3A_1385 : vector<16xi1>, vector<16xf32>
      %select_n3A_1392 = arith.select %gt3A_1389, %mul3A_1388, %select_n3A_1345 : vector<16xi1>, vector<16xi32>
      %select_n3A_1393 = arith.select %gt3A_1389, %select_n3A_1345, %mul3A_1388 : vector<16xi1>, vector<16xi32>
      %gt3A_1394 = arith.cmpf ogt, %select_n3A_1391, %select_n3A_1348 : vector<16xf32>
      %select_n3A_1395 = arith.select %gt3A_1394, %select_n3A_1391, %select_n3A_1348 : vector<16xi1>, vector<16xf32>
      %select_n3A_1396 = arith.select %gt3A_1394, %select_n3A_1348, %select_n3A_1391 : vector<16xi1>, vector<16xf32>
      %select_n3A_1397 = arith.select %gt3A_1394, %select_n3A_1393, %select_n3A_1350 : vector<16xi1>, vector<16xi32>
      %select_n3A_1398 = arith.select %gt3A_1394, %select_n3A_1350, %select_n3A_1393 : vector<16xi1>, vector<16xi32>
      %gt3A_1399 = arith.cmpf ogt, %select_n3A_1396, %select_n3A_1353 : vector<16xf32>
      %select_n3A_1400 = arith.select %gt3A_1399, %select_n3A_1396, %select_n3A_1353 : vector<16xi1>, vector<16xf32>
      %select_n3A_1401 = arith.select %gt3A_1399, %select_n3A_1353, %select_n3A_1396 : vector<16xi1>, vector<16xf32>
      %select_n3A_1402 = arith.select %gt3A_1399, %select_n3A_1398, %select_n3A_1355 : vector<16xi1>, vector<16xi32>
      %select_n3A_1403 = arith.select %gt3A_1399, %select_n3A_1355, %select_n3A_1398 : vector<16xi1>, vector<16xi32>
      %gt3A_1404 = arith.cmpf ogt, %select_n3A_1401, %select_n3A_1358 : vector<16xf32>
      %select_n3A_1405 = arith.select %gt3A_1404, %select_n3A_1401, %select_n3A_1358 : vector<16xi1>, vector<16xf32>
      %select_n3A_1406 = arith.select %gt3A_1404, %select_n3A_1358, %select_n3A_1401 : vector<16xi1>, vector<16xf32>
      %select_n3A_1407 = arith.select %gt3A_1404, %select_n3A_1403, %select_n3A_1360 : vector<16xi1>, vector<16xi32>
      %select_n3A_1408 = arith.select %gt3A_1404, %select_n3A_1360, %select_n3A_1403 : vector<16xi1>, vector<16xi32>
      %gt3A_1409 = arith.cmpf ogt, %select_n3A_1406, %select_n3A_1363 : vector<16xf32>
      %select_n3A_1410 = arith.select %gt3A_1409, %select_n3A_1406, %select_n3A_1363 : vector<16xi1>, vector<16xf32>
      %select_n3A_1411 = arith.select %gt3A_1409, %select_n3A_1363, %select_n3A_1406 : vector<16xi1>, vector<16xf32>
      %select_n3A_1412 = arith.select %gt3A_1409, %select_n3A_1408, %select_n3A_1365 : vector<16xi1>, vector<16xi32>
      %select_n3A_1413 = arith.select %gt3A_1409, %select_n3A_1365, %select_n3A_1408 : vector<16xi1>, vector<16xi32>
      %gt3A_1414 = arith.cmpf ogt, %select_n3A_1411, %select_n3A_1368 : vector<16xf32>
      %select_n3A_1415 = arith.select %gt3A_1414, %select_n3A_1411, %select_n3A_1368 : vector<16xi1>, vector<16xf32>
      %select_n3A_1416 = arith.select %gt3A_1414, %select_n3A_1368, %select_n3A_1411 : vector<16xi1>, vector<16xf32>
      %select_n3A_1417 = arith.select %gt3A_1414, %select_n3A_1413, %select_n3A_1370 : vector<16xi1>, vector<16xi32>
      %select_n3A_1418 = arith.select %gt3A_1414, %select_n3A_1370, %select_n3A_1413 : vector<16xi1>, vector<16xi32>
      %gt3A_1419 = arith.cmpf ogt, %select_n3A_1416, %select_n3A_1373 : vector<16xf32>
      %select_n3A_1420 = arith.select %gt3A_1419, %select_n3A_1416, %select_n3A_1373 : vector<16xi1>, vector<16xf32>
      %select_n3A_1421 = arith.select %gt3A_1419, %select_n3A_1373, %select_n3A_1416 : vector<16xi1>, vector<16xf32>
      %select_n3A_1422 = arith.select %gt3A_1419, %select_n3A_1418, %select_n3A_1375 : vector<16xi1>, vector<16xi32>
      %select_n3A_1423 = arith.select %gt3A_1419, %select_n3A_1375, %select_n3A_1418 : vector<16xi1>, vector<16xi32>
      %gt3A_1424 = arith.cmpf ogt, %select_n3A_1421, %select_n3A_1378 : vector<16xf32>
      %select_n3A_1425 = arith.select %gt3A_1424, %select_n3A_1421, %select_n3A_1378 : vector<16xi1>, vector<16xf32>
      %select_n3A_1426 = arith.select %gt3A_1424, %select_n3A_1378, %select_n3A_1421 : vector<16xi1>, vector<16xf32>
      %select_n3A_1427 = arith.select %gt3A_1424, %select_n3A_1423, %select_n3A_1380 : vector<16xi1>, vector<16xi32>
      %select_n3A_1428 = arith.select %gt3A_1424, %select_n3A_1380, %select_n3A_1423 : vector<16xi1>, vector<16xi32>
      %get3A_1429 = arith.constant 34 : i32
      %get3A_1430 = arith.index_cast %get3A_1429 : i32 to index
      %get3A_1431 = arith.index_cast %mul3A_13 : i32 to index
      %get3A_1432 = tpu.vector_load %arg5[%get3A_1430, %get3A_1431] {strides = array<i32>} : memref<64x1024xf32, #tpu.memory_space<vmem>>, vector<16xf32>,
      %mul3A_1433 = arith.constant 34 : i32
      %mul3A_1434 = vector.broadcast %mul3A_1433 : i32 to vector<16xi32>
      %mul3A_1435 = arith.muli %broadcast_in_dim3A_3, %mul3A_1434 : vector<16xi32>
      %gt3A_1436 = arith.cmpf ogt, %get3A_1432, %select_n3A_1390 : vector<16xf32>
      %select_n3A_1437 = arith.select %gt3A_1436, %get3A_1432, %select_n3A_1390 : vector<16xi1>, vector<16xf32>
      %select_n3A_1438 = arith.select %gt3A_1436, %select_n3A_1390, %get3A_1432 : vector<16xi1>, vector<16xf32>
      %select_n3A_1439 = arith.select %gt3A_1436, %mul3A_1435, %select_n3A_1392 : vector<16xi1>, vector<16xi32>
      %select_n3A_1440 = arith.select %gt3A_1436, %select_n3A_1392, %mul3A_1435 : vector<16xi1>, vector<16xi32>
      %gt3A_1441 = arith.cmpf ogt, %select_n3A_1438, %select_n3A_1395 : vector<16xf32>
      %select_n3A_1442 = arith.select %gt3A_1441, %select_n3A_1438, %select_n3A_1395 : vector<16xi1>, vector<16xf32>
      %select_n3A_1443 = arith.select %gt3A_1441, %select_n3A_1395, %select_n3A_1438 : vector<16xi1>, vector<16xf32>
      %select_n3A_1444 = arith.select %gt3A_1441, %select_n3A_1440, %select_n3A_1397 : vector<16xi1>, vector<16xi32>
      %select_n3A_1445 = arith.select %gt3A_1441, %select_n3A_1397, %select_n3A_1440 : vector<16xi1>, vector<16xi32>
      %gt3A_1446 = arith.cmpf ogt, %select_n3A_1443, %select_n3A_1400 : vector<16xf32>
      %select_n3A_1447 = arith.select %gt3A_1446, %select_n3A_1443, %select_n3A_1400 : vector<16xi1>, vector<16xf32>
      %select_n3A_1448 = arith.select %gt3A_1446, %select_n3A_1400, %select_n3A_1443 : vector<16xi1>, vector<16xf32>
      %select_n3A_1449 = arith.select %gt3A_1446, %select_n3A_1445, %select_n3A_1402 : vector<16xi1>, vector<16xi32>
      %select_n3A_1450 = arith.select %gt3A_1446, %select_n3A_1402, %select_n3A_1445 : vector<16xi1>, vector<16xi32>
      %gt3A_1451 = arith.cmpf ogt, %select_n3A_1448, %select_n3A_1405 : vector<16xf32>
      %select_n3A_1452 = arith.select %gt3A_1451, %select_n3A_1448, %select_n3A_1405 : vector<16xi1>, vector<16xf32>
      %select_n3A_1453 = arith.select %gt3A_1451, %select_n3A_1405, %select_n3A_1448 : vector<16xi1>, vector<16xf32>
      %select_n3A_1454 = arith.select %gt3A_1451, %select_n3A_1450, %select_n3A_1407 : vector<16xi1>, vector<16xi32>
      %select_n3A_1455 = arith.select %gt3A_1451, %select_n3A_1407, %select_n3A_1450 : vector<16xi1>, vector<16xi32>
      %gt3A_1456 = arith.cmpf ogt, %select_n3A_1453, %select_n3A_1410 : vector<16xf32>
      %select_n3A_1457 = arith.select %gt3A_1456, %select_n3A_1453, %select_n3A_1410 : vector<16xi1>, vector<16xf32>
      %select_n3A_1458 = arith.select %gt3A_1456, %select_n3A_1410, %select_n3A_1453 : vector<16xi1>, vector<16xf32>
      %select_n3A_1459 = arith.select %gt3A_1456, %select_n3A_1455, %select_n3A_1412 : vector<16xi1>, vector<16xi32>
      %select_n3A_1460 = arith.select %gt3A_1456, %select_n3A_1412, %select_n3A_1455 : vector<16xi1>, vector<16xi32>
      %gt3A_1461 = arith.cmpf ogt, %select_n3A_1458, %select_n3A_1415 : vector<16xf32>
      %select_n3A_1462 = arith.select %gt3A_1461, %select_n3A_1458, %select_n3A_1415 : vector<16xi1>, vector<16xf32>
      %select_n3A_1463 = arith.select %gt3A_1461, %select_n3A_1415, %select_n3A_1458 : vector<16xi1>, vector<16xf32>
      %select_n3A_1464 = arith.select %gt3A_1461, %select_n3A_1460, %select_n3A_1417 : vector<16xi1>, vector<16xi32>
      %select_n3A_1465 = arith.select %gt3A_1461, %select_n3A_1417, %select_n3A_1460 : vector<16xi1>, vector<16xi32>
      %gt3A_1466 = arith.cmpf ogt, %select_n3A_1463, %select_n3A_1420 : vector<16xf32>
      %select_n3A_1467 = arith.select %gt3A_1466, %select_n3A_1463, %select_n3A_1420 : vector<16xi1>, vector<16xf32>
      %select_n3A_1468 = arith.select %gt3A_1466, %select_n3A_1420, %select_n3A_1463 : vector<16xi1>, vector<16xf32>
      %select_n3A_1469 = arith.select %gt3A_1466, %select_n3A_1465, %select_n3A_1422 : vector<16xi1>, vector<16xi32>
      %select_n3A_1470 = arith.select %gt3A_1466, %select_n3A_1422, %select_n3A_1465 : vector<16xi1>, vector<16xi32>
      %gt3A_1471 = arith.cmpf ogt, %select_n3A_1468, %select_n3A_1425 : vector<16xf32>
      %select_n3A_1472 = arith.select %gt3A_1471, %select_n3A_1468, %select_n3A_1425 : vector<16xi1>, vector<16xf32>
      %select_n3A_1473 = arith.select %gt3A_1471, %select_n3A_1425, %select_n3A_1468 : vector<16xi1>, vector<16xf32>
      %select_n3A_1474 = arith.select %gt3A_1471, %select_n3A_1470, %select_n3A_1427 : vector<16xi1>, vector<16xi32>
      %select_n3A_1475 = arith.select %gt3A_1471, %select_n3A_1427, %select_n3A_1470 : vector<16xi1>, vector<16xi32>
      %get3A_1476 = arith.constant 35 : i32
      %get3A_1477 = arith.index_cast %get3A_1476 : i32 to index
      %get3A_1478 = arith.index_cast %mul3A_13 : i32 to index
      %get3A_1479 = tpu.vector_load %arg5[%get3A_1477, %get3A_1478] {strides = array<i32>} : memref<64x1024xf32, #tpu.memory_space<vmem>>, vector<16xf32>,
      %mul3A_1480 = arith.constant 35 : i32
      %mul3A_1481 = vector.broadcast %mul3A_1480 : i32 to vector<16xi32>
      %mul3A_1482 = arith.muli %broadcast_in_dim3A_3, %mul3A_1481 : vector<16xi32>
      %gt3A_1483 = arith.cmpf ogt, %get3A_1479, %select_n3A_1437 : vector<16xf32>
      %select_n3A_1484 = arith.select %gt3A_1483, %get3A_1479, %select_n3A_1437 : vector<16xi1>, vector<16xf32>
      %select_n3A_1485 = arith.select %gt3A_1483, %select_n3A_1437, %get3A_1479 : vector<16xi1>, vector<16xf32>
      %select_n3A_1486 = arith.select %gt3A_1483, %mul3A_1482, %select_n3A_1439 : vector<16xi1>, vector<16xi32>
      %select_n3A_1487 = arith.select %gt3A_1483, %select_n3A_1439, %mul3A_1482 : vector<16xi1>, vector<16xi32>
      %gt3A_1488 = arith.cmpf ogt, %select_n3A_1485, %select_n3A_1442 : vector<16xf32>
      %select_n3A_1489 = arith.select %gt3A_1488, %select_n3A_1485, %select_n3A_1442 : vector<16xi1>, vector<16xf32>
      %select_n3A_1490 = arith.select %gt3A_1488, %select_n3A_1442, %select_n3A_1485 : vector<16xi1>, vector<16xf32>
      %select_n3A_1491 = arith.select %gt3A_1488, %select_n3A_1487, %select_n3A_1444 : vector<16xi1>, vector<16xi32>
      %select_n3A_1492 = arith.select %gt3A_1488, %select_n3A_1444, %select_n3A_1487 : vector<16xi1>, vector<16xi32>
      %gt3A_1493 = arith.cmpf ogt, %select_n3A_1490, %select_n3A_1447 : vector<16xf32>
      %select_n3A_1494 = arith.select %gt3A_1493, %select_n3A_1490, %select_n3A_1447 : vector<16xi1>, vector<16xf32>
      %select_n3A_1495 = arith.select %gt3A_1493, %select_n3A_1447, %select_n3A_1490 : vector<16xi1>, vector<16xf32>
      %select_n3A_1496 = arith.select %gt3A_1493, %select_n3A_1492, %select_n3A_1449 : vector<16xi1>, vector<16xi32>
      %select_n3A_1497 = arith.select %gt3A_1493, %select_n3A_1449, %select_n3A_1492 : vector<16xi1>, vector<16xi32>
      %gt3A_1498 = arith.cmpf ogt, %select_n3A_1495, %select_n3A_1452 : vector<16xf32>
      %select_n3A_1499 = arith.select %gt3A_1498, %select_n3A_1495, %select_n3A_1452 : vector<16xi1>, vector<16xf32>
      %select_n3A_1500 = arith.select %gt3A_1498, %select_n3A_1452, %select_n3A_1495 : vector<16xi1>, vector<16xf32>
      %select_n3A_1501 = arith.select %gt3A_1498, %select_n3A_1497, %select_n3A_1454 : vector<16xi1>, vector<16xi32>
      %select_n3A_1502 = arith.select %gt3A_1498, %select_n3A_1454, %select_n3A_1497 : vector<16xi1>, vector<16xi32>
      %gt3A_1503 = arith.cmpf ogt, %select_n3A_1500, %select_n3A_1457 : vector<16xf32>
      %select_n3A_1504 = arith.select %gt3A_1503, %select_n3A_1500, %select_n3A_1457 : vector<16xi1>, vector<16xf32>
      %select_n3A_1505 = arith.select %gt3A_1503, %select_n3A_1457, %select_n3A_1500 : vector<16xi1>, vector<16xf32>
      %select_n3A_1506 = arith.select %gt3A_1503, %select_n3A_1502, %select_n3A_1459 : vector<16xi1>, vector<16xi32>
      %select_n3A_1507 = arith.select %gt3A_1503, %select_n3A_1459, %select_n3A_1502 : vector<16xi1>, vector<16xi32>
      %gt3A_1508 = arith.cmpf ogt, %select_n3A_1505, %select_n3A_1462 : vector<16xf32>
      %select_n3A_1509 = arith.select %gt3A_1508, %select_n3A_1505, %select_n3A_1462 : vector<16xi1>, vector<16xf32>
      %select_n3A_1510 = arith.select %gt3A_1508, %select_n3A_1462, %select_n3A_1505 : vector<16xi1>, vector<16xf32>
      %select_n3A_1511 = arith.select %gt3A_1508, %select_n3A_1507, %select_n3A_1464 : vector<16xi1>, vector<16xi32>
      %select_n3A_1512 = arith.select %gt3A_1508, %select_n3A_1464, %select_n3A_1507 : vector<16xi1>, vector<16xi32>
      %gt3A_1513 = arith.cmpf ogt, %select_n3A_1510, %select_n3A_1467 : vector<16xf32>
      %select_n3A_1514 = arith.select %gt3A_1513, %select_n3A_1510, %select_n3A_1467 : vector<16xi1>, vector<16xf32>
      %select_n3A_1515 = arith.select %gt3A_1513, %select_n3A_1467, %select_n3A_1510 : vector<16xi1>, vector<16xf32>
      %select_n3A_1516 = arith.select %gt3A_1513, %select_n3A_1512, %select_n3A_1469 : vector<16xi1>, vector<16xi32>
      %select_n3A_1517 = arith.select %gt3A_1513, %select_n3A_1469, %select_n3A_1512 : vector<16xi1>, vector<16xi32>
      %gt3A_1518 = arith.cmpf ogt, %select_n3A_1515, %select_n3A_1472 : vector<16xf32>
      %select_n3A_1519 = arith.select %gt3A_1518, %select_n3A_1515, %select_n3A_1472 : vector<16xi1>, vector<16xf32>
      %select_n3A_1520 = arith.select %gt3A_1518, %select_n3A_1472, %select_n3A_1515 : vector<16xi1>, vector<16xf32>
      %select_n3A_1521 = arith.select %gt3A_1518, %select_n3A_1517, %select_n3A_1474 : vector<16xi1>, vector<16xi32>
      %select_n3A_1522 = arith.select %gt3A_1518, %select_n3A_1474, %select_n3A_1517 : vector<16xi1>, vector<16xi32>
      %get3A_1523 = arith.constant 36 : i32
      %get3A_1524 = arith.index_cast %get3A_1523 : i32 to index
      %get3A_1525 = arith.index_cast %mul3A_13 : i32 to index
      %get3A_1526 = tpu.vector_load %arg5[%get3A_1524, %get3A_1525] {strides = array<i32>} : memref<64x1024xf32, #tpu.memory_space<vmem>>, vector<16xf32>,
      %mul3A_1527 = arith.constant 36 : i32
      %mul3A_1528 = vector.broadcast %mul3A_1527 : i32 to vector<16xi32>
      %mul3A_1529 = arith.muli %broadcast_in_dim3A_3, %mul3A_1528 : vector<16xi32>
      %gt3A_1530 = arith.cmpf ogt, %get3A_1526, %select_n3A_1484 : vector<16xf32>
      %select_n3A_1531 = arith.select %gt3A_1530, %get3A_1526, %select_n3A_1484 : vector<16xi1>, vector<16xf32>
      %select_n3A_1532 = arith.select %gt3A_1530, %select_n3A_1484, %get3A_1526 : vector<16xi1>, vector<16xf32>
      %select_n3A_1533 = arith.select %gt3A_1530, %mul3A_1529, %select_n3A_1486 : vector<16xi1>, vector<16xi32>
      %select_n3A_1534 = arith.select %gt3A_1530, %select_n3A_1486, %mul3A_1529 : vector<16xi1>, vector<16xi32>
      %gt3A_1535 = arith.cmpf ogt, %select_n3A_1532, %select_n3A_1489 : vector<16xf32>
      %select_n3A_1536 = arith.select %gt3A_1535, %select_n3A_1532, %select_n3A_1489 : vector<16xi1>, vector<16xf32>
      %select_n3A_1537 = arith.select %gt3A_1535, %select_n3A_1489, %select_n3A_1532 : vector<16xi1>, vector<16xf32>
      %select_n3A_1538 = arith.select %gt3A_1535, %select_n3A_1534, %select_n3A_1491 : vector<16xi1>, vector<16xi32>
      %select_n3A_1539 = arith.select %gt3A_1535, %select_n3A_1491, %select_n3A_1534 : vector<16xi1>, vector<16xi32>
      %gt3A_1540 = arith.cmpf ogt, %select_n3A_1537, %select_n3A_1494 : vector<16xf32>
      %select_n3A_1541 = arith.select %gt3A_1540, %select_n3A_1537, %select_n3A_1494 : vector<16xi1>, vector<16xf32>
      %select_n3A_1542 = arith.select %gt3A_1540, %select_n3A_1494, %select_n3A_1537 : vector<16xi1>, vector<16xf32>
      %select_n3A_1543 = arith.select %gt3A_1540, %select_n3A_1539, %select_n3A_1496 : vector<16xi1>, vector<16xi32>
      %select_n3A_1544 = arith.select %gt3A_1540, %select_n3A_1496, %select_n3A_1539 : vector<16xi1>, vector<16xi32>
      %gt3A_1545 = arith.cmpf ogt, %select_n3A_1542, %select_n3A_1499 : vector<16xf32>
      %select_n3A_1546 = arith.select %gt3A_1545, %select_n3A_1542, %select_n3A_1499 : vector<16xi1>, vector<16xf32>
      %select_n3A_1547 = arith.select %gt3A_1545, %select_n3A_1499, %select_n3A_1542 : vector<16xi1>, vector<16xf32>
      %select_n3A_1548 = arith.select %gt3A_1545, %select_n3A_1544, %select_n3A_1501 : vector<16xi1>, vector<16xi32>
      %select_n3A_1549 = arith.select %gt3A_1545, %select_n3A_1501, %select_n3A_1544 : vector<16xi1>, vector<16xi32>
      %gt3A_1550 = arith.cmpf ogt, %select_n3A_1547, %select_n3A_1504 : vector<16xf32>
      %select_n3A_1551 = arith.select %gt3A_1550, %select_n3A_1547, %select_n3A_1504 : vector<16xi1>, vector<16xf32>
      %select_n3A_1552 = arith.select %gt3A_1550, %select_n3A_1504, %select_n3A_1547 : vector<16xi1>, vector<16xf32>
      %select_n3A_1553 = arith.select %gt3A_1550, %select_n3A_1549, %select_n3A_1506 : vector<16xi1>, vector<16xi32>
      %select_n3A_1554 = arith.select %gt3A_1550, %select_n3A_1506, %select_n3A_1549 : vector<16xi1>, vector<16xi32>
      %gt3A_1555 = arith.cmpf ogt, %select_n3A_1552, %select_n3A_1509 : vector<16xf32>
      %select_n3A_1556 = arith.select %gt3A_1555, %select_n3A_1552, %select_n3A_1509 : vector<16xi1>, vector<16xf32>
      %select_n3A_1557 = arith.select %gt3A_1555, %select_n3A_1509, %select_n3A_1552 : vector<16xi1>, vector<16xf32>
      %select_n3A_1558 = arith.select %gt3A_1555, %select_n3A_1554, %select_n3A_1511 : vector<16xi1>, vector<16xi32>
      %select_n3A_1559 = arith.select %gt3A_1555, %select_n3A_1511, %select_n3A_1554 : vector<16xi1>, vector<16xi32>
      %gt3A_1560 = arith.cmpf ogt, %select_n3A_1557, %select_n3A_1514 : vector<16xf32>
      %select_n3A_1561 = arith.select %gt3A_1560, %select_n3A_1557, %select_n3A_1514 : vector<16xi1>, vector<16xf32>
      %select_n3A_1562 = arith.select %gt3A_1560, %select_n3A_1514, %select_n3A_1557 : vector<16xi1>, vector<16xf32>
      %select_n3A_1563 = arith.select %gt3A_1560, %select_n3A_1559, %select_n3A_1516 : vector<16xi1>, vector<16xi32>
      %select_n3A_1564 = arith.select %gt3A_1560, %select_n3A_1516, %select_n3A_1559 : vector<16xi1>, vector<16xi32>
      %gt3A_1565 = arith.cmpf ogt, %select_n3A_1562, %select_n3A_1519 : vector<16xf32>
      %select_n3A_1566 = arith.select %gt3A_1565, %select_n3A_1562, %select_n3A_1519 : vector<16xi1>, vector<16xf32>
      %select_n3A_1567 = arith.select %gt3A_1565, %select_n3A_1519, %select_n3A_1562 : vector<16xi1>, vector<16xf32>
      %select_n3A_1568 = arith.select %gt3A_1565, %select_n3A_1564, %select_n3A_1521 : vector<16xi1>, vector<16xi32>
      %select_n3A_1569 = arith.select %gt3A_1565, %select_n3A_1521, %select_n3A_1564 : vector<16xi1>, vector<16xi32>
      %get3A_1570 = arith.constant 37 : i32
      %get3A_1571 = arith.index_cast %get3A_1570 : i32 to index
      %get3A_1572 = arith.index_cast %mul3A_13 : i32 to index
      %get3A_1573 = tpu.vector_load %arg5[%get3A_1571, %get3A_1572] {strides = array<i32>} : memref<64x1024xf32, #tpu.memory_space<vmem>>, vector<16xf32>,
      %mul3A_1574 = arith.constant 37 : i32
      %mul3A_1575 = vector.broadcast %mul3A_1574 : i32 to vector<16xi32>
      %mul3A_1576 = arith.muli %broadcast_in_dim3A_3, %mul3A_1575 : vector<16xi32>
      %gt3A_1577 = arith.cmpf ogt, %get3A_1573, %select_n3A_1531 : vector<16xf32>
      %select_n3A_1578 = arith.select %gt3A_1577, %get3A_1573, %select_n3A_1531 : vector<16xi1>, vector<16xf32>
      %select_n3A_1579 = arith.select %gt3A_1577, %select_n3A_1531, %get3A_1573 : vector<16xi1>, vector<16xf32>
      %select_n3A_1580 = arith.select %gt3A_1577, %mul3A_1576, %select_n3A_1533 : vector<16xi1>, vector<16xi32>
      %select_n3A_1581 = arith.select %gt3A_1577, %select_n3A_1533, %mul3A_1576 : vector<16xi1>, vector<16xi32>
      %gt3A_1582 = arith.cmpf ogt, %select_n3A_1579, %select_n3A_1536 : vector<16xf32>
      %select_n3A_1583 = arith.select %gt3A_1582, %select_n3A_1579, %select_n3A_1536 : vector<16xi1>, vector<16xf32>
      %select_n3A_1584 = arith.select %gt3A_1582, %select_n3A_1536, %select_n3A_1579 : vector<16xi1>, vector<16xf32>
      %select_n3A_1585 = arith.select %gt3A_1582, %select_n3A_1581, %select_n3A_1538 : vector<16xi1>, vector<16xi32>
      %select_n3A_1586 = arith.select %gt3A_1582, %select_n3A_1538, %select_n3A_1581 : vector<16xi1>, vector<16xi32>
      %gt3A_1587 = arith.cmpf ogt, %select_n3A_1584, %select_n3A_1541 : vector<16xf32>
      %select_n3A_1588 = arith.select %gt3A_1587, %select_n3A_1584, %select_n3A_1541 : vector<16xi1>, vector<16xf32>
      %select_n3A_1589 = arith.select %gt3A_1587, %select_n3A_1541, %select_n3A_1584 : vector<16xi1>, vector<16xf32>
      %select_n3A_1590 = arith.select %gt3A_1587, %select_n3A_1586, %select_n3A_1543 : vector<16xi1>, vector<16xi32>
      %select_n3A_1591 = arith.select %gt3A_1587, %select_n3A_1543, %select_n3A_1586 : vector<16xi1>, vector<16xi32>
      %gt3A_1592 = arith.cmpf ogt, %select_n3A_1589, %select_n3A_1546 : vector<16xf32>
      %select_n3A_1593 = arith.select %gt3A_1592, %select_n3A_1589, %select_n3A_1546 : vector<16xi1>, vector<16xf32>
      %select_n3A_1594 = arith.select %gt3A_1592, %select_n3A_1546, %select_n3A_1589 : vector<16xi1>, vector<16xf32>
      %select_n3A_1595 = arith.select %gt3A_1592, %select_n3A_1591, %select_n3A_1548 : vector<16xi1>, vector<16xi32>
      %select_n3A_1596 = arith.select %gt3A_1592, %select_n3A_1548, %select_n3A_1591 : vector<16xi1>, vector<16xi32>
      %gt3A_1597 = arith.cmpf ogt, %select_n3A_1594, %select_n3A_1551 : vector<16xf32>
      %select_n3A_1598 = arith.select %gt3A_1597, %select_n3A_1594, %select_n3A_1551 : vector<16xi1>, vector<16xf32>
      %select_n3A_1599 = arith.select %gt3A_1597, %select_n3A_1551, %select_n3A_1594 : vector<16xi1>, vector<16xf32>
      %select_n3A_1600 = arith.select %gt3A_1597, %select_n3A_1596, %select_n3A_1553 : vector<16xi1>, vector<16xi32>
      %select_n3A_1601 = arith.select %gt3A_1597, %select_n3A_1553, %select_n3A_1596 : vector<16xi1>, vector<16xi32>
      %gt3A_1602 = arith.cmpf ogt, %select_n3A_1599, %select_n3A_1556 : vector<16xf32>
      %select_n3A_1603 = arith.select %gt3A_1602, %select_n3A_1599, %select_n3A_1556 : vector<16xi1>, vector<16xf32>
      %select_n3A_1604 = arith.select %gt3A_1602, %select_n3A_1556, %select_n3A_1599 : vector<16xi1>, vector<16xf32>
      %select_n3A_1605 = arith.select %gt3A_1602, %select_n3A_1601, %select_n3A_1558 : vector<16xi1>, vector<16xi32>
      %select_n3A_1606 = arith.select %gt3A_1602, %select_n3A_1558, %select_n3A_1601 : vector<16xi1>, vector<16xi32>
      %gt3A_1607 = arith.cmpf ogt, %select_n3A_1604, %select_n3A_1561 : vector<16xf32>
      %select_n3A_1608 = arith.select %gt3A_1607, %select_n3A_1604, %select_n3A_1561 : vector<16xi1>, vector<16xf32>
      %select_n3A_1609 = arith.select %gt3A_1607, %select_n3A_1561, %select_n3A_1604 : vector<16xi1>, vector<16xf32>
      %select_n3A_1610 = arith.select %gt3A_1607, %select_n3A_1606, %select_n3A_1563 : vector<16xi1>, vector<16xi32>
      %select_n3A_1611 = arith.select %gt3A_1607, %select_n3A_1563, %select_n3A_1606 : vector<16xi1>, vector<16xi32>
      %gt3A_1612 = arith.cmpf ogt, %select_n3A_1609, %select_n3A_1566 : vector<16xf32>
      %select_n3A_1613 = arith.select %gt3A_1612, %select_n3A_1609, %select_n3A_1566 : vector<16xi1>, vector<16xf32>
      %select_n3A_1614 = arith.select %gt3A_1612, %select_n3A_1566, %select_n3A_1609 : vector<16xi1>, vector<16xf32>
      %select_n3A_1615 = arith.select %gt3A_1612, %select_n3A_1611, %select_n3A_1568 : vector<16xi1>, vector<16xi32>
      %select_n3A_1616 = arith.select %gt3A_1612, %select_n3A_1568, %select_n3A_1611 : vector<16xi1>, vector<16xi32>
      %get3A_1617 = arith.constant 38 : i32
      %get3A_1618 = arith.index_cast %get3A_1617 : i32 to index
      %get3A_1619 = arith.index_cast %mul3A_13 : i32 to index
      %get3A_1620 = tpu.vector_load %arg5[%get3A_1618, %get3A_1619] {strides = array<i32>} : memref<64x1024xf32, #tpu.memory_space<vmem>>, vector<16xf32>,
      %mul3A_1621 = arith.constant 38 : i32
      %mul3A_1622 = vector.broadcast %mul3A_1621 : i32 to vector<16xi32>
      %mul3A_1623 = arith.muli %broadcast_in_dim3A_3, %mul3A_1622 : vector<16xi32>
      %gt3A_1624 = arith.cmpf ogt, %get3A_1620, %select_n3A_1578 : vector<16xf32>
      %select_n3A_1625 = arith.select %gt3A_1624, %get3A_1620, %select_n3A_1578 : vector<16xi1>, vector<16xf32>
      %select_n3A_1626 = arith.select %gt3A_1624, %select_n3A_1578, %get3A_1620 : vector<16xi1>, vector<16xf32>
      %select_n3A_1627 = arith.select %gt3A_1624, %mul3A_1623, %select_n3A_1580 : vector<16xi1>, vector<16xi32>
      %select_n3A_1628 = arith.select %gt3A_1624, %select_n3A_1580, %mul3A_1623 : vector<16xi1>, vector<16xi32>
      %gt3A_1629 = arith.cmpf ogt, %select_n3A_1626, %select_n3A_1583 : vector<16xf32>
      %select_n3A_1630 = arith.select %gt3A_1629, %select_n3A_1626, %select_n3A_1583 : vector<16xi1>, vector<16xf32>
      %select_n3A_1631 = arith.select %gt3A_1629, %select_n3A_1583, %select_n3A_1626 : vector<16xi1>, vector<16xf32>
      %select_n3A_1632 = arith.select %gt3A_1629, %select_n3A_1628, %select_n3A_1585 : vector<16xi1>, vector<16xi32>
      %select_n3A_1633 = arith.select %gt3A_1629, %select_n3A_1585, %select_n3A_1628 : vector<16xi1>, vector<16xi32>
      %gt3A_1634 = arith.cmpf ogt, %select_n3A_1631, %select_n3A_1588 : vector<16xf32>
      %select_n3A_1635 = arith.select %gt3A_1634, %select_n3A_1631, %select_n3A_1588 : vector<16xi1>, vector<16xf32>
      %select_n3A_1636 = arith.select %gt3A_1634, %select_n3A_1588, %select_n3A_1631 : vector<16xi1>, vector<16xf32>
      %select_n3A_1637 = arith.select %gt3A_1634, %select_n3A_1633, %select_n3A_1590 : vector<16xi1>, vector<16xi32>
      %select_n3A_1638 = arith.select %gt3A_1634, %select_n3A_1590, %select_n3A_1633 : vector<16xi1>, vector<16xi32>
      %gt3A_1639 = arith.cmpf ogt, %select_n3A_1636, %select_n3A_1593 : vector<16xf32>
      %select_n3A_1640 = arith.select %gt3A_1639, %select_n3A_1636, %select_n3A_1593 : vector<16xi1>, vector<16xf32>
      %select_n3A_1641 = arith.select %gt3A_1639, %select_n3A_1593, %select_n3A_1636 : vector<16xi1>, vector<16xf32>
      %select_n3A_1642 = arith.select %gt3A_1639, %select_n3A_1638, %select_n3A_1595 : vector<16xi1>, vector<16xi32>
      %select_n3A_1643 = arith.select %gt3A_1639, %select_n3A_1595, %select_n3A_1638 : vector<16xi1>, vector<16xi32>
      %gt3A_1644 = arith.cmpf ogt, %select_n3A_1641, %select_n3A_1598 : vector<16xf32>
      %select_n3A_1645 = arith.select %gt3A_1644, %select_n3A_1641, %select_n3A_1598 : vector<16xi1>, vector<16xf32>
      %select_n3A_1646 = arith.select %gt3A_1644, %select_n3A_1598, %select_n3A_1641 : vector<16xi1>, vector<16xf32>
      %select_n3A_1647 = arith.select %gt3A_1644, %select_n3A_1643, %select_n3A_1600 : vector<16xi1>, vector<16xi32>
      %select_n3A_1648 = arith.select %gt3A_1644, %select_n3A_1600, %select_n3A_1643 : vector<16xi1>, vector<16xi32>
      %gt3A_1649 = arith.cmpf ogt, %select_n3A_1646, %select_n3A_1603 : vector<16xf32>
      %select_n3A_1650 = arith.select %gt3A_1649, %select_n3A_1646, %select_n3A_1603 : vector<16xi1>, vector<16xf32>
      %select_n3A_1651 = arith.select %gt3A_1649, %select_n3A_1603, %select_n3A_1646 : vector<16xi1>, vector<16xf32>
      %select_n3A_1652 = arith.select %gt3A_1649, %select_n3A_1648, %select_n3A_1605 : vector<16xi1>, vector<16xi32>
      %select_n3A_1653 = arith.select %gt3A_1649, %select_n3A_1605, %select_n3A_1648 : vector<16xi1>, vector<16xi32>
      %gt3A_1654 = arith.cmpf ogt, %select_n3A_1651, %select_n3A_1608 : vector<16xf32>
      %select_n3A_1655 = arith.select %gt3A_1654, %select_n3A_1651, %select_n3A_1608 : vector<16xi1>, vector<16xf32>
      %select_n3A_1656 = arith.select %gt3A_1654, %select_n3A_1608, %select_n3A_1651 : vector<16xi1>, vector<16xf32>
      %select_n3A_1657 = arith.select %gt3A_1654, %select_n3A_1653, %select_n3A_1610 : vector<16xi1>, vector<16xi32>
      %select_n3A_1658 = arith.select %gt3A_1654, %select_n3A_1610, %select_n3A_1653 : vector<16xi1>, vector<16xi32>
      %gt3A_1659 = arith.cmpf ogt, %select_n3A_1656, %select_n3A_1613 : vector<16xf32>
      %select_n3A_1660 = arith.select %gt3A_1659, %select_n3A_1656, %select_n3A_1613 : vector<16xi1>, vector<16xf32>
      %select_n3A_1661 = arith.select %gt3A_1659, %select_n3A_1613, %select_n3A_1656 : vector<16xi1>, vector<16xf32>
      %select_n3A_1662 = arith.select %gt3A_1659, %select_n3A_1658, %select_n3A_1615 : vector<16xi1>, vector<16xi32>
      %select_n3A_1663 = arith.select %gt3A_1659, %select_n3A_1615, %select_n3A_1658 : vector<16xi1>, vector<16xi32>
      %get3A_1664 = arith.constant 39 : i32
      %get3A_1665 = arith.index_cast %get3A_1664 : i32 to index
      %get3A_1666 = arith.index_cast %mul3A_13 : i32 to index
      %get3A_1667 = tpu.vector_load %arg5[%get3A_1665, %get3A_1666] {strides = array<i32>} : memref<64x1024xf32, #tpu.memory_space<vmem>>, vector<16xf32>,
      %mul3A_1668 = arith.constant 39 : i32
      %mul3A_1669 = vector.broadcast %mul3A_1668 : i32 to vector<16xi32>
      %mul3A_1670 = arith.muli %broadcast_in_dim3A_3, %mul3A_1669 : vector<16xi32>
      %gt3A_1671 = arith.cmpf ogt, %get3A_1667, %select_n3A_1625 : vector<16xf32>
      %select_n3A_1672 = arith.select %gt3A_1671, %get3A_1667, %select_n3A_1625 : vector<16xi1>, vector<16xf32>
      %select_n3A_1673 = arith.select %gt3A_1671, %select_n3A_1625, %get3A_1667 : vector<16xi1>, vector<16xf32>
      %select_n3A_1674 = arith.select %gt3A_1671, %mul3A_1670, %select_n3A_1627 : vector<16xi1>, vector<16xi32>
      %select_n3A_1675 = arith.select %gt3A_1671, %select_n3A_1627, %mul3A_1670 : vector<16xi1>, vector<16xi32>
      %gt3A_1676 = arith.cmpf ogt, %select_n3A_1673, %select_n3A_1630 : vector<16xf32>
      %select_n3A_1677 = arith.select %gt3A_1676, %select_n3A_1673, %select_n3A_1630 : vector<16xi1>, vector<16xf32>
      %select_n3A_1678 = arith.select %gt3A_1676, %select_n3A_1630, %select_n3A_1673 : vector<16xi1>, vector<16xf32>
      %select_n3A_1679 = arith.select %gt3A_1676, %select_n3A_1675, %select_n3A_1632 : vector<16xi1>, vector<16xi32>
      %select_n3A_1680 = arith.select %gt3A_1676, %select_n3A_1632, %select_n3A_1675 : vector<16xi1>, vector<16xi32>
      %gt3A_1681 = arith.cmpf ogt, %select_n3A_1678, %select_n3A_1635 : vector<16xf32>
      %select_n3A_1682 = arith.select %gt3A_1681, %select_n3A_1678, %select_n3A_1635 : vector<16xi1>, vector<16xf32>
      %select_n3A_1683 = arith.select %gt3A_1681, %select_n3A_1635, %select_n3A_1678 : vector<16xi1>, vector<16xf32>
      %select_n3A_1684 = arith.select %gt3A_1681, %select_n3A_1680, %select_n3A_1637 : vector<16xi1>, vector<16xi32>
      %select_n3A_1685 = arith.select %gt3A_1681, %select_n3A_1637, %select_n3A_1680 : vector<16xi1>, vector<16xi32>
      %gt3A_1686 = arith.cmpf ogt, %select_n3A_1683, %select_n3A_1640 : vector<16xf32>
      %select_n3A_1687 = arith.select %gt3A_1686, %select_n3A_1683, %select_n3A_1640 : vector<16xi1>, vector<16xf32>
      %select_n3A_1688 = arith.select %gt3A_1686, %select_n3A_1640, %select_n3A_1683 : vector<16xi1>, vector<16xf32>
      %select_n3A_1689 = arith.select %gt3A_1686, %select_n3A_1685, %select_n3A_1642 : vector<16xi1>, vector<16xi32>
      %select_n3A_1690 = arith.select %gt3A_1686, %select_n3A_1642, %select_n3A_1685 : vector<16xi1>, vector<16xi32>
      %gt3A_1691 = arith.cmpf ogt, %select_n3A_1688, %select_n3A_1645 : vector<16xf32>
      %select_n3A_1692 = arith.select %gt3A_1691, %select_n3A_1688, %select_n3A_1645 : vector<16xi1>, vector<16xf32>
      %select_n3A_1693 = arith.select %gt3A_1691, %select_n3A_1645, %select_n3A_1688 : vector<16xi1>, vector<16xf32>
      %select_n3A_1694 = arith.select %gt3A_1691, %select_n3A_1690, %select_n3A_1647 : vector<16xi1>, vector<16xi32>
      %select_n3A_1695 = arith.select %gt3A_1691, %select_n3A_1647, %select_n3A_1690 : vector<16xi1>, vector<16xi32>
      %gt3A_1696 = arith.cmpf ogt, %select_n3A_1693, %select_n3A_1650 : vector<16xf32>
      %select_n3A_1697 = arith.select %gt3A_1696, %select_n3A_1693, %select_n3A_1650 : vector<16xi1>, vector<16xf32>
      %select_n3A_1698 = arith.select %gt3A_1696, %select_n3A_1650, %select_n3A_1693 : vector<16xi1>, vector<16xf32>
      %select_n3A_1699 = arith.select %gt3A_1696, %select_n3A_1695, %select_n3A_1652 : vector<16xi1>, vector<16xi32>
      %select_n3A_1700 = arith.select %gt3A_1696, %select_n3A_1652, %select_n3A_1695 : vector<16xi1>, vector<16xi32>
      %gt3A_1701 = arith.cmpf ogt, %select_n3A_1698, %select_n3A_1655 : vector<16xf32>
      %select_n3A_1702 = arith.select %gt3A_1701, %select_n3A_1698, %select_n3A_1655 : vector<16xi1>, vector<16xf32>
      %select_n3A_1703 = arith.select %gt3A_1701, %select_n3A_1655, %select_n3A_1698 : vector<16xi1>, vector<16xf32>
      %select_n3A_1704 = arith.select %gt3A_1701, %select_n3A_1700, %select_n3A_1657 : vector<16xi1>, vector<16xi32>
      %select_n3A_1705 = arith.select %gt3A_1701, %select_n3A_1657, %select_n3A_1700 : vector<16xi1>, vector<16xi32>
      %gt3A_1706 = arith.cmpf ogt, %select_n3A_1703, %select_n3A_1660 : vector<16xf32>
      %select_n3A_1707 = arith.select %gt3A_1706, %select_n3A_1703, %select_n3A_1660 : vector<16xi1>, vector<16xf32>
      %select_n3A_1708 = arith.select %gt3A_1706, %select_n3A_1660, %select_n3A_1703 : vector<16xi1>, vector<16xf32>
      %select_n3A_1709 = arith.select %gt3A_1706, %select_n3A_1705, %select_n3A_1662 : vector<16xi1>, vector<16xi32>
      %select_n3A_1710 = arith.select %gt3A_1706, %select_n3A_1662, %select_n3A_1705 : vector<16xi1>, vector<16xi32>
      %get3A_1711 = arith.constant 40 : i32
      %get3A_1712 = arith.index_cast %get3A_1711 : i32 to index
      %get3A_1713 = arith.index_cast %mul3A_13 : i32 to index
      %get3A_1714 = tpu.vector_load %arg5[%get3A_1712, %get3A_1713] {strides = array<i32>} : memref<64x1024xf32, #tpu.memory_space<vmem>>, vector<16xf32>,
      %mul3A_1715 = arith.constant 40 : i32
      %mul3A_1716 = vector.broadcast %mul3A_1715 : i32 to vector<16xi32>
      %mul3A_1717 = arith.muli %broadcast_in_dim3A_3, %mul3A_1716 : vector<16xi32>
      %gt3A_1718 = arith.cmpf ogt, %get3A_1714, %select_n3A_1672 : vector<16xf32>
      %select_n3A_1719 = arith.select %gt3A_1718, %get3A_1714, %select_n3A_1672 : vector<16xi1>, vector<16xf32>
      %select_n3A_1720 = arith.select %gt3A_1718, %select_n3A_1672, %get3A_1714 : vector<16xi1>, vector<16xf32>
      %select_n3A_1721 = arith.select %gt3A_1718, %mul3A_1717, %select_n3A_1674 : vector<16xi1>, vector<16xi32>
      %select_n3A_1722 = arith.select %gt3A_1718, %select_n3A_1674, %mul3A_1717 : vector<16xi1>, vector<16xi32>
      %gt3A_1723 = arith.cmpf ogt, %select_n3A_1720, %select_n3A_1677 : vector<16xf32>
      %select_n3A_1724 = arith.select %gt3A_1723, %select_n3A_1720, %select_n3A_1677 : vector<16xi1>, vector<16xf32>
      %select_n3A_1725 = arith.select %gt3A_1723, %select_n3A_1677, %select_n3A_1720 : vector<16xi1>, vector<16xf32>
      %select_n3A_1726 = arith.select %gt3A_1723, %select_n3A_1722, %select_n3A_1679 : vector<16xi1>, vector<16xi32>
      %select_n3A_1727 = arith.select %gt3A_1723, %select_n3A_1679, %select_n3A_1722 : vector<16xi1>, vector<16xi32>
      %gt3A_1728 = arith.cmpf ogt, %select_n3A_1725, %select_n3A_1682 : vector<16xf32>
      %select_n3A_1729 = arith.select %gt3A_1728, %select_n3A_1725, %select_n3A_1682 : vector<16xi1>, vector<16xf32>
      %select_n3A_1730 = arith.select %gt3A_1728, %select_n3A_1682, %select_n3A_1725 : vector<16xi1>, vector<16xf32>
      %select_n3A_1731 = arith.select %gt3A_1728, %select_n3A_1727, %select_n3A_1684 : vector<16xi1>, vector<16xi32>
      %select_n3A_1732 = arith.select %gt3A_1728, %select_n3A_1684, %select_n3A_1727 : vector<16xi1>, vector<16xi32>
      %gt3A_1733 = arith.cmpf ogt, %select_n3A_1730, %select_n3A_1687 : vector<16xf32>
      %select_n3A_1734 = arith.select %gt3A_1733, %select_n3A_1730, %select_n3A_1687 : vector<16xi1>, vector<16xf32>
      %select_n3A_1735 = arith.select %gt3A_1733, %select_n3A_1687, %select_n3A_1730 : vector<16xi1>, vector<16xf32>
      %select_n3A_1736 = arith.select %gt3A_1733, %select_n3A_1732, %select_n3A_1689 : vector<16xi1>, vector<16xi32>
      %select_n3A_1737 = arith.select %gt3A_1733, %select_n3A_1689, %select_n3A_1732 : vector<16xi1>, vector<16xi32>
      %gt3A_1738 = arith.cmpf ogt, %select_n3A_1735, %select_n3A_1692 : vector<16xf32>
      %select_n3A_1739 = arith.select %gt3A_1738, %select_n3A_1735, %select_n3A_1692 : vector<16xi1>, vector<16xf32>
      %select_n3A_1740 = arith.select %gt3A_1738, %select_n3A_1692, %select_n3A_1735 : vector<16xi1>, vector<16xf32>
      %select_n3A_1741 = arith.select %gt3A_1738, %select_n3A_1737, %select_n3A_1694 : vector<16xi1>, vector<16xi32>
      %select_n3A_1742 = arith.select %gt3A_1738, %select_n3A_1694, %select_n3A_1737 : vector<16xi1>, vector<16xi32>
      %gt3A_1743 = arith.cmpf ogt, %select_n3A_1740, %select_n3A_1697 : vector<16xf32>
      %select_n3A_1744 = arith.select %gt3A_1743, %select_n3A_1740, %select_n3A_1697 : vector<16xi1>, vector<16xf32>
      %select_n3A_1745 = arith.select %gt3A_1743, %select_n3A_1697, %select_n3A_1740 : vector<16xi1>, vector<16xf32>
      %select_n3A_1746 = arith.select %gt3A_1743, %select_n3A_1742, %select_n3A_1699 : vector<16xi1>, vector<16xi32>
      %select_n3A_1747 = arith.select %gt3A_1743, %select_n3A_1699, %select_n3A_1742 : vector<16xi1>, vector<16xi32>
      %gt3A_1748 = arith.cmpf ogt, %select_n3A_1745, %select_n3A_1702 : vector<16xf32>
      %select_n3A_1749 = arith.select %gt3A_1748, %select_n3A_1745, %select_n3A_1702 : vector<16xi1>, vector<16xf32>
      %select_n3A_1750 = arith.select %gt3A_1748, %select_n3A_1702, %select_n3A_1745 : vector<16xi1>, vector<16xf32>
      %select_n3A_1751 = arith.select %gt3A_1748, %select_n3A_1747, %select_n3A_1704 : vector<16xi1>, vector<16xi32>
      %select_n3A_1752 = arith.select %gt3A_1748, %select_n3A_1704, %select_n3A_1747 : vector<16xi1>, vector<16xi32>
      %gt3A_1753 = arith.cmpf ogt, %select_n3A_1750, %select_n3A_1707 : vector<16xf32>
      %select_n3A_1754 = arith.select %gt3A_1753, %select_n3A_1750, %select_n3A_1707 : vector<16xi1>, vector<16xf32>
      %select_n3A_1755 = arith.select %gt3A_1753, %select_n3A_1707, %select_n3A_1750 : vector<16xi1>, vector<16xf32>
      %select_n3A_1756 = arith.select %gt3A_1753, %select_n3A_1752, %select_n3A_1709 : vector<16xi1>, vector<16xi32>
      %select_n3A_1757 = arith.select %gt3A_1753, %select_n3A_1709, %select_n3A_1752 : vector<16xi1>, vector<16xi32>
      %get3A_1758 = arith.constant 41 : i32
      %get3A_1759 = arith.index_cast %get3A_1758 : i32 to index
      %get3A_1760 = arith.index_cast %mul3A_13 : i32 to index
      %get3A_1761 = tpu.vector_load %arg5[%get3A_1759, %get3A_1760] {strides = array<i32>} : memref<64x1024xf32, #tpu.memory_space<vmem>>, vector<16xf32>,
      %mul3A_1762 = arith.constant 41 : i32
      %mul3A_1763 = vector.broadcast %mul3A_1762 : i32 to vector<16xi32>
      %mul3A_1764 = arith.muli %broadcast_in_dim3A_3, %mul3A_1763 : vector<16xi32>
      %gt3A_1765 = arith.cmpf ogt, %get3A_1761, %select_n3A_1719 : vector<16xf32>
      %select_n3A_1766 = arith.select %gt3A_1765, %get3A_1761, %select_n3A_1719 : vector<16xi1>, vector<16xf32>
      %select_n3A_1767 = arith.select %gt3A_1765, %select_n3A_1719, %get3A_1761 : vector<16xi1>, vector<16xf32>
      %select_n3A_1768 = arith.select %gt3A_1765, %mul3A_1764, %select_n3A_1721 : vector<16xi1>, vector<16xi32>
      %select_n3A_1769 = arith.select %gt3A_1765, %select_n3A_1721, %mul3A_1764 : vector<16xi1>, vector<16xi32>
      %gt3A_1770 = arith.cmpf ogt, %select_n3A_1767, %select_n3A_1724 : vector<16xf32>
      %select_n3A_1771 = arith.select %gt3A_1770, %select_n3A_1767, %select_n3A_1724 : vector<16xi1>, vector<16xf32>
      %select_n3A_1772 = arith.select %gt3A_1770, %select_n3A_1724, %select_n3A_1767 : vector<16xi1>, vector<16xf32>
      %select_n3A_1773 = arith.select %gt3A_1770, %select_n3A_1769, %select_n3A_1726 : vector<16xi1>, vector<16xi32>
      %select_n3A_1774 = arith.select %gt3A_1770, %select_n3A_1726, %select_n3A_1769 : vector<16xi1>, vector<16xi32>
      %gt3A_1775 = arith.cmpf ogt, %select_n3A_1772, %select_n3A_1729 : vector<16xf32>
      %select_n3A_1776 = arith.select %gt3A_1775, %select_n3A_1772, %select_n3A_1729 : vector<16xi1>, vector<16xf32>
      %select_n3A_1777 = arith.select %gt3A_1775, %select_n3A_1729, %select_n3A_1772 : vector<16xi1>, vector<16xf32>
      %select_n3A_1778 = arith.select %gt3A_1775, %select_n3A_1774, %select_n3A_1731 : vector<16xi1>, vector<16xi32>
      %select_n3A_1779 = arith.select %gt3A_1775, %select_n3A_1731, %select_n3A_1774 : vector<16xi1>, vector<16xi32>
      %gt3A_1780 = arith.cmpf ogt, %select_n3A_1777, %select_n3A_1734 : vector<16xf32>
      %select_n3A_1781 = arith.select %gt3A_1780, %select_n3A_1777, %select_n3A_1734 : vector<16xi1>, vector<16xf32>
      %select_n3A_1782 = arith.select %gt3A_1780, %select_n3A_1734, %select_n3A_1777 : vector<16xi1>, vector<16xf32>
      %select_n3A_1783 = arith.select %gt3A_1780, %select_n3A_1779, %select_n3A_1736 : vector<16xi1>, vector<16xi32>
      %select_n3A_1784 = arith.select %gt3A_1780, %select_n3A_1736, %select_n3A_1779 : vector<16xi1>, vector<16xi32>
      %gt3A_1785 = arith.cmpf ogt, %select_n3A_1782, %select_n3A_1739 : vector<16xf32>
      %select_n3A_1786 = arith.select %gt3A_1785, %select_n3A_1782, %select_n3A_1739 : vector<16xi1>, vector<16xf32>
      %select_n3A_1787 = arith.select %gt3A_1785, %select_n3A_1739, %select_n3A_1782 : vector<16xi1>, vector<16xf32>
      %select_n3A_1788 = arith.select %gt3A_1785, %select_n3A_1784, %select_n3A_1741 : vector<16xi1>, vector<16xi32>
      %select_n3A_1789 = arith.select %gt3A_1785, %select_n3A_1741, %select_n3A_1784 : vector<16xi1>, vector<16xi32>
      %gt3A_1790 = arith.cmpf ogt, %select_n3A_1787, %select_n3A_1744 : vector<16xf32>
      %select_n3A_1791 = arith.select %gt3A_1790, %select_n3A_1787, %select_n3A_1744 : vector<16xi1>, vector<16xf32>
      %select_n3A_1792 = arith.select %gt3A_1790, %select_n3A_1744, %select_n3A_1787 : vector<16xi1>, vector<16xf32>
      %select_n3A_1793 = arith.select %gt3A_1790, %select_n3A_1789, %select_n3A_1746 : vector<16xi1>, vector<16xi32>
      %select_n3A_1794 = arith.select %gt3A_1790, %select_n3A_1746, %select_n3A_1789 : vector<16xi1>, vector<16xi32>
      %gt3A_1795 = arith.cmpf ogt, %select_n3A_1792, %select_n3A_1749 : vector<16xf32>
      %select_n3A_1796 = arith.select %gt3A_1795, %select_n3A_1792, %select_n3A_1749 : vector<16xi1>, vector<16xf32>
      %select_n3A_1797 = arith.select %gt3A_1795, %select_n3A_1749, %select_n3A_1792 : vector<16xi1>, vector<16xf32>
      %select_n3A_1798 = arith.select %gt3A_1795, %select_n3A_1794, %select_n3A_1751 : vector<16xi1>, vector<16xi32>
      %select_n3A_1799 = arith.select %gt3A_1795, %select_n3A_1751, %select_n3A_1794 : vector<16xi1>, vector<16xi32>
      %gt3A_1800 = arith.cmpf ogt, %select_n3A_1797, %select_n3A_1754 : vector<16xf32>
      %select_n3A_1801 = arith.select %gt3A_1800, %select_n3A_1797, %select_n3A_1754 : vector<16xi1>, vector<16xf32>
      %select_n3A_1802 = arith.select %gt3A_1800, %select_n3A_1754, %select_n3A_1797 : vector<16xi1>, vector<16xf32>
      %select_n3A_1803 = arith.select %gt3A_1800, %select_n3A_1799, %select_n3A_1756 : vector<16xi1>, vector<16xi32>
      %select_n3A_1804 = arith.select %gt3A_1800, %select_n3A_1756, %select_n3A_1799 : vector<16xi1>, vector<16xi32>
      %get3A_1805 = arith.constant 42 : i32
      %get3A_1806 = arith.index_cast %get3A_1805 : i32 to index
      %get3A_1807 = arith.index_cast %mul3A_13 : i32 to index
      %get3A_1808 = tpu.vector_load %arg5[%get3A_1806, %get3A_1807] {strides = array<i32>} : memref<64x1024xf32, #tpu.memory_space<vmem>>, vector<16xf32>,
      %mul3A_1809 = arith.constant 42 : i32
      %mul3A_1810 = vector.broadcast %mul3A_1809 : i32 to vector<16xi32>
      %mul3A_1811 = arith.muli %broadcast_in_dim3A_3, %mul3A_1810 : vector<16xi32>
      %gt3A_1812 = arith.cmpf ogt, %get3A_1808, %select_n3A_1766 : vector<16xf32>
      %select_n3A_1813 = arith.select %gt3A_1812, %get3A_1808, %select_n3A_1766 : vector<16xi1>, vector<16xf32>
      %select_n3A_1814 = arith.select %gt3A_1812, %select_n3A_1766, %get3A_1808 : vector<16xi1>, vector<16xf32>
      %select_n3A_1815 = arith.select %gt3A_1812, %mul3A_1811, %select_n3A_1768 : vector<16xi1>, vector<16xi32>
      %select_n3A_1816 = arith.select %gt3A_1812, %select_n3A_1768, %mul3A_1811 : vector<16xi1>, vector<16xi32>
      %gt3A_1817 = arith.cmpf ogt, %select_n3A_1814, %select_n3A_1771 : vector<16xf32>
      %select_n3A_1818 = arith.select %gt3A_1817, %select_n3A_1814, %select_n3A_1771 : vector<16xi1>, vector<16xf32>
      %select_n3A_1819 = arith.select %gt3A_1817, %select_n3A_1771, %select_n3A_1814 : vector<16xi1>, vector<16xf32>
      %select_n3A_1820 = arith.select %gt3A_1817, %select_n3A_1816, %select_n3A_1773 : vector<16xi1>, vector<16xi32>
      %select_n3A_1821 = arith.select %gt3A_1817, %select_n3A_1773, %select_n3A_1816 : vector<16xi1>, vector<16xi32>
      %gt3A_1822 = arith.cmpf ogt, %select_n3A_1819, %select_n3A_1776 : vector<16xf32>
      %select_n3A_1823 = arith.select %gt3A_1822, %select_n3A_1819, %select_n3A_1776 : vector<16xi1>, vector<16xf32>
      %select_n3A_1824 = arith.select %gt3A_1822, %select_n3A_1776, %select_n3A_1819 : vector<16xi1>, vector<16xf32>
      %select_n3A_1825 = arith.select %gt3A_1822, %select_n3A_1821, %select_n3A_1778 : vector<16xi1>, vector<16xi32>
      %select_n3A_1826 = arith.select %gt3A_1822, %select_n3A_1778, %select_n3A_1821 : vector<16xi1>, vector<16xi32>
      %gt3A_1827 = arith.cmpf ogt, %select_n3A_1824, %select_n3A_1781 : vector<16xf32>
      %select_n3A_1828 = arith.select %gt3A_1827, %select_n3A_1824, %select_n3A_1781 : vector<16xi1>, vector<16xf32>
      %select_n3A_1829 = arith.select %gt3A_1827, %select_n3A_1781, %select_n3A_1824 : vector<16xi1>, vector<16xf32>
      %select_n3A_1830 = arith.select %gt3A_1827, %select_n3A_1826, %select_n3A_1783 : vector<16xi1>, vector<16xi32>
      %select_n3A_1831 = arith.select %gt3A_1827, %select_n3A_1783, %select_n3A_1826 : vector<16xi1>, vector<16xi32>
      %gt3A_1832 = arith.cmpf ogt, %select_n3A_1829, %select_n3A_1786 : vector<16xf32>
      %select_n3A_1833 = arith.select %gt3A_1832, %select_n3A_1829, %select_n3A_1786 : vector<16xi1>, vector<16xf32>
      %select_n3A_1834 = arith.select %gt3A_1832, %select_n3A_1786, %select_n3A_1829 : vector<16xi1>, vector<16xf32>
      %select_n3A_1835 = arith.select %gt3A_1832, %select_n3A_1831, %select_n3A_1788 : vector<16xi1>, vector<16xi32>
      %select_n3A_1836 = arith.select %gt3A_1832, %select_n3A_1788, %select_n3A_1831 : vector<16xi1>, vector<16xi32>
      %gt3A_1837 = arith.cmpf ogt, %select_n3A_1834, %select_n3A_1791 : vector<16xf32>
      %select_n3A_1838 = arith.select %gt3A_1837, %select_n3A_1834, %select_n3A_1791 : vector<16xi1>, vector<16xf32>
      %select_n3A_1839 = arith.select %gt3A_1837, %select_n3A_1791, %select_n3A_1834 : vector<16xi1>, vector<16xf32>
      %select_n3A_1840 = arith.select %gt3A_1837, %select_n3A_1836, %select_n3A_1793 : vector<16xi1>, vector<16xi32>
      %select_n3A_1841 = arith.select %gt3A_1837, %select_n3A_1793, %select_n3A_1836 : vector<16xi1>, vector<16xi32>
      %gt3A_1842 = arith.cmpf ogt, %select_n3A_1839, %select_n3A_1796 : vector<16xf32>
      %select_n3A_1843 = arith.select %gt3A_1842, %select_n3A_1839, %select_n3A_1796 : vector<16xi1>, vector<16xf32>
      %select_n3A_1844 = arith.select %gt3A_1842, %select_n3A_1796, %select_n3A_1839 : vector<16xi1>, vector<16xf32>
      %select_n3A_1845 = arith.select %gt3A_1842, %select_n3A_1841, %select_n3A_1798 : vector<16xi1>, vector<16xi32>
      %select_n3A_1846 = arith.select %gt3A_1842, %select_n3A_1798, %select_n3A_1841 : vector<16xi1>, vector<16xi32>
      %gt3A_1847 = arith.cmpf ogt, %select_n3A_1844, %select_n3A_1801 : vector<16xf32>
      %select_n3A_1848 = arith.select %gt3A_1847, %select_n3A_1844, %select_n3A_1801 : vector<16xi1>, vector<16xf32>
      %select_n3A_1849 = arith.select %gt3A_1847, %select_n3A_1801, %select_n3A_1844 : vector<16xi1>, vector<16xf32>
      %select_n3A_1850 = arith.select %gt3A_1847, %select_n3A_1846, %select_n3A_1803 : vector<16xi1>, vector<16xi32>
      %select_n3A_1851 = arith.select %gt3A_1847, %select_n3A_1803, %select_n3A_1846 : vector<16xi1>, vector<16xi32>
      %get3A_1852 = arith.constant 43 : i32
      %get3A_1853 = arith.index_cast %get3A_1852 : i32 to index
      %get3A_1854 = arith.index_cast %mul3A_13 : i32 to index
      %get3A_1855 = tpu.vector_load %arg5[%get3A_1853, %get3A_1854] {strides = array<i32>} : memref<64x1024xf32, #tpu.memory_space<vmem>>, vector<16xf32>,
      %mul3A_1856 = arith.constant 43 : i32
      %mul3A_1857 = vector.broadcast %mul3A_1856 : i32 to vector<16xi32>
      %mul3A_1858 = arith.muli %broadcast_in_dim3A_3, %mul3A_1857 : vector<16xi32>
      %gt3A_1859 = arith.cmpf ogt, %get3A_1855, %select_n3A_1813 : vector<16xf32>
      %select_n3A_1860 = arith.select %gt3A_1859, %get3A_1855, %select_n3A_1813 : vector<16xi1>, vector<16xf32>
      %select_n3A_1861 = arith.select %gt3A_1859, %select_n3A_1813, %get3A_1855 : vector<16xi1>, vector<16xf32>
      %select_n3A_1862 = arith.select %gt3A_1859, %mul3A_1858, %select_n3A_1815 : vector<16xi1>, vector<16xi32>
      %select_n3A_1863 = arith.select %gt3A_1859, %select_n3A_1815, %mul3A_1858 : vector<16xi1>, vector<16xi32>
      %gt3A_1864 = arith.cmpf ogt, %select_n3A_1861, %select_n3A_1818 : vector<16xf32>
      %select_n3A_1865 = arith.select %gt3A_1864, %select_n3A_1861, %select_n3A_1818 : vector<16xi1>, vector<16xf32>
      %select_n3A_1866 = arith.select %gt3A_1864, %select_n3A_1818, %select_n3A_1861 : vector<16xi1>, vector<16xf32>
      %select_n3A_1867 = arith.select %gt3A_1864, %select_n3A_1863, %select_n3A_1820 : vector<16xi1>, vector<16xi32>
      %select_n3A_1868 = arith.select %gt3A_1864, %select_n3A_1820, %select_n3A_1863 : vector<16xi1>, vector<16xi32>
      %gt3A_1869 = arith.cmpf ogt, %select_n3A_1866, %select_n3A_1823 : vector<16xf32>
      %select_n3A_1870 = arith.select %gt3A_1869, %select_n3A_1866, %select_n3A_1823 : vector<16xi1>, vector<16xf32>
      %select_n3A_1871 = arith.select %gt3A_1869, %select_n3A_1823, %select_n3A_1866 : vector<16xi1>, vector<16xf32>
      %select_n3A_1872 = arith.select %gt3A_1869, %select_n3A_1868, %select_n3A_1825 : vector<16xi1>, vector<16xi32>
      %select_n3A_1873 = arith.select %gt3A_1869, %select_n3A_1825, %select_n3A_1868 : vector<16xi1>, vector<16xi32>
      %gt3A_1874 = arith.cmpf ogt, %select_n3A_1871, %select_n3A_1828 : vector<16xf32>
      %select_n3A_1875 = arith.select %gt3A_1874, %select_n3A_1871, %select_n3A_1828 : vector<16xi1>, vector<16xf32>
      %select_n3A_1876 = arith.select %gt3A_1874, %select_n3A_1828, %select_n3A_1871 : vector<16xi1>, vector<16xf32>
      %select_n3A_1877 = arith.select %gt3A_1874, %select_n3A_1873, %select_n3A_1830 : vector<16xi1>, vector<16xi32>
      %select_n3A_1878 = arith.select %gt3A_1874, %select_n3A_1830, %select_n3A_1873 : vector<16xi1>, vector<16xi32>
      %gt3A_1879 = arith.cmpf ogt, %select_n3A_1876, %select_n3A_1833 : vector<16xf32>
      %select_n3A_1880 = arith.select %gt3A_1879, %select_n3A_1876, %select_n3A_1833 : vector<16xi1>, vector<16xf32>
      %select_n3A_1881 = arith.select %gt3A_1879, %select_n3A_1833, %select_n3A_1876 : vector<16xi1>, vector<16xf32>
      %select_n3A_1882 = arith.select %gt3A_1879, %select_n3A_1878, %select_n3A_1835 : vector<16xi1>, vector<16xi32>
      %select_n3A_1883 = arith.select %gt3A_1879, %select_n3A_1835, %select_n3A_1878 : vector<16xi1>, vector<16xi32>
      %gt3A_1884 = arith.cmpf ogt, %select_n3A_1881, %select_n3A_1838 : vector<16xf32>
      %select_n3A_1885 = arith.select %gt3A_1884, %select_n3A_1881, %select_n3A_1838 : vector<16xi1>, vector<16xf32>
      %select_n3A_1886 = arith.select %gt3A_1884, %select_n3A_1838, %select_n3A_1881 : vector<16xi1>, vector<16xf32>
      %select_n3A_1887 = arith.select %gt3A_1884, %select_n3A_1883, %select_n3A_1840 : vector<16xi1>, vector<16xi32>
      %select_n3A_1888 = arith.select %gt3A_1884, %select_n3A_1840, %select_n3A_1883 : vector<16xi1>, vector<16xi32>
      %gt3A_1889 = arith.cmpf ogt, %select_n3A_1886, %select_n3A_1843 : vector<16xf32>
      %select_n3A_1890 = arith.select %gt3A_1889, %select_n3A_1886, %select_n3A_1843 : vector<16xi1>, vector<16xf32>
      %select_n3A_1891 = arith.select %gt3A_1889, %select_n3A_1843, %select_n3A_1886 : vector<16xi1>, vector<16xf32>
      %select_n3A_1892 = arith.select %gt3A_1889, %select_n3A_1888, %select_n3A_1845 : vector<16xi1>, vector<16xi32>
      %select_n3A_1893 = arith.select %gt3A_1889, %select_n3A_1845, %select_n3A_1888 : vector<16xi1>, vector<16xi32>
      %gt3A_1894 = arith.cmpf ogt, %select_n3A_1891, %select_n3A_1848 : vector<16xf32>
      %select_n3A_1895 = arith.select %gt3A_1894, %select_n3A_1891, %select_n3A_1848 : vector<16xi1>, vector<16xf32>
      %select_n3A_1896 = arith.select %gt3A_1894, %select_n3A_1848, %select_n3A_1891 : vector<16xi1>, vector<16xf32>
      %select_n3A_1897 = arith.select %gt3A_1894, %select_n3A_1893, %select_n3A_1850 : vector<16xi1>, vector<16xi32>
      %select_n3A_1898 = arith.select %gt3A_1894, %select_n3A_1850, %select_n3A_1893 : vector<16xi1>, vector<16xi32>
      %get3A_1899 = arith.constant 44 : i32
      %get3A_1900 = arith.index_cast %get3A_1899 : i32 to index
      %get3A_1901 = arith.index_cast %mul3A_13 : i32 to index
      %get3A_1902 = tpu.vector_load %arg5[%get3A_1900, %get3A_1901] {strides = array<i32>} : memref<64x1024xf32, #tpu.memory_space<vmem>>, vector<16xf32>,
      %mul3A_1903 = arith.constant 44 : i32
      %mul3A_1904 = vector.broadcast %mul3A_1903 : i32 to vector<16xi32>
      %mul3A_1905 = arith.muli %broadcast_in_dim3A_3, %mul3A_1904 : vector<16xi32>
      %gt3A_1906 = arith.cmpf ogt, %get3A_1902, %select_n3A_1860 : vector<16xf32>
      %select_n3A_1907 = arith.select %gt3A_1906, %get3A_1902, %select_n3A_1860 : vector<16xi1>, vector<16xf32>
      %select_n3A_1908 = arith.select %gt3A_1906, %select_n3A_1860, %get3A_1902 : vector<16xi1>, vector<16xf32>
      %select_n3A_1909 = arith.select %gt3A_1906, %mul3A_1905, %select_n3A_1862 : vector<16xi1>, vector<16xi32>
      %select_n3A_1910 = arith.select %gt3A_1906, %select_n3A_1862, %mul3A_1905 : vector<16xi1>, vector<16xi32>
      %gt3A_1911 = arith.cmpf ogt, %select_n3A_1908, %select_n3A_1865 : vector<16xf32>
      %select_n3A_1912 = arith.select %gt3A_1911, %select_n3A_1908, %select_n3A_1865 : vector<16xi1>, vector<16xf32>
      %select_n3A_1913 = arith.select %gt3A_1911, %select_n3A_1865, %select_n3A_1908 : vector<16xi1>, vector<16xf32>
      %select_n3A_1914 = arith.select %gt3A_1911, %select_n3A_1910, %select_n3A_1867 : vector<16xi1>, vector<16xi32>
      %select_n3A_1915 = arith.select %gt3A_1911, %select_n3A_1867, %select_n3A_1910 : vector<16xi1>, vector<16xi32>
      %gt3A_1916 = arith.cmpf ogt, %select_n3A_1913, %select_n3A_1870 : vector<16xf32>
      %select_n3A_1917 = arith.select %gt3A_1916, %select_n3A_1913, %select_n3A_1870 : vector<16xi1>, vector<16xf32>
      %select_n3A_1918 = arith.select %gt3A_1916, %select_n3A_1870, %select_n3A_1913 : vector<16xi1>, vector<16xf32>
      %select_n3A_1919 = arith.select %gt3A_1916, %select_n3A_1915, %select_n3A_1872 : vector<16xi1>, vector<16xi32>
      %select_n3A_1920 = arith.select %gt3A_1916, %select_n3A_1872, %select_n3A_1915 : vector<16xi1>, vector<16xi32>
      %gt3A_1921 = arith.cmpf ogt, %select_n3A_1918, %select_n3A_1875 : vector<16xf32>
      %select_n3A_1922 = arith.select %gt3A_1921, %select_n3A_1918, %select_n3A_1875 : vector<16xi1>, vector<16xf32>
      %select_n3A_1923 = arith.select %gt3A_1921, %select_n3A_1875, %select_n3A_1918 : vector<16xi1>, vector<16xf32>
      %select_n3A_1924 = arith.select %gt3A_1921, %select_n3A_1920, %select_n3A_1877 : vector<16xi1>, vector<16xi32>
      %select_n3A_1925 = arith.select %gt3A_1921, %select_n3A_1877, %select_n3A_1920 : vector<16xi1>, vector<16xi32>
      %gt3A_1926 = arith.cmpf ogt, %select_n3A_1923, %select_n3A_1880 : vector<16xf32>
      %select_n3A_1927 = arith.select %gt3A_1926, %select_n3A_1923, %select_n3A_1880 : vector<16xi1>, vector<16xf32>
      %select_n3A_1928 = arith.select %gt3A_1926, %select_n3A_1880, %select_n3A_1923 : vector<16xi1>, vector<16xf32>
      %select_n3A_1929 = arith.select %gt3A_1926, %select_n3A_1925, %select_n3A_1882 : vector<16xi1>, vector<16xi32>
      %select_n3A_1930 = arith.select %gt3A_1926, %select_n3A_1882, %select_n3A_1925 : vector<16xi1>, vector<16xi32>
      %gt3A_1931 = arith.cmpf ogt, %select_n3A_1928, %select_n3A_1885 : vector<16xf32>
      %select_n3A_1932 = arith.select %gt3A_1931, %select_n3A_1928, %select_n3A_1885 : vector<16xi1>, vector<16xf32>
      %select_n3A_1933 = arith.select %gt3A_1931, %select_n3A_1885, %select_n3A_1928 : vector<16xi1>, vector<16xf32>
      %select_n3A_1934 = arith.select %gt3A_1931, %select_n3A_1930, %select_n3A_1887 : vector<16xi1>, vector<16xi32>
      %select_n3A_1935 = arith.select %gt3A_1931, %select_n3A_1887, %select_n3A_1930 : vector<16xi1>, vector<16xi32>
      %gt3A_1936 = arith.cmpf ogt, %select_n3A_1933, %select_n3A_1890 : vector<16xf32>
      %select_n3A_1937 = arith.select %gt3A_1936, %select_n3A_1933, %select_n3A_1890 : vector<16xi1>, vector<16xf32>
      %select_n3A_1938 = arith.select %gt3A_1936, %select_n3A_1890, %select_n3A_1933 : vector<16xi1>, vector<16xf32>
      %select_n3A_1939 = arith.select %gt3A_1936, %select_n3A_1935, %select_n3A_1892 : vector<16xi1>, vector<16xi32>
      %select_n3A_1940 = arith.select %gt3A_1936, %select_n3A_1892, %select_n3A_1935 : vector<16xi1>, vector<16xi32>
      %gt3A_1941 = arith.cmpf ogt, %select_n3A_1938, %select_n3A_1895 : vector<16xf32>
      %select_n3A_1942 = arith.select %gt3A_1941, %select_n3A_1938, %select_n3A_1895 : vector<16xi1>, vector<16xf32>
      %select_n3A_1943 = arith.select %gt3A_1941, %select_n3A_1895, %select_n3A_1938 : vector<16xi1>, vector<16xf32>
      %select_n3A_1944 = arith.select %gt3A_1941, %select_n3A_1940, %select_n3A_1897 : vector<16xi1>, vector<16xi32>
      %select_n3A_1945 = arith.select %gt3A_1941, %select_n3A_1897, %select_n3A_1940 : vector<16xi1>, vector<16xi32>
      %get3A_1946 = arith.constant 45 : i32
      %get3A_1947 = arith.index_cast %get3A_1946 : i32 to index
      %get3A_1948 = arith.index_cast %mul3A_13 : i32 to index
      %get3A_1949 = tpu.vector_load %arg5[%get3A_1947, %get3A_1948] {strides = array<i32>} : memref<64x1024xf32, #tpu.memory_space<vmem>>, vector<16xf32>,
      %mul3A_1950 = arith.constant 45 : i32
      %mul3A_1951 = vector.broadcast %mul3A_1950 : i32 to vector<16xi32>
      %mul3A_1952 = arith.muli %broadcast_in_dim3A_3, %mul3A_1951 : vector<16xi32>
      %gt3A_1953 = arith.cmpf ogt, %get3A_1949, %select_n3A_1907 : vector<16xf32>
      %select_n3A_1954 = arith.select %gt3A_1953, %get3A_1949, %select_n3A_1907 : vector<16xi1>, vector<16xf32>
      %select_n3A_1955 = arith.select %gt3A_1953, %select_n3A_1907, %get3A_1949 : vector<16xi1>, vector<16xf32>
      %select_n3A_1956 = arith.select %gt3A_1953, %mul3A_1952, %select_n3A_1909 : vector<16xi1>, vector<16xi32>
      %select_n3A_1957 = arith.select %gt3A_1953, %select_n3A_1909, %mul3A_1952 : vector<16xi1>, vector<16xi32>
      %gt3A_1958 = arith.cmpf ogt, %select_n3A_1955, %select_n3A_1912 : vector<16xf32>
      %select_n3A_1959 = arith.select %gt3A_1958, %select_n3A_1955, %select_n3A_1912 : vector<16xi1>, vector<16xf32>
      %select_n3A_1960 = arith.select %gt3A_1958, %select_n3A_1912, %select_n3A_1955 : vector<16xi1>, vector<16xf32>
      %select_n3A_1961 = arith.select %gt3A_1958, %select_n3A_1957, %select_n3A_1914 : vector<16xi1>, vector<16xi32>
      %select_n3A_1962 = arith.select %gt3A_1958, %select_n3A_1914, %select_n3A_1957 : vector<16xi1>, vector<16xi32>
      %gt3A_1963 = arith.cmpf ogt, %select_n3A_1960, %select_n3A_1917 : vector<16xf32>
      %select_n3A_1964 = arith.select %gt3A_1963, %select_n3A_1960, %select_n3A_1917 : vector<16xi1>, vector<16xf32>
      %select_n3A_1965 = arith.select %gt3A_1963, %select_n3A_1917, %select_n3A_1960 : vector<16xi1>, vector<16xf32>
      %select_n3A_1966 = arith.select %gt3A_1963, %select_n3A_1962, %select_n3A_1919 : vector<16xi1>, vector<16xi32>
      %select_n3A_1967 = arith.select %gt3A_1963, %select_n3A_1919, %select_n3A_1962 : vector<16xi1>, vector<16xi32>
      %gt3A_1968 = arith.cmpf ogt, %select_n3A_1965, %select_n3A_1922 : vector<16xf32>
      %select_n3A_1969 = arith.select %gt3A_1968, %select_n3A_1965, %select_n3A_1922 : vector<16xi1>, vector<16xf32>
      %select_n3A_1970 = arith.select %gt3A_1968, %select_n3A_1922, %select_n3A_1965 : vector<16xi1>, vector<16xf32>
      %select_n3A_1971 = arith.select %gt3A_1968, %select_n3A_1967, %select_n3A_1924 : vector<16xi1>, vector<16xi32>
      %select_n3A_1972 = arith.select %gt3A_1968, %select_n3A_1924, %select_n3A_1967 : vector<16xi1>, vector<16xi32>
      %gt3A_1973 = arith.cmpf ogt, %select_n3A_1970, %select_n3A_1927 : vector<16xf32>
      %select_n3A_1974 = arith.select %gt3A_1973, %select_n3A_1970, %select_n3A_1927 : vector<16xi1>, vector<16xf32>
      %select_n3A_1975 = arith.select %gt3A_1973, %select_n3A_1927, %select_n3A_1970 : vector<16xi1>, vector<16xf32>
      %select_n3A_1976 = arith.select %gt3A_1973, %select_n3A_1972, %select_n3A_1929 : vector<16xi1>, vector<16xi32>
      %select_n3A_1977 = arith.select %gt3A_1973, %select_n3A_1929, %select_n3A_1972 : vector<16xi1>, vector<16xi32>
      %gt3A_1978 = arith.cmpf ogt, %select_n3A_1975, %select_n3A_1932 : vector<16xf32>
      %select_n3A_1979 = arith.select %gt3A_1978, %select_n3A_1975, %select_n3A_1932 : vector<16xi1>, vector<16xf32>
      %select_n3A_1980 = arith.select %gt3A_1978, %select_n3A_1932, %select_n3A_1975 : vector<16xi1>, vector<16xf32>
      %select_n3A_1981 = arith.select %gt3A_1978, %select_n3A_1977, %select_n3A_1934 : vector<16xi1>, vector<16xi32>
      %select_n3A_1982 = arith.select %gt3A_1978, %select_n3A_1934, %select_n3A_1977 : vector<16xi1>, vector<16xi32>
      %gt3A_1983 = arith.cmpf ogt, %select_n3A_1980, %select_n3A_1937 : vector<16xf32>
      %select_n3A_1984 = arith.select %gt3A_1983, %select_n3A_1980, %select_n3A_1937 : vector<16xi1>, vector<16xf32>
      %select_n3A_1985 = arith.select %gt3A_1983, %select_n3A_1937, %select_n3A_1980 : vector<16xi1>, vector<16xf32>
      %select_n3A_1986 = arith.select %gt3A_1983, %select_n3A_1982, %select_n3A_1939 : vector<16xi1>, vector<16xi32>
      %select_n3A_1987 = arith.select %gt3A_1983, %select_n3A_1939, %select_n3A_1982 : vector<16xi1>, vector<16xi32>
      %gt3A_1988 = arith.cmpf ogt, %select_n3A_1985, %select_n3A_1942 : vector<16xf32>
      %select_n3A_1989 = arith.select %gt3A_1988, %select_n3A_1985, %select_n3A_1942 : vector<16xi1>, vector<16xf32>
      %select_n3A_1990 = arith.select %gt3A_1988, %select_n3A_1942, %select_n3A_1985 : vector<16xi1>, vector<16xf32>
      %select_n3A_1991 = arith.select %gt3A_1988, %select_n3A_1987, %select_n3A_1944 : vector<16xi1>, vector<16xi32>
      %select_n3A_1992 = arith.select %gt3A_1988, %select_n3A_1944, %select_n3A_1987 : vector<16xi1>, vector<16xi32>
      %get3A_1993 = arith.constant 46 : i32
      %get3A_1994 = arith.index_cast %get3A_1993 : i32 to index
      %get3A_1995 = arith.index_cast %mul3A_13 : i32 to index
      %get3A_1996 = tpu.vector_load %arg5[%get3A_1994, %get3A_1995] {strides = array<i32>} : memref<64x1024xf32, #tpu.memory_space<vmem>>, vector<16xf32>,
      %mul3A_1997 = arith.constant 46 : i32
      %mul3A_1998 = vector.broadcast %mul3A_1997 : i32 to vector<16xi32>
      %mul3A_1999 = arith.muli %broadcast_in_dim3A_3, %mul3A_1998 : vector<16xi32>
      %gt3A_2000 = arith.cmpf ogt, %get3A_1996, %select_n3A_1954 : vector<16xf32>
      %select_n3A_2001 = arith.select %gt3A_2000, %get3A_1996, %select_n3A_1954 : vector<16xi1>, vector<16xf32>
      %select_n3A_2002 = arith.select %gt3A_2000, %select_n3A_1954, %get3A_1996 : vector<16xi1>, vector<16xf32>
      %select_n3A_2003 = arith.select %gt3A_2000, %mul3A_1999, %select_n3A_1956 : vector<16xi1>, vector<16xi32>
      %select_n3A_2004 = arith.select %gt3A_2000, %select_n3A_1956, %mul3A_1999 : vector<16xi1>, vector<16xi32>
      %gt3A_2005 = arith.cmpf ogt, %select_n3A_2002, %select_n3A_1959 : vector<16xf32>
      %select_n3A_2006 = arith.select %gt3A_2005, %select_n3A_2002, %select_n3A_1959 : vector<16xi1>, vector<16xf32>
      %select_n3A_2007 = arith.select %gt3A_2005, %select_n3A_1959, %select_n3A_2002 : vector<16xi1>, vector<16xf32>
      %select_n3A_2008 = arith.select %gt3A_2005, %select_n3A_2004, %select_n3A_1961 : vector<16xi1>, vector<16xi32>
      %select_n3A_2009 = arith.select %gt3A_2005, %select_n3A_1961, %select_n3A_2004 : vector<16xi1>, vector<16xi32>
      %gt3A_2010 = arith.cmpf ogt, %select_n3A_2007, %select_n3A_1964 : vector<16xf32>
      %select_n3A_2011 = arith.select %gt3A_2010, %select_n3A_2007, %select_n3A_1964 : vector<16xi1>, vector<16xf32>
      %select_n3A_2012 = arith.select %gt3A_2010, %select_n3A_1964, %select_n3A_2007 : vector<16xi1>, vector<16xf32>
      %select_n3A_2013 = arith.select %gt3A_2010, %select_n3A_2009, %select_n3A_1966 : vector<16xi1>, vector<16xi32>
      %select_n3A_2014 = arith.select %gt3A_2010, %select_n3A_1966, %select_n3A_2009 : vector<16xi1>, vector<16xi32>
      %gt3A_2015 = arith.cmpf ogt, %select_n3A_2012, %select_n3A_1969 : vector<16xf32>
      %select_n3A_2016 = arith.select %gt3A_2015, %select_n3A_2012, %select_n3A_1969 : vector<16xi1>, vector<16xf32>
      %select_n3A_2017 = arith.select %gt3A_2015, %select_n3A_1969, %select_n3A_2012 : vector<16xi1>, vector<16xf32>
      %select_n3A_2018 = arith.select %gt3A_2015, %select_n3A_2014, %select_n3A_1971 : vector<16xi1>, vector<16xi32>
      %select_n3A_2019 = arith.select %gt3A_2015, %select_n3A_1971, %select_n3A_2014 : vector<16xi1>, vector<16xi32>
      %gt3A_2020 = arith.cmpf ogt, %select_n3A_2017, %select_n3A_1974 : vector<16xf32>
      %select_n3A_2021 = arith.select %gt3A_2020, %select_n3A_2017, %select_n3A_1974 : vector<16xi1>, vector<16xf32>
      %select_n3A_2022 = arith.select %gt3A_2020, %select_n3A_1974, %select_n3A_2017 : vector<16xi1>, vector<16xf32>
      %select_n3A_2023 = arith.select %gt3A_2020, %select_n3A_2019, %select_n3A_1976 : vector<16xi1>, vector<16xi32>
      %select_n3A_2024 = arith.select %gt3A_2020, %select_n3A_1976, %select_n3A_2019 : vector<16xi1>, vector<16xi32>
      %gt3A_2025 = arith.cmpf ogt, %select_n3A_2022, %select_n3A_1979 : vector<16xf32>
      %select_n3A_2026 = arith.select %gt3A_2025, %select_n3A_2022, %select_n3A_1979 : vector<16xi1>, vector<16xf32>
      %select_n3A_2027 = arith.select %gt3A_2025, %select_n3A_1979, %select_n3A_2022 : vector<16xi1>, vector<16xf32>
      %select_n3A_2028 = arith.select %gt3A_2025, %select_n3A_2024, %select_n3A_1981 : vector<16xi1>, vector<16xi32>
      %select_n3A_2029 = arith.select %gt3A_2025, %select_n3A_1981, %select_n3A_2024 : vector<16xi1>, vector<16xi32>
      %gt3A_2030 = arith.cmpf ogt, %select_n3A_2027, %select_n3A_1984 : vector<16xf32>
      %select_n3A_2031 = arith.select %gt3A_2030, %select_n3A_2027, %select_n3A_1984 : vector<16xi1>, vector<16xf32>
      %select_n3A_2032 = arith.select %gt3A_2030, %select_n3A_1984, %select_n3A_2027 : vector<16xi1>, vector<16xf32>
      %select_n3A_2033 = arith.select %gt3A_2030, %select_n3A_2029, %select_n3A_1986 : vector<16xi1>, vector<16xi32>
      %select_n3A_2034 = arith.select %gt3A_2030, %select_n3A_1986, %select_n3A_2029 : vector<16xi1>, vector<16xi32>
      %gt3A_2035 = arith.cmpf ogt, %select_n3A_2032, %select_n3A_1989 : vector<16xf32>
      %select_n3A_2036 = arith.select %gt3A_2035, %select_n3A_2032, %select_n3A_1989 : vector<16xi1>, vector<16xf32>
      %select_n3A_2037 = arith.select %gt3A_2035, %select_n3A_1989, %select_n3A_2032 : vector<16xi1>, vector<16xf32>
      %select_n3A_2038 = arith.select %gt3A_2035, %select_n3A_2034, %select_n3A_1991 : vector<16xi1>, vector<16xi32>
      %select_n3A_2039 = arith.select %gt3A_2035, %select_n3A_1991, %select_n3A_2034 : vector<16xi1>, vector<16xi32>
      %get3A_2040 = arith.constant 47 : i32
      %get3A_2041 = arith.index_cast %get3A_2040 : i32 to index
      %get3A_2042 = arith.index_cast %mul3A_13 : i32 to index
      %get3A_2043 = tpu.vector_load %arg5[%get3A_2041, %get3A_2042] {strides = array<i32>} : memref<64x1024xf32, #tpu.memory_space<vmem>>, vector<16xf32>,
      %mul3A_2044 = arith.constant 47 : i32
      %mul3A_2045 = vector.broadcast %mul3A_2044 : i32 to vector<16xi32>
      %mul3A_2046 = arith.muli %broadcast_in_dim3A_3, %mul3A_2045 : vector<16xi32>
      %gt3A_2047 = arith.cmpf ogt, %get3A_2043, %select_n3A_2001 : vector<16xf32>
      %select_n3A_2048 = arith.select %gt3A_2047, %get3A_2043, %select_n3A_2001 : vector<16xi1>, vector<16xf32>
      %select_n3A_2049 = arith.select %gt3A_2047, %select_n3A_2001, %get3A_2043 : vector<16xi1>, vector<16xf32>
      %select_n3A_2050 = arith.select %gt3A_2047, %mul3A_2046, %select_n3A_2003 : vector<16xi1>, vector<16xi32>
      %select_n3A_2051 = arith.select %gt3A_2047, %select_n3A_2003, %mul3A_2046 : vector<16xi1>, vector<16xi32>
      %gt3A_2052 = arith.cmpf ogt, %select_n3A_2049, %select_n3A_2006 : vector<16xf32>
      %select_n3A_2053 = arith.select %gt3A_2052, %select_n3A_2049, %select_n3A_2006 : vector<16xi1>, vector<16xf32>
      %select_n3A_2054 = arith.select %gt3A_2052, %select_n3A_2006, %select_n3A_2049 : vector<16xi1>, vector<16xf32>
      %select_n3A_2055 = arith.select %gt3A_2052, %select_n3A_2051, %select_n3A_2008 : vector<16xi1>, vector<16xi32>
      %select_n3A_2056 = arith.select %gt3A_2052, %select_n3A_2008, %select_n3A_2051 : vector<16xi1>, vector<16xi32>
      %gt3A_2057 = arith.cmpf ogt, %select_n3A_2054, %select_n3A_2011 : vector<16xf32>
      %select_n3A_2058 = arith.select %gt3A_2057, %select_n3A_2054, %select_n3A_2011 : vector<16xi1>, vector<16xf32>
      %select_n3A_2059 = arith.select %gt3A_2057, %select_n3A_2011, %select_n3A_2054 : vector<16xi1>, vector<16xf32>
      %select_n3A_2060 = arith.select %gt3A_2057, %select_n3A_2056, %select_n3A_2013 : vector<16xi1>, vector<16xi32>
      %select_n3A_2061 = arith.select %gt3A_2057, %select_n3A_2013, %select_n3A_2056 : vector<16xi1>, vector<16xi32>
      %gt3A_2062 = arith.cmpf ogt, %select_n3A_2059, %select_n3A_2016 : vector<16xf32>
      %select_n3A_2063 = arith.select %gt3A_2062, %select_n3A_2059, %select_n3A_2016 : vector<16xi1>, vector<16xf32>
      %select_n3A_2064 = arith.select %gt3A_2062, %select_n3A_2016, %select_n3A_2059 : vector<16xi1>, vector<16xf32>
      %select_n3A_2065 = arith.select %gt3A_2062, %select_n3A_2061, %select_n3A_2018 : vector<16xi1>, vector<16xi32>
      %select_n3A_2066 = arith.select %gt3A_2062, %select_n3A_2018, %select_n3A_2061 : vector<16xi1>, vector<16xi32>
      %gt3A_2067 = arith.cmpf ogt, %select_n3A_2064, %select_n3A_2021 : vector<16xf32>
      %select_n3A_2068 = arith.select %gt3A_2067, %select_n3A_2064, %select_n3A_2021 : vector<16xi1>, vector<16xf32>
      %select_n3A_2069 = arith.select %gt3A_2067, %select_n3A_2021, %select_n3A_2064 : vector<16xi1>, vector<16xf32>
      %select_n3A_2070 = arith.select %gt3A_2067, %select_n3A_2066, %select_n3A_2023 : vector<16xi1>, vector<16xi32>
      %select_n3A_2071 = arith.select %gt3A_2067, %select_n3A_2023, %select_n3A_2066 : vector<16xi1>, vector<16xi32>
      %gt3A_2072 = arith.cmpf ogt, %select_n3A_2069, %select_n3A_2026 : vector<16xf32>
      %select_n3A_2073 = arith.select %gt3A_2072, %select_n3A_2069, %select_n3A_2026 : vector<16xi1>, vector<16xf32>
      %select_n3A_2074 = arith.select %gt3A_2072, %select_n3A_2026, %select_n3A_2069 : vector<16xi1>, vector<16xf32>
      %select_n3A_2075 = arith.select %gt3A_2072, %select_n3A_2071, %select_n3A_2028 : vector<16xi1>, vector<16xi32>
      %select_n3A_2076 = arith.select %gt3A_2072, %select_n3A_2028, %select_n3A_2071 : vector<16xi1>, vector<16xi32>
      %gt3A_2077 = arith.cmpf ogt, %select_n3A_2074, %select_n3A_2031 : vector<16xf32>
      %select_n3A_2078 = arith.select %gt3A_2077, %select_n3A_2074, %select_n3A_2031 : vector<16xi1>, vector<16xf32>
      %select_n3A_2079 = arith.select %gt3A_2077, %select_n3A_2031, %select_n3A_2074 : vector<16xi1>, vector<16xf32>
      %select_n3A_2080 = arith.select %gt3A_2077, %select_n3A_2076, %select_n3A_2033 : vector<16xi1>, vector<16xi32>
      %select_n3A_2081 = arith.select %gt3A_2077, %select_n3A_2033, %select_n3A_2076 : vector<16xi1>, vector<16xi32>
      %gt3A_2082 = arith.cmpf ogt, %select_n3A_2079, %select_n3A_2036 : vector<16xf32>
      %select_n3A_2083 = arith.select %gt3A_2082, %select_n3A_2079, %select_n3A_2036 : vector<16xi1>, vector<16xf32>
      %select_n3A_2084 = arith.select %gt3A_2082, %select_n3A_2036, %select_n3A_2079 : vector<16xi1>, vector<16xf32>
      %select_n3A_2085 = arith.select %gt3A_2082, %select_n3A_2081, %select_n3A_2038 : vector<16xi1>, vector<16xi32>
      %select_n3A_2086 = arith.select %gt3A_2082, %select_n3A_2038, %select_n3A_2081 : vector<16xi1>, vector<16xi32>
      %get3A_2087 = arith.constant 48 : i32
      %get3A_2088 = arith.index_cast %get3A_2087 : i32 to index
      %get3A_2089 = arith.index_cast %mul3A_13 : i32 to index
      %get3A_2090 = tpu.vector_load %arg5[%get3A_2088, %get3A_2089] {strides = array<i32>} : memref<64x1024xf32, #tpu.memory_space<vmem>>, vector<16xf32>,
      %mul3A_2091 = arith.constant 48 : i32
      %mul3A_2092 = vector.broadcast %mul3A_2091 : i32 to vector<16xi32>
      %mul3A_2093 = arith.muli %broadcast_in_dim3A_3, %mul3A_2092 : vector<16xi32>
      %gt3A_2094 = arith.cmpf ogt, %get3A_2090, %select_n3A_2048 : vector<16xf32>
      %select_n3A_2095 = arith.select %gt3A_2094, %get3A_2090, %select_n3A_2048 : vector<16xi1>, vector<16xf32>
      %select_n3A_2096 = arith.select %gt3A_2094, %select_n3A_2048, %get3A_2090 : vector<16xi1>, vector<16xf32>
      %select_n3A_2097 = arith.select %gt3A_2094, %mul3A_2093, %select_n3A_2050 : vector<16xi1>, vector<16xi32>
      %select_n3A_2098 = arith.select %gt3A_2094, %select_n3A_2050, %mul3A_2093 : vector<16xi1>, vector<16xi32>
      %gt3A_2099 = arith.cmpf ogt, %select_n3A_2096, %select_n3A_2053 : vector<16xf32>
      %select_n3A_2100 = arith.select %gt3A_2099, %select_n3A_2096, %select_n3A_2053 : vector<16xi1>, vector<16xf32>
      %select_n3A_2101 = arith.select %gt3A_2099, %select_n3A_2053, %select_n3A_2096 : vector<16xi1>, vector<16xf32>
      %select_n3A_2102 = arith.select %gt3A_2099, %select_n3A_2098, %select_n3A_2055 : vector<16xi1>, vector<16xi32>
      %select_n3A_2103 = arith.select %gt3A_2099, %select_n3A_2055, %select_n3A_2098 : vector<16xi1>, vector<16xi32>
      %gt3A_2104 = arith.cmpf ogt, %select_n3A_2101, %select_n3A_2058 : vector<16xf32>
      %select_n3A_2105 = arith.select %gt3A_2104, %select_n3A_2101, %select_n3A_2058 : vector<16xi1>, vector<16xf32>
      %select_n3A_2106 = arith.select %gt3A_2104, %select_n3A_2058, %select_n3A_2101 : vector<16xi1>, vector<16xf32>
      %select_n3A_2107 = arith.select %gt3A_2104, %select_n3A_2103, %select_n3A_2060 : vector<16xi1>, vector<16xi32>
      %select_n3A_2108 = arith.select %gt3A_2104, %select_n3A_2060, %select_n3A_2103 : vector<16xi1>, vector<16xi32>
      %gt3A_2109 = arith.cmpf ogt, %select_n3A_2106, %select_n3A_2063 : vector<16xf32>
      %select_n3A_2110 = arith.select %gt3A_2109, %select_n3A_2106, %select_n3A_2063 : vector<16xi1>, vector<16xf32>
      %select_n3A_2111 = arith.select %gt3A_2109, %select_n3A_2063, %select_n3A_2106 : vector<16xi1>, vector<16xf32>
      %select_n3A_2112 = arith.select %gt3A_2109, %select_n3A_2108, %select_n3A_2065 : vector<16xi1>, vector<16xi32>
      %select_n3A_2113 = arith.select %gt3A_2109, %select_n3A_2065, %select_n3A_2108 : vector<16xi1>, vector<16xi32>
      %gt3A_2114 = arith.cmpf ogt, %select_n3A_2111, %select_n3A_2068 : vector<16xf32>
      %select_n3A_2115 = arith.select %gt3A_2114, %select_n3A_2111, %select_n3A_2068 : vector<16xi1>, vector<16xf32>
      %select_n3A_2116 = arith.select %gt3A_2114, %select_n3A_2068, %select_n3A_2111 : vector<16xi1>, vector<16xf32>
      %select_n3A_2117 = arith.select %gt3A_2114, %select_n3A_2113, %select_n3A_2070 : vector<16xi1>, vector<16xi32>
      %select_n3A_2118 = arith.select %gt3A_2114, %select_n3A_2070, %select_n3A_2113 : vector<16xi1>, vector<16xi32>
      %gt3A_2119 = arith.cmpf ogt, %select_n3A_2116, %select_n3A_2073 : vector<16xf32>
      %select_n3A_2120 = arith.select %gt3A_2119, %select_n3A_2116, %select_n3A_2073 : vector<16xi1>, vector<16xf32>
      %select_n3A_2121 = arith.select %gt3A_2119, %select_n3A_2073, %select_n3A_2116 : vector<16xi1>, vector<16xf32>
      %select_n3A_2122 = arith.select %gt3A_2119, %select_n3A_2118, %select_n3A_2075 : vector<16xi1>, vector<16xi32>
      %select_n3A_2123 = arith.select %gt3A_2119, %select_n3A_2075, %select_n3A_2118 : vector<16xi1>, vector<16xi32>
      %gt3A_2124 = arith.cmpf ogt, %select_n3A_2121, %select_n3A_2078 : vector<16xf32>
      %select_n3A_2125 = arith.select %gt3A_2124, %select_n3A_2121, %select_n3A_2078 : vector<16xi1>, vector<16xf32>
      %select_n3A_2126 = arith.select %gt3A_2124, %select_n3A_2078, %select_n3A_2121 : vector<16xi1>, vector<16xf32>
      %select_n3A_2127 = arith.select %gt3A_2124, %select_n3A_2123, %select_n3A_2080 : vector<16xi1>, vector<16xi32>
      %select_n3A_2128 = arith.select %gt3A_2124, %select_n3A_2080, %select_n3A_2123 : vector<16xi1>, vector<16xi32>
      %gt3A_2129 = arith.cmpf ogt, %select_n3A_2126, %select_n3A_2083 : vector<16xf32>
      %select_n3A_2130 = arith.select %gt3A_2129, %select_n3A_2126, %select_n3A_2083 : vector<16xi1>, vector<16xf32>
      %select_n3A_2131 = arith.select %gt3A_2129, %select_n3A_2083, %select_n3A_2126 : vector<16xi1>, vector<16xf32>
      %select_n3A_2132 = arith.select %gt3A_2129, %select_n3A_2128, %select_n3A_2085 : vector<16xi1>, vector<16xi32>
      %select_n3A_2133 = arith.select %gt3A_2129, %select_n3A_2085, %select_n3A_2128 : vector<16xi1>, vector<16xi32>
      %get3A_2134 = arith.constant 49 : i32
      %get3A_2135 = arith.index_cast %get3A_2134 : i32 to index
      %get3A_2136 = arith.index_cast %mul3A_13 : i32 to index
      %get3A_2137 = tpu.vector_load %arg5[%get3A_2135, %get3A_2136] {strides = array<i32>} : memref<64x1024xf32, #tpu.memory_space<vmem>>, vector<16xf32>,
      %mul3A_2138 = arith.constant 49 : i32
      %mul3A_2139 = vector.broadcast %mul3A_2138 : i32 to vector<16xi32>
      %mul3A_2140 = arith.muli %broadcast_in_dim3A_3, %mul3A_2139 : vector<16xi32>
      %gt3A_2141 = arith.cmpf ogt, %get3A_2137, %select_n3A_2095 : vector<16xf32>
      %select_n3A_2142 = arith.select %gt3A_2141, %get3A_2137, %select_n3A_2095 : vector<16xi1>, vector<16xf32>
      %select_n3A_2143 = arith.select %gt3A_2141, %select_n3A_2095, %get3A_2137 : vector<16xi1>, vector<16xf32>
      %select_n3A_2144 = arith.select %gt3A_2141, %mul3A_2140, %select_n3A_2097 : vector<16xi1>, vector<16xi32>
      %select_n3A_2145 = arith.select %gt3A_2141, %select_n3A_2097, %mul3A_2140 : vector<16xi1>, vector<16xi32>
      %gt3A_2146 = arith.cmpf ogt, %select_n3A_2143, %select_n3A_2100 : vector<16xf32>
      %select_n3A_2147 = arith.select %gt3A_2146, %select_n3A_2143, %select_n3A_2100 : vector<16xi1>, vector<16xf32>
      %select_n3A_2148 = arith.select %gt3A_2146, %select_n3A_2100, %select_n3A_2143 : vector<16xi1>, vector<16xf32>
      %select_n3A_2149 = arith.select %gt3A_2146, %select_n3A_2145, %select_n3A_2102 : vector<16xi1>, vector<16xi32>
      %select_n3A_2150 = arith.select %gt3A_2146, %select_n3A_2102, %select_n3A_2145 : vector<16xi1>, vector<16xi32>
      %gt3A_2151 = arith.cmpf ogt, %select_n3A_2148, %select_n3A_2105 : vector<16xf32>
      %select_n3A_2152 = arith.select %gt3A_2151, %select_n3A_2148, %select_n3A_2105 : vector<16xi1>, vector<16xf32>
      %select_n3A_2153 = arith.select %gt3A_2151, %select_n3A_2105, %select_n3A_2148 : vector<16xi1>, vector<16xf32>
      %select_n3A_2154 = arith.select %gt3A_2151, %select_n3A_2150, %select_n3A_2107 : vector<16xi1>, vector<16xi32>
      %select_n3A_2155 = arith.select %gt3A_2151, %select_n3A_2107, %select_n3A_2150 : vector<16xi1>, vector<16xi32>
      %gt3A_2156 = arith.cmpf ogt, %select_n3A_2153, %select_n3A_2110 : vector<16xf32>
      %select_n3A_2157 = arith.select %gt3A_2156, %select_n3A_2153, %select_n3A_2110 : vector<16xi1>, vector<16xf32>
      %select_n3A_2158 = arith.select %gt3A_2156, %select_n3A_2110, %select_n3A_2153 : vector<16xi1>, vector<16xf32>
      %select_n3A_2159 = arith.select %gt3A_2156, %select_n3A_2155, %select_n3A_2112 : vector<16xi1>, vector<16xi32>
      %select_n3A_2160 = arith.select %gt3A_2156, %select_n3A_2112, %select_n3A_2155 : vector<16xi1>, vector<16xi32>
      %gt3A_2161 = arith.cmpf ogt, %select_n3A_2158, %select_n3A_2115 : vector<16xf32>
      %select_n3A_2162 = arith.select %gt3A_2161, %select_n3A_2158, %select_n3A_2115 : vector<16xi1>, vector<16xf32>
      %select_n3A_2163 = arith.select %gt3A_2161, %select_n3A_2115, %select_n3A_2158 : vector<16xi1>, vector<16xf32>
      %select_n3A_2164 = arith.select %gt3A_2161, %select_n3A_2160, %select_n3A_2117 : vector<16xi1>, vector<16xi32>
      %select_n3A_2165 = arith.select %gt3A_2161, %select_n3A_2117, %select_n3A_2160 : vector<16xi1>, vector<16xi32>
      %gt3A_2166 = arith.cmpf ogt, %select_n3A_2163, %select_n3A_2120 : vector<16xf32>
      %select_n3A_2167 = arith.select %gt3A_2166, %select_n3A_2163, %select_n3A_2120 : vector<16xi1>, vector<16xf32>
      %select_n3A_2168 = arith.select %gt3A_2166, %select_n3A_2120, %select_n3A_2163 : vector<16xi1>, vector<16xf32>
      %select_n3A_2169 = arith.select %gt3A_2166, %select_n3A_2165, %select_n3A_2122 : vector<16xi1>, vector<16xi32>
      %select_n3A_2170 = arith.select %gt3A_2166, %select_n3A_2122, %select_n3A_2165 : vector<16xi1>, vector<16xi32>
      %gt3A_2171 = arith.cmpf ogt, %select_n3A_2168, %select_n3A_2125 : vector<16xf32>
      %select_n3A_2172 = arith.select %gt3A_2171, %select_n3A_2168, %select_n3A_2125 : vector<16xi1>, vector<16xf32>
      %select_n3A_2173 = arith.select %gt3A_2171, %select_n3A_2125, %select_n3A_2168 : vector<16xi1>, vector<16xf32>
      %select_n3A_2174 = arith.select %gt3A_2171, %select_n3A_2170, %select_n3A_2127 : vector<16xi1>, vector<16xi32>
      %select_n3A_2175 = arith.select %gt3A_2171, %select_n3A_2127, %select_n3A_2170 : vector<16xi1>, vector<16xi32>
      %gt3A_2176 = arith.cmpf ogt, %select_n3A_2173, %select_n3A_2130 : vector<16xf32>
      %select_n3A_2177 = arith.select %gt3A_2176, %select_n3A_2173, %select_n3A_2130 : vector<16xi1>, vector<16xf32>
      %select_n3A_2178 = arith.select %gt3A_2176, %select_n3A_2130, %select_n3A_2173 : vector<16xi1>, vector<16xf32>
      %select_n3A_2179 = arith.select %gt3A_2176, %select_n3A_2175, %select_n3A_2132 : vector<16xi1>, vector<16xi32>
      %select_n3A_2180 = arith.select %gt3A_2176, %select_n3A_2132, %select_n3A_2175 : vector<16xi1>, vector<16xi32>
      %get3A_2181 = arith.constant 50 : i32
      %get3A_2182 = arith.index_cast %get3A_2181 : i32 to index
      %get3A_2183 = arith.index_cast %mul3A_13 : i32 to index
      %get3A_2184 = tpu.vector_load %arg5[%get3A_2182, %get3A_2183] {strides = array<i32>} : memref<64x1024xf32, #tpu.memory_space<vmem>>, vector<16xf32>,
      %mul3A_2185 = arith.constant 50 : i32
      %mul3A_2186 = vector.broadcast %mul3A_2185 : i32 to vector<16xi32>
      %mul3A_2187 = arith.muli %broadcast_in_dim3A_3, %mul3A_2186 : vector<16xi32>
      %gt3A_2188 = arith.cmpf ogt, %get3A_2184, %select_n3A_2142 : vector<16xf32>
      %select_n3A_2189 = arith.select %gt3A_2188, %get3A_2184, %select_n3A_2142 : vector<16xi1>, vector<16xf32>
      %select_n3A_2190 = arith.select %gt3A_2188, %select_n3A_2142, %get3A_2184 : vector<16xi1>, vector<16xf32>
      %select_n3A_2191 = arith.select %gt3A_2188, %mul3A_2187, %select_n3A_2144 : vector<16xi1>, vector<16xi32>
      %select_n3A_2192 = arith.select %gt3A_2188, %select_n3A_2144, %mul3A_2187 : vector<16xi1>, vector<16xi32>
      %gt3A_2193 = arith.cmpf ogt, %select_n3A_2190, %select_n3A_2147 : vector<16xf32>
      %select_n3A_2194 = arith.select %gt3A_2193, %select_n3A_2190, %select_n3A_2147 : vector<16xi1>, vector<16xf32>
      %select_n3A_2195 = arith.select %gt3A_2193, %select_n3A_2147, %select_n3A_2190 : vector<16xi1>, vector<16xf32>
      %select_n3A_2196 = arith.select %gt3A_2193, %select_n3A_2192, %select_n3A_2149 : vector<16xi1>, vector<16xi32>
      %select_n3A_2197 = arith.select %gt3A_2193, %select_n3A_2149, %select_n3A_2192 : vector<16xi1>, vector<16xi32>
      %gt3A_2198 = arith.cmpf ogt, %select_n3A_2195, %select_n3A_2152 : vector<16xf32>
      %select_n3A_2199 = arith.select %gt3A_2198, %select_n3A_2195, %select_n3A_2152 : vector<16xi1>, vector<16xf32>
      %select_n3A_2200 = arith.select %gt3A_2198, %select_n3A_2152, %select_n3A_2195 : vector<16xi1>, vector<16xf32>
      %select_n3A_2201 = arith.select %gt3A_2198, %select_n3A_2197, %select_n3A_2154 : vector<16xi1>, vector<16xi32>
      %select_n3A_2202 = arith.select %gt3A_2198, %select_n3A_2154, %select_n3A_2197 : vector<16xi1>, vector<16xi32>
      %gt3A_2203 = arith.cmpf ogt, %select_n3A_2200, %select_n3A_2157 : vector<16xf32>
      %select_n3A_2204 = arith.select %gt3A_2203, %select_n3A_2200, %select_n3A_2157 : vector<16xi1>, vector<16xf32>
      %select_n3A_2205 = arith.select %gt3A_2203, %select_n3A_2157, %select_n3A_2200 : vector<16xi1>, vector<16xf32>
      %select_n3A_2206 = arith.select %gt3A_2203, %select_n3A_2202, %select_n3A_2159 : vector<16xi1>, vector<16xi32>
      %select_n3A_2207 = arith.select %gt3A_2203, %select_n3A_2159, %select_n3A_2202 : vector<16xi1>, vector<16xi32>
      %gt3A_2208 = arith.cmpf ogt, %select_n3A_2205, %select_n3A_2162 : vector<16xf32>
      %select_n3A_2209 = arith.select %gt3A_2208, %select_n3A_2205, %select_n3A_2162 : vector<16xi1>, vector<16xf32>
      %select_n3A_2210 = arith.select %gt3A_2208, %select_n3A_2162, %select_n3A_2205 : vector<16xi1>, vector<16xf32>
      %select_n3A_2211 = arith.select %gt3A_2208, %select_n3A_2207, %select_n3A_2164 : vector<16xi1>, vector<16xi32>
      %select_n3A_2212 = arith.select %gt3A_2208, %select_n3A_2164, %select_n3A_2207 : vector<16xi1>, vector<16xi32>
      %gt3A_2213 = arith.cmpf ogt, %select_n3A_2210, %select_n3A_2167 : vector<16xf32>
      %select_n3A_2214 = arith.select %gt3A_2213, %select_n3A_2210, %select_n3A_2167 : vector<16xi1>, vector<16xf32>
      %select_n3A_2215 = arith.select %gt3A_2213, %select_n3A_2167, %select_n3A_2210 : vector<16xi1>, vector<16xf32>
      %select_n3A_2216 = arith.select %gt3A_2213, %select_n3A_2212, %select_n3A_2169 : vector<16xi1>, vector<16xi32>
      %select_n3A_2217 = arith.select %gt3A_2213, %select_n3A_2169, %select_n3A_2212 : vector<16xi1>, vector<16xi32>
      %gt3A_2218 = arith.cmpf ogt, %select_n3A_2215, %select_n3A_2172 : vector<16xf32>
      %select_n3A_2219 = arith.select %gt3A_2218, %select_n3A_2215, %select_n3A_2172 : vector<16xi1>, vector<16xf32>
      %select_n3A_2220 = arith.select %gt3A_2218, %select_n3A_2172, %select_n3A_2215 : vector<16xi1>, vector<16xf32>
      %select_n3A_2221 = arith.select %gt3A_2218, %select_n3A_2217, %select_n3A_2174 : vector<16xi1>, vector<16xi32>
      %select_n3A_2222 = arith.select %gt3A_2218, %select_n3A_2174, %select_n3A_2217 : vector<16xi1>, vector<16xi32>
      %gt3A_2223 = arith.cmpf ogt, %select_n3A_2220, %select_n3A_2177 : vector<16xf32>
      %select_n3A_2224 = arith.select %gt3A_2223, %select_n3A_2220, %select_n3A_2177 : vector<16xi1>, vector<16xf32>
      %select_n3A_2225 = arith.select %gt3A_2223, %select_n3A_2177, %select_n3A_2220 : vector<16xi1>, vector<16xf32>
      %select_n3A_2226 = arith.select %gt3A_2223, %select_n3A_2222, %select_n3A_2179 : vector<16xi1>, vector<16xi32>
      %select_n3A_2227 = arith.select %gt3A_2223, %select_n3A_2179, %select_n3A_2222 : vector<16xi1>, vector<16xi32>
      %get3A_2228 = arith.constant 51 : i32
      %get3A_2229 = arith.index_cast %get3A_2228 : i32 to index
      %get3A_2230 = arith.index_cast %mul3A_13 : i32 to index
      %get3A_2231 = tpu.vector_load %arg5[%get3A_2229, %get3A_2230] {strides = array<i32>} : memref<64x1024xf32, #tpu.memory_space<vmem>>, vector<16xf32>,
      %mul3A_2232 = arith.constant 51 : i32
      %mul3A_2233 = vector.broadcast %mul3A_2232 : i32 to vector<16xi32>
      %mul3A_2234 = arith.muli %broadcast_in_dim3A_3, %mul3A_2233 : vector<16xi32>
      %gt3A_2235 = arith.cmpf ogt, %get3A_2231, %select_n3A_2189 : vector<16xf32>
      %select_n3A_2236 = arith.select %gt3A_2235, %get3A_2231, %select_n3A_2189 : vector<16xi1>, vector<16xf32>
      %select_n3A_2237 = arith.select %gt3A_2235, %select_n3A_2189, %get3A_2231 : vector<16xi1>, vector<16xf32>
      %select_n3A_2238 = arith.select %gt3A_2235, %mul3A_2234, %select_n3A_2191 : vector<16xi1>, vector<16xi32>
      %select_n3A_2239 = arith.select %gt3A_2235, %select_n3A_2191, %mul3A_2234 : vector<16xi1>, vector<16xi32>
      %gt3A_2240 = arith.cmpf ogt, %select_n3A_2237, %select_n3A_2194 : vector<16xf32>
      %select_n3A_2241 = arith.select %gt3A_2240, %select_n3A_2237, %select_n3A_2194 : vector<16xi1>, vector<16xf32>
      %select_n3A_2242 = arith.select %gt3A_2240, %select_n3A_2194, %select_n3A_2237 : vector<16xi1>, vector<16xf32>
      %select_n3A_2243 = arith.select %gt3A_2240, %select_n3A_2239, %select_n3A_2196 : vector<16xi1>, vector<16xi32>
      %select_n3A_2244 = arith.select %gt3A_2240, %select_n3A_2196, %select_n3A_2239 : vector<16xi1>, vector<16xi32>
      %gt3A_2245 = arith.cmpf ogt, %select_n3A_2242, %select_n3A_2199 : vector<16xf32>
      %select_n3A_2246 = arith.select %gt3A_2245, %select_n3A_2242, %select_n3A_2199 : vector<16xi1>, vector<16xf32>
      %select_n3A_2247 = arith.select %gt3A_2245, %select_n3A_2199, %select_n3A_2242 : vector<16xi1>, vector<16xf32>
      %select_n3A_2248 = arith.select %gt3A_2245, %select_n3A_2244, %select_n3A_2201 : vector<16xi1>, vector<16xi32>
      %select_n3A_2249 = arith.select %gt3A_2245, %select_n3A_2201, %select_n3A_2244 : vector<16xi1>, vector<16xi32>
      %gt3A_2250 = arith.cmpf ogt, %select_n3A_2247, %select_n3A_2204 : vector<16xf32>
      %select_n3A_2251 = arith.select %gt3A_2250, %select_n3A_2247, %select_n3A_2204 : vector<16xi1>, vector<16xf32>
      %select_n3A_2252 = arith.select %gt3A_2250, %select_n3A_2204, %select_n3A_2247 : vector<16xi1>, vector<16xf32>
      %select_n3A_2253 = arith.select %gt3A_2250, %select_n3A_2249, %select_n3A_2206 : vector<16xi1>, vector<16xi32>
      %select_n3A_2254 = arith.select %gt3A_2250, %select_n3A_2206, %select_n3A_2249 : vector<16xi1>, vector<16xi32>
      %gt3A_2255 = arith.cmpf ogt, %select_n3A_2252, %select_n3A_2209 : vector<16xf32>
      %select_n3A_2256 = arith.select %gt3A_2255, %select_n3A_2252, %select_n3A_2209 : vector<16xi1>, vector<16xf32>
      %select_n3A_2257 = arith.select %gt3A_2255, %select_n3A_2209, %select_n3A_2252 : vector<16xi1>, vector<16xf32>
      %select_n3A_2258 = arith.select %gt3A_2255, %select_n3A_2254, %select_n3A_2211 : vector<16xi1>, vector<16xi32>
      %select_n3A_2259 = arith.select %gt3A_2255, %select_n3A_2211, %select_n3A_2254 : vector<16xi1>, vector<16xi32>
      %gt3A_2260 = arith.cmpf ogt, %select_n3A_2257, %select_n3A_2214 : vector<16xf32>
      %select_n3A_2261 = arith.select %gt3A_2260, %select_n3A_2257, %select_n3A_2214 : vector<16xi1>, vector<16xf32>
      %select_n3A_2262 = arith.select %gt3A_2260, %select_n3A_2214, %select_n3A_2257 : vector<16xi1>, vector<16xf32>
      %select_n3A_2263 = arith.select %gt3A_2260, %select_n3A_2259, %select_n3A_2216 : vector<16xi1>, vector<16xi32>
      %select_n3A_2264 = arith.select %gt3A_2260, %select_n3A_2216, %select_n3A_2259 : vector<16xi1>, vector<16xi32>
      %gt3A_2265 = arith.cmpf ogt, %select_n3A_2262, %select_n3A_2219 : vector<16xf32>
      %select_n3A_2266 = arith.select %gt3A_2265, %select_n3A_2262, %select_n3A_2219 : vector<16xi1>, vector<16xf32>
      %select_n3A_2267 = arith.select %gt3A_2265, %select_n3A_2219, %select_n3A_2262 : vector<16xi1>, vector<16xf32>
      %select_n3A_2268 = arith.select %gt3A_2265, %select_n3A_2264, %select_n3A_2221 : vector<16xi1>, vector<16xi32>
      %select_n3A_2269 = arith.select %gt3A_2265, %select_n3A_2221, %select_n3A_2264 : vector<16xi1>, vector<16xi32>
      %gt3A_2270 = arith.cmpf ogt, %select_n3A_2267, %select_n3A_2224 : vector<16xf32>
      %select_n3A_2271 = arith.select %gt3A_2270, %select_n3A_2267, %select_n3A_2224 : vector<16xi1>, vector<16xf32>
      %select_n3A_2272 = arith.select %gt3A_2270, %select_n3A_2224, %select_n3A_2267 : vector<16xi1>, vector<16xf32>
      %select_n3A_2273 = arith.select %gt3A_2270, %select_n3A_2269, %select_n3A_2226 : vector<16xi1>, vector<16xi32>
      %select_n3A_2274 = arith.select %gt3A_2270, %select_n3A_2226, %select_n3A_2269 : vector<16xi1>, vector<16xi32>
      %get3A_2275 = arith.constant 52 : i32
      %get3A_2276 = arith.index_cast %get3A_2275 : i32 to index
      %get3A_2277 = arith.index_cast %mul3A_13 : i32 to index
      %get3A_2278 = tpu.vector_load %arg5[%get3A_2276, %get3A_2277] {strides = array<i32>} : memref<64x1024xf32, #tpu.memory_space<vmem>>, vector<16xf32>,
      %mul3A_2279 = arith.constant 52 : i32
      %mul3A_2280 = vector.broadcast %mul3A_2279 : i32 to vector<16xi32>
      %mul3A_2281 = arith.muli %broadcast_in_dim3A_3, %mul3A_2280 : vector<16xi32>
      %gt3A_2282 = arith.cmpf ogt, %get3A_2278, %select_n3A_2236 : vector<16xf32>
      %select_n3A_2283 = arith.select %gt3A_2282, %get3A_2278, %select_n3A_2236 : vector<16xi1>, vector<16xf32>
      %select_n3A_2284 = arith.select %gt3A_2282, %select_n3A_2236, %get3A_2278 : vector<16xi1>, vector<16xf32>
      %select_n3A_2285 = arith.select %gt3A_2282, %mul3A_2281, %select_n3A_2238 : vector<16xi1>, vector<16xi32>
      %select_n3A_2286 = arith.select %gt3A_2282, %select_n3A_2238, %mul3A_2281 : vector<16xi1>, vector<16xi32>
      %gt3A_2287 = arith.cmpf ogt, %select_n3A_2284, %select_n3A_2241 : vector<16xf32>
      %select_n3A_2288 = arith.select %gt3A_2287, %select_n3A_2284, %select_n3A_2241 : vector<16xi1>, vector<16xf32>
      %select_n3A_2289 = arith.select %gt3A_2287, %select_n3A_2241, %select_n3A_2284 : vector<16xi1>, vector<16xf32>
      %select_n3A_2290 = arith.select %gt3A_2287, %select_n3A_2286, %select_n3A_2243 : vector<16xi1>, vector<16xi32>
      %select_n3A_2291 = arith.select %gt3A_2287, %select_n3A_2243, %select_n3A_2286 : vector<16xi1>, vector<16xi32>
      %gt3A_2292 = arith.cmpf ogt, %select_n3A_2289, %select_n3A_2246 : vector<16xf32>
      %select_n3A_2293 = arith.select %gt3A_2292, %select_n3A_2289, %select_n3A_2246 : vector<16xi1>, vector<16xf32>
      %select_n3A_2294 = arith.select %gt3A_2292, %select_n3A_2246, %select_n3A_2289 : vector<16xi1>, vector<16xf32>
      %select_n3A_2295 = arith.select %gt3A_2292, %select_n3A_2291, %select_n3A_2248 : vector<16xi1>, vector<16xi32>
      %select_n3A_2296 = arith.select %gt3A_2292, %select_n3A_2248, %select_n3A_2291 : vector<16xi1>, vector<16xi32>
      %gt3A_2297 = arith.cmpf ogt, %select_n3A_2294, %select_n3A_2251 : vector<16xf32>
      %select_n3A_2298 = arith.select %gt3A_2297, %select_n3A_2294, %select_n3A_2251 : vector<16xi1>, vector<16xf32>
      %select_n3A_2299 = arith.select %gt3A_2297, %select_n3A_2251, %select_n3A_2294 : vector<16xi1>, vector<16xf32>
      %select_n3A_2300 = arith.select %gt3A_2297, %select_n3A_2296, %select_n3A_2253 : vector<16xi1>, vector<16xi32>
      %select_n3A_2301 = arith.select %gt3A_2297, %select_n3A_2253, %select_n3A_2296 : vector<16xi1>, vector<16xi32>
      %gt3A_2302 = arith.cmpf ogt, %select_n3A_2299, %select_n3A_2256 : vector<16xf32>
      %select_n3A_2303 = arith.select %gt3A_2302, %select_n3A_2299, %select_n3A_2256 : vector<16xi1>, vector<16xf32>
      %select_n3A_2304 = arith.select %gt3A_2302, %select_n3A_2256, %select_n3A_2299 : vector<16xi1>, vector<16xf32>
      %select_n3A_2305 = arith.select %gt3A_2302, %select_n3A_2301, %select_n3A_2258 : vector<16xi1>, vector<16xi32>
      %select_n3A_2306 = arith.select %gt3A_2302, %select_n3A_2258, %select_n3A_2301 : vector<16xi1>, vector<16xi32>
      %gt3A_2307 = arith.cmpf ogt, %select_n3A_2304, %select_n3A_2261 : vector<16xf32>
      %select_n3A_2308 = arith.select %gt3A_2307, %select_n3A_2304, %select_n3A_2261 : vector<16xi1>, vector<16xf32>
      %select_n3A_2309 = arith.select %gt3A_2307, %select_n3A_2261, %select_n3A_2304 : vector<16xi1>, vector<16xf32>
      %select_n3A_2310 = arith.select %gt3A_2307, %select_n3A_2306, %select_n3A_2263 : vector<16xi1>, vector<16xi32>
      %select_n3A_2311 = arith.select %gt3A_2307, %select_n3A_2263, %select_n3A_2306 : vector<16xi1>, vector<16xi32>
      %gt3A_2312 = arith.cmpf ogt, %select_n3A_2309, %select_n3A_2266 : vector<16xf32>
      %select_n3A_2313 = arith.select %gt3A_2312, %select_n3A_2309, %select_n3A_2266 : vector<16xi1>, vector<16xf32>
      %select_n3A_2314 = arith.select %gt3A_2312, %select_n3A_2266, %select_n3A_2309 : vector<16xi1>, vector<16xf32>
      %select_n3A_2315 = arith.select %gt3A_2312, %select_n3A_2311, %select_n3A_2268 : vector<16xi1>, vector<16xi32>
      %select_n3A_2316 = arith.select %gt3A_2312, %select_n3A_2268, %select_n3A_2311 : vector<16xi1>, vector<16xi32>
      %gt3A_2317 = arith.cmpf ogt, %select_n3A_2314, %select_n3A_2271 : vector<16xf32>
      %select_n3A_2318 = arith.select %gt3A_2317, %select_n3A_2314, %select_n3A_2271 : vector<16xi1>, vector<16xf32>
      %select_n3A_2319 = arith.select %gt3A_2317, %select_n3A_2271, %select_n3A_2314 : vector<16xi1>, vector<16xf32>
      %select_n3A_2320 = arith.select %gt3A_2317, %select_n3A_2316, %select_n3A_2273 : vector<16xi1>, vector<16xi32>
      %select_n3A_2321 = arith.select %gt3A_2317, %select_n3A_2273, %select_n3A_2316 : vector<16xi1>, vector<16xi32>
      %get3A_2322 = arith.constant 53 : i32
      %get3A_2323 = arith.index_cast %get3A_2322 : i32 to index
      %get3A_2324 = arith.index_cast %mul3A_13 : i32 to index
      %get3A_2325 = tpu.vector_load %arg5[%get3A_2323, %get3A_2324] {strides = array<i32>} : memref<64x1024xf32, #tpu.memory_space<vmem>>, vector<16xf32>,
      %mul3A_2326 = arith.constant 53 : i32
      %mul3A_2327 = vector.broadcast %mul3A_2326 : i32 to vector<16xi32>
      %mul3A_2328 = arith.muli %broadcast_in_dim3A_3, %mul3A_2327 : vector<16xi32>
      %gt3A_2329 = arith.cmpf ogt, %get3A_2325, %select_n3A_2283 : vector<16xf32>
      %select_n3A_2330 = arith.select %gt3A_2329, %get3A_2325, %select_n3A_2283 : vector<16xi1>, vector<16xf32>
      %select_n3A_2331 = arith.select %gt3A_2329, %select_n3A_2283, %get3A_2325 : vector<16xi1>, vector<16xf32>
      %select_n3A_2332 = arith.select %gt3A_2329, %mul3A_2328, %select_n3A_2285 : vector<16xi1>, vector<16xi32>
      %select_n3A_2333 = arith.select %gt3A_2329, %select_n3A_2285, %mul3A_2328 : vector<16xi1>, vector<16xi32>
      %gt3A_2334 = arith.cmpf ogt, %select_n3A_2331, %select_n3A_2288 : vector<16xf32>
      %select_n3A_2335 = arith.select %gt3A_2334, %select_n3A_2331, %select_n3A_2288 : vector<16xi1>, vector<16xf32>
      %select_n3A_2336 = arith.select %gt3A_2334, %select_n3A_2288, %select_n3A_2331 : vector<16xi1>, vector<16xf32>
      %select_n3A_2337 = arith.select %gt3A_2334, %select_n3A_2333, %select_n3A_2290 : vector<16xi1>, vector<16xi32>
      %select_n3A_2338 = arith.select %gt3A_2334, %select_n3A_2290, %select_n3A_2333 : vector<16xi1>, vector<16xi32>
      %gt3A_2339 = arith.cmpf ogt, %select_n3A_2336, %select_n3A_2293 : vector<16xf32>
      %select_n3A_2340 = arith.select %gt3A_2339, %select_n3A_2336, %select_n3A_2293 : vector<16xi1>, vector<16xf32>
      %select_n3A_2341 = arith.select %gt3A_2339, %select_n3A_2293, %select_n3A_2336 : vector<16xi1>, vector<16xf32>
      %select_n3A_2342 = arith.select %gt3A_2339, %select_n3A_2338, %select_n3A_2295 : vector<16xi1>, vector<16xi32>
      %select_n3A_2343 = arith.select %gt3A_2339, %select_n3A_2295, %select_n3A_2338 : vector<16xi1>, vector<16xi32>
      %gt3A_2344 = arith.cmpf ogt, %select_n3A_2341, %select_n3A_2298 : vector<16xf32>
      %select_n3A_2345 = arith.select %gt3A_2344, %select_n3A_2341, %select_n3A_2298 : vector<16xi1>, vector<16xf32>
      %select_n3A_2346 = arith.select %gt3A_2344, %select_n3A_2298, %select_n3A_2341 : vector<16xi1>, vector<16xf32>
      %select_n3A_2347 = arith.select %gt3A_2344, %select_n3A_2343, %select_n3A_2300 : vector<16xi1>, vector<16xi32>
      %select_n3A_2348 = arith.select %gt3A_2344, %select_n3A_2300, %select_n3A_2343 : vector<16xi1>, vector<16xi32>
      %gt3A_2349 = arith.cmpf ogt, %select_n3A_2346, %select_n3A_2303 : vector<16xf32>
      %select_n3A_2350 = arith.select %gt3A_2349, %select_n3A_2346, %select_n3A_2303 : vector<16xi1>, vector<16xf32>
      %select_n3A_2351 = arith.select %gt3A_2349, %select_n3A_2303, %select_n3A_2346 : vector<16xi1>, vector<16xf32>
      %select_n3A_2352 = arith.select %gt3A_2349, %select_n3A_2348, %select_n3A_2305 : vector<16xi1>, vector<16xi32>
      %select_n3A_2353 = arith.select %gt3A_2349, %select_n3A_2305, %select_n3A_2348 : vector<16xi1>, vector<16xi32>
      %gt3A_2354 = arith.cmpf ogt, %select_n3A_2351, %select_n3A_2308 : vector<16xf32>
      %select_n3A_2355 = arith.select %gt3A_2354, %select_n3A_2351, %select_n3A_2308 : vector<16xi1>, vector<16xf32>
      %select_n3A_2356 = arith.select %gt3A_2354, %select_n3A_2308, %select_n3A_2351 : vector<16xi1>, vector<16xf32>
      %select_n3A_2357 = arith.select %gt3A_2354, %select_n3A_2353, %select_n3A_2310 : vector<16xi1>, vector<16xi32>
      %select_n3A_2358 = arith.select %gt3A_2354, %select_n3A_2310, %select_n3A_2353 : vector<16xi1>, vector<16xi32>
      %gt3A_2359 = arith.cmpf ogt, %select_n3A_2356, %select_n3A_2313 : vector<16xf32>
      %select_n3A_2360 = arith.select %gt3A_2359, %select_n3A_2356, %select_n3A_2313 : vector<16xi1>, vector<16xf32>
      %select_n3A_2361 = arith.select %gt3A_2359, %select_n3A_2313, %select_n3A_2356 : vector<16xi1>, vector<16xf32>
      %select_n3A_2362 = arith.select %gt3A_2359, %select_n3A_2358, %select_n3A_2315 : vector<16xi1>, vector<16xi32>
      %select_n3A_2363 = arith.select %gt3A_2359, %select_n3A_2315, %select_n3A_2358 : vector<16xi1>, vector<16xi32>
      %gt3A_2364 = arith.cmpf ogt, %select_n3A_2361, %select_n3A_2318 : vector<16xf32>
      %select_n3A_2365 = arith.select %gt3A_2364, %select_n3A_2361, %select_n3A_2318 : vector<16xi1>, vector<16xf32>
      %select_n3A_2366 = arith.select %gt3A_2364, %select_n3A_2318, %select_n3A_2361 : vector<16xi1>, vector<16xf32>
      %select_n3A_2367 = arith.select %gt3A_2364, %select_n3A_2363, %select_n3A_2320 : vector<16xi1>, vector<16xi32>
      %select_n3A_2368 = arith.select %gt3A_2364, %select_n3A_2320, %select_n3A_2363 : vector<16xi1>, vector<16xi32>
      %get3A_2369 = arith.constant 54 : i32
      %get3A_2370 = arith.index_cast %get3A_2369 : i32 to index
      %get3A_2371 = arith.index_cast %mul3A_13 : i32 to index
      %get3A_2372 = tpu.vector_load %arg5[%get3A_2370, %get3A_2371] {strides = array<i32>} : memref<64x1024xf32, #tpu.memory_space<vmem>>, vector<16xf32>,
      %mul3A_2373 = arith.constant 54 : i32
      %mul3A_2374 = vector.broadcast %mul3A_2373 : i32 to vector<16xi32>
      %mul3A_2375 = arith.muli %broadcast_in_dim3A_3, %mul3A_2374 : vector<16xi32>
      %gt3A_2376 = arith.cmpf ogt, %get3A_2372, %select_n3A_2330 : vector<16xf32>
      %select_n3A_2377 = arith.select %gt3A_2376, %get3A_2372, %select_n3A_2330 : vector<16xi1>, vector<16xf32>
      %select_n3A_2378 = arith.select %gt3A_2376, %select_n3A_2330, %get3A_2372 : vector<16xi1>, vector<16xf32>
      %select_n3A_2379 = arith.select %gt3A_2376, %mul3A_2375, %select_n3A_2332 : vector<16xi1>, vector<16xi32>
      %select_n3A_2380 = arith.select %gt3A_2376, %select_n3A_2332, %mul3A_2375 : vector<16xi1>, vector<16xi32>
      %gt3A_2381 = arith.cmpf ogt, %select_n3A_2378, %select_n3A_2335 : vector<16xf32>
      %select_n3A_2382 = arith.select %gt3A_2381, %select_n3A_2378, %select_n3A_2335 : vector<16xi1>, vector<16xf32>
      %select_n3A_2383 = arith.select %gt3A_2381, %select_n3A_2335, %select_n3A_2378 : vector<16xi1>, vector<16xf32>
      %select_n3A_2384 = arith.select %gt3A_2381, %select_n3A_2380, %select_n3A_2337 : vector<16xi1>, vector<16xi32>
      %select_n3A_2385 = arith.select %gt3A_2381, %select_n3A_2337, %select_n3A_2380 : vector<16xi1>, vector<16xi32>
      %gt3A_2386 = arith.cmpf ogt, %select_n3A_2383, %select_n3A_2340 : vector<16xf32>
      %select_n3A_2387 = arith.select %gt3A_2386, %select_n3A_2383, %select_n3A_2340 : vector<16xi1>, vector<16xf32>
      %select_n3A_2388 = arith.select %gt3A_2386, %select_n3A_2340, %select_n3A_2383 : vector<16xi1>, vector<16xf32>
      %select_n3A_2389 = arith.select %gt3A_2386, %select_n3A_2385, %select_n3A_2342 : vector<16xi1>, vector<16xi32>
      %select_n3A_2390 = arith.select %gt3A_2386, %select_n3A_2342, %select_n3A_2385 : vector<16xi1>, vector<16xi32>
      %gt3A_2391 = arith.cmpf ogt, %select_n3A_2388, %select_n3A_2345 : vector<16xf32>
      %select_n3A_2392 = arith.select %gt3A_2391, %select_n3A_2388, %select_n3A_2345 : vector<16xi1>, vector<16xf32>
      %select_n3A_2393 = arith.select %gt3A_2391, %select_n3A_2345, %select_n3A_2388 : vector<16xi1>, vector<16xf32>
      %select_n3A_2394 = arith.select %gt3A_2391, %select_n3A_2390, %select_n3A_2347 : vector<16xi1>, vector<16xi32>
      %select_n3A_2395 = arith.select %gt3A_2391, %select_n3A_2347, %select_n3A_2390 : vector<16xi1>, vector<16xi32>
      %gt3A_2396 = arith.cmpf ogt, %select_n3A_2393, %select_n3A_2350 : vector<16xf32>
      %select_n3A_2397 = arith.select %gt3A_2396, %select_n3A_2393, %select_n3A_2350 : vector<16xi1>, vector<16xf32>
      %select_n3A_2398 = arith.select %gt3A_2396, %select_n3A_2350, %select_n3A_2393 : vector<16xi1>, vector<16xf32>
      %select_n3A_2399 = arith.select %gt3A_2396, %select_n3A_2395, %select_n3A_2352 : vector<16xi1>, vector<16xi32>
      %select_n3A_2400 = arith.select %gt3A_2396, %select_n3A_2352, %select_n3A_2395 : vector<16xi1>, vector<16xi32>
      %gt3A_2401 = arith.cmpf ogt, %select_n3A_2398, %select_n3A_2355 : vector<16xf32>
      %select_n3A_2402 = arith.select %gt3A_2401, %select_n3A_2398, %select_n3A_2355 : vector<16xi1>, vector<16xf32>
      %select_n3A_2403 = arith.select %gt3A_2401, %select_n3A_2355, %select_n3A_2398 : vector<16xi1>, vector<16xf32>
      %select_n3A_2404 = arith.select %gt3A_2401, %select_n3A_2400, %select_n3A_2357 : vector<16xi1>, vector<16xi32>
      %select_n3A_2405 = arith.select %gt3A_2401, %select_n3A_2357, %select_n3A_2400 : vector<16xi1>, vector<16xi32>
      %gt3A_2406 = arith.cmpf ogt, %select_n3A_2403, %select_n3A_2360 : vector<16xf32>
      %select_n3A_2407 = arith.select %gt3A_2406, %select_n3A_2403, %select_n3A_2360 : vector<16xi1>, vector<16xf32>
      %select_n3A_2408 = arith.select %gt3A_2406, %select_n3A_2360, %select_n3A_2403 : vector<16xi1>, vector<16xf32>
      %select_n3A_2409 = arith.select %gt3A_2406, %select_n3A_2405, %select_n3A_2362 : vector<16xi1>, vector<16xi32>
      %select_n3A_2410 = arith.select %gt3A_2406, %select_n3A_2362, %select_n3A_2405 : vector<16xi1>, vector<16xi32>
      %gt3A_2411 = arith.cmpf ogt, %select_n3A_2408, %select_n3A_2365 : vector<16xf32>
      %select_n3A_2412 = arith.select %gt3A_2411, %select_n3A_2408, %select_n3A_2365 : vector<16xi1>, vector<16xf32>
      %select_n3A_2413 = arith.select %gt3A_2411, %select_n3A_2365, %select_n3A_2408 : vector<16xi1>, vector<16xf32>
      %select_n3A_2414 = arith.select %gt3A_2411, %select_n3A_2410, %select_n3A_2367 : vector<16xi1>, vector<16xi32>
      %select_n3A_2415 = arith.select %gt3A_2411, %select_n3A_2367, %select_n3A_2410 : vector<16xi1>, vector<16xi32>
      %get3A_2416 = arith.constant 55 : i32
      %get3A_2417 = arith.index_cast %get3A_2416 : i32 to index
      %get3A_2418 = arith.index_cast %mul3A_13 : i32 to index
      %get3A_2419 = tpu.vector_load %arg5[%get3A_2417, %get3A_2418] {strides = array<i32>} : memref<64x1024xf32, #tpu.memory_space<vmem>>, vector<16xf32>,
      %mul3A_2420 = arith.constant 55 : i32
      %mul3A_2421 = vector.broadcast %mul3A_2420 : i32 to vector<16xi32>
      %mul3A_2422 = arith.muli %broadcast_in_dim3A_3, %mul3A_2421 : vector<16xi32>
      %gt3A_2423 = arith.cmpf ogt, %get3A_2419, %select_n3A_2377 : vector<16xf32>
      %select_n3A_2424 = arith.select %gt3A_2423, %get3A_2419, %select_n3A_2377 : vector<16xi1>, vector<16xf32>
      %select_n3A_2425 = arith.select %gt3A_2423, %select_n3A_2377, %get3A_2419 : vector<16xi1>, vector<16xf32>
      %select_n3A_2426 = arith.select %gt3A_2423, %mul3A_2422, %select_n3A_2379 : vector<16xi1>, vector<16xi32>
      %select_n3A_2427 = arith.select %gt3A_2423, %select_n3A_2379, %mul3A_2422 : vector<16xi1>, vector<16xi32>
      %gt3A_2428 = arith.cmpf ogt, %select_n3A_2425, %select_n3A_2382 : vector<16xf32>
      %select_n3A_2429 = arith.select %gt3A_2428, %select_n3A_2425, %select_n3A_2382 : vector<16xi1>, vector<16xf32>
      %select_n3A_2430 = arith.select %gt3A_2428, %select_n3A_2382, %select_n3A_2425 : vector<16xi1>, vector<16xf32>
      %select_n3A_2431 = arith.select %gt3A_2428, %select_n3A_2427, %select_n3A_2384 : vector<16xi1>, vector<16xi32>
      %select_n3A_2432 = arith.select %gt3A_2428, %select_n3A_2384, %select_n3A_2427 : vector<16xi1>, vector<16xi32>
      %gt3A_2433 = arith.cmpf ogt, %select_n3A_2430, %select_n3A_2387 : vector<16xf32>
      %select_n3A_2434 = arith.select %gt3A_2433, %select_n3A_2430, %select_n3A_2387 : vector<16xi1>, vector<16xf32>
      %select_n3A_2435 = arith.select %gt3A_2433, %select_n3A_2387, %select_n3A_2430 : vector<16xi1>, vector<16xf32>
      %select_n3A_2436 = arith.select %gt3A_2433, %select_n3A_2432, %select_n3A_2389 : vector<16xi1>, vector<16xi32>
      %select_n3A_2437 = arith.select %gt3A_2433, %select_n3A_2389, %select_n3A_2432 : vector<16xi1>, vector<16xi32>
      %gt3A_2438 = arith.cmpf ogt, %select_n3A_2435, %select_n3A_2392 : vector<16xf32>
      %select_n3A_2439 = arith.select %gt3A_2438, %select_n3A_2435, %select_n3A_2392 : vector<16xi1>, vector<16xf32>
      %select_n3A_2440 = arith.select %gt3A_2438, %select_n3A_2392, %select_n3A_2435 : vector<16xi1>, vector<16xf32>
      %select_n3A_2441 = arith.select %gt3A_2438, %select_n3A_2437, %select_n3A_2394 : vector<16xi1>, vector<16xi32>
      %select_n3A_2442 = arith.select %gt3A_2438, %select_n3A_2394, %select_n3A_2437 : vector<16xi1>, vector<16xi32>
      %gt3A_2443 = arith.cmpf ogt, %select_n3A_2440, %select_n3A_2397 : vector<16xf32>
      %select_n3A_2444 = arith.select %gt3A_2443, %select_n3A_2440, %select_n3A_2397 : vector<16xi1>, vector<16xf32>
      %select_n3A_2445 = arith.select %gt3A_2443, %select_n3A_2397, %select_n3A_2440 : vector<16xi1>, vector<16xf32>
      %select_n3A_2446 = arith.select %gt3A_2443, %select_n3A_2442, %select_n3A_2399 : vector<16xi1>, vector<16xi32>
      %select_n3A_2447 = arith.select %gt3A_2443, %select_n3A_2399, %select_n3A_2442 : vector<16xi1>, vector<16xi32>
      %gt3A_2448 = arith.cmpf ogt, %select_n3A_2445, %select_n3A_2402 : vector<16xf32>
      %select_n3A_2449 = arith.select %gt3A_2448, %select_n3A_2445, %select_n3A_2402 : vector<16xi1>, vector<16xf32>
      %select_n3A_2450 = arith.select %gt3A_2448, %select_n3A_2402, %select_n3A_2445 : vector<16xi1>, vector<16xf32>
      %select_n3A_2451 = arith.select %gt3A_2448, %select_n3A_2447, %select_n3A_2404 : vector<16xi1>, vector<16xi32>
      %select_n3A_2452 = arith.select %gt3A_2448, %select_n3A_2404, %select_n3A_2447 : vector<16xi1>, vector<16xi32>
      %gt3A_2453 = arith.cmpf ogt, %select_n3A_2450, %select_n3A_2407 : vector<16xf32>
      %select_n3A_2454 = arith.select %gt3A_2453, %select_n3A_2450, %select_n3A_2407 : vector<16xi1>, vector<16xf32>
      %select_n3A_2455 = arith.select %gt3A_2453, %select_n3A_2407, %select_n3A_2450 : vector<16xi1>, vector<16xf32>
      %select_n3A_2456 = arith.select %gt3A_2453, %select_n3A_2452, %select_n3A_2409 : vector<16xi1>, vector<16xi32>
      %select_n3A_2457 = arith.select %gt3A_2453, %select_n3A_2409, %select_n3A_2452 : vector<16xi1>, vector<16xi32>
      %gt3A_2458 = arith.cmpf ogt, %select_n3A_2455, %select_n3A_2412 : vector<16xf32>
      %select_n3A_2459 = arith.select %gt3A_2458, %select_n3A_2455, %select_n3A_2412 : vector<16xi1>, vector<16xf32>
      %select_n3A_2460 = arith.select %gt3A_2458, %select_n3A_2412, %select_n3A_2455 : vector<16xi1>, vector<16xf32>
      %select_n3A_2461 = arith.select %gt3A_2458, %select_n3A_2457, %select_n3A_2414 : vector<16xi1>, vector<16xi32>
      %select_n3A_2462 = arith.select %gt3A_2458, %select_n3A_2414, %select_n3A_2457 : vector<16xi1>, vector<16xi32>
      %get3A_2463 = arith.constant 56 : i32
      %get3A_2464 = arith.index_cast %get3A_2463 : i32 to index
      %get3A_2465 = arith.index_cast %mul3A_13 : i32 to index
      %get3A_2466 = tpu.vector_load %arg5[%get3A_2464, %get3A_2465] {strides = array<i32>} : memref<64x1024xf32, #tpu.memory_space<vmem>>, vector<16xf32>,
      %mul3A_2467 = arith.constant 56 : i32
      %mul3A_2468 = vector.broadcast %mul3A_2467 : i32 to vector<16xi32>
      %mul3A_2469 = arith.muli %broadcast_in_dim3A_3, %mul3A_2468 : vector<16xi32>
      %gt3A_2470 = arith.cmpf ogt, %get3A_2466, %select_n3A_2424 : vector<16xf32>
      %select_n3A_2471 = arith.select %gt3A_2470, %get3A_2466, %select_n3A_2424 : vector<16xi1>, vector<16xf32>
      %select_n3A_2472 = arith.select %gt3A_2470, %select_n3A_2424, %get3A_2466 : vector<16xi1>, vector<16xf32>
      %select_n3A_2473 = arith.select %gt3A_2470, %mul3A_2469, %select_n3A_2426 : vector<16xi1>, vector<16xi32>
      %select_n3A_2474 = arith.select %gt3A_2470, %select_n3A_2426, %mul3A_2469 : vector<16xi1>, vector<16xi32>
      %gt3A_2475 = arith.cmpf ogt, %select_n3A_2472, %select_n3A_2429 : vector<16xf32>
      %select_n3A_2476 = arith.select %gt3A_2475, %select_n3A_2472, %select_n3A_2429 : vector<16xi1>, vector<16xf32>
      %select_n3A_2477 = arith.select %gt3A_2475, %select_n3A_2429, %select_n3A_2472 : vector<16xi1>, vector<16xf32>
      %select_n3A_2478 = arith.select %gt3A_2475, %select_n3A_2474, %select_n3A_2431 : vector<16xi1>, vector<16xi32>
      %select_n3A_2479 = arith.select %gt3A_2475, %select_n3A_2431, %select_n3A_2474 : vector<16xi1>, vector<16xi32>
      %gt3A_2480 = arith.cmpf ogt, %select_n3A_2477, %select_n3A_2434 : vector<16xf32>
      %select_n3A_2481 = arith.select %gt3A_2480, %select_n3A_2477, %select_n3A_2434 : vector<16xi1>, vector<16xf32>
      %select_n3A_2482 = arith.select %gt3A_2480, %select_n3A_2434, %select_n3A_2477 : vector<16xi1>, vector<16xf32>
      %select_n3A_2483 = arith.select %gt3A_2480, %select_n3A_2479, %select_n3A_2436 : vector<16xi1>, vector<16xi32>
      %select_n3A_2484 = arith.select %gt3A_2480, %select_n3A_2436, %select_n3A_2479 : vector<16xi1>, vector<16xi32>
      %gt3A_2485 = arith.cmpf ogt, %select_n3A_2482, %select_n3A_2439 : vector<16xf32>
      %select_n3A_2486 = arith.select %gt3A_2485, %select_n3A_2482, %select_n3A_2439 : vector<16xi1>, vector<16xf32>
      %select_n3A_2487 = arith.select %gt3A_2485, %select_n3A_2439, %select_n3A_2482 : vector<16xi1>, vector<16xf32>
      %select_n3A_2488 = arith.select %gt3A_2485, %select_n3A_2484, %select_n3A_2441 : vector<16xi1>, vector<16xi32>
      %select_n3A_2489 = arith.select %gt3A_2485, %select_n3A_2441, %select_n3A_2484 : vector<16xi1>, vector<16xi32>
      %gt3A_2490 = arith.cmpf ogt, %select_n3A_2487, %select_n3A_2444 : vector<16xf32>
      %select_n3A_2491 = arith.select %gt3A_2490, %select_n3A_2487, %select_n3A_2444 : vector<16xi1>, vector<16xf32>
      %select_n3A_2492 = arith.select %gt3A_2490, %select_n3A_2444, %select_n3A_2487 : vector<16xi1>, vector<16xf32>
      %select_n3A_2493 = arith.select %gt3A_2490, %select_n3A_2489, %select_n3A_2446 : vector<16xi1>, vector<16xi32>
      %select_n3A_2494 = arith.select %gt3A_2490, %select_n3A_2446, %select_n3A_2489 : vector<16xi1>, vector<16xi32>
      %gt3A_2495 = arith.cmpf ogt, %select_n3A_2492, %select_n3A_2449 : vector<16xf32>
      %select_n3A_2496 = arith.select %gt3A_2495, %select_n3A_2492, %select_n3A_2449 : vector<16xi1>, vector<16xf32>
      %select_n3A_2497 = arith.select %gt3A_2495, %select_n3A_2449, %select_n3A_2492 : vector<16xi1>, vector<16xf32>
      %select_n3A_2498 = arith.select %gt3A_2495, %select_n3A_2494, %select_n3A_2451 : vector<16xi1>, vector<16xi32>
      %select_n3A_2499 = arith.select %gt3A_2495, %select_n3A_2451, %select_n3A_2494 : vector<16xi1>, vector<16xi32>
      %gt3A_2500 = arith.cmpf ogt, %select_n3A_2497, %select_n3A_2454 : vector<16xf32>
      %select_n3A_2501 = arith.select %gt3A_2500, %select_n3A_2497, %select_n3A_2454 : vector<16xi1>, vector<16xf32>
      %select_n3A_2502 = arith.select %gt3A_2500, %select_n3A_2454, %select_n3A_2497 : vector<16xi1>, vector<16xf32>
      %select_n3A_2503 = arith.select %gt3A_2500, %select_n3A_2499, %select_n3A_2456 : vector<16xi1>, vector<16xi32>
      %select_n3A_2504 = arith.select %gt3A_2500, %select_n3A_2456, %select_n3A_2499 : vector<16xi1>, vector<16xi32>
      %gt3A_2505 = arith.cmpf ogt, %select_n3A_2502, %select_n3A_2459 : vector<16xf32>
      %select_n3A_2506 = arith.select %gt3A_2505, %select_n3A_2502, %select_n3A_2459 : vector<16xi1>, vector<16xf32>
      %select_n3A_2507 = arith.select %gt3A_2505, %select_n3A_2459, %select_n3A_2502 : vector<16xi1>, vector<16xf32>
      %select_n3A_2508 = arith.select %gt3A_2505, %select_n3A_2504, %select_n3A_2461 : vector<16xi1>, vector<16xi32>
      %select_n3A_2509 = arith.select %gt3A_2505, %select_n3A_2461, %select_n3A_2504 : vector<16xi1>, vector<16xi32>
      %get3A_2510 = arith.constant 57 : i32
      %get3A_2511 = arith.index_cast %get3A_2510 : i32 to index
      %get3A_2512 = arith.index_cast %mul3A_13 : i32 to index
      %get3A_2513 = tpu.vector_load %arg5[%get3A_2511, %get3A_2512] {strides = array<i32>} : memref<64x1024xf32, #tpu.memory_space<vmem>>, vector<16xf32>,
      %mul3A_2514 = arith.constant 57 : i32
      %mul3A_2515 = vector.broadcast %mul3A_2514 : i32 to vector<16xi32>
      %mul3A_2516 = arith.muli %broadcast_in_dim3A_3, %mul3A_2515 : vector<16xi32>
      %gt3A_2517 = arith.cmpf ogt, %get3A_2513, %select_n3A_2471 : vector<16xf32>
      %select_n3A_2518 = arith.select %gt3A_2517, %get3A_2513, %select_n3A_2471 : vector<16xi1>, vector<16xf32>
      %select_n3A_2519 = arith.select %gt3A_2517, %select_n3A_2471, %get3A_2513 : vector<16xi1>, vector<16xf32>
      %select_n3A_2520 = arith.select %gt3A_2517, %mul3A_2516, %select_n3A_2473 : vector<16xi1>, vector<16xi32>
      %select_n3A_2521 = arith.select %gt3A_2517, %select_n3A_2473, %mul3A_2516 : vector<16xi1>, vector<16xi32>
      %gt3A_2522 = arith.cmpf ogt, %select_n3A_2519, %select_n3A_2476 : vector<16xf32>
      %select_n3A_2523 = arith.select %gt3A_2522, %select_n3A_2519, %select_n3A_2476 : vector<16xi1>, vector<16xf32>
      %select_n3A_2524 = arith.select %gt3A_2522, %select_n3A_2476, %select_n3A_2519 : vector<16xi1>, vector<16xf32>
      %select_n3A_2525 = arith.select %gt3A_2522, %select_n3A_2521, %select_n3A_2478 : vector<16xi1>, vector<16xi32>
      %select_n3A_2526 = arith.select %gt3A_2522, %select_n3A_2478, %select_n3A_2521 : vector<16xi1>, vector<16xi32>
      %gt3A_2527 = arith.cmpf ogt, %select_n3A_2524, %select_n3A_2481 : vector<16xf32>
      %select_n3A_2528 = arith.select %gt3A_2527, %select_n3A_2524, %select_n3A_2481 : vector<16xi1>, vector<16xf32>
      %select_n3A_2529 = arith.select %gt3A_2527, %select_n3A_2481, %select_n3A_2524 : vector<16xi1>, vector<16xf32>
      %select_n3A_2530 = arith.select %gt3A_2527, %select_n3A_2526, %select_n3A_2483 : vector<16xi1>, vector<16xi32>
      %select_n3A_2531 = arith.select %gt3A_2527, %select_n3A_2483, %select_n3A_2526 : vector<16xi1>, vector<16xi32>
      %gt3A_2532 = arith.cmpf ogt, %select_n3A_2529, %select_n3A_2486 : vector<16xf32>
      %select_n3A_2533 = arith.select %gt3A_2532, %select_n3A_2529, %select_n3A_2486 : vector<16xi1>, vector<16xf32>
      %select_n3A_2534 = arith.select %gt3A_2532, %select_n3A_2486, %select_n3A_2529 : vector<16xi1>, vector<16xf32>
      %select_n3A_2535 = arith.select %gt3A_2532, %select_n3A_2531, %select_n3A_2488 : vector<16xi1>, vector<16xi32>
      %select_n3A_2536 = arith.select %gt3A_2532, %select_n3A_2488, %select_n3A_2531 : vector<16xi1>, vector<16xi32>
      %gt3A_2537 = arith.cmpf ogt, %select_n3A_2534, %select_n3A_2491 : vector<16xf32>
      %select_n3A_2538 = arith.select %gt3A_2537, %select_n3A_2534, %select_n3A_2491 : vector<16xi1>, vector<16xf32>
      %select_n3A_2539 = arith.select %gt3A_2537, %select_n3A_2491, %select_n3A_2534 : vector<16xi1>, vector<16xf32>
      %select_n3A_2540 = arith.select %gt3A_2537, %select_n3A_2536, %select_n3A_2493 : vector<16xi1>, vector<16xi32>
      %select_n3A_2541 = arith.select %gt3A_2537, %select_n3A_2493, %select_n3A_2536 : vector<16xi1>, vector<16xi32>
      %gt3A_2542 = arith.cmpf ogt, %select_n3A_2539, %select_n3A_2496 : vector<16xf32>
      %select_n3A_2543 = arith.select %gt3A_2542, %select_n3A_2539, %select_n3A_2496 : vector<16xi1>, vector<16xf32>
      %select_n3A_2544 = arith.select %gt3A_2542, %select_n3A_2496, %select_n3A_2539 : vector<16xi1>, vector<16xf32>
      %select_n3A_2545 = arith.select %gt3A_2542, %select_n3A_2541, %select_n3A_2498 : vector<16xi1>, vector<16xi32>
      %select_n3A_2546 = arith.select %gt3A_2542, %select_n3A_2498, %select_n3A_2541 : vector<16xi1>, vector<16xi32>
      %gt3A_2547 = arith.cmpf ogt, %select_n3A_2544, %select_n3A_2501 : vector<16xf32>
      %select_n3A_2548 = arith.select %gt3A_2547, %select_n3A_2544, %select_n3A_2501 : vector<16xi1>, vector<16xf32>
      %select_n3A_2549 = arith.select %gt3A_2547, %select_n3A_2501, %select_n3A_2544 : vector<16xi1>, vector<16xf32>
      %select_n3A_2550 = arith.select %gt3A_2547, %select_n3A_2546, %select_n3A_2503 : vector<16xi1>, vector<16xi32>
      %select_n3A_2551 = arith.select %gt3A_2547, %select_n3A_2503, %select_n3A_2546 : vector<16xi1>, vector<16xi32>
      %gt3A_2552 = arith.cmpf ogt, %select_n3A_2549, %select_n3A_2506 : vector<16xf32>
      %select_n3A_2553 = arith.select %gt3A_2552, %select_n3A_2549, %select_n3A_2506 : vector<16xi1>, vector<16xf32>
      %select_n3A_2554 = arith.select %gt3A_2552, %select_n3A_2506, %select_n3A_2549 : vector<16xi1>, vector<16xf32>
      %select_n3A_2555 = arith.select %gt3A_2552, %select_n3A_2551, %select_n3A_2508 : vector<16xi1>, vector<16xi32>
      %select_n3A_2556 = arith.select %gt3A_2552, %select_n3A_2508, %select_n3A_2551 : vector<16xi1>, vector<16xi32>
      %get3A_2557 = arith.constant 58 : i32
      %get3A_2558 = arith.index_cast %get3A_2557 : i32 to index
      %get3A_2559 = arith.index_cast %mul3A_13 : i32 to index
      %get3A_2560 = tpu.vector_load %arg5[%get3A_2558, %get3A_2559] {strides = array<i32>} : memref<64x1024xf32, #tpu.memory_space<vmem>>, vector<16xf32>,
      %mul3A_2561 = arith.constant 58 : i32
      %mul3A_2562 = vector.broadcast %mul3A_2561 : i32 to vector<16xi32>
      %mul3A_2563 = arith.muli %broadcast_in_dim3A_3, %mul3A_2562 : vector<16xi32>
      %gt3A_2564 = arith.cmpf ogt, %get3A_2560, %select_n3A_2518 : vector<16xf32>
      %select_n3A_2565 = arith.select %gt3A_2564, %get3A_2560, %select_n3A_2518 : vector<16xi1>, vector<16xf32>
      %select_n3A_2566 = arith.select %gt3A_2564, %select_n3A_2518, %get3A_2560 : vector<16xi1>, vector<16xf32>
      %select_n3A_2567 = arith.select %gt3A_2564, %mul3A_2563, %select_n3A_2520 : vector<16xi1>, vector<16xi32>
      %select_n3A_2568 = arith.select %gt3A_2564, %select_n3A_2520, %mul3A_2563 : vector<16xi1>, vector<16xi32>
      %gt3A_2569 = arith.cmpf ogt, %select_n3A_2566, %select_n3A_2523 : vector<16xf32>
      %select_n3A_2570 = arith.select %gt3A_2569, %select_n3A_2566, %select_n3A_2523 : vector<16xi1>, vector<16xf32>
      %select_n3A_2571 = arith.select %gt3A_2569, %select_n3A_2523, %select_n3A_2566 : vector<16xi1>, vector<16xf32>
      %select_n3A_2572 = arith.select %gt3A_2569, %select_n3A_2568, %select_n3A_2525 : vector<16xi1>, vector<16xi32>
      %select_n3A_2573 = arith.select %gt3A_2569, %select_n3A_2525, %select_n3A_2568 : vector<16xi1>, vector<16xi32>
      %gt3A_2574 = arith.cmpf ogt, %select_n3A_2571, %select_n3A_2528 : vector<16xf32>
      %select_n3A_2575 = arith.select %gt3A_2574, %select_n3A_2571, %select_n3A_2528 : vector<16xi1>, vector<16xf32>
      %select_n3A_2576 = arith.select %gt3A_2574, %select_n3A_2528, %select_n3A_2571 : vector<16xi1>, vector<16xf32>
      %select_n3A_2577 = arith.select %gt3A_2574, %select_n3A_2573, %select_n3A_2530 : vector<16xi1>, vector<16xi32>
      %select_n3A_2578 = arith.select %gt3A_2574, %select_n3A_2530, %select_n3A_2573 : vector<16xi1>, vector<16xi32>
      %gt3A_2579 = arith.cmpf ogt, %select_n3A_2576, %select_n3A_2533 : vector<16xf32>
      %select_n3A_2580 = arith.select %gt3A_2579, %select_n3A_2576, %select_n3A_2533 : vector<16xi1>, vector<16xf32>
      %select_n3A_2581 = arith.select %gt3A_2579, %select_n3A_2533, %select_n3A_2576 : vector<16xi1>, vector<16xf32>
      %select_n3A_2582 = arith.select %gt3A_2579, %select_n3A_2578, %select_n3A_2535 : vector<16xi1>, vector<16xi32>
      %select_n3A_2583 = arith.select %gt3A_2579, %select_n3A_2535, %select_n3A_2578 : vector<16xi1>, vector<16xi32>
      %gt3A_2584 = arith.cmpf ogt, %select_n3A_2581, %select_n3A_2538 : vector<16xf32>
      %select_n3A_2585 = arith.select %gt3A_2584, %select_n3A_2581, %select_n3A_2538 : vector<16xi1>, vector<16xf32>
      %select_n3A_2586 = arith.select %gt3A_2584, %select_n3A_2538, %select_n3A_2581 : vector<16xi1>, vector<16xf32>
      %select_n3A_2587 = arith.select %gt3A_2584, %select_n3A_2583, %select_n3A_2540 : vector<16xi1>, vector<16xi32>
      %select_n3A_2588 = arith.select %gt3A_2584, %select_n3A_2540, %select_n3A_2583 : vector<16xi1>, vector<16xi32>
      %gt3A_2589 = arith.cmpf ogt, %select_n3A_2586, %select_n3A_2543 : vector<16xf32>
      %select_n3A_2590 = arith.select %gt3A_2589, %select_n3A_2586, %select_n3A_2543 : vector<16xi1>, vector<16xf32>
      %select_n3A_2591 = arith.select %gt3A_2589, %select_n3A_2543, %select_n3A_2586 : vector<16xi1>, vector<16xf32>
      %select_n3A_2592 = arith.select %gt3A_2589, %select_n3A_2588, %select_n3A_2545 : vector<16xi1>, vector<16xi32>
      %select_n3A_2593 = arith.select %gt3A_2589, %select_n3A_2545, %select_n3A_2588 : vector<16xi1>, vector<16xi32>
      %gt3A_2594 = arith.cmpf ogt, %select_n3A_2591, %select_n3A_2548 : vector<16xf32>
      %select_n3A_2595 = arith.select %gt3A_2594, %select_n3A_2591, %select_n3A_2548 : vector<16xi1>, vector<16xf32>
      %select_n3A_2596 = arith.select %gt3A_2594, %select_n3A_2548, %select_n3A_2591 : vector<16xi1>, vector<16xf32>
      %select_n3A_2597 = arith.select %gt3A_2594, %select_n3A_2593, %select_n3A_2550 : vector<16xi1>, vector<16xi32>
      %select_n3A_2598 = arith.select %gt3A_2594, %select_n3A_2550, %select_n3A_2593 : vector<16xi1>, vector<16xi32>
      %gt3A_2599 = arith.cmpf ogt, %select_n3A_2596, %select_n3A_2553 : vector<16xf32>
      %select_n3A_2600 = arith.select %gt3A_2599, %select_n3A_2596, %select_n3A_2553 : vector<16xi1>, vector<16xf32>
      %select_n3A_2601 = arith.select %gt3A_2599, %select_n3A_2553, %select_n3A_2596 : vector<16xi1>, vector<16xf32>
      %select_n3A_2602 = arith.select %gt3A_2599, %select_n3A_2598, %select_n3A_2555 : vector<16xi1>, vector<16xi32>
      %select_n3A_2603 = arith.select %gt3A_2599, %select_n3A_2555, %select_n3A_2598 : vector<16xi1>, vector<16xi32>
      %get3A_2604 = arith.constant 59 : i32
      %get3A_2605 = arith.index_cast %get3A_2604 : i32 to index
      %get3A_2606 = arith.index_cast %mul3A_13 : i32 to index
      %get3A_2607 = tpu.vector_load %arg5[%get3A_2605, %get3A_2606] {strides = array<i32>} : memref<64x1024xf32, #tpu.memory_space<vmem>>, vector<16xf32>,
      %mul3A_2608 = arith.constant 59 : i32
      %mul3A_2609 = vector.broadcast %mul3A_2608 : i32 to vector<16xi32>
      %mul3A_2610 = arith.muli %broadcast_in_dim3A_3, %mul3A_2609 : vector<16xi32>
      %gt3A_2611 = arith.cmpf ogt, %get3A_2607, %select_n3A_2565 : vector<16xf32>
      %select_n3A_2612 = arith.select %gt3A_2611, %get3A_2607, %select_n3A_2565 : vector<16xi1>, vector<16xf32>
      %select_n3A_2613 = arith.select %gt3A_2611, %select_n3A_2565, %get3A_2607 : vector<16xi1>, vector<16xf32>
      %select_n3A_2614 = arith.select %gt3A_2611, %mul3A_2610, %select_n3A_2567 : vector<16xi1>, vector<16xi32>
      %select_n3A_2615 = arith.select %gt3A_2611, %select_n3A_2567, %mul3A_2610 : vector<16xi1>, vector<16xi32>
      %gt3A_2616 = arith.cmpf ogt, %select_n3A_2613, %select_n3A_2570 : vector<16xf32>
      %select_n3A_2617 = arith.select %gt3A_2616, %select_n3A_2613, %select_n3A_2570 : vector<16xi1>, vector<16xf32>
      %select_n3A_2618 = arith.select %gt3A_2616, %select_n3A_2570, %select_n3A_2613 : vector<16xi1>, vector<16xf32>
      %select_n3A_2619 = arith.select %gt3A_2616, %select_n3A_2615, %select_n3A_2572 : vector<16xi1>, vector<16xi32>
      %select_n3A_2620 = arith.select %gt3A_2616, %select_n3A_2572, %select_n3A_2615 : vector<16xi1>, vector<16xi32>
      %gt3A_2621 = arith.cmpf ogt, %select_n3A_2618, %select_n3A_2575 : vector<16xf32>
      %select_n3A_2622 = arith.select %gt3A_2621, %select_n3A_2618, %select_n3A_2575 : vector<16xi1>, vector<16xf32>
      %select_n3A_2623 = arith.select %gt3A_2621, %select_n3A_2575, %select_n3A_2618 : vector<16xi1>, vector<16xf32>
      %select_n3A_2624 = arith.select %gt3A_2621, %select_n3A_2620, %select_n3A_2577 : vector<16xi1>, vector<16xi32>
      %select_n3A_2625 = arith.select %gt3A_2621, %select_n3A_2577, %select_n3A_2620 : vector<16xi1>, vector<16xi32>
      %gt3A_2626 = arith.cmpf ogt, %select_n3A_2623, %select_n3A_2580 : vector<16xf32>
      %select_n3A_2627 = arith.select %gt3A_2626, %select_n3A_2623, %select_n3A_2580 : vector<16xi1>, vector<16xf32>
      %select_n3A_2628 = arith.select %gt3A_2626, %select_n3A_2580, %select_n3A_2623 : vector<16xi1>, vector<16xf32>
      %select_n3A_2629 = arith.select %gt3A_2626, %select_n3A_2625, %select_n3A_2582 : vector<16xi1>, vector<16xi32>
      %select_n3A_2630 = arith.select %gt3A_2626, %select_n3A_2582, %select_n3A_2625 : vector<16xi1>, vector<16xi32>
      %gt3A_2631 = arith.cmpf ogt, %select_n3A_2628, %select_n3A_2585 : vector<16xf32>
      %select_n3A_2632 = arith.select %gt3A_2631, %select_n3A_2628, %select_n3A_2585 : vector<16xi1>, vector<16xf32>
      %select_n3A_2633 = arith.select %gt3A_2631, %select_n3A_2585, %select_n3A_2628 : vector<16xi1>, vector<16xf32>
      %select_n3A_2634 = arith.select %gt3A_2631, %select_n3A_2630, %select_n3A_2587 : vector<16xi1>, vector<16xi32>
      %select_n3A_2635 = arith.select %gt3A_2631, %select_n3A_2587, %select_n3A_2630 : vector<16xi1>, vector<16xi32>
      %gt3A_2636 = arith.cmpf ogt, %select_n3A_2633, %select_n3A_2590 : vector<16xf32>
      %select_n3A_2637 = arith.select %gt3A_2636, %select_n3A_2633, %select_n3A_2590 : vector<16xi1>, vector<16xf32>
      %select_n3A_2638 = arith.select %gt3A_2636, %select_n3A_2590, %select_n3A_2633 : vector<16xi1>, vector<16xf32>
      %select_n3A_2639 = arith.select %gt3A_2636, %select_n3A_2635, %select_n3A_2592 : vector<16xi1>, vector<16xi32>
      %select_n3A_2640 = arith.select %gt3A_2636, %select_n3A_2592, %select_n3A_2635 : vector<16xi1>, vector<16xi32>
      %gt3A_2641 = arith.cmpf ogt, %select_n3A_2638, %select_n3A_2595 : vector<16xf32>
      %select_n3A_2642 = arith.select %gt3A_2641, %select_n3A_2638, %select_n3A_2595 : vector<16xi1>, vector<16xf32>
      %select_n3A_2643 = arith.select %gt3A_2641, %select_n3A_2595, %select_n3A_2638 : vector<16xi1>, vector<16xf32>
      %select_n3A_2644 = arith.select %gt3A_2641, %select_n3A_2640, %select_n3A_2597 : vector<16xi1>, vector<16xi32>
      %select_n3A_2645 = arith.select %gt3A_2641, %select_n3A_2597, %select_n3A_2640 : vector<16xi1>, vector<16xi32>
      %gt3A_2646 = arith.cmpf ogt, %select_n3A_2643, %select_n3A_2600 : vector<16xf32>
      %select_n3A_2647 = arith.select %gt3A_2646, %select_n3A_2643, %select_n3A_2600 : vector<16xi1>, vector<16xf32>
      %select_n3A_2648 = arith.select %gt3A_2646, %select_n3A_2600, %select_n3A_2643 : vector<16xi1>, vector<16xf32>
      %select_n3A_2649 = arith.select %gt3A_2646, %select_n3A_2645, %select_n3A_2602 : vector<16xi1>, vector<16xi32>
      %select_n3A_2650 = arith.select %gt3A_2646, %select_n3A_2602, %select_n3A_2645 : vector<16xi1>, vector<16xi32>
      %get3A_2651 = arith.constant 60 : i32
      %get3A_2652 = arith.index_cast %get3A_2651 : i32 to index
      %get3A_2653 = arith.index_cast %mul3A_13 : i32 to index
      %get3A_2654 = tpu.vector_load %arg5[%get3A_2652, %get3A_2653] {strides = array<i32>} : memref<64x1024xf32, #tpu.memory_space<vmem>>, vector<16xf32>,
      %mul3A_2655 = arith.constant 60 : i32
      %mul3A_2656 = vector.broadcast %mul3A_2655 : i32 to vector<16xi32>
      %mul3A_2657 = arith.muli %broadcast_in_dim3A_3, %mul3A_2656 : vector<16xi32>
      %gt3A_2658 = arith.cmpf ogt, %get3A_2654, %select_n3A_2612 : vector<16xf32>
      %select_n3A_2659 = arith.select %gt3A_2658, %get3A_2654, %select_n3A_2612 : vector<16xi1>, vector<16xf32>
      %select_n3A_2660 = arith.select %gt3A_2658, %select_n3A_2612, %get3A_2654 : vector<16xi1>, vector<16xf32>
      %select_n3A_2661 = arith.select %gt3A_2658, %mul3A_2657, %select_n3A_2614 : vector<16xi1>, vector<16xi32>
      %select_n3A_2662 = arith.select %gt3A_2658, %select_n3A_2614, %mul3A_2657 : vector<16xi1>, vector<16xi32>
      %gt3A_2663 = arith.cmpf ogt, %select_n3A_2660, %select_n3A_2617 : vector<16xf32>
      %select_n3A_2664 = arith.select %gt3A_2663, %select_n3A_2660, %select_n3A_2617 : vector<16xi1>, vector<16xf32>
      %select_n3A_2665 = arith.select %gt3A_2663, %select_n3A_2617, %select_n3A_2660 : vector<16xi1>, vector<16xf32>
      %select_n3A_2666 = arith.select %gt3A_2663, %select_n3A_2662, %select_n3A_2619 : vector<16xi1>, vector<16xi32>
      %select_n3A_2667 = arith.select %gt3A_2663, %select_n3A_2619, %select_n3A_2662 : vector<16xi1>, vector<16xi32>
      %gt3A_2668 = arith.cmpf ogt, %select_n3A_2665, %select_n3A_2622 : vector<16xf32>
      %select_n3A_2669 = arith.select %gt3A_2668, %select_n3A_2665, %select_n3A_2622 : vector<16xi1>, vector<16xf32>
      %select_n3A_2670 = arith.select %gt3A_2668, %select_n3A_2622, %select_n3A_2665 : vector<16xi1>, vector<16xf32>
      %select_n3A_2671 = arith.select %gt3A_2668, %select_n3A_2667, %select_n3A_2624 : vector<16xi1>, vector<16xi32>
      %select_n3A_2672 = arith.select %gt3A_2668, %select_n3A_2624, %select_n3A_2667 : vector<16xi1>, vector<16xi32>
      %gt3A_2673 = arith.cmpf ogt, %select_n3A_2670, %select_n3A_2627 : vector<16xf32>
      %select_n3A_2674 = arith.select %gt3A_2673, %select_n3A_2670, %select_n3A_2627 : vector<16xi1>, vector<16xf32>
      %select_n3A_2675 = arith.select %gt3A_2673, %select_n3A_2627, %select_n3A_2670 : vector<16xi1>, vector<16xf32>
      %select_n3A_2676 = arith.select %gt3A_2673, %select_n3A_2672, %select_n3A_2629 : vector<16xi1>, vector<16xi32>
      %select_n3A_2677 = arith.select %gt3A_2673, %select_n3A_2629, %select_n3A_2672 : vector<16xi1>, vector<16xi32>
      %gt3A_2678 = arith.cmpf ogt, %select_n3A_2675, %select_n3A_2632 : vector<16xf32>
      %select_n3A_2679 = arith.select %gt3A_2678, %select_n3A_2675, %select_n3A_2632 : vector<16xi1>, vector<16xf32>
      %select_n3A_2680 = arith.select %gt3A_2678, %select_n3A_2632, %select_n3A_2675 : vector<16xi1>, vector<16xf32>
      %select_n3A_2681 = arith.select %gt3A_2678, %select_n3A_2677, %select_n3A_2634 : vector<16xi1>, vector<16xi32>
      %select_n3A_2682 = arith.select %gt3A_2678, %select_n3A_2634, %select_n3A_2677 : vector<16xi1>, vector<16xi32>
      %gt3A_2683 = arith.cmpf ogt, %select_n3A_2680, %select_n3A_2637 : vector<16xf32>
      %select_n3A_2684 = arith.select %gt3A_2683, %select_n3A_2680, %select_n3A_2637 : vector<16xi1>, vector<16xf32>
      %select_n3A_2685 = arith.select %gt3A_2683, %select_n3A_2637, %select_n3A_2680 : vector<16xi1>, vector<16xf32>
      %select_n3A_2686 = arith.select %gt3A_2683, %select_n3A_2682, %select_n3A_2639 : vector<16xi1>, vector<16xi32>
      %select_n3A_2687 = arith.select %gt3A_2683, %select_n3A_2639, %select_n3A_2682 : vector<16xi1>, vector<16xi32>
      %gt3A_2688 = arith.cmpf ogt, %select_n3A_2685, %select_n3A_2642 : vector<16xf32>
      %select_n3A_2689 = arith.select %gt3A_2688, %select_n3A_2685, %select_n3A_2642 : vector<16xi1>, vector<16xf32>
      %select_n3A_2690 = arith.select %gt3A_2688, %select_n3A_2642, %select_n3A_2685 : vector<16xi1>, vector<16xf32>
      %select_n3A_2691 = arith.select %gt3A_2688, %select_n3A_2687, %select_n3A_2644 : vector<16xi1>, vector<16xi32>
      %select_n3A_2692 = arith.select %gt3A_2688, %select_n3A_2644, %select_n3A_2687 : vector<16xi1>, vector<16xi32>
      %gt3A_2693 = arith.cmpf ogt, %select_n3A_2690, %select_n3A_2647 : vector<16xf32>
      %select_n3A_2694 = arith.select %gt3A_2693, %select_n3A_2690, %select_n3A_2647 : vector<16xi1>, vector<16xf32>
      %select_n3A_2695 = arith.select %gt3A_2693, %select_n3A_2647, %select_n3A_2690 : vector<16xi1>, vector<16xf32>
      %select_n3A_2696 = arith.select %gt3A_2693, %select_n3A_2692, %select_n3A_2649 : vector<16xi1>, vector<16xi32>
      %select_n3A_2697 = arith.select %gt3A_2693, %select_n3A_2649, %select_n3A_2692 : vector<16xi1>, vector<16xi32>
      %get3A_2698 = arith.constant 61 : i32
      %get3A_2699 = arith.index_cast %get3A_2698 : i32 to index
      %get3A_2700 = arith.index_cast %mul3A_13 : i32 to index
      %get3A_2701 = tpu.vector_load %arg5[%get3A_2699, %get3A_2700] {strides = array<i32>} : memref<64x1024xf32, #tpu.memory_space<vmem>>, vector<16xf32>,
      %mul3A_2702 = arith.constant 61 : i32
      %mul3A_2703 = vector.broadcast %mul3A_2702 : i32 to vector<16xi32>
      %mul3A_2704 = arith.muli %broadcast_in_dim3A_3, %mul3A_2703 : vector<16xi32>
      %gt3A_2705 = arith.cmpf ogt, %get3A_2701, %select_n3A_2659 : vector<16xf32>
      %select_n3A_2706 = arith.select %gt3A_2705, %get3A_2701, %select_n3A_2659 : vector<16xi1>, vector<16xf32>
      %select_n3A_2707 = arith.select %gt3A_2705, %select_n3A_2659, %get3A_2701 : vector<16xi1>, vector<16xf32>
      %select_n3A_2708 = arith.select %gt3A_2705, %mul3A_2704, %select_n3A_2661 : vector<16xi1>, vector<16xi32>
      %select_n3A_2709 = arith.select %gt3A_2705, %select_n3A_2661, %mul3A_2704 : vector<16xi1>, vector<16xi32>
      %gt3A_2710 = arith.cmpf ogt, %select_n3A_2707, %select_n3A_2664 : vector<16xf32>
      %select_n3A_2711 = arith.select %gt3A_2710, %select_n3A_2707, %select_n3A_2664 : vector<16xi1>, vector<16xf32>
      %select_n3A_2712 = arith.select %gt3A_2710, %select_n3A_2664, %select_n3A_2707 : vector<16xi1>, vector<16xf32>
      %select_n3A_2713 = arith.select %gt3A_2710, %select_n3A_2709, %select_n3A_2666 : vector<16xi1>, vector<16xi32>
      %select_n3A_2714 = arith.select %gt3A_2710, %select_n3A_2666, %select_n3A_2709 : vector<16xi1>, vector<16xi32>
      %gt3A_2715 = arith.cmpf ogt, %select_n3A_2712, %select_n3A_2669 : vector<16xf32>
      %select_n3A_2716 = arith.select %gt3A_2715, %select_n3A_2712, %select_n3A_2669 : vector<16xi1>, vector<16xf32>
      %select_n3A_2717 = arith.select %gt3A_2715, %select_n3A_2669, %select_n3A_2712 : vector<16xi1>, vector<16xf32>
      %select_n3A_2718 = arith.select %gt3A_2715, %select_n3A_2714, %select_n3A_2671 : vector<16xi1>, vector<16xi32>
      %select_n3A_2719 = arith.select %gt3A_2715, %select_n3A_2671, %select_n3A_2714 : vector<16xi1>, vector<16xi32>
      %gt3A_2720 = arith.cmpf ogt, %select_n3A_2717, %select_n3A_2674 : vector<16xf32>
      %select_n3A_2721 = arith.select %gt3A_2720, %select_n3A_2717, %select_n3A_2674 : vector<16xi1>, vector<16xf32>
      %select_n3A_2722 = arith.select %gt3A_2720, %select_n3A_2674, %select_n3A_2717 : vector<16xi1>, vector<16xf32>
      %select_n3A_2723 = arith.select %gt3A_2720, %select_n3A_2719, %select_n3A_2676 : vector<16xi1>, vector<16xi32>
      %select_n3A_2724 = arith.select %gt3A_2720, %select_n3A_2676, %select_n3A_2719 : vector<16xi1>, vector<16xi32>
      %gt3A_2725 = arith.cmpf ogt, %select_n3A_2722, %select_n3A_2679 : vector<16xf32>
      %select_n3A_2726 = arith.select %gt3A_2725, %select_n3A_2722, %select_n3A_2679 : vector<16xi1>, vector<16xf32>
      %select_n3A_2727 = arith.select %gt3A_2725, %select_n3A_2679, %select_n3A_2722 : vector<16xi1>, vector<16xf32>
      %select_n3A_2728 = arith.select %gt3A_2725, %select_n3A_2724, %select_n3A_2681 : vector<16xi1>, vector<16xi32>
      %select_n3A_2729 = arith.select %gt3A_2725, %select_n3A_2681, %select_n3A_2724 : vector<16xi1>, vector<16xi32>
      %gt3A_2730 = arith.cmpf ogt, %select_n3A_2727, %select_n3A_2684 : vector<16xf32>
      %select_n3A_2731 = arith.select %gt3A_2730, %select_n3A_2727, %select_n3A_2684 : vector<16xi1>, vector<16xf32>
      %select_n3A_2732 = arith.select %gt3A_2730, %select_n3A_2684, %select_n3A_2727 : vector<16xi1>, vector<16xf32>
      %select_n3A_2733 = arith.select %gt3A_2730, %select_n3A_2729, %select_n3A_2686 : vector<16xi1>, vector<16xi32>
      %select_n3A_2734 = arith.select %gt3A_2730, %select_n3A_2686, %select_n3A_2729 : vector<16xi1>, vector<16xi32>
      %gt3A_2735 = arith.cmpf ogt, %select_n3A_2732, %select_n3A_2689 : vector<16xf32>
      %select_n3A_2736 = arith.select %gt3A_2735, %select_n3A_2732, %select_n3A_2689 : vector<16xi1>, vector<16xf32>
      %select_n3A_2737 = arith.select %gt3A_2735, %select_n3A_2689, %select_n3A_2732 : vector<16xi1>, vector<16xf32>
      %select_n3A_2738 = arith.select %gt3A_2735, %select_n3A_2734, %select_n3A_2691 : vector<16xi1>, vector<16xi32>
      %select_n3A_2739 = arith.select %gt3A_2735, %select_n3A_2691, %select_n3A_2734 : vector<16xi1>, vector<16xi32>
      %gt3A_2740 = arith.cmpf ogt, %select_n3A_2737, %select_n3A_2694 : vector<16xf32>
      %select_n3A_2741 = arith.select %gt3A_2740, %select_n3A_2737, %select_n3A_2694 : vector<16xi1>, vector<16xf32>
      %select_n3A_2742 = arith.select %gt3A_2740, %select_n3A_2694, %select_n3A_2737 : vector<16xi1>, vector<16xf32>
      %select_n3A_2743 = arith.select %gt3A_2740, %select_n3A_2739, %select_n3A_2696 : vector<16xi1>, vector<16xi32>
      %select_n3A_2744 = arith.select %gt3A_2740, %select_n3A_2696, %select_n3A_2739 : vector<16xi1>, vector<16xi32>
      %get3A_2745 = arith.constant 62 : i32
      %get3A_2746 = arith.index_cast %get3A_2745 : i32 to index
      %get3A_2747 = arith.index_cast %mul3A_13 : i32 to index
      %get3A_2748 = tpu.vector_load %arg5[%get3A_2746, %get3A_2747] {strides = array<i32>} : memref<64x1024xf32, #tpu.memory_space<vmem>>, vector<16xf32>,
      %mul3A_2749 = arith.constant 62 : i32
      %mul3A_2750 = vector.broadcast %mul3A_2749 : i32 to vector<16xi32>
      %mul3A_2751 = arith.muli %broadcast_in_dim3A_3, %mul3A_2750 : vector<16xi32>
      %gt3A_2752 = arith.cmpf ogt, %get3A_2748, %select_n3A_2706 : vector<16xf32>
      %select_n3A_2753 = arith.select %gt3A_2752, %get3A_2748, %select_n3A_2706 : vector<16xi1>, vector<16xf32>
      %select_n3A_2754 = arith.select %gt3A_2752, %select_n3A_2706, %get3A_2748 : vector<16xi1>, vector<16xf32>
      %select_n3A_2755 = arith.select %gt3A_2752, %mul3A_2751, %select_n3A_2708 : vector<16xi1>, vector<16xi32>
      %select_n3A_2756 = arith.select %gt3A_2752, %select_n3A_2708, %mul3A_2751 : vector<16xi1>, vector<16xi32>
      %gt3A_2757 = arith.cmpf ogt, %select_n3A_2754, %select_n3A_2711 : vector<16xf32>
      %select_n3A_2758 = arith.select %gt3A_2757, %select_n3A_2754, %select_n3A_2711 : vector<16xi1>, vector<16xf32>
      %select_n3A_2759 = arith.select %gt3A_2757, %select_n3A_2711, %select_n3A_2754 : vector<16xi1>, vector<16xf32>
      %select_n3A_2760 = arith.select %gt3A_2757, %select_n3A_2756, %select_n3A_2713 : vector<16xi1>, vector<16xi32>
      %select_n3A_2761 = arith.select %gt3A_2757, %select_n3A_2713, %select_n3A_2756 : vector<16xi1>, vector<16xi32>
      %gt3A_2762 = arith.cmpf ogt, %select_n3A_2759, %select_n3A_2716 : vector<16xf32>
      %select_n3A_2763 = arith.select %gt3A_2762, %select_n3A_2759, %select_n3A_2716 : vector<16xi1>, vector<16xf32>
      %select_n3A_2764 = arith.select %gt3A_2762, %select_n3A_2716, %select_n3A_2759 : vector<16xi1>, vector<16xf32>
      %select_n3A_2765 = arith.select %gt3A_2762, %select_n3A_2761, %select_n3A_2718 : vector<16xi1>, vector<16xi32>
      %select_n3A_2766 = arith.select %gt3A_2762, %select_n3A_2718, %select_n3A_2761 : vector<16xi1>, vector<16xi32>
      %gt3A_2767 = arith.cmpf ogt, %select_n3A_2764, %select_n3A_2721 : vector<16xf32>
      %select_n3A_2768 = arith.select %gt3A_2767, %select_n3A_2764, %select_n3A_2721 : vector<16xi1>, vector<16xf32>
      %select_n3A_2769 = arith.select %gt3A_2767, %select_n3A_2721, %select_n3A_2764 : vector<16xi1>, vector<16xf32>
      %select_n3A_2770 = arith.select %gt3A_2767, %select_n3A_2766, %select_n3A_2723 : vector<16xi1>, vector<16xi32>
      %select_n3A_2771 = arith.select %gt3A_2767, %select_n3A_2723, %select_n3A_2766 : vector<16xi1>, vector<16xi32>
      %gt3A_2772 = arith.cmpf ogt, %select_n3A_2769, %select_n3A_2726 : vector<16xf32>
      %select_n3A_2773 = arith.select %gt3A_2772, %select_n3A_2769, %select_n3A_2726 : vector<16xi1>, vector<16xf32>
      %select_n3A_2774 = arith.select %gt3A_2772, %select_n3A_2726, %select_n3A_2769 : vector<16xi1>, vector<16xf32>
      %select_n3A_2775 = arith.select %gt3A_2772, %select_n3A_2771, %select_n3A_2728 : vector<16xi1>, vector<16xi32>
      %select_n3A_2776 = arith.select %gt3A_2772, %select_n3A_2728, %select_n3A_2771 : vector<16xi1>, vector<16xi32>
      %gt3A_2777 = arith.cmpf ogt, %select_n3A_2774, %select_n3A_2731 : vector<16xf32>
      %select_n3A_2778 = arith.select %gt3A_2777, %select_n3A_2774, %select_n3A_2731 : vector<16xi1>, vector<16xf32>
      %select_n3A_2779 = arith.select %gt3A_2777, %select_n3A_2731, %select_n3A_2774 : vector<16xi1>, vector<16xf32>
      %select_n3A_2780 = arith.select %gt3A_2777, %select_n3A_2776, %select_n3A_2733 : vector<16xi1>, vector<16xi32>
      %select_n3A_2781 = arith.select %gt3A_2777, %select_n3A_2733, %select_n3A_2776 : vector<16xi1>, vector<16xi32>
      %gt3A_2782 = arith.cmpf ogt, %select_n3A_2779, %select_n3A_2736 : vector<16xf32>
      %select_n3A_2783 = arith.select %gt3A_2782, %select_n3A_2779, %select_n3A_2736 : vector<16xi1>, vector<16xf32>
      %select_n3A_2784 = arith.select %gt3A_2782, %select_n3A_2736, %select_n3A_2779 : vector<16xi1>, vector<16xf32>
      %select_n3A_2785 = arith.select %gt3A_2782, %select_n3A_2781, %select_n3A_2738 : vector<16xi1>, vector<16xi32>
      %select_n3A_2786 = arith.select %gt3A_2782, %select_n3A_2738, %select_n3A_2781 : vector<16xi1>, vector<16xi32>
      %gt3A_2787 = arith.cmpf ogt, %select_n3A_2784, %select_n3A_2741 : vector<16xf32>
      %select_n3A_2788 = arith.select %gt3A_2787, %select_n3A_2784, %select_n3A_2741 : vector<16xi1>, vector<16xf32>
      %select_n3A_2789 = arith.select %gt3A_2787, %select_n3A_2741, %select_n3A_2784 : vector<16xi1>, vector<16xf32>
      %select_n3A_2790 = arith.select %gt3A_2787, %select_n3A_2786, %select_n3A_2743 : vector<16xi1>, vector<16xi32>
      %select_n3A_2791 = arith.select %gt3A_2787, %select_n3A_2743, %select_n3A_2786 : vector<16xi1>, vector<16xi32>
      %get3A_2792 = arith.constant 63 : i32
      %get3A_2793 = arith.index_cast %get3A_2792 : i32 to index
      %get3A_2794 = arith.index_cast %mul3A_13 : i32 to index
      %get3A_2795 = tpu.vector_load %arg5[%get3A_2793, %get3A_2794] {strides = array<i32>} : memref<64x1024xf32, #tpu.memory_space<vmem>>, vector<16xf32>,
      %mul3A_2796 = arith.constant 63 : i32
      %mul3A_2797 = vector.broadcast %mul3A_2796 : i32 to vector<16xi32>
      %mul3A_2798 = arith.muli %broadcast_in_dim3A_3, %mul3A_2797 : vector<16xi32>
      %gt3A_2799 = arith.cmpf ogt, %get3A_2795, %select_n3A_2753 : vector<16xf32>
      %select_n3A_2800 = arith.select %gt3A_2799, %get3A_2795, %select_n3A_2753 : vector<16xi1>, vector<16xf32>
      %select_n3A_2801 = arith.select %gt3A_2799, %select_n3A_2753, %get3A_2795 : vector<16xi1>, vector<16xf32>
      %select_n3A_2802 = arith.select %gt3A_2799, %mul3A_2798, %select_n3A_2755 : vector<16xi1>, vector<16xi32>
      %select_n3A_2803 = arith.select %gt3A_2799, %select_n3A_2755, %mul3A_2798 : vector<16xi1>, vector<16xi32>
      %gt3A_2804 = arith.cmpf ogt, %select_n3A_2801, %select_n3A_2758 : vector<16xf32>
      %select_n3A_2805 = arith.select %gt3A_2804, %select_n3A_2801, %select_n3A_2758 : vector<16xi1>, vector<16xf32>
      %select_n3A_2806 = arith.select %gt3A_2804, %select_n3A_2758, %select_n3A_2801 : vector<16xi1>, vector<16xf32>
      %select_n3A_2807 = arith.select %gt3A_2804, %select_n3A_2803, %select_n3A_2760 : vector<16xi1>, vector<16xi32>
      %select_n3A_2808 = arith.select %gt3A_2804, %select_n3A_2760, %select_n3A_2803 : vector<16xi1>, vector<16xi32>
      %gt3A_2809 = arith.cmpf ogt, %select_n3A_2806, %select_n3A_2763 : vector<16xf32>
      %select_n3A_2810 = arith.select %gt3A_2809, %select_n3A_2806, %select_n3A_2763 : vector<16xi1>, vector<16xf32>
      %select_n3A_2811 = arith.select %gt3A_2809, %select_n3A_2763, %select_n3A_2806 : vector<16xi1>, vector<16xf32>
      %select_n3A_2812 = arith.select %gt3A_2809, %select_n3A_2808, %select_n3A_2765 : vector<16xi1>, vector<16xi32>
      %select_n3A_2813 = arith.select %gt3A_2809, %select_n3A_2765, %select_n3A_2808 : vector<16xi1>, vector<16xi32>
      %gt3A_2814 = arith.cmpf ogt, %select_n3A_2811, %select_n3A_2768 : vector<16xf32>
      %select_n3A_2815 = arith.select %gt3A_2814, %select_n3A_2811, %select_n3A_2768 : vector<16xi1>, vector<16xf32>
      %select_n3A_2816 = arith.select %gt3A_2814, %select_n3A_2768, %select_n3A_2811 : vector<16xi1>, vector<16xf32>
      %select_n3A_2817 = arith.select %gt3A_2814, %select_n3A_2813, %select_n3A_2770 : vector<16xi1>, vector<16xi32>
      %select_n3A_2818 = arith.select %gt3A_2814, %select_n3A_2770, %select_n3A_2813 : vector<16xi1>, vector<16xi32>
      %gt3A_2819 = arith.cmpf ogt, %select_n3A_2816, %select_n3A_2773 : vector<16xf32>
      %select_n3A_2820 = arith.select %gt3A_2819, %select_n3A_2816, %select_n3A_2773 : vector<16xi1>, vector<16xf32>
      %select_n3A_2821 = arith.select %gt3A_2819, %select_n3A_2773, %select_n3A_2816 : vector<16xi1>, vector<16xf32>
      %select_n3A_2822 = arith.select %gt3A_2819, %select_n3A_2818, %select_n3A_2775 : vector<16xi1>, vector<16xi32>
      %select_n3A_2823 = arith.select %gt3A_2819, %select_n3A_2775, %select_n3A_2818 : vector<16xi1>, vector<16xi32>
      %gt3A_2824 = arith.cmpf ogt, %select_n3A_2821, %select_n3A_2778 : vector<16xf32>
      %select_n3A_2825 = arith.select %gt3A_2824, %select_n3A_2821, %select_n3A_2778 : vector<16xi1>, vector<16xf32>
      %select_n3A_2826 = arith.select %gt3A_2824, %select_n3A_2778, %select_n3A_2821 : vector<16xi1>, vector<16xf32>
      %select_n3A_2827 = arith.select %gt3A_2824, %select_n3A_2823, %select_n3A_2780 : vector<16xi1>, vector<16xi32>
      %select_n3A_2828 = arith.select %gt3A_2824, %select_n3A_2780, %select_n3A_2823 : vector<16xi1>, vector<16xi32>
      %gt3A_2829 = arith.cmpf ogt, %select_n3A_2826, %select_n3A_2783 : vector<16xf32>
      %select_n3A_2830 = arith.select %gt3A_2829, %select_n3A_2826, %select_n3A_2783 : vector<16xi1>, vector<16xf32>
      %select_n3A_2831 = arith.select %gt3A_2829, %select_n3A_2783, %select_n3A_2826 : vector<16xi1>, vector<16xf32>
      %select_n3A_2832 = arith.select %gt3A_2829, %select_n3A_2828, %select_n3A_2785 : vector<16xi1>, vector<16xi32>
      %select_n3A_2833 = arith.select %gt3A_2829, %select_n3A_2785, %select_n3A_2828 : vector<16xi1>, vector<16xi32>
      %gt3A_2834 = arith.cmpf ogt, %select_n3A_2831, %select_n3A_2788 : vector<16xf32>
      %select_n3A_2835 = arith.select %gt3A_2834, %select_n3A_2831, %select_n3A_2788 : vector<16xi1>, vector<16xf32>
      %select_n3A_2836 = arith.select %gt3A_2834, %select_n3A_2788, %select_n3A_2831 : vector<16xi1>, vector<16xf32>
      %select_n3A_2837 = arith.select %gt3A_2834, %select_n3A_2833, %select_n3A_2790 : vector<16xi1>, vector<16xi32>
      %select_n3A_2838 = arith.select %gt3A_2834, %select_n3A_2790, %select_n3A_2833 : vector<16xi1>, vector<16xi32>
      %sub3A = arith.subf %select_n3A_2800, %select_n3A_2800 : vector<16xf32>
      %exp3A = math.exp %sub3A : vector<16xf32>
      %sub3A_2839 = arith.subf %select_n3A_2805, %select_n3A_2800 : vector<16xf32>
      %exp3A_2840 = math.exp %sub3A_2839 : vector<16xf32>
      %sub3A_2841 = arith.subf %select_n3A_2810, %select_n3A_2800 : vector<16xf32>
      %exp3A_2842 = math.exp %sub3A_2841 : vector<16xf32>
      %sub3A_2843 = arith.subf %select_n3A_2815, %select_n3A_2800 : vector<16xf32>
      %exp3A_2844 = math.exp %sub3A_2843 : vector<16xf32>
      %sub3A_2845 = arith.subf %select_n3A_2820, %select_n3A_2800 : vector<16xf32>
      %exp3A_2846 = math.exp %sub3A_2845 : vector<16xf32>
      %sub3A_2847 = arith.subf %select_n3A_2825, %select_n3A_2800 : vector<16xf32>
      %exp3A_2848 = math.exp %sub3A_2847 : vector<16xf32>
      %sub3A_2849 = arith.subf %select_n3A_2830, %select_n3A_2800 : vector<16xf32>
      %exp3A_2850 = math.exp %sub3A_2849 : vector<16xf32>
      %sub3A_2851 = arith.subf %select_n3A_2835, %select_n3A_2800 : vector<16xf32>
      %exp3A_2852 = math.exp %sub3A_2851 : vector<16xf32>
      %add3A_2853 = arith.addf %exp3A, %exp3A_2840 : vector<16xf32>
      %add3A_2854 = arith.addf %add3A_2853, %exp3A_2842 : vector<16xf32>
      %add3A_2855 = arith.addf %add3A_2854, %exp3A_2844 : vector<16xf32>
      %add3A_2856 = arith.addf %add3A_2855, %exp3A_2846 : vector<16xf32>
      %add3A_2857 = arith.addf %add3A_2856, %exp3A_2848 : vector<16xf32>
      %add3A_2858 = arith.addf %add3A_2857, %exp3A_2850 : vector<16xf32>
      %add3A_2859 = arith.addf %add3A_2858, %exp3A_2852 : vector<16xf32>
      %swap3A = arith.constant 0 : i32
      %swap3A_2860 = arith.index_cast %swap3A : i32 to index
      %swap3A_2861 = arith.index_cast %mul3A_13 : i32 to index
      %swap3A_2862 = tpu.vector_load %arg6[%swap3A_2860, %swap3A_2861] {strides = array<i32>} : memref<8x1024xi32, #tpu.memory_space<vmem>>, vector<16xi32>,
      tpu.vector_store %arg6[%swap3A_2860, %swap3A_2861], %select_n3A_2802 {strides = array<i32>} : memref<8x1024xi32, #tpu.memory_space<vmem>>, vector<16xi32>,
      %div3A = arith.divf %exp3A, %add3A_2859 : vector<16xf32>
      %swap3A_2863 = arith.constant 0 : i32
      %swap3A_2864 = arith.index_cast %swap3A_2863 : i32 to index
      %swap3A_2865 = arith.index_cast %mul3A_13 : i32 to index
      %swap3A_2866 = tpu.vector_load %arg7[%swap3A_2864, %swap3A_2865] {strides = array<i32>} : memref<8x1024xf32, #tpu.memory_space<vmem>>, vector<16xf32>,
      tpu.vector_store %arg7[%swap3A_2864, %swap3A_2865], %div3A {strides = array<i32>} : memref<8x1024xf32, #tpu.memory_space<vmem>>, vector<16xf32>,
      %swap3A_2867 = arith.constant 1 : i32
      %swap3A_2868 = arith.index_cast %swap3A_2867 : i32 to index
      %swap3A_2869 = arith.index_cast %mul3A_13 : i32 to index
      %swap3A_2870 = tpu.vector_load %arg6[%swap3A_2868, %swap3A_2869] {strides = array<i32>} : memref<8x1024xi32, #tpu.memory_space<vmem>>, vector<16xi32>,
      tpu.vector_store %arg6[%swap3A_2868, %swap3A_2869], %select_n3A_2807 {strides = array<i32>} : memref<8x1024xi32, #tpu.memory_space<vmem>>, vector<16xi32>,
      %div3A_2871 = arith.divf %exp3A_2840, %add3A_2859 : vector<16xf32>
      %swap3A_2872 = arith.constant 1 : i32
      %swap3A_2873 = arith.index_cast %swap3A_2872 : i32 to index
      %swap3A_2874 = arith.index_cast %mul3A_13 : i32 to index
      %swap3A_2875 = tpu.vector_load %arg7[%swap3A_2873, %swap3A_2874] {strides = array<i32>} : memref<8x1024xf32, #tpu.memory_space<vmem>>, vector<16xf32>,
      tpu.vector_store %arg7[%swap3A_2873, %swap3A_2874], %div3A_2871 {strides = array<i32>} : memref<8x1024xf32, #tpu.memory_space<vmem>>, vector<16xf32>,
      %swap3A_2876 = arith.constant 2 : i32
      %swap3A_2877 = arith.index_cast %swap3A_2876 : i32 to index
      %swap3A_2878 = arith.index_cast %mul3A_13 : i32 to index
      %swap3A_2879 = tpu.vector_load %arg6[%swap3A_2877, %swap3A_2878] {strides = array<i32>} : memref<8x1024xi32, #tpu.memory_space<vmem>>, vector<16xi32>,
      tpu.vector_store %arg6[%swap3A_2877, %swap3A_2878], %select_n3A_2812 {strides = array<i32>} : memref<8x1024xi32, #tpu.memory_space<vmem>>, vector<16xi32>,
      %div3A_2880 = arith.divf %exp3A_2842, %add3A_2859 : vector<16xf32>
      %swap3A_2881 = arith.constant 2 : i32
      %swap3A_2882 = arith.index_cast %swap3A_2881 : i32 to index
      %swap3A_2883 = arith.index_cast %mul3A_13 : i32 to index
      %swap3A_2884 = tpu.vector_load %arg7[%swap3A_2882, %swap3A_2883] {strides = array<i32>} : memref<8x1024xf32, #tpu.memory_space<vmem>>, vector<16xf32>,
      tpu.vector_store %arg7[%swap3A_2882, %swap3A_2883], %div3A_2880 {strides = array<i32>} : memref<8x1024xf32, #tpu.memory_space<vmem>>, vector<16xf32>,
      %swap3A_2885 = arith.constant 3 : i32
      %swap3A_2886 = arith.index_cast %swap3A_2885 : i32 to index
      %swap3A_2887 = arith.index_cast %mul3A_13 : i32 to index
      %swap3A_2888 = tpu.vector_load %arg6[%swap3A_2886, %swap3A_2887] {strides = array<i32>} : memref<8x1024xi32, #tpu.memory_space<vmem>>, vector<16xi32>,
      tpu.vector_store %arg6[%swap3A_2886, %swap3A_2887], %select_n3A_2817 {strides = array<i32>} : memref<8x1024xi32, #tpu.memory_space<vmem>>, vector<16xi32>,
      %div3A_2889 = arith.divf %exp3A_2844, %add3A_2859 : vector<16xf32>
      %swap3A_2890 = arith.constant 3 : i32
      %swap3A_2891 = arith.index_cast %swap3A_2890 : i32 to index
      %swap3A_2892 = arith.index_cast %mul3A_13 : i32 to index
      %swap3A_2893 = tpu.vector_load %arg7[%swap3A_2891, %swap3A_2892] {strides = array<i32>} : memref<8x1024xf32, #tpu.memory_space<vmem>>, vector<16xf32>,
      tpu.vector_store %arg7[%swap3A_2891, %swap3A_2892], %div3A_2889 {strides = array<i32>} : memref<8x1024xf32, #tpu.memory_space<vmem>>, vector<16xf32>,
      %swap3A_2894 = arith.constant 4 : i32
      %swap3A_2895 = arith.index_cast %swap3A_2894 : i32 to index
      %swap3A_2896 = arith.index_cast %mul3A_13 : i32 to index
      %swap3A_2897 = tpu.vector_load %arg6[%swap3A_2895, %swap3A_2896] {strides = array<i32>} : memref<8x1024xi32, #tpu.memory_space<vmem>>, vector<16xi32>,
      tpu.vector_store %arg6[%swap3A_2895, %swap3A_2896], %select_n3A_2822 {strides = array<i32>} : memref<8x1024xi32, #tpu.memory_space<vmem>>, vector<16xi32>,
      %div3A_2898 = arith.divf %exp3A_2846, %add3A_2859 : vector<16xf32>
      %swap3A_2899 = arith.constant 4 : i32
      %swap3A_2900 = arith.index_cast %swap3A_2899 : i32 to index
      %swap3A_2901 = arith.index_cast %mul3A_13 : i32 to index
      %swap3A_2902 = tpu.vector_load %arg7[%swap3A_2900, %swap3A_2901] {strides = array<i32>} : memref<8x1024xf32, #tpu.memory_space<vmem>>, vector<16xf32>,
      tpu.vector_store %arg7[%swap3A_2900, %swap3A_2901], %div3A_2898 {strides = array<i32>} : memref<8x1024xf32, #tpu.memory_space<vmem>>, vector<16xf32>,
      %swap3A_2903 = arith.constant 5 : i32
      %swap3A_2904 = arith.index_cast %swap3A_2903 : i32 to index
      %swap3A_2905 = arith.index_cast %mul3A_13 : i32 to index
      %swap3A_2906 = tpu.vector_load %arg6[%swap3A_2904, %swap3A_2905] {strides = array<i32>} : memref<8x1024xi32, #tpu.memory_space<vmem>>, vector<16xi32>,
      tpu.vector_store %arg6[%swap3A_2904, %swap3A_2905], %select_n3A_2827 {strides = array<i32>} : memref<8x1024xi32, #tpu.memory_space<vmem>>, vector<16xi32>,
      %div3A_2907 = arith.divf %exp3A_2848, %add3A_2859 : vector<16xf32>
      %swap3A_2908 = arith.constant 5 : i32
      %swap3A_2909 = arith.index_cast %swap3A_2908 : i32 to index
      %swap3A_2910 = arith.index_cast %mul3A_13 : i32 to index
      %swap3A_2911 = tpu.vector_load %arg7[%swap3A_2909, %swap3A_2910] {strides = array<i32>} : memref<8x1024xf32, #tpu.memory_space<vmem>>, vector<16xf32>,
      tpu.vector_store %arg7[%swap3A_2909, %swap3A_2910], %div3A_2907 {strides = array<i32>} : memref<8x1024xf32, #tpu.memory_space<vmem>>, vector<16xf32>,
      %swap3A_2912 = arith.constant 6 : i32
      %swap3A_2913 = arith.index_cast %swap3A_2912 : i32 to index
      %swap3A_2914 = arith.index_cast %mul3A_13 : i32 to index
      %swap3A_2915 = tpu.vector_load %arg6[%swap3A_2913, %swap3A_2914] {strides = array<i32>} : memref<8x1024xi32, #tpu.memory_space<vmem>>, vector<16xi32>,
      tpu.vector_store %arg6[%swap3A_2913, %swap3A_2914], %select_n3A_2832 {strides = array<i32>} : memref<8x1024xi32, #tpu.memory_space<vmem>>, vector<16xi32>,
      %div3A_2916 = arith.divf %exp3A_2850, %add3A_2859 : vector<16xf32>
      %swap3A_2917 = arith.constant 6 : i32
      %swap3A_2918 = arith.index_cast %swap3A_2917 : i32 to index
      %swap3A_2919 = arith.index_cast %mul3A_13 : i32 to index
      %swap3A_2920 = tpu.vector_load %arg7[%swap3A_2918, %swap3A_2919] {strides = array<i32>} : memref<8x1024xf32, #tpu.memory_space<vmem>>, vector<16xf32>,
      tpu.vector_store %arg7[%swap3A_2918, %swap3A_2919], %div3A_2916 {strides = array<i32>} : memref<8x1024xf32, #tpu.memory_space<vmem>>, vector<16xf32>,
      %swap3A_2921 = arith.constant 7 : i32
      %swap3A_2922 = arith.index_cast %swap3A_2921 : i32 to index
      %swap3A_2923 = arith.index_cast %mul3A_13 : i32 to index
      %swap3A_2924 = tpu.vector_load %arg6[%swap3A_2922, %swap3A_2923] {strides = array<i32>} : memref<8x1024xi32, #tpu.memory_space<vmem>>, vector<16xi32>,
      tpu.vector_store %arg6[%swap3A_2922, %swap3A_2923], %select_n3A_2837 {strides = array<i32>} : memref<8x1024xi32, #tpu.memory_space<vmem>>, vector<16xi32>,
      %div3A_2925 = arith.divf %exp3A_2852, %add3A_2859 : vector<16xf32>
      %swap3A_2926 = arith.constant 7 : i32
      %swap3A_2927 = arith.index_cast %swap3A_2926 : i32 to index
      %swap3A_2928 = arith.index_cast %mul3A_13 : i32 to index
      %swap3A_2929 = tpu.vector_load %arg7[%swap3A_2927, %swap3A_2928] {strides = array<i32>} : memref<8x1024xf32, #tpu.memory_space<vmem>>, vector<16xf32>,
      tpu.vector_store %arg7[%swap3A_2927, %swap3A_2928], %div3A_2925 {strides = array<i32>} : memref<8x1024xf32, #tpu.memory_space<vmem>>, vector<16xf32>,
      %scan3A_2930 = arith.constant 0 : i32
      scf.yield %scan3A_2930 : i32
    }
    %scan3A_9 = arith.constant 64 : i32
    "tpu.region"() ({
      %run_scoped3A = tpu.sem_alloc : memref<!tpu.dma_semaphore, #tpu.memory_space<semaphore_mem>>
      %dma_start3A = arith.constant 0 : i32
      %dma_start3A_10 = tpu.memref_slice %arg3[%dma_start3A, %mul3A_2] : memref<8x32768xi32, #tpu.memory_space<hbm>> -> memref<8x1024xi32, #tpu.memory_space<hbm>>
      %dma_start3A_11 = arith.constant 0 : i32
      %dma_start3A_12 = tpu.memref_slice %arg3[%dma_start3A_11, %mul3A_2] : memref<8x32768xi32, #tpu.memory_space<hbm>> -> memref<8x1024xi32, #tpu.memory_space<hbm>>
      tpu.enqueue_dma source(%arg6 : memref<8x1024xi32, #tpu.memory_space<vmem>>) target(%dma_start3A_12 : memref<8x1024xi32, #tpu.memory_space<hbm>>) target_semaphore(%run_scoped3A : memref<!tpu.dma_semaphore, #tpu.memory_space<semaphore_mem>>)
      %dma_wait3A = arith.constant 0 : i32
      %dma_wait3A_13 = tpu.memref_slice %arg3[%dma_wait3A, %mul3A_2] : memref<8x32768xi32, #tpu.memory_space<hbm>> -> memref<8x1024xi32, #tpu.memory_space<hbm>>
      %dma_wait3A_14 = arith.constant 0 : i32
      %dma_wait3A_15 = tpu.memref_slice %arg3[%dma_wait3A_14, %mul3A_2] : memref<8x32768xi32, #tpu.memory_space<hbm>> -> memref<8x1024xi32, #tpu.memory_space<hbm>>
      tpu.wait_dma2 semaphore(%run_scoped3A : memref<!tpu.dma_semaphore, #tpu.memory_space<semaphore_mem>>) src(%arg6 : memref<8x1024xi32, #tpu.memory_space<vmem>>) dst(%dma_wait3A_15 : memref<8x1024xi32, #tpu.memory_space<hbm>>)
      tpu.yield
    }) : () -> ()
    "tpu.region"() ({
      %run_scoped3A = tpu.sem_alloc : memref<!tpu.dma_semaphore, #tpu.memory_space<semaphore_mem>>
      %dma_start3A = arith.constant 0 : i32
      %dma_start3A_10 = tpu.memref_slice %arg4[%dma_start3A, %mul3A_2] : memref<8x32768xf32, #tpu.memory_space<hbm>> -> memref<8x1024xf32, #tpu.memory_space<hbm>>
      %dma_start3A_11 = arith.constant 0 : i32
      %dma_start3A_12 = tpu.memref_slice %arg4[%dma_start3A_11, %mul3A_2] : memref<8x32768xf32, #tpu.memory_space<hbm>> -> memref<8x1024xf32, #tpu.memory_space<hbm>>
      tpu.enqueue_dma source(%arg7 : memref<8x1024xf32, #tpu.memory_space<vmem>>) target(%dma_start3A_12 : memref<8x1024xf32, #tpu.memory_space<hbm>>) target_semaphore(%run_scoped3A : memref<!tpu.dma_semaphore, #tpu.memory_space<semaphore_mem>>)
      %dma_wait3A = arith.constant 0 : i32
      %dma_wait3A_13 = tpu.memref_slice %arg4[%dma_wait3A, %mul3A_2] : memref<8x32768xf32, #tpu.memory_space<hbm>> -> memref<8x1024xf32, #tpu.memory_space<hbm>>
      %dma_wait3A_14 = arith.constant 0 : i32
      %dma_wait3A_15 = tpu.memref_slice %arg4[%dma_wait3A_14, %mul3A_2] : memref<8x32768xf32, #tpu.memory_space<hbm>> -> memref<8x1024xf32, #tpu.memory_space<hbm>>
      tpu.wait_dma2 semaphore(%run_scoped3A : memref<!tpu.dma_semaphore, #tpu.memory_space<semaphore_mem>>) src(%arg7 : memref<8x1024xf32, #tpu.memory_space<vmem>>) dst(%dma_wait3A_15 : memref<8x1024xf32, #tpu.memory_space<hbm>>)
      tpu.yield
    }) : () -> ()
    return
  }
}

module attributes {stable_mosaic.version = 14 : i64} {
  func.func @_logits_body(%arg0: i32, %arg1: memref<64x768xf32, #tpu.memory_space<vmem>>, %arg2: memref<4096x768xf32, #tpu.memory_space<vmem>>, %arg3: memref<64x4096xf32, #tpu.memory_space<vmem>>) attributes {dimension_semantics = [#tpu.dimension_semantics<arbitrary>], iteration_bounds = array<i64: 8>, scalar_prefetch = 0 : i64, scratch_operands = 0 : i64, tpu.core_type = #tpu.core_type<tc>, window_params = [{pipeline_mode = #tpu.pipeline_mode<synchronous>, transform_indices = @transform_0, window_bounds = array<i64: 64, 768>}, {transform_indices = @transform_1, window_bounds = array<i64: 4096, 768>}, {transform_indices = @transform_2, window_bounds = array<i64: 64, 4096>}]} {
    %get3A = arith.constant 0 : index
    %get3A_0 = arith.constant 0 : index
    %get3A_1 = vector.load %arg2[%get3A, %get3A_0] : memref<4096x768xf32, #tpu.memory_space<vmem>>, vector<4096x768xf32>
    %get3A_2 = arith.constant 0 : index
    %get3A_3 = arith.constant 0 : index
    %get3A_4 = vector.load %arg1[%get3A_2, %get3A_3] : memref<64x768xf32, #tpu.memory_space<vmem>>, vector<64x768xf32>
    %dot_general3A = arith.constant dense<0.000000e+00> : vector<4096x64xf32>
    %dot_general3A_5 = tpu.matmul %get3A_1, %get3A_4, %dot_general3A {dimension_numbers = #tpu.dot_dimension_numbers<[1], [1], [0], [0], [0, 0, 1, 0], [], []>, transpose_lhs_hint = false} : vector<4096x768xf32>, vector<64x768xf32>, vector<4096x64xf32> -> vector<4096x64xf32>
    %transpose3A = tpu.transpose %dot_general3A_5, [1, 0] : vector<4096x64xf32> -> vector<64x4096xf32>
    %swap3A = arith.constant 0 : index
    %swap3A_6 = arith.constant 0 : index
    %swap3A_7 = vector.load %arg3[%swap3A, %swap3A_6] : memref<64x4096xf32, #tpu.memory_space<vmem>>, vector<64x4096xf32>
    tpu.vector_store %arg3[%swap3A, %swap3A_6], %transpose3A {strides = array<i32>} : memref<64x4096xf32, #tpu.memory_space<vmem>>, vector<64x4096xf32>,
    return
  }
  func.func @transform_0(%arg0: i32) -> (i32, i32) {
    %c0_i32 = arith.constant 0 : i32
    %c0_i32_0 = arith.constant 0 : i32
    %c0_i32_1 = arith.constant 0 : i32
    return %c0_i32, %c0_i32_0 : i32, i32
  }
  func.func @transform_1(%arg0: i32) -> (i32, i32) {
    %c0_i32 = arith.constant 0 : i32
    %c0_i32_0 = arith.constant 0 : i32
    return %arg0, %c0_i32 : i32, i32
  }
  func.func @transform_2(%arg0: i32) -> (i32, i32) {
    %c0_i32 = arith.constant 0 : i32
    %c0_i32_0 = arith.constant 0 : i32
    return %c0_i32, %arg0 : i32, i32
  }
}

</mosaic_0001>

<sc_bundles>
// kernel: kernel.4.cloned.1.call-start
scs
__scs_entry_jumppad:
0x0: {  	(pc) =	sbr.rel $0x88, $3  }
0x1: {  	(tag) =	ssettag $0x0;
	lr =	simm.s32 $0x1  }
0x2: {  	[smem:$0x3F9F] =	sst lr;
	_ =	strace $0xD0000000  }
0x3: {  	_ = 	snop  }
0x4: {  	_ = 	snop  }
0x5: {  	_ = 	snop  }
0x6: {  	_ = 	snop  }
0x7: {  	_ = 	snop  }
__scs_overlays_trampoline_lowered:
0x8: {  	[smem:$0x3FAE] =	sst s0  }
0x9: {  	[smem:$0x3FAF] =	sst s1  }
0xa: {  	[smem:$0x3FB0] =	sst s2  }
0xb: {  	[smem:$0x3FB1] =	sst s3  }
0xc: {  	[smem:$0x3FB2] =	sst s4  }
0xd: {  	[smem:$0x3FB3] =	sst s5  }
0xe: {  	[smem:$0x3FB4] =	sst s6  }
0xf: {  	[smem:$0x3FB5] =	sst s7  }
0x10: {  	[smem:$0x3FB6] =	sst s8  }
0x11: {  	[smem:$0x3FB7] =	sst s9;
	s0 =	simm.s32 @!p0 $0x0  }
0x12: {  	s1 =	sld [smem:$0x3F9D];
	s0 =	simm.s32 @p0 $0x1  }
0x13: {  	[smem:$0x3FB8] =	sst s0;
	s0 =	simm.s32 @!p1 $0x0  }
0x14: {  	s2 =	sld [smem:$0x3F9C];
	s0 =	simm.s32 @p1 $0x1  }
0x15: {  	[smem:$0x3FB9] =	sst s0;
	s0 =	simm.s32 @!p2 $0x0  }
0x16: {  	s3 =	sld [smem:$0x3FDB];
	s0 =	simm.s32 @p2 $0x1  }
0x17: {  	s4 =	simm.s32 $0x1BF5;
	[smem:$0x3FBB] =	sst s0  }
0x18: {  	s0 =	sld [smem:$0x3F9E];
	_ =	swait.ge [sflag:s4], $0x0  }
0x19: {  	s7 =	sld [smem:$0x3F9F]  }
0x1a: {  	s8 =	sadd.s32 $0xFFFFE003, lr  }
0x1b: {  	s9 =	sadd.s32 $0xFFFFFEF7, lr;
	s5 =	simm.s32 $0xFFFFFFFF;
	p2 =	slt.u32 s8, $0xFFFFF086  }
0x1c: {  	p1 =	slt.u32 s9, $0xF7A;
	s5 =	simm.s32 @!p2 $0x0  }
0x1d: {  	s5 =	simm.s32 @p1 $0x1;
	p0 =	seq.s32 s7, s2  }
0x1e: {  	s7 =	smul.u32 @!p0 $0xF7A, s2;
	p2 =	seq.s32 @!p0 s5, $0x0  }
0x1f: {  	s9 =	smul.u32 $0xF7A, s1;
	s8 =	simm.s32 @!p0 $0x1BF5;
	p2 =	por !p2, p0  }
0x20: {  	[sflag:s8] =	ssyncset.s32 @!p0 $0xFFFFF086;
	s6 =	sadd.s32 @!p0 s3, s7;
	s7 =	simm.s32 @!p0 $0x108  }
0x21: {  	s3 =	sadd.s32 s3, s9;
	s6 =	sadd.s32 @!p0 $0x88, s6;
	s7 =	simm.s32 @p2 $0x1082  }
0x22: {  	[simem:s7], [sflag:s8] =	dma.local @!p0 [hbm:s6], $0xF7A  }
0x23: {  	s9 =	sor.u32 $0xD0000000, s2;
	s6 =	simm.s32 $0x108;
	_ =	swait.ge @!p0 [sflag:s8], $0x0  }
0x24: {  	s3 =	sadd.s32 $0x88, s3;
	s6 =	simm.s32 @!p1 $0x1082;
	[sflag:s4] =	ssyncset.s32 $0xFFFFF086  }
0x25: {  	[simem:s6], [sflag:s4] =	dma.local [hbm:s3], $0xF7A  }
0x26: {  	[smem:$0x3F9F] =	sst s1;
	(tag) =	ssettag s2;
	_ =	strace s9  }
0x27: {  	s1 =	sld [smem:$0x3FAF]  }
0x28: {  	s2 =	sld [smem:$0x3FB0]  }
0x29: {  	s4 =	sld [smem:$0x3FB2]  }
0x2a: {  	p0 =	seq.s32 s5, $0x0;
	s5 =	sld [smem:$0x3FB3]  }
0x2b: {  	s6 =	sld [smem:$0x3FB4]  }
0x2c: {  	s7 =	sld [smem:$0x3FB5]  }
0x2d: {  	s3 =	simm.s32 $0x108;
	s8 =	sld [smem:$0x3FB6]  }
0x2e: {  	s3 =	simm.s32 @!p0 $0x1082;
	s9 =	sld [smem:$0x3FB7]  }
0x2f: {  	lr =	sadd.s32 s0, s3;
	s0 =	sld [smem:$0x3FAE]  }
0x30: {  	s3 =	sld [smem:$0x3FB1]  }
0x31: {  	[smem:$0x3FBA] =	sst s10  }
0x32: {  	s10 =	sld [smem:$0x3FB8];
	_ =	sdelay $0x3  }
0x33: {  	p0 =	seq.s32 s10, $0x1;
	s10 =	sld [smem:$0x3FBA];
	_ =	sdelay $0x3  }
0x34: {  	[smem:$0x3FBA] =	sst s10  }
0x35: {  	s10 =	sld [smem:$0x3FB9];
	_ =	sdelay $0x3  }
0x36: {  	p1 =	seq.s32 s10, $0x1;
	s10 =	sld [smem:$0x3FBA];
	_ =	sdelay $0x3  }
0x37: {  	[smem:$0x3FBA] =	sst s10  }
0x38: {  	s10 =	sld [smem:$0x3FBB]  }
0x39: {  	_ = 	snop;
	(pc) =	sbr.ind lr, $3  }
0x3a: {  	_ = 	snop  }
0x3b: {  	_ = 	snop  }
0x3c: {  	p2 =	seq.s32 s10, $0x1;
	s10 =	sld [smem:$0x3FBA]  }
0x3d: {  	_ =	shalt  }
0x3e: {  	_ =	shalt  }
0x3f: {  	_ =	shalt  }
0x40: {  	_ =	shalt  }
0x41: {  	_ =	shalt  }
0x42: {  	_ =	shalt  }
0x43: {  	_ =	shalt  }
0x44: {  	_ =	shalt  }
0x45: {  	_ =	shalt  }
0x46: {  	_ =	shalt  }
0x47: {  	_ =	shalt  }
0x48: {  	_ =	shalt  }
0x49: {  	_ =	shalt  }
0x4a: {  	_ =	shalt  }
0x4b: {  	_ =	shalt  }
0x4c: {  	_ =	shalt  }
0x4d: {  	_ =	shalt  }
0x4e: {  	_ =	shalt  }
0x4f: {  	_ =	shalt  }
0x50: {  	_ =	shalt  }
0x51: {  	_ =	shalt  }
0x52: {  	_ =	shalt  }
0x53: {  	_ =	shalt  }
0x54: {  	_ =	shalt  }
0x55: {  	_ =	shalt  }
0x56: {  	_ =	shalt  }
0x57: {  	_ =	shalt  }
0x58: {  	_ =	shalt  }
0x59: {  	_ =	shalt  }
0x5a: {  	_ =	shalt  }
0x5b: {  	_ =	shalt  }
0x5c: {  	_ =	shalt  }
0x5d: {  	_ =	shalt  }
0x5e: {  	_ =	shalt  }
0x5f: {  	_ =	shalt  }
0x60: {  	_ =	shalt  }
0x61: {  	_ =	shalt  }
0x62: {  	_ =	shalt  }
0x63: {  	_ =	shalt  }
0x64: {  	_ =	shalt  }
0x65: {  	_ =	shalt  }
0x66: {  	_ =	shalt  }
0x67: {  	_ =	shalt  }
0x68: {  	_ =	shalt  }
0x69: {  	_ =	shalt  }
0x6a: {  	_ =	shalt  }
0x6b: {  	_ =	shalt  }
0x6c: {  	_ =	shalt  }
0x6d: {  	_ =	shalt  }
0x6e: {  	_ =	shalt  }
0x6f: {  	_ =	shalt  }
0x70: {  	_ =	shalt  }
0x71: {  	_ =	shalt  }
0x72: {  	_ =	shalt  }
0x73: {  	_ =	shalt  }
0x74: {  	_ =	shalt  }
0x75: {  	_ =	shalt  }
0x76: {  	_ =	shalt  }
0x77: {  	_ =	shalt  }
0x78: {  	_ =	shalt  }
0x79: {  	_ =	shalt  }
0x7a: {  	_ =	shalt  }
0x7b: {  	_ =	shalt  }
0x7c: {  	_ =	shalt  }
0x7d: {  	_ =	shalt  }
0x7e: {  	_ =	shalt  }
0x7f: {  	_ =	shalt  }
0x80: {  	_ =	shalt  }
0x81: {  	_ =	shalt  }
0x82: {  	_ =	shalt  }
0x83: {  	_ =	shalt  }
0x84: {  	_ =	shalt  }
0x85: {  	_ =	shalt  }
0x86: {  	_ =	shalt  }
0x87: {  	_ =	shalt  }
.Lfunc_end0:
.L_simem_size_0:
called_computation_lowered:
.L_overlay_start_0:
0x88: {  	s2 =	sld [smem:$0x3FD9]  }
0x89: {  	s3 =	sld [smem:$0x3FFE];
	_ =	sdelay $0x1  }
0x8a: {  	s1 =	srdreg.scid  }
0x8b: {  	s0 =	sand.u32 $0x1, s1  }
0x8c: {  	s14 =	sshll.u32 s0, $0xA;
	s2 =	sadd.s32 s3, s2  }
0x8d: {  	s2 =	sadd.s32 s2, s14  }
0x8e: {  	[smem:$0x3FC6] =	sst s2  }
0x8f: {  	_ = 	snop  }
0x90: {  	s2 =	sld [smem:$0x3FD0];
	_ =	sdelay $0x2  }
0x91: {  	s15 =	simm.s32 $0xA;
	s4 =	simm.s32 $0x10  }
0x92: {  	[smem:s4], [sflag:s15] =	dma.local [hbm:s2], $0x1  }
0x93: {  	_ =	swait.eq [sflag:s15], $0x1  }
0x94: {  	[sflag:s15] =	ssyncset.done $0x0  }
0x95: {  	s16 =	sld [smem:$0x10];
	[sflag:s15] =	ssyncadd.s32 $0xFFFFFFFF  }
0x96: {  	s17 =	sld [smem:$0x11];
	(tm) =	ssettm $0x1  }
0x97: {  	s18 =	sld [smem:$0x3FFB];
	_ =	sdelay $0x3  }
0x98: {  	_ =	strace s18  }
0x99: {  	s4 =	sld [smem:$0x3FFC];
	_ =	sdelay $0x3  }
0x9a: {  	_ =	strace s4  }
0x9b: {  	s4 =	sld [smem:$0x3FFD];
	_ =	sdelay $0x3  }
0x9c: {  	_ =	strace s4  }
0x9d: {  	_ =	strace $0x8FFFFFFF  }
0x9e: {  	s19 =	sld [smem:$0x3FDB];
	_ =	sdelay $0x1  }
0x9f: {  	s5 =	simm.s32 $_scs_section_size  }
0xa0: {  	s6 =	simm.s32 $_size__tile_overlayer_lowered;
	s7 =	simm.s32 $_tile_overlayer_lowered  }
0xa1: {  	s22 =	simm.s32 $0x1BFF;
	s21 =	sshll.u32 s7, $0x1;
	s4 =	sadd.s32 s5, s19  }
0xa2: {  	s8 =	simm.s32 $0x0;
	s20 =	sshll.u32 s6, $0x1;
	s6 =	sadd.s32 s21, s4  }
0xa3: {  	[timem:s8], [sflag:s22] =	dma.local [hbm:s6], s20  }
0xa4: {  	_ =	swait.ge [sflag:s22], s20  }
0xa5: {  	s5 =	ssub.s32 $0x0, s20;
	[sflag:s22] =	ssyncset.done $0x0  }
0xa6: {  	[sflag:s22] =	ssyncadd.s32 s5;
	_ =	sdelay $0x1  }
0xa7: {  	s23 =	simm.s32 $0x1B8B  }
0xa8: {  	_ =	swait.ge [sflag:s23], $0x1  }
0xa9: {  	[sflag:s23] =	ssyncset.done $0x0  }
0xaa: {  	s25 =	simm.s32 $0x1B8E;
	s24 =	sld [smem:$0x3FFE];
	[sflag:s23] =	ssyncadd.s32 $0xFFFFFFFF  }
0xab: {  	s26 =	simm.s32 $execute0_lowered;
	[smem:$0x3FD2] =	sst s25  }
0xac: {  	s6 =	sshll.u32 s26, $0x1;
	_ =	strace $0x80000046;
	[dreg:$0x1] =	wrdreg $0xFFFFFFFF  }
0xad: {  	s28 =	simm.s32 $_size_execute0_lowered;
	s4 =	sadd.s32 s4, s6;
	[dreg:$0x0] =	wrdreg $0x0  }
0xae: {  	s6 =	sshll.u32 s28, $0x1;
	[dreg:$0x2] =	wrdreg s4  }
0xaf: {  	[dreg:$0x3] =	wrdreg s6  }
0xb0: {  	[dreg:$0x4] =	wrdreg $0xC0  }
0xb1: {  	_ =	task [dreg:s8], $0x5FFFF  }
0xb2: {  	[dreg:$0x1] =	wrdreg $0xFFFFFFFF  }
0xb3: {  	[dreg:$0x0] =	wrdreg $0x60  }
0xb4: {  	[dreg:$0x2] =	wrdreg s24  }
0xb5: {  	[dreg:$0x3] =	wrdreg s16  }
0xb6: {  	[dreg:$0x4] =	wrdreg s17  }
0xb7: {  	[dreg:$0x5] =	wrdreg $0x9  }
0xb8: {  	_ =	task.clear_ibuf [dreg:s8], $0x6FFFF;
	_ =	strace $0x90000046  }
0xb9: {  	s29 =	simm.s32 $0x9;
	_ =	strace $0x80000048  }
0xba: {  	_ =	swait.ge [sflag:s29], $0x1  }
0xbb: {  	[sflag:s29] =	ssyncadd.s32 $0xFFFFFFFF  }
0xbc: {  	_ =	strace $0x90000048  }
0xbd: {  	_ =	sfence  }
0xbe: {  	s30 =	sld [smem:$0x0];
	_ =	sdelay $0x2  }
0xbf: {  	s31 =	sshll.u32 s1, $0xD;
	s1 =	sshrl.u32 s1, $0x2  }
0xc0: {  	s3 =	sand.u32 $0x4000, s31;
	s1 =	sadd.s32 s1, s30  }
0xc1: {  	s0 =	sor.u32 s3, s0;
	s1 =	sshll.u32 s1, $0x11  }
0xc2: {  	s0 =	sor.u32 s1, s0  }
0xc3: {  	s0 =	sadd.s32 $0x8F2B, s0  }
0xc4: {  	[sflag:s0] =	ssyncadd.remote.s32 $0x1  }
0xc5: {  	_ =	sfence.sel $0xFFFF  }
0xc6: {  	[dreg:$0x0] =	wrdreg $0xFFFFFFFF;
	(pc) =	sbr.abs _section_cstart, $3  }
0xc7: {  	[dreg:$0x1] =	wrdreg $0xFFFFFFFF  }
0xc8: {  	_ =	task.clear_ibuf [dreg:s8], $0x2FFFF;
	_ =	strace $0x9FFFFFFF  }
0xc9: {  	(tm) =	ssettm $0x7FFFFFFF  }
tec
execute0_lowered:
.L_overlay_start_1:
0x0: {  	(tag) =	ssettag $0x1  }
0x1: {  	s3 =	rddreg [dreg:$0x0]  }
0x2: {  	s4 =	rddreg [dreg:$0x1];
	s0 =	srdreg.scid  }
0x3: {  	s5 =	rddreg [dreg:$0x2];
	s1 =	stileid.u32;
	s2 =	simm.s32 $0x0  }
0x4: {  	s9 =	simm.s32 $0x1;
	s10 =	simm.s32 $0x10000;
	s11 =	simm.s32 $0x12000  }
0x5: {  	s12 =	simm.s32 $0x0;
	s6 =	sand.u32 $0x1, s0;
	s0 =	rddreg [dreg:$0x3]  }
0x6: {  	s7 =	sshll.u32 s1, $0xB;
	[smem:$0x7FF] =	sst s2;
	s8 =	sshll.u32 s6, $0xA  }
0x7: {  	s6 =	ssub.s32 $0x2, s6;
	_ =	strace $0x80000047;
	s7 =	sor.u32 s8, s7  }
0x8: {  	s31 =	sshrl.u32 s6, $0x1;
	s8 =	simm.s32 $0x40000;
	s3 =	sadd.s32 s7, s3  }
0x9: {  	s6 =	ssub.s32 s6, s31;
	s4 =	sadd.s32 s4, s7;
	s5 =	sadd.s32 s5, s7  }
0xa: {  	v0 =	vimm.s32 $0x0;
	s7 =	simm.s32 $0x2000;
	s3 =	sadd.s32 $0xC00, s3;
	s6 =	smax.u32 s6, $0x1  }
.LBB2_1:
0xb: {  	[tilespmem:s2], [sflag:$0x1] =	stream.strided.gather [hbm4b:s3+s7], $0x10000, s8, s7, $0x38;
	[tilespmem:$0x14000] =	vst v63  }
0xc: {  	_ =	swait.ge [sflag:s9], $0x10000  }
0xd: {  	[sflag:s9] =	ssyncset.done $0x0  }
0xe: {  	s13 =	simm.s32 $0x0;
	s14 =	simm.s32 $0x0;
	[sflag:s9] =	ssyncadd.s32 $0xFFFF0000  }
.LBB2_2:
0xf: {  	s15 =	sand.u32 $0x70, s14;
	s16 =	sand.u32 $0x1C00, s13  }
0x10: {  	s15 =	sor.u32 s15, s16  }
0x11: {  	v1 =	vld [tilespmem:s15+$0x0]  }
0x12: {  	v2 =	vld [tilespmem:s15+$0x80];
	_ =	sdelay $0x1  }
0x13: {  	v3 =	vld [tilespmem:s15+$0x100];
	_ =	sdelay $0x1  }
0x14: {  	v5 =	vld [tilespmem:s15+$0x180]  }
0x15: {  	vm0 =	vgt.f32 v2, v1  }
0x16: {  	v4 =	vsel vm0, v2, v1;
	vm1 =	vmneg vm0;
	v1 =	vsel vm0, v1, v2  }
0x17: {  	v2 =	vsel vm0, $0x1, v0;
	vm2 =	vgt.f32 v3, v4;
	v7 =	vsel vm1, $0x1, v0  }
0x18: {  	v9 =	vld [tilespmem:s15+$0x200];
	v6 =	vsel vm2, v4, v3;
	v3 =	vsel vm2, v3, v4;
	v33 =	vsel vm2, $0x2, v2  }
0x19: {  	v2 =	vnsel vm2, $0x2, v2;
	vm15 =	vgt.f32 v6, v1;
	vm4 =	vgt.f32 v5, v3  }
0x1a: {  	v8 =	vsel vm15, v6, v1;
	v1 =	vsel vm15, v1, v6;
	v34 =	vsel vm15, v2, v7  }
0x1b: {  	v39 =	vld [tilespmem:s15+$0x280];
	v2 =	vsel vm15, v7, v2;
	v35 =	vsel vm4, v5, v3;
	v3 =	vsel vm4, v3, v5  }
0x1c: {  	v36 =	vsel vm4, $0x3, v33;
	v4 =	vnsel vm4, $0x3, v33;
	vm5 =	vgt.f32 v3, v8  }
0x1d: {  	vm7 =	vgt.f32 v9, v35;
	v10 =	vsel vm5, v3, v8;
	v3 =	vsel vm5, v8, v3  }
0x1e: {  	v14 =	vld [tilespmem:s15+$0x300];
	v37 =	vsel vm5, v4, v34;
	v4 =	vsel vm5, v34, v4;
	v7 =	vsel vm7, v9, v35  }
0x1f: {  	v40 =	vsel vm7, $0x4, v36;
	v5 =	vnsel vm7, $0x4, v36;
	vm6 =	vgt.f32 v3, v1  }
0x20: {  	vm11 =	vgt.f32 v39, v7;
	v38 =	vsel vm6, v3, v1;
	v1 =	vsel vm6, v1, v3  }
0x21: {  	v3 =	vsel vm7, v35, v9;
	v11 =	vsel vm6, v4, v2;
	v2 =	vsel vm6, v2, v4  }
0x22: {  	s31 =	sor.u32 s13, s14;
	v13 =	vsel vm11, v7, v39;
	v4 =	vsel vm11, v39, v7;
	v46 =	vsel vm11, $0x5, v40  }
0x23: {  	s16 =	sor.u32 $0x380, s31;
	v47 =	vnsel vm11, $0x5, v40;
	vm8 =	vgt.f32 v3, v10;
	vm4 =	vgt.f32 v14, v4  }
0x24: {  	v58 =	vld [tilespmem:s16+$0x0];
	v12 =	vsel vm8, v10, v3;
	v3 =	vsel vm8, v3, v10;
	v41 =	vsel vm8, v5, v37  }
0x25: {  	v5 =	vsel vm8, v37, v5;
	v55 =	vsel vm4, v4, v14;
	v4 =	vsel vm4, v14, v4  }
0x26: {  	v56 =	vsel vm4, $0x6, v46;
	vm9 =	vgt.f32 v12, v38;
	vm12 =	vgt.f32 v13, v3  }
0x27: {  	v42 =	vsel vm9, v38, v12;
	v6 =	vsel vm9, v12, v38;
	v43 =	vsel vm9, v5, v11  }
0x28: {  	v5 =	vsel vm9, v11, v5;
	v48 =	vsel vm12, v3, v13;
	v3 =	vsel vm12, v13, v3  }
0x29: {  	v49 =	vsel vm12, v47, v41;
	v7 =	vsel vm12, v41, v47;
	vm9 =	vgt.f32 v58, v4  }
0x2a: {  	vm10 =	vgt.f32 v42, v1;
	vm13 =	vgt.f32 v48, v6;
	vm5 =	vgt.f32 v55, v3  }
0x2b: {  	v29 =	vld [tilespmem:s15+$0x2000];
	v17 =	vsel vm9, v4, v58;
	v4 =	vsel vm9, v58, v4;
	v24 =	vsel vm9, $0x7, v56  }
0x2c: {  	v25 =	vnsel vm9, $0x7, v56;
	v44 =	vsel vm10, v42, v1;
	v1 =	vsel vm10, v1, v42  }
0x2d: {  	v45 =	vsel vm10, v5, v2;
	v2 =	vsel vm10, v2, v5;
	v50 =	vsel vm13, v48, v6  }
0x2e: {  	v6 =	vsel vm13, v6, v48;
	v51 =	vsel vm13, v7, v43;
	v7 =	vsel vm13, v43, v7  }
0x2f: {  	v57 =	vsel vm5, v3, v55;
	v5 =	vnsel vm4, $0x6, v46;
	v3 =	vsel vm5, v55, v3  }
0x30: {  	vm4 =	vgt.f32 v29, v4;
	vm14 =	vgt.f32 v6, v44;
	vm6 =	vgt.f32 v57, v50  }
0x31: {  	v16 =	vsel vm5, v5, v49;
	v5 =	vsel vm5, v49, v5;
	vm11 =	vgt.f32 v17, v3  }
0x32: {  	v34 =	vsel vm4, v4, v29;
	v4 =	vsel vm4, v29, v4;
	v38 =	vsel vm4, $0x8, v24  }
0x33: {  	v52 =	vsel vm14, v6, v44;
	v6 =	vsel vm14, v44, v6;
	v53 =	vsel vm14, v7, v45  }
0x34: {  	v7 =	vsel vm14, v45, v7;
	v59 =	vsel vm6, v50, v57;
	v10 =	vsel vm6, v57, v50  }
0x35: {  	v60 =	vsel vm6, v5, v51;
	v5 =	vsel vm6, v51, v5;
	v18 =	vsel vm11, v3, v17  }
0x36: {  	v3 =	vsel vm11, v17, v3;
	v27 =	vsel vm11, v25, v16;
	vm15 =	vgt.f32 v6, v1  }
0x37: {  	vm7 =	vgt.f32 v59, v52;
	vm12 =	vgt.f32 v18, v10;
	vm6 =	vgt.f32 v34, v3  }
0x38: {  	v54 =	vsel vm15, v6, v1;
	v1 =	vsel vm15, v1, v6;
	v15 =	vsel vm15, v7, v2  }
0x39: {  	v42 =	vld [tilespmem:s15+$0x2080];
	v2 =	vsel vm15, v2, v7;
	v61 =	vsel vm7, v59, v52;
	v12 =	vsel vm7, v52, v59  }
0x3a: {  	v62 =	vsel vm7, v5, v53;
	v5 =	vsel vm7, v53, v5;
	v26 =	vsel vm12, v10, v18  }
0x3b: {  	v6 =	vsel vm11, v16, v25;
	v10 =	vsel vm12, v18, v10;
	v37 =	vsel vm6, v3, v34  }
0x3c: {  	v3 =	vsel vm6, v34, v3;
	vm8 =	vgt.f32 v12, v54;
	vm13 =	vgt.f32 v26, v61  }
0x3d: {  	v19 =	vsel vm12, v6, v60;
	v6 =	vsel vm12, v60, v6;
	vm7 =	vgt.f32 v37, v10  }
0x3e: {  	vm12 =	vgt.f32 v42, v4;
	v63 =	vsel vm8, v12, v54;
	v8 =	vsel vm8, v54, v12  }
0x3f: {  	v21 =	vsel vm8, v5, v15;
	v5 =	vsel vm8, v15, v5;
	v28 =	vsel vm13, v61, v26  }
0x40: {  	v7 =	vsel vm13, v26, v61;
	v30 =	vsel vm13, v6, v62;
	v6 =	vsel vm13, v62, v6  }
0x41: {  	v39 =	vsel vm7, v10, v37;
	v50 =	vsel vm12, $0x9, v38;
	v51 =	vnsel vm12, $0x9, v38  }
0x42: {  	vm10 =	vgt.f32 v8, v1;
	vm14 =	vgt.f32 v28, v63;
	vm8 =	vgt.f32 v39, v7  }
0x43: {  	v22 =	vsel vm10, v8, v1;
	v1 =	vsel vm10, v1, v8;
	v23 =	vsel vm10, v5, v2  }
0x44: {  	v2 =	vsel vm10, v2, v5;
	v31 =	vsel vm14, v63, v28;
	v11 =	vsel vm14, v28, v63  }
0x45: {  	v13 =	vsel vm14, v6, v21;
	v6 =	vsel vm14, v21, v6;
	v5 =	vnsel vm4, $0x8, v24  }
0x46: {  	v41 =	vsel vm8, v7, v39;
	v7 =	vsel vm8, v39, v7;
	v21 =	vsel vm12, v4, v42  }
0x47: {  	v4 =	vsel vm12, v42, v4;
	vm15 =	vgt.f32 v31, v22;
	v20 =	vsel vm6, v5, v27  }
0x48: {  	v5 =	vsel vm6, v27, v5;
	vm9 =	vgt.f32 v41, v11;
	vm14 =	vgt.f32 v21, v3  }
0x49: {  	v56 =	vld [tilespmem:s15+$0x2100];
	v32 =	vsel vm15, v31, v22;
	v14 =	vsel vm15, v22, v31;
	v33 =	vsel vm15, v6, v23  }
0x4a: {  	v6 =	vsel vm15, v23, v6;
	v40 =	vsel vm7, v5, v19;
	v5 =	vsel vm7, v19, v5  }
0x4b: {  	v43 =	vsel vm9, v11, v41;
	v11 =	vsel vm9, v41, v11;
	v49 =	vsel vm14, v3, v21  }
0x4c: {  	v3 =	vsel vm14, v21, v3;
	v52 =	vsel vm14, v51, v20;
	vm5 =	vgt.f32 v14, v1  }
0x4d: {  	v19 =	vsel vm8, v5, v30;
	v5 =	vsel vm8, v30, v5;
	vm10 =	vgt.f32 v43, v32  }
0x4e: {  	vm8 =	vgt.f32 v56, v4;
	v35 =	vsel vm5, v14, v1;
	v1 =	vsel vm5, v1, v14  }
0x4f: {  	v36 =	vsel vm5, v6, v2;
	v2 =	vsel vm5, v2, v6;
	v6 =	vsel vm7, v37, v10  }
0x50: {  	v44 =	vsel vm9, v5, v13;
	v5 =	vsel vm9, v13, v5;
	v45 =	vsel vm10, v43, v32  }
0x51: {  	v9 =	vsel vm10, v32, v43;
	v63 =	vsel vm8, v4, v56;
	v4 =	vsel vm8, v56, v4  }
0x52: {  	v26 =	vsel vm8, $0xA, v50;
	v8 =	vnsel vm8, $0xA, v50;
	v46 =	vsel vm10, v5, v33  }
0x53: {  	v5 =	vsel vm10, v33, v5;
	vm11 =	vgt.f32 v9, v35;
	vm15 =	vgt.f32 v49, v6  }
0x54: {  	vm3 =	vgt.f32 v63, v3;
	v47 =	vsel vm11, v9, v35;
	v9 =	vsel vm11, v35, v9  }
0x55: {  	v48 =	vsel vm11, v5, v36;
	v5 =	vsel vm11, v36, v5;
	v53 =	vsel vm15, v6, v49  }
0x56: {  	v30 =	vld [tilespmem:s15+$0x2180];
	v25 =	vsel vm3, v3, v63;
	v3 =	vsel vm3, v63, v3;
	v28 =	vsel vm3, v8, v52  }
0x57: {  	v8 =	vsel vm3, v52, v8;
	vm13 =	vgt.f32 v9, v1;
	vm4 =	vgt.f32 v53, v7  }
0x58: {  	v1 =	vsel vm13, v9, v1;
	v2 =	vsel vm13, v5, v2;
	v9 =	vsel vm14, v20, v51  }
0x59: {  	v5 =	vsel vm15, v49, v6;
	v55 =	vsel vm4, v7, v53;
	v7 =	vsel vm4, v53, v7  }
0x5a: {  	v54 =	vsel vm15, v9, v40;
	v9 =	vsel vm15, v40, v9;
	vm5 =	vgt.f32 v55, v11  }
0x5b: {  	vm10 =	vgt.f32 v25, v5;
	vm15 =	vgt.f32 v30, v4;
	v57 =	vsel vm4, v9, v19  }
0x5c: {  	v9 =	vsel vm4, v19, v9;
	v58 =	vsel vm5, v55, v11;
	v10 =	vsel vm5, v11, v55  }
0x5d: {  	v27 =	vsel vm10, v5, v25;
	v5 =	vsel vm10, v25, v5;
	v14 =	vsel vm10, v8, v54  }
0x5e: {  	v6 =	vsel vm10, v54, v8;
	v37 =	vsel vm15, v4, v30;
	v4 =	vsel vm15, v30, v4  }
0x5f: {  	v39 =	vsel vm15, $0xB, v26;
	v59 =	vsel vm5, v9, v44;
	v9 =	vsel vm5, v44, v9  }
0x60: {  	vm6 =	vgt.f32 v10, v45;
	vm11 =	vgt.f32 v27, v7;
	vm5 =	vgt.f32 v37, v3  }
0x61: {  	v60 =	vsel vm6, v10, v45;
	v10 =	vsel vm6, v45, v10;
	v61 =	vsel vm6, v9, v46  }
0x62: {  	v9 =	vsel vm6, v46, v9;
	v29 =	vsel vm11, v7, v27;
	v7 =	vsel vm11, v27, v7  }
0x63: {  	v31 =	vsel vm11, v6, v57;
	v6 =	vsel vm11, v57, v6;
	v38 =	vsel vm5, v3, v37  }
0x64: {  	v3 =	vsel vm5, v37, v3;
	vm7 =	vgt.f32 v10, v47;
	vm12 =	vgt.f32 v29, v58  }
0x65: {  	vm6 =	vgt.f32 v38, v5;
	v62 =	vsel vm7, v10, v47;
	v10 =	vsel vm7, v47, v10  }
0x66: {  	v24 =	vsel vm7, v9, v48;
	v9 =	vsel vm7, v48, v9;
	v32 =	vsel vm12, v58, v29  }
0x67: {  	v44 =	vld [tilespmem:s15+$0x2200];
	v18 =	vsel vm12, v6, v59;
	v6 =	vsel vm12, v59, v6;
	v40 =	vsel vm6, v5, v38  }
0x68: {  	v5 =	vsel vm6, v38, v5;
	vm9 =	vgt.f32 v10, v1;
	vm13 =	vgt.f32 v32, v60  }
0x69: {  	vm7 =	vgt.f32 v40, v7;
	v1 =	vsel vm9, v10, v1;
	v2 =	vsel vm9, v9, v2  }
0x6a: {  	v10 =	vsel vm12, v29, v58;
	v33 =	vsel vm13, v60, v32;
	v17 =	vsel vm13, v32, v60  }
0x6b: {  	v34 =	vsel vm13, v6, v61;
	v6 =	vsel vm13, v61, v6;
	v9 =	vnsel vm15, $0xB, v26  }
0x6c: {  	v43 =	vsel vm7, v7, v40;
	v7 =	vsel vm7, v40, v7;
	vm11 =	vgt.f32 v44, v4  }
0x6d: {  	vm14 =	vgt.f32 v33, v62;
	v41 =	vsel vm5, v9, v28;
	v9 =	vsel vm5, v28, v9  }
0x6e: {  	vm8 =	vgt.f32 v43, v10;
	v51 =	vsel vm11, v4, v44;
	v4 =	vsel vm11, v44, v4  }
0x6f: {  	v53 =	vsel vm11, $0xC, v39;
	v8 =	vnsel vm11, $0xC, v39;
	v35 =	vsel vm14, v33, v62  }
0x70: {  	v11 =	vsel vm14, v62, v33;
	v36 =	vsel vm14, v6, v24;
	v6 =	vsel vm14, v24, v6  }
0x71: {  	v42 =	vsel vm6, v9, v14;
	v9 =	vsel vm6, v14, v9;
	v45 =	vsel vm8, v10, v43  }
0x72: {  	v10 =	vsel vm8, v43, v10;
	vm13 =	vgt.f32 v51, v3;
	vm4 =	vgt.f32 v11, v1  }
0x73: {  	v14 =	vsel vm7, v9, v31;
	v9 =	vsel vm7, v31, v9;
	vm9 =	vgt.f32 v45, v17  }
0x74: {  	v52 =	vsel vm13, v3, v51;
	v3 =	vsel vm13, v51, v3;
	v54 =	vsel vm13, v8, v41  }
0x75: {  	v58 =	vld [tilespmem:s15+$0x2280];
	v8 =	vsel vm13, v41, v8;
	v1 =	vsel vm4, v11, v1;
	v2 =	vsel vm4, v6, v2  }
0x76: {  	v46 =	vsel vm8, v9, v18;
	v9 =	vsel vm8, v18, v9;
	v47 =	vsel vm9, v45, v17  }
0x77: {  	v16 =	vsel vm9, v17, v45;
	vm14 =	vgt.f32 v52, v5;
	v48 =	vsel vm9, v9, v34  }
0x78: {  	v9 =	vsel vm9, v34, v9;
	vm10 =	vgt.f32 v16, v35;
	v55 =	vsel vm14, v5, v52  }
0x79: {  	v5 =	vsel vm14, v52, v5;
	v56 =	vsel vm14, v8, v42;
	v6 =	vsel vm14, v42, v8  }
0x7a: {  	v32 =	vld [tilespmem:s15+$0x2300];
	vm7 =	vgt.f32 v58, v4;
	v49 =	vsel vm10, v16, v35;
	v13 =	vsel vm10, v35, v16  }
0x7b: {  	v50 =	vsel vm10, v9, v36;
	v9 =	vsel vm10, v36, v9;
	vm15 =	vgt.f32 v55, v7  }
0x7c: {  	v25 =	vsel vm7, v4, v58;
	v4 =	vsel vm7, v58, v4;
	v28 =	vsel vm7, $0xD, v53  }
0x7d: {  	v11 =	vnsel vm7, $0xD, v53;
	vm12 =	vgt.f32 v13, v1;
	v57 =	vsel vm15, v7, v55  }
0x7e: {  	v7 =	vsel vm15, v55, v7;
	v59 =	vsel vm15, v6, v14;
	v6 =	vsel vm15, v14, v6  }
0x7f: {  	vm9 =	vgt.f32 v25, v3;
	vm15 =	vgt.f32 v32, v4;
	v1 =	vsel vm12, v13, v1  }
0x80: {  	v2 =	vsel vm12, v9, v2;
	vm4 =	vgt.f32 v57, v10;
	v27 =	vsel vm9, v3, v25  }
0x81: {  	v3 =	vsel vm9, v25, v3;
	v30 =	vsel vm9, v11, v54;
	v11 =	vsel vm9, v54, v11  }
0x82: {  	v40 =	vsel vm15, v4, v32;
	v4 =	vsel vm15, v32, v4;
	v42 =	vsel vm15, $0xE, v28  }
0x83: {  	v60 =	vsel vm4, v57, v10;
	v8 =	vsel vm4, v10, v57;
	v61 =	vsel vm4, v6, v46  }
0x84: {  	v6 =	vsel vm4, v46, v6;
	vm10 =	vgt.f32 v27, v5;
	vm5 =	vgt.f32 v8, v47  }
0x85: {  	v29 =	vsel vm10, v5, v27;
	v5 =	vsel vm10, v27, v5;
	v12 =	vsel vm10, v11, v56  }
0x86: {  	v9 =	vsel vm10, v56, v11;
	v62 =	vsel vm5, v8, v47;
	v8 =	vsel vm5, v47, v8  }
0x87: {  	v63 =	vsel vm5, v6, v48;
	v6 =	vsel vm5, v48, v6;
	vm11 =	vgt.f32 v29, v7  }
0x88: {  	vm5 =	vgt.f32 v40, v3;
	vm6 =	vgt.f32 v8, v49;
	v31 =	vsel vm11, v7, v29  }
0x89: {  	v7 =	vsel vm11, v29, v7;
	v33 =	vsel vm11, v9, v59;
	v9 =	vsel vm11, v59, v9  }
0x8a: {  	v41 =	vsel vm5, v3, v40;
	v3 =	vsel vm5, v40, v3;
	v24 =	vsel vm6, v8, v49  }
0x8b: {  	v8 =	vsel vm6, v49, v8;
	v26 =	vsel vm6, v6, v50;
	v6 =	vsel vm6, v50, v6  }
0x8c: {  	vm12 =	vgt.f32 v31, v60;
	vm6 =	vgt.f32 v41, v5;
	vm8 =	vgt.f32 v8, v1  }
0x8d: {  	v34 =	vsel vm12, v60, v31;
	v13 =	vsel vm12, v9, v61;
	v9 =	vsel vm12, v61, v9  }
0x8e: {  	v47 =	vld [tilespmem:s15+$0x2380];
	v43 =	vsel vm6, v5, v41;
	v5 =	vsel vm6, v41, v5;
	v1 =	vsel vm8, v8, v1  }
0x8f: {  	v2 =	vsel vm8, v6, v2;
	v8 =	vsel vm12, v31, v60;
	vm13 =	vgt.f32 v34, v62  }
0x90: {  	v6 =	vnsel vm15, $0xE, v28;
	vm7 =	vgt.f32 v43, v7;
	v35 =	vsel vm13, v62, v34  }
0x91: {  	v36 =	vsel vm13, v34, v62;
	v37 =	vsel vm13, v9, v63;
	v9 =	vsel vm13, v63, v9  }
0x92: {  	v44 =	vsel vm5, v6, v30;
	v6 =	vsel vm5, v30, v6;
	v46 =	vsel vm7, v7, v43  }
0x93: {  	v7 =	vsel vm7, v43, v7;
	vm11 =	vgt.f32 v47, v4;
	vm14 =	vgt.f32 v35, v24  }
0x94: {  	v45 =	vsel vm6, v6, v12;
	v6 =	vsel vm6, v12, v6;
	vm8 =	vgt.f32 v46, v8  }
0x95: {  	v54 =	vsel vm11, v4, v47;
	v4 =	vsel vm11, v47, v4;
	v56 =	vsel vm11, $0xF, v42  }
0x96: {  	v61 =	vld [tilespmem:s15+$0x4000];
	v38 =	vsel vm14, v35, v24;
	v10 =	vsel vm14, v24, v35;
	v39 =	vsel vm14, v9, v26  }
0x97: {  	v9 =	vsel vm14, v26, v9;
	v12 =	vsel vm7, v6, v33;
	v6 =	vsel vm7, v33, v6  }
0x98: {  	v48 =	vsel vm8, v8, v46;
	v8 =	vsel vm8, v46, v8;
	vm13 =	vgt.f32 v54, v3  }
0x99: {  	vm4 =	vgt.f32 v10, v1;
	v49 =	vsel vm8, v6, v13;
	vm9 =	vgt.f32 v48, v36  }
0x9a: {  	v6 =	vsel vm8, v13, v6;
	v55 =	vsel vm13, v3, v54;
	v3 =	vsel vm13, v54, v3  }
0x9b: {  	vm7 =	vgt.f32 v61, v4;
	v1 =	vsel vm4, v10, v1;
	v2 =	vsel vm4, v9, v2  }
0x9c: {  	v50 =	vsel vm9, v48, v36;
	v14 =	vsel vm9, v36, v48;
	v51 =	vsel vm9, v6, v37  }
0x9d: {  	v6 =	vsel vm9, v37, v6;
	v10 =	vnsel vm11, $0xF, v42;
	vm14 =	vgt.f32 v55, v5  }
0x9e: {  	v28 =	vsel vm7, v4, v61;
	v4 =	vsel vm7, v61, v4;
	v31 =	vsel vm7, $0x10, v56  }
0x9f: {  	v11 =	vnsel vm7, $0x10, v56;
	vm10 =	vgt.f32 v14, v38;
	v57 =	vsel vm13, v10, v44  }
0xa0: {  	v58 =	vsel vm14, v5, v55;
	v10 =	vsel vm13, v44, v10;
	v5 =	vsel vm14, v55, v5  }
0xa1: {  	vm9 =	vgt.f32 v28, v3;
	v52 =	vsel vm10, v14, v38;
	v14 =	vsel vm10, v38, v14  }
0xa2: {  	v35 =	vld [tilespmem:s15+$0x4080];
	v53 =	vsel vm10, v6, v39;
	v6 =	vsel vm10, v39, v6;
	vm15 =	vgt.f32 v58, v7  }
0xa3: {  	v59 =	vsel vm14, v10, v45;
	v9 =	vsel vm14, v45, v10;
	v30 =	vsel vm9, v3, v28  }
0xa4: {  	v3 =	vsel vm9, v28, v3;
	v33 =	vsel vm9, v11, v57;
	v11 =	vsel vm9, v57, v11  }
0xa5: {  	vm12 =	vgt.f32 v14, v1;
	v60 =	vsel vm15, v7, v58;
	v7 =	vsel vm15, v58, v7  }
0xa6: {  	v62 =	vsel vm15, v9, v12;
	v9 =	vsel vm15, v12, v9;
	vm10 =	vgt.f32 v30, v5  }
0xa7: {  	vm15 =	vgt.f32 v35, v4;
	v1 =	vsel vm12, v14, v1;
	v2 =	vsel vm12, v6, v2  }
0xa8: {  	vm4 =	vgt.f32 v60, v8;
	v32 =	vsel vm10, v5, v30;
	v5 =	vsel vm10, v30, v5  }
0xa9: {  	v14 =	vsel vm10, v11, v59;
	v6 =	vsel vm10, v59, v11;
	v44 =	vsel vm15, v4, v35  }
0xaa: {  	v4 =	vsel vm15, v35, v4;
	v46 =	vsel vm15, $0x11, v31;
	v63 =	vsel vm4, v60, v8  }
0xab: {  	v8 =	vsel vm4, v8, v60;
	v24 =	vsel vm4, v9, v49;
	vm11 =	vgt.f32 v32, v7  }
0xac: {  	v9 =	vsel vm4, v49, v9;
	vm5 =	vgt.f32 v8, v50;
	v34 =	vsel vm11, v7, v32  }
0xad: {  	v7 =	vsel vm11, v32, v7;
	v36 =	vsel vm11, v6, v62;
	v6 =	vsel vm11, v62, v6  }
0xae: {  	v25 =	vsel vm5, v8, v50;
	v8 =	vsel vm5, v50, v8;
	v26 =	vsel vm5, v9, v51  }
0xaf: {  	v9 =	vsel vm5, v51, v9;
	vm12 =	vgt.f32 v34, v63;
	vm5 =	vgt.f32 v44, v3  }
0xb0: {  	vm6 =	vgt.f32 v8, v52;
	v37 =	vsel vm12, v63, v34;
	v38 =	vsel vm12, v6, v24  }
0xb1: {  	v6 =	vsel vm12, v24, v6;
	v45 =	vsel vm5, v3, v44;
	v3 =	vsel vm5, v44, v3  }
0xb2: {  	v27 =	vsel vm6, v8, v52;
	v8 =	vsel vm6, v52, v8;
	v29 =	vsel vm6, v9, v53  }
0xb3: {  	v9 =	vsel vm6, v53, v9;
	vm13 =	vgt.f32 v37, v25;
	vm6 =	vgt.f32 v45, v5  }
0xb4: {  	vm8 =	vgt.f32 v8, v1;
	v39 =	vsel vm13, v25, v37;
	v40 =	vsel vm13, v37, v25  }
0xb5: {  	v41 =	vsel vm13, v6, v26;
	v6 =	vsel vm13, v26, v6;
	v47 =	vsel vm6, v5, v45  }
0xb6: {  	v51 =	vld [tilespmem:s15+$0x4100];
	v5 =	vsel vm6, v45, v5;
	v1 =	vsel vm8, v8, v1;
	v2 =	vsel vm8, v9, v2  }
0xb7: {  	v8 =	vsel vm12, v34, v63;
	vm14 =	vgt.f32 v39, v27;
	v9 =	vnsel vm15, $0x11, v31  }
0xb8: {  	vm7 =	vgt.f32 v47, v7;
	v42 =	vsel vm14, v39, v27;
	v10 =	vsel vm14, v27, v39  }
0xb9: {  	v43 =	vsel vm14, v6, v29;
	v6 =	vsel vm14, v29, v6;
	v48 =	vsel vm5, v9, v33  }
0xba: {  	v9 =	vsel vm5, v33, v9;
	v50 =	vsel vm7, v7, v47;
	v7 =	vsel vm7, v47, v7  }
0xbb: {  	vm11 =	vgt.f32 v51, v4;
	vm4 =	vgt.f32 v10, v1;
	v49 =	vsel vm6, v9, v14  }
0xbc: {  	v9 =	vsel vm6, v14, v9;
	vm8 =	vgt.f32 v50, v8;
	v58 =	vsel vm11, v4, v51  }
0xbd: {  	v25 =	vld [tilespmem:s15+$0x4180];
	v4 =	vsel vm11, v51, v4;
	v60 =	vsel vm11, $0x12, v46;
	v1 =	vsel vm4, v10, v1  }
0xbe: {  	v2 =	vsel vm4, v6, v2;
	v14 =	vsel vm7, v9, v36;
	v9 =	vsel vm7, v36, v9  }
0xbf: {  	v52 =	vsel vm8, v8, v50;
	v8 =	vsel vm8, v50, v8;
	vm13 =	vgt.f32 v58, v3  }
0xc0: {  	v10 =	vnsel vm11, $0x12, v46;
	v53 =	vsel vm8, v9, v38;
	vm9 =	vgt.f32 v52, v40  }
0xc1: {  	v9 =	vsel vm8, v38, v9;
	v59 =	vsel vm13, v3, v58;
	v3 =	vsel vm13, v58, v3  }
0xc2: {  	v61 =	vsel vm13, v10, v48;
	v10 =	vsel vm13, v48, v10;
	vm7 =	vgt.f32 v25, v4  }
0xc3: {  	v54 =	vsel vm9, v52, v40;
	v17 =	vsel vm9, v40, v52;
	v55 =	vsel vm9, v9, v41  }
0xc4: {  	v9 =	vsel vm9, v41, v9;
	vm14 =	vgt.f32 v59, v5;
	v32 =	vsel vm7, v4, v25  }
0xc5: {  	v4 =	vsel vm7, v25, v4;
	v35 =	vsel vm7, $0x13, v60;
	v11 =	vnsel vm7, $0x13, v60  }
0xc6: {  	vm10 =	vgt.f32 v17, v42;
	v62 =	vsel vm14, v5, v59;
	v5 =	vsel vm14, v59, v5  }
0xc7: {  	v63 =	vsel vm14, v10, v49;
	v6 =	vsel vm14, v49, v10;
	vm9 =	vgt.f32 v32, v3  }
0xc8: {  	v39 =	vld [tilespmem:s15+$0x4200];
	v56 =	vsel vm10, v17, v42;
	v13 =	vsel vm10, v42, v17;
	v57 =	vsel vm10, v9, v43  }
0xc9: {  	v9 =	vsel vm10, v43, v9;
	vm15 =	vgt.f32 v62, v7;
	v34 =	vsel vm9, v3, v32  }
0xca: {  	v3 =	vsel vm9, v32, v3;
	v37 =	vsel vm9, v11, v61;
	v11 =	vsel vm9, v61, v11  }
0xcb: {  	vm12 =	vgt.f32 v13, v1;
	v24 =	vsel vm15, v7, v62;
	v7 =	vsel vm15, v62, v7  }
0xcc: {  	v26 =	vsel vm15, v6, v14;
	v6 =	vsel vm15, v14, v6;
	vm10 =	vgt.f32 v34, v5  }
0xcd: {  	vm15 =	vgt.f32 v39, v4;
	v1 =	vsel vm12, v13, v1;
	v2 =	vsel vm12, v9, v2  }
0xce: {  	vm4 =	vgt.f32 v24, v8;
	v36 =	vsel vm10, v5, v34;
	v5 =	vsel vm10, v34, v5  }
0xcf: {  	v13 =	vsel vm10, v11, v63;
	v9 =	vsel vm10, v63, v11;
	v47 =	vsel vm15, v4, v39  }
0xd0: {  	v4 =	vsel vm15, v39, v4;
	v49 =	vsel vm15, $0x14, v35;
	v27 =	vsel vm4, v24, v8  }
0xd1: {  	v8 =	vsel vm4, v8, v24;
	v28 =	vsel vm4, v6, v53;
	vm11 =	vgt.f32 v36, v7  }
0xd2: {  	v6 =	vsel vm4, v53, v6;
	vm5 =	vgt.f32 v8, v54;
	v38 =	vsel vm11, v7, v36  }
0xd3: {  	v7 =	vsel vm11, v36, v7;
	v40 =	vsel vm11, v9, v26;
	v9 =	vsel vm11, v26, v9  }
0xd4: {  	v29 =	vsel vm5, v8, v54;
	v8 =	vsel vm5, v54, v8;
	v30 =	vsel vm5, v6, v55  }
0xd5: {  	v6 =	vsel vm5, v55, v6;
	vm12 =	vgt.f32 v38, v27;
	vm5 =	vgt.f32 v47, v3  }
0xd6: {  	vm6 =	vgt.f32 v8, v56;
	v41 =	vsel vm12, v27, v38;
	v42 =	vsel vm12, v9, v28  }
0xd7: {  	v9 =	vsel vm12, v28, v9;
	v48 =	vsel vm5, v3, v47;
	v3 =	vsel vm5, v47, v3  }
0xd8: {  	v31 =	vsel vm6, v8, v56;
	v8 =	vsel vm6, v56, v8;
	v33 =	vsel vm6, v6, v57  }
0xd9: {  	v6 =	vsel vm6, v57, v6;
	vm13 =	vgt.f32 v41, v29;
	vm6 =	vgt.f32 v48, v5  }
0xda: {  	vm8 =	vgt.f32 v8, v1;
	v43 =	vsel vm13, v29, v41;
	v15 =	vsel vm13, v41, v29  }
0xdb: {  	v44 =	vsel vm13, v9, v30;
	v9 =	vsel vm13, v30, v9;
	v50 =	vsel vm6, v5, v48  }
0xdc: {  	v54 =	vld [tilespmem:s15+$0x4280];
	v5 =	vsel vm6, v48, v5;
	v1 =	vsel vm8, v8, v1;
	v2 =	vsel vm8, v6, v2  }
0xdd: {  	v8 =	vsel vm12, v38, v27;
	vm14 =	vgt.f32 v43, v31;
	v6 =	vnsel vm15, $0x14, v35  }
0xde: {  	vm7 =	vgt.f32 v50, v7;
	v45 =	vsel vm14, v43, v31;
	v10 =	vsel vm14, v31, v43  }
0xdf: {  	v46 =	vsel vm14, v9, v33;
	v9 =	vsel vm14, v33, v9;
	v51 =	vsel vm5, v6, v37  }
0xe0: {  	v6 =	vsel vm5, v37, v6;
	v53 =	vsel vm7, v7, v50;
	v7 =	vsel vm7, v50, v7  }
0xe1: {  	v28 =	vld [tilespmem:s15+$0x4300];
	vm11 =	vgt.f32 v54, v4;
	vm4 =	vgt.f32 v10, v1;
	v52 =	vsel vm6, v6, v13  }
0xe2: {  	v6 =	vsel vm6, v13, v6;
	vm8 =	vgt.f32 v53, v8;
	v61 =	vsel vm11, v4, v54  }
0xe3: {  	v4 =	vsel vm11, v54, v4;
	v63 =	vsel vm11, $0x15, v49;
	v1 =	vsel vm4, v10, v1  }
0xe4: {  	v2 =	vsel vm4, v9, v2;
	v13 =	vsel vm7, v6, v40;
	v6 =	vsel vm7, v40, v6  }
0xe5: {  	v55 =	vsel vm8, v8, v53;
	v8 =	vsel vm8, v53, v8;
	vm13 =	vgt.f32 v61, v3  }
0xe6: {  	v10 =	vnsel vm11, $0x15, v49;
	vm7 =	vgt.f32 v28, v4;
	v56 =	vsel vm8, v6, v42  }
0xe7: {  	vm9 =	vgt.f32 v55, v15;
	v6 =	vsel vm8, v42, v6;
	v62 =	vsel vm13, v3, v61  }
0xe8: {  	v3 =	vsel vm13, v61, v3;
	v24 =	vsel vm13, v10, v51;
	v10 =	vsel vm13, v51, v10  }
0xe9: {  	v35 =	vsel vm7, v4, v28;
	v4 =	vsel vm7, v28, v4;
	v38 =	vsel vm7, $0x16, v63  }
0xea: {  	v11 =	vnsel vm7, $0x16, v63;
	v57 =	vsel vm9, v55, v15;
	v15 =	vsel vm9, v15, v55  }
0xeb: {  	v58 =	vsel vm9, v6, v44;
	v6 =	vsel vm9, v44, v6;
	vm14 =	vgt.f32 v62, v5  }
0xec: {  	vm9 =	vgt.f32 v35, v3;
	vm10 =	vgt.f32 v15, v45;
	v25 =	vsel vm14, v5, v62  }
0xed: {  	v5 =	vsel vm14, v62, v5;
	v26 =	vsel vm14, v10, v52;
	v9 =	vsel vm14, v52, v10  }
0xee: {  	v37 =	vsel vm9, v3, v35;
	v3 =	vsel vm9, v35, v3;
	v40 =	vsel vm9, v11, v24  }
0xef: {  	v11 =	vsel vm9, v24, v11;
	v59 =	vsel vm10, v15, v45;
	v12 =	vsel vm10, v45, v15  }
0xf0: {  	v42 =	vld [tilespmem:s15+$0x4380];
	v60 =	vsel vm10, v6, v46;
	v6 =	vsel vm10, v46, v6;
	vm15 =	vgt.f32 v25, v7  }
0xf1: {  	vm10 =	vgt.f32 v37, v5;
	vm12 =	vgt.f32 v12, v1;
	v27 =	vsel vm15, v7, v25  }
0xf2: {  	v7 =	vsel vm15, v25, v7;
	v29 =	vsel vm15, v9, v13;
	v9 =	vsel vm15, v13, v9  }
0xf3: {  	v39 =	vsel vm10, v5, v37;
	v5 =	vsel vm10, v37, v5;
	v1 =	vsel vm12, v12, v1  }
0xf4: {  	v2 =	vsel vm12, v6, v2;
	vm4 =	vgt.f32 v27, v8;
	vm11 =	vgt.f32 v39, v7  }
0xf5: {  	v12 =	vsel vm10, v11, v26;
	v6 =	vsel vm10, v26, v11;
	vm15 =	vgt.f32 v42, v4  }
0xf6: {  	v30 =	vsel vm4, v27, v8;
	v8 =	vsel vm4, v8, v27;
	v31 =	vsel vm4, v9, v56  }
0xf7: {  	v9 =	vsel vm4, v56, v9;
	v41 =	vsel vm11, v7, v39;
	v7 =	vsel vm11, v39, v7  }
0xf8: {  	v43 =	vsel vm11, v6, v29;
	v6 =	vsel vm11, v29, v6;
	v51 =	vsel vm15, v4, v42  }
0xf9: {  	v4 =	vsel vm15, v42, v4;
	v53 =	vsel vm15, $0x17, v38;
	vm5 =	vgt.f32 v8, v57  }
0xfa: {  	vm12 =	vgt.f32 v41, v30;
	v32 =	vsel vm5, v8, v57;
	v8 =	vsel vm5, v57, v8  }
0xfb: {  	v33 =	vsel vm5, v9, v58;
	v9 =	vsel vm5, v58, v9;
	v44 =	vsel vm12, v30, v41  }
0xfc: {  	v45 =	vsel vm12, v6, v31;
	v6 =	vsel vm12, v31, v6;
	vm5 =	vgt.f32 v51, v3  }
0xfd: {  	vm6 =	vgt.f32 v8, v59;
	vm13 =	vgt.f32 v44, v32;
	v52 =	vsel vm5, v3, v51  }
0xfe: {  	v3 =	vsel vm5, v51, v3;
	v34 =	vsel vm6, v8, v59;
	v8 =	vsel vm6, v59, v8  }
0xff: {  	v36 =	vsel vm6, v9, v60;
	v9 =	vsel vm6, v60, v9;
	v46 =	vsel vm13, v32, v44  }
0x100: {  	v47 =	vsel vm13, v44, v32;
	v48 =	vsel vm13, v6, v33;
	v6 =	vsel vm13, v33, v6  }
0x101: {  	vm6 =	vgt.f32 v52, v5;
	vm8 =	vgt.f32 v8, v1;
	vm14 =	vgt.f32 v46, v34  }
0x102: {  	v58 =	vld [tilespmem:s15+$0x6000];
	v54 =	vsel vm6, v5, v52;
	v5 =	vsel vm6, v52, v5;
	v1 =	vsel vm8, v8, v1  }
0x103: {  	v2 =	vsel vm8, v9, v2;
	v8 =	vsel vm12, v41, v30;
	v49 =	vsel vm14, v46, v34  }
0x104: {  	v10 =	vsel vm14, v34, v46;
	v50 =	vsel vm14, v6, v36;
	v6 =	vsel vm14, v36, v6  }
0x105: {  	v9 =	vnsel vm15, $0x17, v38;
	vm7 =	vgt.f32 v54, v7;
	vm4 =	vgt.f32 v10, v1  }
0x106: {  	v55 =	vsel vm5, v9, v40;
	v9 =	vsel vm5, v40, v9;
	v57 =	vsel vm7, v7, v54  }
0x107: {  	v32 =	vld [tilespmem:s15+$0x6080];
	v7 =	vsel vm7, v54, v7;
	vm11 =	vgt.f32 v58, v4;
	v1 =	vsel vm4, v10, v1  }
0x108: {  	v2 =	vsel vm4, v6, v2;
	v56 =	vsel vm6, v9, v12;
	v9 =	vsel vm6, v12, v9  }
0x109: {  	vm8 =	vgt.f32 v57, v8;
	v25 =	vsel vm11, v4, v58;
	v4 =	vsel vm11, v58, v4  }
0x10a: {  	v27 =	vsel vm11, $0x18, v53;
	v10 =	vnsel vm11, $0x18, v53;
	v12 =	vsel vm7, v9, v43  }
0x10b: {  	v9 =	vsel vm7, v43, v9;
	v59 =	vsel vm8, v8, v57;
	v8 =	vsel vm8, v57, v8  }
0x10c: {  	vm13 =	vgt.f32 v25, v3;
	vm7 =	vgt.f32 v32, v4;
	v60 =	vsel vm8, v9, v45  }
0x10d: {  	vm9 =	vgt.f32 v59, v47;
	v9 =	vsel vm8, v45, v9;
	v26 =	vsel vm13, v3, v25  }
0x10e: {  	v3 =	vsel vm13, v25, v3;
	v28 =	vsel vm13, v10, v55;
	v10 =	vsel vm13, v55, v10  }
0x10f: {  	v39 =	vsel vm7, v4, v32;
	v4 =	vsel vm7, v32, v4;
	v42 =	vsel vm7, $0x19, v27  }
0x110: {  	v11 =	vnsel vm7, $0x19, v27;
	v61 =	vsel vm9, v59, v47;
	v15 =	vsel vm9, v47, v59  }
0x111: {  	v62 =	vsel vm9, v9, v48;
	v9 =	vsel vm9, v48, v9;
	vm14 =	vgt.f32 v26, v5  }
0x112: {  	vm9 =	vgt.f32 v39, v3;
	vm10 =	vgt.f32 v15, v49;
	v29 =	vsel vm14, v5, v26  }
0x113: {  	v5 =	vsel vm14, v26, v5;
	v30 =	vsel vm14, v10, v56;
	v6 =	vsel vm14, v56, v10  }
0x114: {  	v46 =	vld [tilespmem:s15+$0x6100];
	v41 =	vsel vm9, v3, v39;
	v3 =	vsel vm9, v39, v3;
	v44 =	vsel vm9, v11, v28  }
0x115: {  	v11 =	vsel vm9, v28, v11;
	v63 =	vsel vm10, v15, v49;
	v14 =	vsel vm10, v49, v15  }
0x116: {  	v24 =	vsel vm10, v9, v50;
	v9 =	vsel vm10, v50, v9;
	vm15 =	vgt.f32 v29, v7  }
0x117: {  	vm10 =	vgt.f32 v41, v5;
	vm12 =	vgt.f32 v14, v1;
	v31 =	vsel vm15, v7, v29  }
0x118: {  	v7 =	vsel vm15, v29, v7;
	v33 =	vsel vm15, v6, v12;
	v6 =	vsel vm15, v12, v6  }
0x119: {  	v43 =	vsel vm10, v5, v41;
	v5 =	vsel vm10, v41, v5;
	vm15 =	vgt.f32 v46, v4  }
0x11a: {  	v1 =	vsel vm12, v14, v1;
	v2 =	vsel vm12, v9, v2;
	vm4 =	vgt.f32 v31, v8  }
0x11b: {  	vm11 =	vgt.f32 v43, v7;
	v14 =	vsel vm10, v11, v30;
	v9 =	vsel vm10, v30, v11  }
0x11c: {  	v54 =	vsel vm15, v4, v46;
	v4 =	vsel vm15, v46, v4;
	v56 =	vsel vm15, $0x1A, v42  }
0x11d: {  	v34 =	vsel vm4, v31, v8;
	v8 =	vsel vm4, v8, v31;
	v35 =	vsel vm4, v6, v60  }
0x11e: {  	v6 =	vsel vm4, v60, v6;
	v45 =	vsel vm11, v7, v43;
	v7 =	vsel vm11, v43, v7  }
0x11f: {  	v47 =	vsel vm11, v9, v33;
	v9 =	vsel vm11, v33, v9;
	vm5 =	vgt.f32 v8, v61  }
0x120: {  	vm12 =	vgt.f32 v45, v34;
	v36 =	vsel vm5, v8, v61;
	v8 =	vsel vm5, v61, v8  }
0x121: {  	v37 =	vsel vm5, v6, v62;
	v6 =	vsel vm5, v62, v6;
	v48 =	vsel vm12, v34, v45  }
0x122: {  	v49 =	vsel vm12, v9, v35;
	v9 =	vsel vm12, v35, v9;
	vm5 =	vgt.f32 v54, v3  }
0x123: {  	vm6 =	vgt.f32 v8, v63;
	vm13 =	vgt.f32 v48, v36;
	v55 =	vsel vm5, v3, v54  }
0x124: {  	v3 =	vsel vm5, v54, v3;
	v38 =	vsel vm6, v8, v63;
	v8 =	vsel vm6, v63, v8  }
0x125: {  	v40 =	vsel vm6, v6, v24;
	v6 =	vsel vm6, v24, v6;
	v50 =	vsel vm13, v36, v48  }
0x126: {  	v16 =	vsel vm13, v48, v36;
	v51 =	vsel vm13, v9, v37;
	v9 =	vsel vm13, v37, v9  }
0x127: {  	vm6 =	vgt.f32 v55, v5;
	vm8 =	vgt.f32 v8, v1;
	vm14 =	vgt.f32 v50, v38  }
0x128: {  	v61 =	vld [tilespmem:s15+$0x6180];
	v57 =	vsel vm6, v5, v55;
	v5 =	vsel vm6, v55, v5;
	v1 =	vsel vm8, v8, v1  }
0x129: {  	v2 =	vsel vm8, v6, v2;
	v8 =	vsel vm12, v45, v34;
	v52 =	vsel vm14, v50, v38  }
0x12a: {  	v10 =	vsel vm14, v38, v50;
	v53 =	vsel vm14, v9, v40;
	v9 =	vsel vm14, v40, v9  }
0x12b: {  	v6 =	vnsel vm15, $0x1A, v42;
	vm7 =	vgt.f32 v57, v7;
	vm4 =	vgt.f32 v10, v1  }
0x12c: {  	v58 =	vsel vm5, v6, v44;
	v6 =	vsel vm5, v44, v6;
	v60 =	vsel vm7, v7, v57  }
0x12d: {  	v35 =	vld [tilespmem:s15+$0x6200];
	v7 =	vsel vm7, v57, v7;
	vm11 =	vgt.f32 v61, v4;
	v1 =	vsel vm4, v10, v1  }
0x12e: {  	v2 =	vsel vm4, v9, v2;
	v59 =	vsel vm6, v6, v14;
	v6 =	vsel vm6, v14, v6  }
0x12f: {  	vm8 =	vgt.f32 v60, v8;
	v28 =	vsel vm11, v4, v61;
	v4 =	vsel vm11, v61, v4  }
0x130: {  	v30 =	vsel vm11, $0x1B, v56;
	v10 =	vnsel vm11, $0x1B, v56;
	v14 =	vsel vm7, v6, v47  }
0x131: {  	v6 =	vsel vm7, v47, v6;
	v62 =	vsel vm8, v8, v60;
	v8 =	vsel vm8, v60, v8  }
0x132: {  	vm13 =	vgt.f32 v28, v3;
	vm7 =	vgt.f32 v35, v4;
	v63 =	vsel vm8, v6, v49  }
0x133: {  	vm9 =	vgt.f32 v62, v16;
	v6 =	vsel vm8, v49, v6;
	v29 =	vsel vm13, v3, v28  }
0x134: {  	v3 =	vsel vm13, v28, v3;
	v31 =	vsel vm13, v10, v58;
	v10 =	vsel vm13, v58, v10  }
0x135: {  	v42 =	vsel vm7, v4, v35;
	v4 =	vsel vm7, v35, v4;
	v45 =	vsel vm7, $0x1C, v30  }
0x136: {  	v11 =	vnsel vm7, $0x1C, v30;
	v24 =	vsel vm9, v62, v16;
	v15 =	vsel vm9, v16, v62  }
0x137: {  	v25 =	vsel vm9, v6, v51;
	v6 =	vsel vm9, v51, v6;
	vm14 =	vgt.f32 v29, v5  }
0x138: {  	vm9 =	vgt.f32 v42, v3;
	vm10 =	vgt.f32 v15, v52;
	v32 =	vsel vm14, v5, v29  }
0x139: {  	v5 =	vsel vm14, v29, v5;
	v33 =	vsel vm14, v10, v59;
	v9 =	vsel vm14, v59, v10  }
0x13a: {  	v44 =	vsel vm9, v3, v42;
	v3 =	vsel vm9, v42, v3;
	v47 =	vsel vm9, v11, v31  }
0x13b: {  	v11 =	vsel vm9, v31, v11;
	v26 =	vsel vm10, v15, v52;
	v13 =	vsel vm10, v52, v15  }
0x13c: {  	v49 =	vld [tilespmem:s15+$0x6280];
	v27 =	vsel vm10, v6, v53;
	v6 =	vsel vm10, v53, v6;
	vm15 =	vgt.f32 v32, v7  }
0x13d: {  	vm10 =	vgt.f32 v44, v5;
	vm12 =	vgt.f32 v13, v1;
	v34 =	vsel vm15, v7, v32  }
0x13e: {  	v7 =	vsel vm15, v32, v7;
	v36 =	vsel vm15, v9, v14;
	v9 =	vsel vm15, v14, v9  }
0x13f: {  	v46 =	vsel vm10, v5, v44;
	v5 =	vsel vm10, v44, v5;
	v1 =	vsel vm12, v13, v1  }
0x140: {  	v2 =	vsel vm12, v6, v2;
	vm4 =	vgt.f32 v34, v8;
	vm11 =	vgt.f32 v46, v7  }
0x141: {  	v13 =	vsel vm10, v11, v33;
	v6 =	vsel vm10, v33, v11;
	vm15 =	vgt.f32 v49, v4  }
0x142: {  	v37 =	vsel vm4, v34, v8;
	v8 =	vsel vm4, v8, v34;
	v38 =	vsel vm4, v9, v63  }
0x143: {  	v9 =	vsel vm4, v63, v9;
	v48 =	vsel vm11, v7, v46;
	v7 =	vsel vm11, v46, v7  }
0x144: {  	v50 =	vsel vm11, v6, v36;
	v6 =	vsel vm11, v36, v6;
	v58 =	vsel vm15, v4, v49  }
0x145: {  	v4 =	vsel vm15, v49, v4;
	v60 =	vsel vm15, $0x1D, v45;
	vm5 =	vgt.f32 v8, v24  }
0x146: {  	vm12 =	vgt.f32 v48, v37;
	v39 =	vsel vm5, v8, v24;
	v8 =	vsel vm5, v24, v8  }
0x147: {  	v40 =	vsel vm5, v9, v25;
	v9 =	vsel vm5, v25, v9;
	v51 =	vsel vm12, v37, v48  }
0x148: {  	v52 =	vsel vm12, v6, v38;
	v6 =	vsel vm12, v38, v6;
	vm5 =	vgt.f32 v58, v3  }
0x149: {  	vm6 =	vgt.f32 v8, v26;
	vm13 =	vgt.f32 v51, v39;
	v59 =	vsel vm5, v3, v58  }
0x14a: {  	v3 =	vsel vm5, v58, v3;
	v41 =	vsel vm6, v8, v26;
	v8 =	vsel vm6, v26, v8  }
0x14b: {  	v43 =	vsel vm6, v9, v27;
	v9 =	vsel vm6, v27, v9;
	v53 =	vsel vm13, v39, v51  }
0x14c: {  	v54 =	vsel vm13, v51, v39;
	v55 =	vsel vm13, v6, v40;
	v6 =	vsel vm13, v40, v6  }
0x14d: {  	vm6 =	vgt.f32 v59, v5;
	vm8 =	vgt.f32 v8, v1;
	vm14 =	vgt.f32 v53, v41  }
0x14e: {  	v25 =	vld [tilespmem:s15+$0x6300];
	v61 =	vsel vm6, v5, v59;
	v5 =	vsel vm6, v59, v5;
	v1 =	vsel vm8, v8, v1  }
0x14f: {  	v2 =	vsel vm8, v9, v2;
	v8 =	vsel vm12, v48, v37;
	v56 =	vsel vm14, v53, v41  }
0x150: {  	v10 =	vsel vm14, v41, v53;
	v57 =	vsel vm14, v6, v43;
	v6 =	vsel vm14, v43, v6  }
0x151: {  	v9 =	vnsel vm15, $0x1D, v45;
	vm7 =	vgt.f32 v61, v7;
	vm4 =	vgt.f32 v10, v1  }
0x152: {  	v62 =	vsel vm5, v9, v47;
	v9 =	vsel vm5, v47, v9;
	v24 =	vsel vm7, v7, v61  }
0x153: {  	v39 =	vld [tilespmem:s15+$0x6380];
	v7 =	vsel vm7, v61, v7;
	vm11 =	vgt.f32 v25, v4;
	v1 =	vsel vm4, v10, v1  }
0x154: {  	v2 =	vsel vm4, v6, v2;
	v63 =	vsel vm6, v9, v13;
	v9 =	vsel vm6, v13, v9  }
0x155: {  	vm8 =	vgt.f32 v24, v8;
	v32 =	vsel vm11, v4, v25;
	v4 =	vsel vm11, v25, v4  }
0x156: {  	v34 =	vsel vm11, $0x1E, v60;
	v10 =	vnsel vm11, $0x1E, v60;
	v13 =	vsel vm7, v9, v50  }
0x157: {  	v9 =	vsel vm7, v50, v9;
	v26 =	vsel vm8, v8, v24;
	v8 =	vsel vm8, v24, v8  }
0x158: {  	vm13 =	vgt.f32 v32, v3;
	vm7 =	vgt.f32 v39, v4;
	v27 =	vsel vm8, v9, v52  }
0x159: {  	vm9 =	vgt.f32 v26, v54;
	v9 =	vsel vm8, v52, v9;
	v33 =	vsel vm13, v3, v32  }
0x15a: {  	v3 =	vsel vm13, v32, v3;
	v35 =	vsel vm13, v10, v62;
	v10 =	vsel vm13, v62, v10  }
0x15b: {  	v46 =	vsel vm7, v4, v39;
	v4 =	vsel vm7, v39, v4;
	v49 =	vsel vm7, $0x1F, v34  }
0x15c: {  	v11 =	vnsel vm7, $0x1F, v34;
	v28 =	vsel vm9, v26, v54;
	v15 =	vsel vm9, v54, v26  }
0x15d: {  	v29 =	vsel vm9, v9, v55;
	v9 =	vsel vm9, v55, v9;
	vm14 =	vgt.f32 v33, v5  }
0x15e: {  	vm9 =	vgt.f32 v46, v3;
	vm10 =	vgt.f32 v15, v56;
	v36 =	vsel vm14, v5, v33  }
0x15f: {  	v5 =	vsel vm14, v33, v5;
	v37 =	vsel vm14, v10, v63;
	v6 =	vsel vm14, v63, v10  }
0x160: {  	v53 =	vld [tilespmem:s15+$0x8000];
	v48 =	vsel vm9, v3, v46;
	v3 =	vsel vm9, v46, v3;
	v51 =	vsel vm9, v11, v35  }
0x161: {  	v11 =	vsel vm9, v35, v11;
	v30 =	vsel vm10, v15, v56;
	v12 =	vsel vm10, v56, v15  }
0x162: {  	v31 =	vsel vm10, v9, v57;
	v9 =	vsel vm10, v57, v9;
	vm15 =	vgt.f32 v36, v7  }
0x163: {  	vm10 =	vgt.f32 v48, v5;
	vm12 =	vgt.f32 v12, v1;
	v38 =	vsel vm15, v7, v36  }
0x164: {  	v7 =	vsel vm15, v36, v7;
	v40 =	vsel vm15, v6, v13;
	v6 =	vsel vm15, v13, v6  }
0x165: {  	v50 =	vsel vm10, v5, v48;
	v5 =	vsel vm10, v48, v5;
	vm15 =	vgt.f32 v53, v4  }
0x166: {  	v1 =	vsel vm12, v12, v1;
	v2 =	vsel vm12, v9, v2;
	vm4 =	vgt.f32 v38, v8  }
0x167: {  	vm11 =	vgt.f32 v50, v7;
	v12 =	vsel vm10, v11, v37;
	v9 =	vsel vm10, v37, v11  }
0x168: {  	v62 =	vsel vm15, v4, v53;
	v4 =	vsel vm15, v53, v4;
	v24 =	vsel vm15, $0x20, v49  }
0x169: {  	v41 =	vsel vm4, v38, v8;
	v8 =	vsel vm4, v8, v38;
	v42 =	vsel vm4, v6, v27  }
0x16a: {  	v6 =	vsel vm4, v27, v6;
	v52 =	vsel vm11, v7, v50;
	v7 =	vsel vm11, v50, v7  }
0x16b: {  	v54 =	vsel vm11, v9, v40;
	v9 =	vsel vm11, v40, v9;
	vm5 =	vgt.f32 v8, v28  }
0x16c: {  	vm12 =	vgt.f32 v52, v41;
	v43 =	vsel vm5, v8, v28;
	v8 =	vsel vm5, v28, v8  }
0x16d: {  	v44 =	vsel vm5, v6, v29;
	v6 =	vsel vm5, v29, v6;
	v55 =	vsel vm12, v41, v52  }
0x16e: {  	v56 =	vsel vm12, v9, v42;
	v9 =	vsel vm12, v42, v9;
	vm5 =	vgt.f32 v62, v3  }
0x16f: {  	vm6 =	vgt.f32 v8, v30;
	vm13 =	vgt.f32 v55, v43;
	v63 =	vsel vm5, v3, v62  }
0x170: {  	v3 =	vsel vm5, v62, v3;
	v45 =	vsel vm6, v8, v30;
	v8 =	vsel vm6, v30, v8  }
0x171: {  	v47 =	vsel vm6, v6, v31;
	v6 =	vsel vm6, v31, v6;
	v57 =	vsel vm13, v43, v55  }
0x172: {  	v58 =	vsel vm13, v55, v43;
	v59 =	vsel vm13, v9, v44;
	v9 =	vsel vm13, v44, v9  }
0x173: {  	vm6 =	vgt.f32 v63, v5;
	vm8 =	vgt.f32 v8, v1;
	vm14 =	vgt.f32 v57, v45  }
0x174: {  	v29 =	vld [tilespmem:s15+$0x8080];
	v25 =	vsel vm6, v5, v63;
	v5 =	vsel vm6, v63, v5;
	v1 =	vsel vm8, v8, v1  }
0x175: {  	v2 =	vsel vm8, v6, v2;
	v8 =	vsel vm12, v52, v41;
	v60 =	vsel vm14, v57, v45  }
0x176: {  	v10 =	vsel vm14, v45, v57;
	v61 =	vsel vm14, v9, v47;
	v9 =	vsel vm14, v47, v9  }
0x177: {  	v6 =	vnsel vm15, $0x20, v49;
	vm7 =	vgt.f32 v25, v7;
	vm4 =	vgt.f32 v10, v1  }
0x178: {  	v26 =	vsel vm5, v6, v51;
	v6 =	vsel vm5, v51, v6;
	v28 =	vsel vm7, v7, v25  }
0x179: {  	v43 =	vld [tilespmem:s15+$0x8100];
	v7 =	vsel vm7, v25, v7;
	vm11 =	vgt.f32 v29, v4;
	v1 =	vsel vm4, v10, v1  }
0x17a: {  	v2 =	vsel vm4, v9, v2;
	v27 =	vsel vm6, v6, v12;
	v6 =	vsel vm6, v12, v6  }
0x17b: {  	vm8 =	vgt.f32 v28, v8;
	v36 =	vsel vm11, v4, v29;
	v4 =	vsel vm11, v29, v4  }
0x17c: {  	v38 =	vsel vm11, $0x21, v24;
	v10 =	vnsel vm11, $0x21, v24;
	v12 =	vsel vm7, v6, v54  }
0x17d: {  	v6 =	vsel vm7, v54, v6;
	v30 =	vsel vm8, v8, v28;
	v8 =	vsel vm8, v28, v8  }
0x17e: {  	vm13 =	vgt.f32 v36, v3;
	vm7 =	vgt.f32 v43, v4;
	v31 =	vsel vm8, v6, v56  }
0x17f: {  	vm9 =	vgt.f32 v30, v58;
	v6 =	vsel vm8, v56, v6;
	v37 =	vsel vm13, v3, v36  }
0x180: {  	v3 =	vsel vm13, v36, v3;
	v39 =	vsel vm13, v10, v26;
	v10 =	vsel vm13, v26, v10  }
0x181: {  	v50 =	vsel vm7, v4, v43;
	v4 =	vsel vm7, v43, v4;
	v53 =	vsel vm7, $0x22, v38  }
0x182: {  	v11 =	vnsel vm7, $0x22, v38;
	v32 =	vsel vm9, v30, v58;
	v15 =	vsel vm9, v58, v30  }
0x183: {  	v33 =	vsel vm9, v6, v59;
	v6 =	vsel vm9, v59, v6;
	vm14 =	vgt.f32 v37, v5  }
0x184: {  	vm9 =	vgt.f32 v50, v3;
	vm10 =	vgt.f32 v15, v60;
	v40 =	vsel vm14, v5, v37  }
0x185: {  	v5 =	vsel vm14, v37, v5;
	v41 =	vsel vm14, v10, v27;
	v9 =	vsel vm14, v27, v10  }
0x186: {  	v57 =	vld [tilespmem:s15+$0x8180];
	v52 =	vsel vm9, v3, v50;
	v3 =	vsel vm9, v50, v3;
	v55 =	vsel vm9, v11, v39  }
0x187: {  	v11 =	vsel vm9, v39, v11;
	v34 =	vsel vm10, v15, v60;
	v14 =	vsel vm10, v60, v15  }
0x188: {  	v35 =	vsel vm10, v6, v61;
	v6 =	vsel vm10, v61, v6;
	vm15 =	vgt.f32 v40, v7  }
0x189: {  	vm10 =	vgt.f32 v52, v5;
	vm12 =	vgt.f32 v14, v1;
	v42 =	vsel vm15, v7, v40  }
0x18a: {  	v7 =	vsel vm15, v40, v7;
	v44 =	vsel vm15, v9, v12;
	v9 =	vsel vm15, v12, v9  }
0x18b: {  	v54 =	vsel vm10, v5, v52;
	v5 =	vsel vm10, v52, v5;
	vm15 =	vgt.f32 v57, v4  }
0x18c: {  	v1 =	vsel vm12, v14, v1;
	v2 =	vsel vm12, v6, v2;
	vm4 =	vgt.f32 v42, v8  }
0x18d: {  	vm11 =	vgt.f32 v54, v7;
	v14 =	vsel vm10, v11, v41;
	v6 =	vsel vm10, v41, v11  }
0x18e: {  	v26 =	vsel vm15, v4, v57;
	v4 =	vsel vm15, v57, v4;
	v28 =	vsel vm15, $0x23, v53  }
0x18f: {  	v45 =	vsel vm4, v42, v8;
	v8 =	vsel vm4, v8, v42;
	v46 =	vsel vm4, v9, v31  }
0x190: {  	v9 =	vsel vm4, v31, v9;
	v56 =	vsel vm11, v7, v54;
	v7 =	vsel vm11, v54, v7  }
0x191: {  	v58 =	vsel vm11, v6, v44;
	v6 =	vsel vm11, v44, v6;
	vm5 =	vgt.f32 v8, v32  }
0x192: {  	vm12 =	vgt.f32 v56, v45;
	v47 =	vsel vm5, v8, v32;
	v8 =	vsel vm5, v32, v8  }
0x193: {  	v48 =	vsel vm5, v9, v33;
	v9 =	vsel vm5, v33, v9;
	v59 =	vsel vm12, v45, v56  }
0x194: {  	v60 =	vsel vm12, v6, v46;
	v6 =	vsel vm12, v46, v6;
	vm5 =	vgt.f32 v26, v3  }
0x195: {  	vm6 =	vgt.f32 v8, v34;
	vm13 =	vgt.f32 v59, v47;
	v27 =	vsel vm5, v3, v26  }
0x196: {  	v3 =	vsel vm5, v26, v3;
	v49 =	vsel vm6, v8, v34;
	v8 =	vsel vm6, v34, v8  }
0x197: {  	v51 =	vsel vm6, v9, v35;
	v9 =	vsel vm6, v35, v9;
	v61 =	vsel vm13, v47, v59  }
0x198: {  	v62 =	vsel vm13, v59, v47;
	v63 =	vsel vm13, v6, v48;
	v6 =	vsel vm13, v48, v6  }
0x199: {  	vm6 =	vgt.f32 v27, v5;
	vm8 =	vgt.f32 v8, v1;
	vm14 =	vgt.f32 v61, v49  }
0x19a: {  	v33 =	vld [tilespmem:s15+$0x8200];
	v29 =	vsel vm6, v5, v27;
	v5 =	vsel vm6, v27, v5;
	v1 =	vsel vm8, v8, v1  }
0x19b: {  	v2 =	vsel vm8, v9, v2;
	v8 =	vsel vm12, v56, v45;
	v24 =	vsel vm14, v61, v49  }
0x19c: {  	v10 =	vsel vm14, v49, v61;
	v25 =	vsel vm14, v6, v51;
	v6 =	vsel vm14, v51, v6  }
0x19d: {  	v9 =	vnsel vm15, $0x23, v53;
	vm7 =	vgt.f32 v29, v7;
	vm4 =	vgt.f32 v10, v1  }
0x19e: {  	v30 =	vsel vm5, v9, v55;
	v9 =	vsel vm5, v55, v9;
	v32 =	vsel vm7, v7, v29  }
0x19f: {  	v47 =	vld [tilespmem:s15+$0x8280];
	v7 =	vsel vm7, v29, v7;
	vm11 =	vgt.f32 v33, v4;
	v1 =	vsel vm4, v10, v1  }
0x1a0: {  	v2 =	vsel vm4, v6, v2;
	v31 =	vsel vm6, v9, v14;
	v9 =	vsel vm6, v14, v9  }
0x1a1: {  	vm8 =	vgt.f32 v32, v8;
	v40 =	vsel vm11, v4, v33;
	v4 =	vsel vm11, v33, v4  }
0x1a2: {  	v42 =	vsel vm11, $0x24, v28;
	v10 =	vnsel vm11, $0x24, v28;
	v14 =	vsel vm7, v9, v58  }
0x1a3: {  	v9 =	vsel vm7, v58, v9;
	v34 =	vsel vm8, v8, v32;
	v8 =	vsel vm8, v32, v8  }
0x1a4: {  	vm13 =	vgt.f32 v40, v3;
	vm7 =	vgt.f32 v47, v4;
	v35 =	vsel vm8, v9, v60  }
0x1a5: {  	vm9 =	vgt.f32 v34, v62;
	v9 =	vsel vm8, v60, v9;
	v41 =	vsel vm13, v3, v40  }
0x1a6: {  	v3 =	vsel vm13, v40, v3;
	v43 =	vsel vm13, v10, v30;
	v10 =	vsel vm13, v30, v10  }
0x1a7: {  	v54 =	vsel vm7, v4, v47;
	v4 =	vsel vm7, v47, v4;
	v57 =	vsel vm7, $0x25, v42  }
0x1a8: {  	v11 =	vnsel vm7, $0x25, v42;
	v36 =	vsel vm9, v34, v62;
	v15 =	vsel vm9, v62, v34  }
0x1a9: {  	v37 =	vsel vm9, v9, v63;
	v9 =	vsel vm9, v63, v9;
	vm14 =	vgt.f32 v41, v5  }
0x1aa: {  	vm9 =	vgt.f32 v54, v3;
	vm10 =	vgt.f32 v15, v24;
	v44 =	vsel vm14, v5, v41  }
0x1ab: {  	v5 =	vsel vm14, v41, v5;
	v45 =	vsel vm14, v10, v31;
	v6 =	vsel vm14, v31, v10  }
0x1ac: {  	v61 =	vld [tilespmem:s15+$0x8300];
	v56 =	vsel vm9, v3, v54;
	v3 =	vsel vm9, v54, v3;
	v59 =	vsel vm9, v11, v43  }
0x1ad: {  	v11 =	vsel vm9, v43, v11;
	v38 =	vsel vm10, v15, v24;
	v13 =	vsel vm10, v24, v15  }
0x1ae: {  	v39 =	vsel vm10, v9, v25;
	v9 =	vsel vm10, v25, v9;
	vm15 =	vgt.f32 v44, v7  }
0x1af: {  	vm10 =	vgt.f32 v56, v5;
	vm12 =	vgt.f32 v13, v1;
	v46 =	vsel vm15, v7, v44  }
0x1b0: {  	v7 =	vsel vm15, v44, v7;
	v48 =	vsel vm15, v6, v14;
	v6 =	vsel vm15, v14, v6  }
0x1b1: {  	v58 =	vsel vm10, v5, v56;
	v5 =	vsel vm10, v56, v5;
	vm15 =	vgt.f32 v61, v4  }
0x1b2: {  	v1 =	vsel vm12, v13, v1;
	v2 =	vsel vm12, v9, v2;
	vm4 =	vgt.f32 v46, v8  }
0x1b3: {  	vm11 =	vgt.f32 v58, v7;
	v13 =	vsel vm10, v11, v45;
	v9 =	vsel vm10, v45, v11  }
0x1b4: {  	v30 =	vsel vm15, v4, v61;
	v4 =	vsel vm15, v61, v4;
	v32 =	vsel vm15, $0x26, v57  }
0x1b5: {  	v49 =	vsel vm4, v46, v8;
	v8 =	vsel vm4, v8, v46;
	v50 =	vsel vm4, v6, v35  }
0x1b6: {  	v6 =	vsel vm4, v35, v6;
	v60 =	vsel vm11, v7, v58;
	v7 =	vsel vm11, v58, v7  }
0x1b7: {  	v62 =	vsel vm11, v9, v48;
	v9 =	vsel vm11, v48, v9;
	vm5 =	vgt.f32 v8, v36  }
0x1b8: {  	vm12 =	vgt.f32 v60, v49;
	v51 =	vsel vm5, v8, v36;
	v8 =	vsel vm5, v36, v8  }
0x1b9: {  	v52 =	vsel vm5, v6, v37;
	v6 =	vsel vm5, v37, v6;
	v63 =	vsel vm12, v49, v60  }
0x1ba: {  	v24 =	vsel vm12, v9, v50;
	v9 =	vsel vm12, v50, v9;
	vm5 =	vgt.f32 v30, v3  }
0x1bb: {  	vm6 =	vgt.f32 v8, v38;
	vm13 =	vgt.f32 v63, v51;
	v31 =	vsel vm5, v3, v30  }
0x1bc: {  	v3 =	vsel vm5, v30, v3;
	v53 =	vsel vm6, v8, v38;
	v8 =	vsel vm6, v38, v8  }
0x1bd: {  	v55 =	vsel vm6, v6, v39;
	v6 =	vsel vm6, v39, v6;
	v25 =	vsel vm13, v51, v63  }
0x1be: {  	v26 =	vsel vm13, v63, v51;
	v27 =	vsel vm13, v9, v52;
	v9 =	vsel vm13, v52, v9  }
0x1bf: {  	vm6 =	vgt.f32 v31, v5;
	vm8 =	vgt.f32 v8, v1;
	vm14 =	vgt.f32 v25, v53  }
0x1c0: {  	v37 =	vld [tilespmem:s15+$0x8380];
	v33 =	vsel vm6, v5, v31;
	v5 =	vsel vm6, v31, v5;
	v1 =	vsel vm8, v8, v1  }
0x1c1: {  	v2 =	vsel vm8, v6, v2;
	v8 =	vsel vm12, v60, v49;
	v28 =	vsel vm14, v25, v53  }
0x1c2: {  	v10 =	vsel vm14, v53, v25;
	v29 =	vsel vm14, v9, v55;
	v9 =	vsel vm14, v55, v9  }
0x1c3: {  	v6 =	vnsel vm15, $0x26, v57;
	vm7 =	vgt.f32 v33, v7;
	vm4 =	vgt.f32 v10, v1  }
0x1c4: {  	v34 =	vsel vm5, v6, v59;
	v6 =	vsel vm5, v59, v6;
	v36 =	vsel vm7, v7, v33  }
0x1c5: {  	v51 =	vld [tilespmem:s15+$0xA000];
	v7 =	vsel vm7, v33, v7;
	vm11 =	vgt.f32 v37, v4;
	v1 =	vsel vm4, v10, v1  }
0x1c6: {  	v2 =	vsel vm4, v9, v2;
	v35 =	vsel vm6, v6, v13;
	v6 =	vsel vm6, v13, v6  }
0x1c7: {  	vm8 =	vgt.f32 v36, v8;
	v44 =	vsel vm11, v4, v37;
	v4 =	vsel vm11, v37, v4  }
0x1c8: {  	v46 =	vsel vm11, $0x27, v32;
	v10 =	vnsel vm11, $0x27, v32;
	v13 =	vsel vm7, v6, v62  }
0x1c9: {  	v6 =	vsel vm7, v62, v6;
	v38 =	vsel vm8, v8, v36;
	v8 =	vsel vm8, v36, v8  }
0x1ca: {  	vm13 =	vgt.f32 v44, v3;
	vm7 =	vgt.f32 v51, v4;
	v39 =	vsel vm8, v6, v24  }
0x1cb: {  	vm9 =	vgt.f32 v38, v26;
	v6 =	vsel vm8, v24, v6;
	v45 =	vsel vm13, v3, v44  }
0x1cc: {  	v3 =	vsel vm13, v44, v3;
	v47 =	vsel vm13, v10, v34;
	v10 =	vsel vm13, v34, v10  }
0x1cd: {  	v58 =	vsel vm7, v4, v51;
	v4 =	vsel vm7, v51, v4;
	v61 =	vsel vm7, $0x28, v46  }
0x1ce: {  	v11 =	vnsel vm7, $0x28, v46;
	v40 =	vsel vm9, v38, v26;
	v15 =	vsel vm9, v26, v38  }
0x1cf: {  	v41 =	vsel vm9, v6, v27;
	v6 =	vsel vm9, v27, v6;
	vm14 =	vgt.f32 v45, v5  }
0x1d0: {  	vm9 =	vgt.f32 v58, v3;
	vm10 =	vgt.f32 v15, v28;
	v48 =	vsel vm14, v5, v45  }
0x1d1: {  	v5 =	vsel vm14, v45, v5;
	v49 =	vsel vm14, v10, v35;
	v9 =	vsel vm14, v35, v10  }
0x1d2: {  	v25 =	vld [tilespmem:s15+$0xA080];
	v60 =	vsel vm9, v3, v58;
	v3 =	vsel vm9, v58, v3;
	v63 =	vsel vm9, v11, v47  }
0x1d3: {  	v11 =	vsel vm9, v47, v11;
	v42 =	vsel vm10, v15, v28;
	v12 =	vsel vm10, v28, v15  }
0x1d4: {  	v43 =	vsel vm10, v6, v29;
	v6 =	vsel vm10, v29, v6;
	vm15 =	vgt.f32 v48, v7  }
0x1d5: {  	vm10 =	vgt.f32 v60, v5;
	vm12 =	vgt.f32 v12, v1;
	v50 =	vsel vm15, v7, v48  }
0x1d6: {  	v7 =	vsel vm15, v48, v7;
	v52 =	vsel vm15, v9, v13;
	v9 =	vsel vm15, v13, v9  }
0x1d7: {  	v62 =	vsel vm10, v5, v60;
	v5 =	vsel vm10, v60, v5;
	vm15 =	vgt.f32 v25, v4  }
0x1d8: {  	v1 =	vsel vm12, v12, v1;
	v2 =	vsel vm12, v6, v2;
	vm4 =	vgt.f32 v50, v8  }
0x1d9: {  	vm11 =	vgt.f32 v62, v7;
	v12 =	vsel vm10, v11, v49;
	v6 =	vsel vm10, v49, v11  }
0x1da: {  	v34 =	vsel vm15, v4, v25;
	v4 =	vsel vm15, v25, v4;
	v36 =	vsel vm15, $0x29, v61  }
0x1db: {  	v53 =	vsel vm4, v50, v8;
	v8 =	vsel vm4, v8, v50;
	v54 =	vsel vm4, v9, v39  }
0x1dc: {  	v9 =	vsel vm4, v39, v9;
	v24 =	vsel vm11, v7, v62;
	v7 =	vsel vm11, v62, v7  }
0x1dd: {  	v26 =	vsel vm11, v6, v52;
	v6 =	vsel vm11, v52, v6;
	vm5 =	vgt.f32 v8, v40  }
0x1de: {  	vm12 =	vgt.f32 v24, v53;
	v55 =	vsel vm5, v8, v40;
	v8 =	vsel vm5, v40, v8  }
0x1df: {  	v56 =	vsel vm5, v9, v41;
	v9 =	vsel vm5, v41, v9;
	v27 =	vsel vm12, v53, v24  }
0x1e0: {  	v28 =	vsel vm12, v6, v54;
	v6 =	vsel vm12, v54, v6;
	vm5 =	vgt.f32 v34, v3  }
0x1e1: {  	vm6 =	vgt.f32 v8, v42;
	vm13 =	vgt.f32 v27, v55;
	v35 =	vsel vm5, v3, v34  }
0x1e2: {  	v3 =	vsel vm5, v34, v3;
	v57 =	vsel vm6, v8, v42;
	v8 =	vsel vm6, v42, v8  }
0x1e3: {  	v59 =	vsel vm6, v9, v43;
	v9 =	vsel vm6, v43, v9;
	v29 =	vsel vm13, v55, v27  }
0x1e4: {  	v30 =	vsel vm13, v27, v55;
	v31 =	vsel vm13, v6, v56;
	v6 =	vsel vm13, v56, v6  }
0x1e5: {  	vm6 =	vgt.f32 v35, v5;
	vm8 =	vgt.f32 v8, v1;
	vm14 =	vgt.f32 v29, v57  }
0x1e6: {  	v41 =	vld [tilespmem:s15+$0xA100];
	v37 =	vsel vm6, v5, v35;
	v5 =	vsel vm6, v35, v5;
	v1 =	vsel vm8, v8, v1  }
0x1e7: {  	v2 =	vsel vm8, v9, v2;
	v8 =	vsel vm12, v24, v53;
	v32 =	vsel vm14, v29, v57  }
0x1e8: {  	v10 =	vsel vm14, v57, v29;
	v33 =	vsel vm14, v6, v59;
	v6 =	vsel vm14, v59, v6  }
0x1e9: {  	v9 =	vnsel vm15, $0x29, v61;
	vm7 =	vgt.f32 v37, v7;
	vm4 =	vgt.f32 v10, v1  }
0x1ea: {  	v38 =	vsel vm5, v9, v63;
	v9 =	vsel vm5, v63, v9;
	v40 =	vsel vm7, v7, v37  }
0x1eb: {  	v55 =	vld [tilespmem:s15+$0xA180];
	v7 =	vsel vm7, v37, v7;
	vm11 =	vgt.f32 v41, v4;
	v1 =	vsel vm4, v10, v1  }
0x1ec: {  	v2 =	vsel vm4, v6, v2;
	v39 =	vsel vm6, v9, v12;
	v9 =	vsel vm6, v12, v9  }
0x1ed: {  	vm8 =	vgt.f32 v40, v8;
	v48 =	vsel vm11, v4, v41;
	v4 =	vsel vm11, v41, v4  }
0x1ee: {  	v50 =	vsel vm11, $0x2A, v36;
	v10 =	vnsel vm11, $0x2A, v36;
	v12 =	vsel vm7, v9, v26  }
0x1ef: {  	v9 =	vsel vm7, v26, v9;
	v42 =	vsel vm8, v8, v40;
	v8 =	vsel vm8, v40, v8  }
0x1f0: {  	vm13 =	vgt.f32 v48, v3;
	vm7 =	vgt.f32 v55, v4;
	v43 =	vsel vm8, v9, v28  }
0x1f1: {  	vm9 =	vgt.f32 v42, v30;
	v9 =	vsel vm8, v28, v9;
	v49 =	vsel vm13, v3, v48  }
0x1f2: {  	v3 =	vsel vm13, v48, v3;
	v51 =	vsel vm13, v10, v38;
	v10 =	vsel vm13, v38, v10  }
0x1f3: {  	v62 =	vsel vm7, v4, v55;
	v4 =	vsel vm7, v55, v4;
	v24 =	vsel vm7, $0x2B, v50  }
0x1f4: {  	v11 =	vnsel vm7, $0x2B, v50;
	v44 =	vsel vm9, v42, v30;
	v15 =	vsel vm9, v30, v42  }
0x1f5: {  	v45 =	vsel vm9, v9, v31;
	v9 =	vsel vm9, v31, v9;
	vm14 =	vgt.f32 v49, v5  }
0x1f6: {  	vm9 =	vgt.f32 v62, v3;
	vm10 =	vgt.f32 v15, v32;
	v52 =	vsel vm14, v5, v49  }
0x1f7: {  	v5 =	vsel vm14, v49, v5;
	v53 =	vsel vm14, v10, v39;
	v6 =	vsel vm14, v39, v10  }
0x1f8: {  	v23 =	vsel vm9, v3, v62;
	v3 =	vsel vm9, v62, v3;
	v26 =	vsel vm9, v11, v51  }
0x1f9: {  	v11 =	vsel vm9, v51, v11;
	v46 =	vsel vm10, v15, v32;
	v14 =	vsel vm10, v32, v15  }
0x1fa: {  	v28 =	vld [tilespmem:s15+$0xA200];
	v47 =	vsel vm10, v9, v33;
	v9 =	vsel vm10, v33, v9;
	vm15 =	vgt.f32 v52, v7  }
0x1fb: {  	vm10 =	vgt.f32 v23, v5;
	vm12 =	vgt.f32 v14, v1;
	v54 =	vsel vm15, v7, v52  }
0x1fc: {  	v7 =	vsel vm15, v52, v7;
	v56 =	vsel vm15, v6, v12;
	v6 =	vsel vm15, v12, v6  }
0x1fd: {  	v25 =	vsel vm10, v5, v23;
	v5 =	vsel vm10, v23, v5;
	v1 =	vsel vm12, v14, v1  }
0x1fe: {  	v2 =	vsel vm12, v9, v2;
	vm4 =	vgt.f32 v54, v8;
	vm11 =	vgt.f32 v25, v7  }
0x1ff: {  	v14 =	vsel vm10, v11, v53;
	v9 =	vsel vm10, v53, v11;
	vm15 =	vgt.f32 v28, v4  }
0x200: {  	v57 =	vsel vm4, v54, v8;
	v8 =	vsel vm4, v8, v54;
	v58 =	vsel vm4, v6, v43  }
0x201: {  	v6 =	vsel vm4, v43, v6;
	v27 =	vsel vm11, v7, v25;
	v7 =	vsel vm11, v25, v7  }
0x202: {  	v29 =	vsel vm11, v9, v56;
	v9 =	vsel vm11, v56, v9;
	v37 =	vsel vm15, v4, v28  }
0x203: {  	v4 =	vsel vm15, v28, v4;
	v39 =	vsel vm15, $0x2C, v24;
	vm5 =	vgt.f32 v8, v44  }
0x204: {  	vm12 =	vgt.f32 v27, v57;
	v59 =	vsel vm5, v8, v44;
	v8 =	vsel vm5, v44, v8  }
0x205: {  	v60 =	vsel vm5, v6, v45;
	v6 =	vsel vm5, v45, v6;
	v30 =	vsel vm12, v57, v27  }
0x206: {  	v31 =	vsel vm12, v9, v58;
	v9 =	vsel vm12, v58, v9;
	vm5 =	vgt.f32 v37, v3  }
0x207: {  	vm6 =	vgt.f32 v8, v46;
	vm13 =	vgt.f32 v30, v59;
	v38 =	vsel vm5, v3, v37  }
0x208: {  	v3 =	vsel vm5, v37, v3;
	v61 =	vsel vm6, v8, v46;
	v8 =	vsel vm6, v46, v8  }
0x209: {  	v63 =	vsel vm6, v6, v47;
	v6 =	vsel vm6, v47, v6;
	v32 =	vsel vm13, v59, v30  }
0x20a: {  	v33 =	vsel vm13, v30, v59;
	v34 =	vsel vm13, v9, v60;
	v9 =	vsel vm13, v60, v9  }
0x20b: {  	vm6 =	vgt.f32 v38, v5;
	vm8 =	vgt.f32 v8, v1;
	vm14 =	vgt.f32 v32, v61  }
0x20c: {  	v44 =	vld [tilespmem:s15+$0xA280];
	v40 =	vsel vm6, v5, v38;
	v5 =	vsel vm6, v38, v5;
	v1 =	vsel vm8, v8, v1  }
0x20d: {  	v2 =	vsel vm8, v6, v2;
	v8 =	vsel vm12, v27, v57;
	v35 =	vsel vm14, v32, v61  }
0x20e: {  	v10 =	vsel vm14, v61, v32;
	v36 =	vsel vm14, v9, v63;
	v9 =	vsel vm14, v63, v9  }
0x20f: {  	v6 =	vnsel vm15, $0x2C, v24;
	vm7 =	vgt.f32 v40, v7;
	vm4 =	vgt.f32 v10, v1  }
0x210: {  	v41 =	vsel vm5, v6, v26;
	v6 =	vsel vm5, v26, v6;
	v43 =	vsel vm7, v7, v40  }
0x211: {  	v58 =	vld [tilespmem:s15+$0xA300];
	v7 =	vsel vm7, v40, v7;
	vm11 =	vgt.f32 v44, v4;
	v1 =	vsel vm4, v10, v1  }
0x212: {  	v2 =	vsel vm4, v9, v2;
	v42 =	vsel vm6, v6, v14;
	v6 =	vsel vm6, v14, v6  }
0x213: {  	vm8 =	vgt.f32 v43, v8;
	v51 =	vsel vm11, v4, v44;
	v4 =	vsel vm11, v44, v4  }
0x214: {  	v53 =	vsel vm11, $0x2D, v39;
	v10 =	vnsel vm11, $0x2D, v39;
	v14 =	vsel vm7, v6, v29  }
0x215: {  	v6 =	vsel vm7, v29, v6;
	v45 =	vsel vm8, v8, v43;
	v8 =	vsel vm8, v43, v8  }
0x216: {  	vm13 =	vgt.f32 v51, v3;
	vm7 =	vgt.f32 v58, v4;
	v46 =	vsel vm8, v6, v31  }
0x217: {  	vm9 =	vgt.f32 v45, v33;
	v6 =	vsel vm8, v31, v6;
	v52 =	vsel vm13, v3, v51  }
0x218: {  	v3 =	vsel vm13, v51, v3;
	v54 =	vsel vm13, v10, v41;
	v10 =	vsel vm13, v41, v10  }
0x219: {  	v25 =	vsel vm7, v4, v58;
	v4 =	vsel vm7, v58, v4;
	v28 =	vsel vm7, $0x2E, v53  }
0x21a: {  	v11 =	vnsel vm7, $0x2E, v53;
	v47 =	vsel vm9, v45, v33;
	v15 =	vsel vm9, v33, v45  }
0x21b: {  	v48 =	vsel vm9, v6, v34;
	v6 =	vsel vm9, v34, v6;
	vm14 =	vgt.f32 v52, v5  }
0x21c: {  	vm9 =	vgt.f32 v25, v3;
	vm10 =	vgt.f32 v15, v35;
	v55 =	vsel vm14, v5, v52  }
0x21d: {  	v5 =	vsel vm14, v52, v5;
	v56 =	vsel vm14, v10, v42;
	v9 =	vsel vm14, v42, v10  }
0x21e: {  	v32 =	vld [tilespmem:s15+$0xA380];
	v27 =	vsel vm9, v3, v25;
	v3 =	vsel vm9, v25, v3;
	v30 =	vsel vm9, v11, v54  }
0x21f: {  	v11 =	vsel vm9, v54, v11;
	v49 =	vsel vm10, v15, v35;
	v13 =	vsel vm10, v35, v15  }
0x220: {  	v50 =	vsel vm10, v6, v36;
	v6 =	vsel vm10, v36, v6;
	vm15 =	vgt.f32 v55, v7  }
0x221: {  	vm10 =	vgt.f32 v27, v5;
	vm12 =	vgt.f32 v13, v1;
	v57 =	vsel vm15, v7, v55  }
0x222: {  	v7 =	vsel vm15, v55, v7;
	v59 =	vsel vm15, v9, v14;
	v9 =	vsel vm15, v14, v9  }
0x223: {  	v29 =	vsel vm10, v5, v27;
	v5 =	vsel vm10, v27, v5;
	vm15 =	vgt.f32 v32, v4  }
0x224: {  	v1 =	vsel vm12, v13, v1;
	v2 =	vsel vm12, v6, v2;
	vm4 =	vgt.f32 v57, v8  }
0x225: {  	vm11 =	vgt.f32 v29, v7;
	v13 =	vsel vm10, v11, v56;
	v6 =	vsel vm10, v56, v11  }
0x226: {  	v41 =	vsel vm15, v4, v32;
	v4 =	vsel vm15, v32, v4;
	v43 =	vsel vm15, $0x2F, v28  }
0x227: {  	v60 =	vsel vm4, v57, v8;
	v8 =	vsel vm4, v8, v57;
	v61 =	vsel vm4, v9, v46  }
0x228: {  	v9 =	vsel vm4, v46, v9;
	v31 =	vsel vm11, v7, v29;
	v7 =	vsel vm11, v29, v7  }
0x229: {  	v33 =	vsel vm11, v6, v59;
	v6 =	vsel vm11, v59, v6;
	vm5 =	vgt.f32 v8, v47  }
0x22a: {  	vm12 =	vgt.f32 v31, v60;
	v62 =	vsel vm5, v8, v47;
	v8 =	vsel vm5, v47, v8  }
0x22b: {  	v63 =	vsel vm5, v9, v48;
	v9 =	vsel vm5, v48, v9;
	v34 =	vsel vm12, v60, v31  }
0x22c: {  	v35 =	vsel vm12, v6, v61;
	v6 =	vsel vm12, v61, v6;
	vm5 =	vgt.f32 v41, v3  }
0x22d: {  	vm6 =	vgt.f32 v8, v49;
	vm13 =	vgt.f32 v34, v62;
	v42 =	vsel vm5, v3, v41  }
0x22e: {  	v3 =	vsel vm5, v41, v3;
	v24 =	vsel vm6, v8, v49;
	v8 =	vsel vm6, v49, v8  }
0x22f: {  	v26 =	vsel vm6, v9, v50;
	v9 =	vsel vm6, v50, v9;
	v36 =	vsel vm13, v62, v34  }
0x230: {  	v37 =	vsel vm13, v34, v62;
	v38 =	vsel vm13, v6, v63;
	v6 =	vsel vm13, v63, v6  }
0x231: {  	vm6 =	vgt.f32 v42, v5;
	vm8 =	vgt.f32 v8, v1;
	vm14 =	vgt.f32 v36, v24  }
0x232: {  	v48 =	vld [tilespmem:s15+$0xC000];
	v44 =	vsel vm6, v5, v42;
	v5 =	vsel vm6, v42, v5;
	v1 =	vsel vm8, v8, v1  }
0x233: {  	v2 =	vsel vm8, v9, v2;
	v8 =	vsel vm12, v31, v60;
	v39 =	vsel vm14, v36, v24  }
0x234: {  	v10 =	vsel vm14, v24, v36;
	v40 =	vsel vm14, v6, v26;
	v6 =	vsel vm14, v26, v6  }
0x235: {  	v9 =	vnsel vm15, $0x2F, v28;
	vm7 =	vgt.f32 v44, v7;
	vm4 =	vgt.f32 v10, v1  }
0x236: {  	v45 =	vsel vm5, v9, v30;
	v9 =	vsel vm5, v30, v9;
	v47 =	vsel vm7, v7, v44  }
0x237: {  	v62 =	vld [tilespmem:s15+$0xC080];
	v7 =	vsel vm7, v44, v7;
	vm11 =	vgt.f32 v48, v4;
	v1 =	vsel vm4, v10, v1  }
0x238: {  	v2 =	vsel vm4, v6, v2;
	v46 =	vsel vm6, v9, v13;
	v9 =	vsel vm6, v13, v9  }
0x239: {  	vm8 =	vgt.f32 v47, v8;
	v55 =	vsel vm11, v4, v48;
	v4 =	vsel vm11, v48, v4  }
0x23a: {  	v57 =	vsel vm11, $0x30, v43;
	v10 =	vnsel vm11, $0x30, v43;
	v13 =	vsel vm7, v9, v33  }
0x23b: {  	v9 =	vsel vm7, v33, v9;
	v49 =	vsel vm8, v8, v47;
	v8 =	vsel vm8, v47, v8  }
0x23c: {  	vm13 =	vgt.f32 v55, v3;
	vm7 =	vgt.f32 v62, v4;
	v50 =	vsel vm8, v9, v35  }
0x23d: {  	vm9 =	vgt.f32 v49, v37;
	v9 =	vsel vm8, v35, v9;
	v56 =	vsel vm13, v3, v55  }
0x23e: {  	v3 =	vsel vm13, v55, v3;
	v58 =	vsel vm13, v10, v45;
	v10 =	vsel vm13, v45, v10  }
0x23f: {  	v29 =	vsel vm7, v4, v62;
	v4 =	vsel vm7, v62, v4;
	v32 =	vsel vm7, $0x31, v57  }
0x240: {  	v11 =	vnsel vm7, $0x31, v57;
	v51 =	vsel vm9, v49, v37;
	v15 =	vsel vm9, v37, v49  }
0x241: {  	v52 =	vsel vm9, v9, v38;
	v9 =	vsel vm9, v38, v9;
	vm14 =	vgt.f32 v56, v5  }
0x242: {  	vm9 =	vgt.f32 v29, v3;
	vm10 =	vgt.f32 v15, v39;
	v59 =	vsel vm14, v5, v56  }
0x243: {  	v5 =	vsel vm14, v56, v5;
	v60 =	vsel vm14, v10, v46;
	v6 =	vsel vm14, v46, v10  }
0x244: {  	v36 =	vld [tilespmem:s15+$0xC100];
	v31 =	vsel vm9, v3, v29;
	v3 =	vsel vm9, v29, v3;
	v34 =	vsel vm9, v11, v58  }
0x245: {  	v11 =	vsel vm9, v58, v11;
	v53 =	vsel vm10, v15, v39;
	v12 =	vsel vm10, v39, v15  }
0x246: {  	v54 =	vsel vm10, v9, v40;
	v9 =	vsel vm10, v40, v9;
	vm15 =	vgt.f32 v59, v7  }
0x247: {  	vm10 =	vgt.f32 v31, v5;
	vm12 =	vgt.f32 v12, v1;
	v61 =	vsel vm15, v7, v59  }
0x248: {  	v7 =	vsel vm15, v59, v7;
	v63 =	vsel vm15, v6, v13;
	v6 =	vsel vm15, v13, v6  }
0x249: {  	v33 =	vsel vm10, v5, v31;
	v5 =	vsel vm10, v31, v5;
	vm15 =	vgt.f32 v36, v4  }
0x24a: {  	v1 =	vsel vm12, v12, v1;
	v2 =	vsel vm12, v9, v2;
	vm4 =	vgt.f32 v61, v8  }
0x24b: {  	vm11 =	vgt.f32 v33, v7;
	v12 =	vsel vm10, v11, v60;
	v9 =	vsel vm10, v60, v11  }
0x24c: {  	v45 =	vsel vm15, v4, v36;
	v4 =	vsel vm15, v36, v4;
	v47 =	vsel vm15, $0x32, v32  }
0x24d: {  	v24 =	vsel vm4, v61, v8;
	v8 =	vsel vm4, v8, v61;
	v25 =	vsel vm4, v6, v50  }
0x24e: {  	v6 =	vsel vm4, v50, v6;
	v35 =	vsel vm11, v7, v33;
	v7 =	vsel vm11, v33, v7  }
0x24f: {  	v37 =	vsel vm11, v9, v63;
	v9 =	vsel vm11, v63, v9;
	vm5 =	vgt.f32 v8, v51  }
0x250: {  	vm12 =	vgt.f32 v35, v24;
	v26 =	vsel vm5, v8, v51;
	v8 =	vsel vm5, v51, v8  }
0x251: {  	v27 =	vsel vm5, v6, v52;
	v6 =	vsel vm5, v52, v6;
	v38 =	vsel vm12, v24, v35  }
0x252: {  	v39 =	vsel vm12, v9, v25;
	v9 =	vsel vm12, v25, v9;
	vm5 =	vgt.f32 v45, v3  }
0x253: {  	vm6 =	vgt.f32 v8, v53;
	vm13 =	vgt.f32 v38, v26;
	v46 =	vsel vm5, v3, v45  }
0x254: {  	v3 =	vsel vm5, v45, v3;
	v28 =	vsel vm6, v8, v53;
	v8 =	vsel vm6, v53, v8  }
0x255: {  	v30 =	vsel vm6, v6, v54;
	v6 =	vsel vm6, v54, v6;
	v40 =	vsel vm13, v26, v38  }
0x256: {  	v41 =	vsel vm13, v38, v26;
	v42 =	vsel vm13, v9, v27;
	v9 =	vsel vm13, v27, v9  }
0x257: {  	vm6 =	vgt.f32 v46, v5;
	vm8 =	vgt.f32 v8, v1;
	vm14 =	vgt.f32 v40, v28  }
0x258: {  	v52 =	vld [tilespmem:s15+$0xC180];
	v48 =	vsel vm6, v5, v46;
	v5 =	vsel vm6, v46, v5;
	v1 =	vsel vm8, v8, v1  }
0x259: {  	v2 =	vsel vm8, v6, v2;
	v8 =	vsel vm12, v35, v24;
	v43 =	vsel vm14, v40, v28  }
0x25a: {  	v10 =	vsel vm14, v28, v40;
	v44 =	vsel vm14, v9, v30;
	v9 =	vsel vm14, v30, v9  }
0x25b: {  	v6 =	vnsel vm15, $0x32, v32;
	vm7 =	vgt.f32 v48, v7;
	vm4 =	vgt.f32 v10, v1  }
0x25c: {  	v49 =	vsel vm5, v6, v34;
	v6 =	vsel vm5, v34, v6;
	v51 =	vsel vm7, v7, v48  }
0x25d: {  	v26 =	vld [tilespmem:s15+$0xC200];
	v7 =	vsel vm7, v48, v7;
	vm11 =	vgt.f32 v52, v4;
	v1 =	vsel vm4, v10, v1  }
0x25e: {  	v2 =	vsel vm4, v9, v2;
	v50 =	vsel vm6, v6, v12;
	v6 =	vsel vm6, v12, v6  }
0x25f: {  	vm8 =	vgt.f32 v51, v8;
	v59 =	vsel vm11, v4, v52;
	v4 =	vsel vm11, v52, v4  }
0x260: {  	v61 =	vsel vm11, $0x33, v47;
	v10 =	vnsel vm11, $0x33, v47;
	v12 =	vsel vm7, v6, v37  }
0x261: {  	v6 =	vsel vm7, v37, v6;
	v53 =	vsel vm8, v8, v51;
	v8 =	vsel vm8, v51, v8  }
0x262: {  	vm13 =	vgt.f32 v59, v3;
	vm7 =	vgt.f32 v26, v4;
	v54 =	vsel vm8, v6, v39  }
0x263: {  	vm9 =	vgt.f32 v53, v41;
	v6 =	vsel vm8, v39, v6;
	v60 =	vsel vm13, v3, v59  }
0x264: {  	v3 =	vsel vm13, v59, v3;
	v62 =	vsel vm13, v10, v49;
	v10 =	vsel vm13, v49, v10  }
0x265: {  	v33 =	vsel vm7, v4, v26;
	v4 =	vsel vm7, v26, v4;
	v36 =	vsel vm7, $0x34, v61  }
0x266: {  	v11 =	vnsel vm7, $0x34, v61;
	v55 =	vsel vm9, v53, v41;
	v15 =	vsel vm9, v41, v53  }
0x267: {  	v56 =	vsel vm9, v6, v42;
	v6 =	vsel vm9, v42, v6;
	vm14 =	vgt.f32 v60, v5  }
0x268: {  	vm9 =	vgt.f32 v33, v3;
	vm10 =	vgt.f32 v15, v43;
	v63 =	vsel vm14, v5, v60  }
0x269: {  	v5 =	vsel vm14, v60, v5;
	v24 =	vsel vm14, v10, v50;
	v9 =	vsel vm14, v50, v10  }
0x26a: {  	v40 =	vld [tilespmem:s15+$0xC280];
	v35 =	vsel vm9, v3, v33;
	v3 =	vsel vm9, v33, v3;
	v38 =	vsel vm9, v11, v62  }
0x26b: {  	v11 =	vsel vm9, v62, v11;
	v57 =	vsel vm10, v15, v43;
	v14 =	vsel vm10, v43, v15  }
0x26c: {  	v58 =	vsel vm10, v6, v44;
	v6 =	vsel vm10, v44, v6;
	vm15 =	vgt.f32 v63, v7  }
0x26d: {  	vm10 =	vgt.f32 v35, v5;
	vm12 =	vgt.f32 v14, v1;
	v25 =	vsel vm15, v7, v63  }
0x26e: {  	v7 =	vsel vm15, v63, v7;
	v27 =	vsel vm15, v9, v12;
	v9 =	vsel vm15, v12, v9  }
0x26f: {  	v37 =	vsel vm10, v5, v35;
	v5 =	vsel vm10, v35, v5;
	vm15 =	vgt.f32 v40, v4  }
0x270: {  	v1 =	vsel vm12, v14, v1;
	v2 =	vsel vm12, v6, v2;
	vm4 =	vgt.f32 v25, v8  }
0x271: {  	vm11 =	vgt.f32 v37, v7;
	v14 =	vsel vm10, v11, v24;
	v6 =	vsel vm10, v24, v11  }
0x272: {  	v49 =	vsel vm15, v4, v40;
	v4 =	vsel vm15, v40, v4;
	v51 =	vsel vm15, $0x35, v36  }
0x273: {  	v28 =	vsel vm4, v25, v8;
	v8 =	vsel vm4, v8, v25;
	v29 =	vsel vm4, v9, v54  }
0x274: {  	v9 =	vsel vm4, v54, v9;
	v39 =	vsel vm11, v7, v37;
	v7 =	vsel vm11, v37, v7  }
0x275: {  	v41 =	vsel vm11, v6, v27;
	v6 =	vsel vm11, v27, v6;
	vm5 =	vgt.f32 v8, v55  }
0x276: {  	vm12 =	vgt.f32 v39, v28;
	v30 =	vsel vm5, v8, v55;
	v8 =	vsel vm5, v55, v8  }
0x277: {  	v31 =	vsel vm5, v9, v56;
	v9 =	vsel vm5, v56, v9;
	v42 =	vsel vm12, v28, v39  }
0x278: {  	v43 =	vsel vm12, v6, v29;
	v6 =	vsel vm12, v29, v6;
	vm5 =	vgt.f32 v49, v3  }
0x279: {  	vm6 =	vgt.f32 v8, v57;
	vm13 =	vgt.f32 v42, v30;
	v50 =	vsel vm5, v3, v49  }
0x27a: {  	v3 =	vsel vm5, v49, v3;
	v32 =	vsel vm6, v8, v57;
	v8 =	vsel vm6, v57, v8  }
0x27b: {  	v34 =	vsel vm6, v9, v58;
	v9 =	vsel vm6, v58, v9;
	v44 =	vsel vm13, v30, v42  }
0x27c: {  	v45 =	vsel vm13, v42, v30;
	v46 =	vsel vm13, v6, v31;
	v6 =	vsel vm13, v31, v6  }
0x27d: {  	vm6 =	vgt.f32 v50, v5;
	vm8 =	vgt.f32 v8, v1;
	vm14 =	vgt.f32 v44, v32  }
0x27e: {  	v56 =	vld [tilespmem:s15+$0xC300];
	v52 =	vsel vm6, v5, v50;
	v5 =	vsel vm6, v50, v5;
	v1 =	vsel vm8, v8, v1  }
0x27f: {  	v2 =	vsel vm8, v9, v2;
	v8 =	vsel vm12, v39, v28;
	v47 =	vsel vm14, v44, v32  }
0x280: {  	v10 =	vsel vm14, v32, v44;
	v48 =	vsel vm14, v6, v34;
	v6 =	vsel vm14, v34, v6  }
0x281: {  	v9 =	vnsel vm15, $0x35, v36;
	vm7 =	vgt.f32 v52, v7;
	vm4 =	vgt.f32 v10, v1  }
0x282: {  	v53 =	vsel vm5, v9, v38;
	v9 =	vsel vm5, v38, v9;
	v55 =	vsel vm7, v7, v52  }
0x283: {  	v29 =	vld [tilespmem:s15+$0xC380];
	v7 =	vsel vm7, v52, v7;
	vm11 =	vgt.f32 v56, v4;
	v1 =	vsel vm4, v10, v1  }
0x284: {  	v2 =	vsel vm4, v6, v2;
	v54 =	vsel vm6, v9, v14;
	v9 =	vsel vm6, v14, v9  }
0x285: {  	vm8 =	vgt.f32 v55, v8;
	v63 =	vsel vm11, v4, v56;
	v4 =	vsel vm11, v56, v4  }
0x286: {  	v24 =	vsel vm11, $0x36, v51;
	v10 =	vnsel vm11, $0x36, v51;
	v14 =	vsel vm7, v9, v41  }
0x287: {  	v9 =	vsel vm7, v41, v9;
	v57 =	vsel vm8, v8, v55;
	v8 =	vsel vm8, v55, v8  }
0x288: {  	vm13 =	vgt.f32 v63, v3;
	vm7 =	vgt.f32 v29, v4;
	v58 =	vsel vm8, v9, v43  }
0x289: {  	vm9 =	vgt.f32 v57, v45;
	v9 =	vsel vm8, v43, v9;
	v23 =	vsel vm13, v3, v63  }
0x28a: {  	v3 =	vsel vm13, v63, v3;
	v25 =	vsel vm13, v10, v53;
	v10 =	vsel vm13, v53, v10  }
0x28b: {  	v36 =	vsel vm7, v4, v29;
	v4 =	vsel vm7, v29, v4;
	v39 =	vsel vm7, $0x37, v24  }
0x28c: {  	v11 =	vnsel vm7, $0x37, v24;
	v59 =	vsel vm9, v57, v45;
	v15 =	vsel vm9, v45, v57  }
0x28d: {  	v60 =	vsel vm9, v9, v46;
	v9 =	vsel vm9, v46, v9;
	vm14 =	vgt.f32 v23, v5  }
0x28e: {  	vm9 =	vgt.f32 v36, v3;
	vm10 =	vgt.f32 v15, v47;
	v26 =	vsel vm14, v5, v23  }
0x28f: {  	v5 =	vsel vm14, v23, v5;
	v27 =	vsel vm14, v10, v54;
	v6 =	vsel vm14, v54, v10  }
0x290: {  	v38 =	vsel vm9, v3, v36;
	v3 =	vsel vm9, v36, v3;
	v41 =	vsel vm9, v11, v25  }
0x291: {  	v11 =	vsel vm9, v25, v11;
	v25 =	vimm.s32 $0x0;
	v61 =	vsel vm10, v15, v47  }
0x292: {  	v13 =	vsel vm10, v47, v15;
	v62 =	vsel vm10, v9, v48;
	v9 =	vsel vm10, v48, v9  }
0x293: {  	v43 =	vld [tilespmem:s15+$0xE000];
	vm15 =	vgt.f32 v26, v7;
	vm10 =	vgt.f32 v38, v5;
	vm12 =	vgt.f32 v13, v1  }
0x294: {  	v28 =	vsel vm15, v7, v26;
	v7 =	vsel vm15, v26, v7;
	v30 =	vsel vm15, v6, v14  }
0x295: {  	v6 =	vsel vm15, v14, v6;
	v40 =	vsel vm10, v5, v38;
	v5 =	vsel vm10, v38, v5  }
0x296: {  	v1 =	vsel vm12, v13, v1;
	v2 =	vsel vm12, v9, v2;
	vm4 =	vgt.f32 v28, v8  }
0x297: {  	vm11 =	vgt.f32 v40, v7;
	v13 =	vsel vm10, v11, v27;
	v9 =	vsel vm10, v27, v11  }
0x298: {  	v23 =	vld [tilespmem:s15+$0xE080];
	vm15 =	vgt.f32 v43, v4;
	v31 =	vsel vm4, v28, v8;
	v8 =	vsel vm4, v8, v28  }
0x299: {  	v32 =	vsel vm4, v6, v58;
	v6 =	vsel vm4, v58, v6;
	v42 =	vsel vm11, v7, v40  }
0x29a: {  	v7 =	vsel vm11, v40, v7;
	v44 =	vsel vm11, v9, v30;
	v9 =	vsel vm11, v30, v9  }
0x29b: {  	v52 =	vsel vm15, v4, v43;
	v11 =	vsel vm15, v43, v4;
	v53 =	vsel vm15, $0x38, v39  }
0x29c: {  	v28 =	vimm.s32 $0x0;
	v30 =	vimm.s32 $0x0;
	v43 =	vimm.s32 $0x0  }
0x29d: {  	vm5 =	vgt.f32 v8, v59;
	vm12 =	vgt.f32 v42, v31;
	vm11 =	vgt.f32 v23, v11  }
0x29e: {  	v33 =	vsel vm5, v8, v59;
	v8 =	vsel vm5, v59, v8;
	v34 =	vsel vm5, v6, v60  }
0x29f: {  	v6 =	vsel vm5, v60, v6;
	v45 =	vsel vm12, v31, v42;
	v46 =	vsel vm12, v9, v32  }
0x2a0: {  	v9 =	vsel vm12, v32, v9;
	vm5 =	vgt.f32 v52, v3;
	v27 =	vnsel vm11, $0x39, v53  }
0x2a1: {  	v32 =	vimm.s32 $0x0;
	vm6 =	vgt.f32 v8, v61;
	vm13 =	vgt.f32 v45, v33  }
0x2a2: {  	v20 =	vsel vm5, v52, v3;
	v35 =	vsel vm6, v8, v61;
	v8 =	vsel vm6, v61, v8  }
0x2a3: {  	v37 =	vsel vm6, v6, v62;
	v6 =	vsel vm6, v62, v6;
	v47 =	vsel vm13, v33, v45  }
0x2a4: {  	v48 =	vsel vm13, v45, v33;
	v49 =	vsel vm13, v9, v34;
	v9 =	vsel vm13, v34, v9  }
0x2a5: {  	v62 =	vsel vm11, v11, v23;
	v11 =	vsel vm11, v23, v11;
	vm8 =	vgt.f32 v8, v1  }
0x2a6: {  	v45 =	vimm.s32 $0x0;
	vm14 =	vgt.f32 v47, v35;
	v1 =	vsel vm8, v8, v1  }
0x2a7: {  	v2 =	vsel vm8, v6, v2;
	v8 =	vsel vm12, v42, v31;
	v50 =	vsel vm14, v47, v35  }
0x2a8: {  	v63 =	vld [tilespmem:s15+$0xE100];
	v10 =	vsel vm14, v35, v47;
	v51 =	vsel vm14, v9, v37;
	v9 =	vsel vm14, v37, v9  }
0x2a9: {  	vm12 =	vgt.f32 v62, v20;
	v35 =	vimm.s32 $0x0;
	v37 =	vimm.s32 $0x0  }
0x2aa: {  	v42 =	vimm.s32 $0x0;
	vm4 =	vgt.f32 v10, v1;
	v24 =	vsel vm12, v20, v62  }
0x2ab: {  	v20 =	vsel vm12, v62, v20;
	v62 =	vimm.s32 $0x0;
	v10 =	vsel vm4, v10, v1  }
0x2ac: {  	v36 =	vld [tilespmem:s15+$0xE180];
	v9 =	vsel vm4, v9, v2;
	v1 =	vsel vm5, v3, v52;
	v2 =	vnsel vm15, $0x38, v39  }
0x2ad: {  	vm15 =	vgt.f32 v63, v11;
	v39 =	vimm.s32 $0x0;
	vm6 =	vgt.f32 v1, v5  }
0x2ae: {  	v22 =	vsel vm5, v2, v41;
	v2 =	vsel vm5, v41, v2;
	v31 =	vsel vm15, v11, v63  }
0x2af: {  	v23 =	vsel vm15, $0xFFFFFFFF, v32;
	v11 =	vsel vm15, v63, v11;
	v3 =	vsel vm6, v5, v1  }
0x2b0: {  	v54 =	vsel vm6, v1, v5;
	v1 =	vsel vm6, v2, v13;
	v2 =	vsel vm6, v13, v2  }
0x2b1: {  	vm0 =	vgt.f32 v36, v11;
	vm7 =	vgt.f32 v3, v7;
	vm14 =	vgt.f32 v24, v54  }
0x2b2: {  	v55 =	vsel vm7, v7, v3;
	v56 =	vsel vm7, v3, v7;
	v3 =	vsel vm7, v2, v44  }
0x2b3: {  	v57 =	vsel vm7, v44, v2;
	v26 =	vsel vm14, v54, v24;
	v17 =	vsel vm14, v24, v54  }
0x2b4: {  	v24 =	vimm.s32 $0x0;
	vm8 =	vgt.f32 v55, v8;
	vm4 =	vgt.f32 v26, v56  }
0x2b5: {  	v58 =	vsel vm8, v8, v55;
	v59 =	vsel vm8, v55, v8;
	v2 =	vsel vm8, v57, v46  }
0x2b6: {  	v5 =	vsel vm8, v46, v57;
	v8 =	vsel vm4, $0xFFFFFFFF, v28;
	v29 =	vsel vm4, v56, v26  }
0x2b7: {  	v13 =	vsel vm4, v26, v56;
	v55 =	vimm.s32 $0x0;
	v56 =	vimm.s32 $0x0  }
0x2b8: {  	v26 =	vimm.s32 $0x0;
	vm9 =	vgt.f32 v58, v48;
	[tilespmem:$0x1FD80] =	vst v8;
	v8 =	vsel vm12, v27, v22  }
0x2b9: {  	vm8 =	vgt.f32 v29, v59;
	v60 =	vsel vm9, v58, v48;
	v6 =	vsel vm9, v48, v58  }
0x2ba: {  	v4 =	vsel vm9, v5, v49;
	v61 =	vsel vm9, v49, v5;
	v33 =	vsel vm8, v59, v29  }
0x2bb: {  	vm9 =	vgt.f32 v31, v20;
	v15 =	vsel vm8, v29, v59;
	v48 =	vsel vm0, v11, v36  }
0x2bc: {  	v49 =	vimm.s32 $0x0;
	v59 =	vimm.s32 $0x0;
	v11 =	vsel vm0, v36, v11  }
0x2bd: {  	v29 =	vimm.s32 $0x0;
	v36 =	vimm.s32 $0x0;
	vm10 =	vgt.f32 v6, v50  }
0x2be: {  	[tilespmem:$0x1FDB0] =	vst v23;
	v34 =	vsel vm9, v20, v31;
	v23 =	vsel vm9, $0xFFFFFFFF, v35;
	v46 =	vsel vm9, v31, v20  }
0x2bf: {  	v31 =	vimm.s32 $0x0;
	v35 =	vimm.s32 $0x0;
	v16 =	vsel vm10, v6, v50  }
0x2c0: {  	v6 =	vsel vm10, v50, v6;
	v5 =	vsel vm10, v61, v51;
	v7 =	vsel vm10, v51, v61  }
0x2c1: {  	vm10 =	vgt.f32 v33, v60;
	vm7 =	vgt.f32 v48, v46;
	v50 =	vimm.s32 $0x0  }
0x2c2: {  	vm13 =	vgt.f32 v6, v10;
	v21 =	vsel vm10, $0xFFFFFFFF, v37;
	v38 =	vsel vm10, v60, v33  }
0x2c3: {  	v14 =	vsel vm10, v33, v60;
	v52 =	vsel vm7, v46, v48;
	vm9 =	vmmov vm7  }
0x2c4: {  	v60 =	vimm.s32 $0x0;
	v10 =	vsel vm13, v6, v10;
	v6 =	vsel vm13, v7, v9  }
0x2c5: {  	v7 =	vsel vm14, $0xFFFFFFFF, v25;
	v9 =	vsel vm12, v22, v27;
	v22 =	vsel vm8, $0xFFFFFFFF, v30  }
0x2c6: {  	vm12 =	vgt.f32 v38, v16;
	v25 =	vimm.s32 $0x0;
	[tilespmem:$0x1FD70] =	vst v7;
	v7 =	vsel vm11, $0x39, v53  }
0x2c7: {  	vm11 =	vgt.f32 v34, v17;
	v19 =	vsel vm12, $0xFFFFFFFF, v39;
	v41 =	vsel vm12, v38, v16  }
0x2c8: {  	[tilespmem:$0x1FD90] =	vst v22;
	v16 =	vsel vm12, v16, v38;
	v22 =	vsel vm0, $0xFFFFFFFF, v49;
	v53 =	vimm.s32 $0x0  }
0x2c9: {  	v39 =	vimm.s32 $0x0;
	v40 =	vsel vm11, v17, v34;
	v24 =	vsel vm11, $0xFFFFFFFF, v24  }
0x2ca: {  	vm14 =	vgt.f32 v16, v10;
	[tilespmem:$0x1FE30] =	vst v22;
	v17 =	vsel vm11, v34, v17;
	v22 =	vsel vm7, $0xFFFFFFFF, v53  }
0x2cb: {  	v34 =	vimm.s32 $0x0;
	vm13 =	vgt.f32 v40, v13;
	v10 =	vsel vm14, v16, v10  }
0x2cc: {  	v54 =	vld [tilespmem:s15+$0xE200];
	[tilespmem:$0x1FDA0] =	vst v21;
	vm11 =	vgt.f32 v52, v17;
	v21 =	vsel vm13, $0xFFFFFFFF, v42;
	v44 =	vsel vm13, v13, v40  }
0x2cd: {  	v13 =	vsel vm13, v40, v13;
	v58 =	vsel vm11, v17, v52;
	v17 =	vsel vm11, v52, v17  }
0x2ce: {  	v40 =	vimm.s32 $0x0;
	[tilespmem:$0x1FE00] =	vst v21;
	v21 =	vsel vm14, $0xFFFFFFFF, v43;
	vm15 =	vgt.f32 v44, v15  }
0x2cf: {  	vm13 =	vgt.f32 v58, v13;
	v43 =	vimm.s32 $0x0;
	v16 =	vsel vm15, $0xFFFFFFFF, v45  }
0x2d0: {  	v47 =	vsel vm15, v15, v44;
	v12 =	vsel vm15, v44, v15;
	v15 =	vsel vm11, $0xFFFFFFFF, v55  }
0x2d1: {  	v61 =	vsel vm13, v13, v58;
	vm15 =	vgt.f32 v54, v11;
	v13 =	vsel vm13, v58, v13  }
0x2d2: {  	v44 =	vimm.s32 $0x0;
	v55 =	vimm.s32 $0x0;
	vm6 =	vgt.f32 v47, v14  }
0x2d3: {  	[tilespmem:$0x1FE10] =	vst v16;
	v16 =	vsel vm9, v48, v46;
	vm14 =	vgt.f32 v61, v12;
	v28 =	vsel vm15, v11, v54  }
0x2d4: {  	[tilespmem:$0x1FDD0] =	vst v23;
	v23 =	vsel vm15, $0xFFFFFFFF, v29;
	v11 =	vsel vm15, v54, v11;
	v48 =	vimm.s32 $0x0  }
0x2d5: {  	vm8 =	vmmov vm6;
	v18 =	vsel vm6, $0xFFFFFFFF, v50;
	v51 =	vsel vm6, v14, v47  }
0x2d6: {  	[tilespmem:$0x1FDC0] =	vst v19;
	v19 =	vsel vm14, $0xFFFFFFFF, v62;
	v63 =	vsel vm14, v12, v61;
	v12 =	vsel vm14, v61, v12  }
0x2d7: {  	v62 =	vimm.s32 $0x0;
	vm10 =	vgt.f32 v51, v41;
	v14 =	vsel vm8, v47, v14  }
0x2d8: {  	[tilespmem:$0x1FE70] =	vst v15;
	vm8 =	vgt.f32 v28, v16;
	v15 =	vsel vm10, $0xFFFFFFFF, v56;
	v57 =	vsel vm10, v41, v51  }
0x2d9: {  	[tilespmem:$0x1FE20] =	vst v18;
	v18 =	vsel vm10, v51, v41;
	vm7 =	vgt.f32 v63, v14;
	v33 =	vsel vm8, v16, v28  }
0x2da: {  	vm9 =	vmmov vm8;
	v51 =	vimm.s32 $0x0;
	vm12 =	vgt.f32 v57, v10  }
0x2db: {  	[tilespmem:$0x1FE40] =	vst v15;
	v15 =	vsel vm7, $0xFFFFFFFF, v31;
	v32 =	vsel vm7, v14, v63;
	v14 =	vsel vm7, v63, v14  }
0x2dc: {  	v30 =	vld [tilespmem:s15+$0xE280];
	vm11 =	vgt.f32 v33, v17;
	v16 =	vsel vm9, v28, v16;
	v63 =	vimm.s32 $0x0  }
0x2dd: {  	[tilespmem:$0x1FDF0] =	vst v24;
	v28 =	vimm.s32 $0x0;
	v31 =	vimm.s32 $0x0;
	v24 =	vsel vm12, $0xFFFFFFFF, v59  }
0x2de: {  	[tilespmem:$0x1FE90] =	vst v19;
	v10 =	vsel vm12, v57, v10;
	vm10 =	vgt.f32 v32, v18;
	v38 =	vsel vm11, v17, v33  }
0x2df: {  	v17 =	vsel vm11, v33, v17;
	v57 =	vimm.s32 $0x0;
	[tilespmem:$0x1FE60] =	vst v24;
	v24 =	vsel vm13, $0xFFFFFFFF, v60  }
0x2e0: {  	[tilespmem:$0x1FEA0] =	vst v15;
	v19 =	vsel vm10, $0xFFFFFFFF, v35;
	v37 =	vsel vm10, v32, v18;
	v15 =	vsel vm10, v18, v32  }
0x2e1: {  	vm12 =	vgt.f32 v38, v13;
	vm13 =	vgt.f32 v30, v11;
	[tilespmem:$0x1FE80] =	vst v24;
	v24 =	vsel vm8, $0xFFFFFFFF, v34  }
0x2e2: {  	v46 =	vld [tilespmem:s15+$0xE300];
	[tilespmem:$0x1FEC0] =	vst v19;
	v19 =	vsel vm11, $0xFFFFFFFF, v36;
	vm0 =	vgt.f32 v15, v10;
	v41 =	vsel vm12, v13, v38  }
0x2e3: {  	v42 =	vsel vm13, v11, v30;
	vm14 =	vmmov vm13;
	v13 =	vsel vm12, v38, v13  }
0x2e4: {  	[tilespmem:$0x1FE50] =	vst v22;
	v22 =	vsel vm0, $0xFFFFFFFF, v39;
	v10 =	vsel vm0, v15, v10;
	vm15 =	vgt.f32 v41, v12  }
0x2e5: {  	vm7 =	vgt.f32 v42, v16;
	v11 =	vsel vm14, v30, v11;
	v39 =	vimm.s32 $0x0  }
0x2e6: {  	[tilespmem:$0x1FEE0] =	vst v22;
	v22 =	vsel vm12, $0xFFFFFFFF, v40;
	v45 =	vsel vm15, v12, v41;
	v47 =	vsel vm7, v16, v42  }
0x2e7: {  	[tilespmem:$0x1FED0] =	vst v24;
	v24 =	vsel vm7, $0xFFFFFFFF, v48;
	v12 =	vsel vm15, v41, v12;
	vm12 =	vgt.f32 v46, v11  }
0x2e8: {  	v16 =	vsel vm7, v42, v16;
	[tilespmem:$0x1FF00] =	vst v22;
	v22 =	vsel vm13, $0xFFFFFFFF, v43;
	vm11 =	vgt.f32 v45, v14  }
0x2e9: {  	v59 =	vld [tilespmem:s15+$0xE380];
	vm5 =	vgt.f32 v47, v17;
	v20 =	vsel vm12, v11, v46;
	v11 =	vsel vm12, v46, v11  }
0x2ea: {  	v43 =	vimm.s32 $0x0;
	[tilespmem:$0x1FF20] =	vst v22;
	v22 =	vsel vm15, $0xFFFFFFFF, v44;
	v49 =	vsel vm11, v14, v45  }
0x2eb: {  	[tilespmem:$0x1FF30] =	vst v24;
	v14 =	vsel vm11, v45, v14;
	v50 =	vsel vm5, v17, v47;
	v24 =	vsel vm5, $0xFFFFFFFF, v51  }
0x2ec: {  	v17 =	vsel vm5, v47, v17;
	vm3 =	vgt.f32 v20, v16;
	vm10 =	vgt.f32 v49, v37  }
0x2ed: {  	[tilespmem:$0x1FDE0] =	vst v21;
	vm13 =	vgt.f32 v50, v13;
	v21 =	vsel vm3, v16, v20;
	v25 =	vsel vm3, $0xFFFFFFFF, v25  }
0x2ee: {  	v16 =	vsel vm3, v20, v16;
	vm3 =	vgt.f32 v59, v11;
	v52 =	vsel vm10, v49, v37  }
0x2ef: {  	v15 =	vsel vm10, v37, v49;
	v53 =	vsel vm13, v13, v50;
	vm15 =	vgt.f32 v21, v17  }
0x2f0: {  	v13 =	vsel vm13, v50, v13;
	v30 =	vsel vm3, v11, v59;
	v11 =	vsel vm3, v59, v11  }
0x2f1: {  	vm14 =	vgt.f32 v53, v12;
	vm6 =	vgt.f32 v15, v10;
	v58 =	vsel vm15, v17, v21  }
0x2f2: {  	v45 =	vld [tilespmem:$0x1FD80];
	v17 =	vsel vm15, v21, v17;
	vm4 =	vgt.f32 v30, v16;
	v35 =	vsub.f32 v11, v11  }
0x2f3: {  	[tilespmem:$0x1FF60] =	vst v25;
	v54 =	vsel vm14, v12, v53;
	v25 =	vsel vm6, $0xFFFFFFFF, v55;
	v10 =	vsel vm6, v15, v10  }
0x2f4: {  	v12 =	vsel vm14, v53, v12;
	vm9 =	vgt.f32 v58, v13;
	v33 =	vsel vm4, v16, v30  }
0x2f5: {  	v16 =	vsel vm4, v30, v16;
	vm7 =	vgt.f32 v54, v14;
	v61 =	vsel vm9, v13, v58  }
0x2f6: {  	v50 =	vld [tilespmem:$0x1FDB0];
	v13 =	vsel vm9, v58, v13;
	vm5 =	vgt.f32 v33, v17;
	v16 =	vsub.f32 v16, v11  }
0x2f7: {  	v21 =	vmul.f32 $1.442695020e+00, v35;
	vm1 =	vnez.u8 v45;
	v56 =	vsel vm7, v14, v54  }
0x2f8: {  	[tilespmem:$0x1FF40] =	vst v25;
	v25 =	vsel vm7, $0xFFFFFFFF, v57;
	v14 =	vsel vm7, v54, v14;
	vm7 =	vgt.f32 v61, v12  }
0x2f9: {  	v34 =	vsel vm5, v17, v33;
	v17 =	vsel vm5, v33, v17;
	vm8 =	vgt.f32 v56, v52  }
0x2fa: {  	v27 =	vsel vm7, v12, v61;
	v12 =	vsel vm7, v61, v12;
	v17 =	vsub.f32 v17, v11  }
0x2fb: {  	v16 =	vmul.f32 $1.442695020e+00, v16;
	(erf) = vpow2.f32 v21;
	vm2 =	vnez.u8 v50  }
0x2fc: {  	v26 =	vsel vm8, $0xFFFFFFFF, v26;
	v60 =	vsel vm8, v52, v56;
	v15 =	vsel vm8, v56, v52  }
0x2fd: {  	vm8 =	vgt.f32 v27, v14;
	[tilespmem:$0x1FFA0] =	vst v26;
	v26 =	vsel vm9, $0xFFFFFFFF, v62;
	vm6 =	vgt.f32 v60, v10  }
0x2fe: {  	v20 =	vsel vm8, $0xFFFFFFFF, v28;
	v29 =	vsel vm8, v14, v27;
	v14 =	vsel vm8, v27, v14  }
0x2ff: {  	v17 =	vmul.f32 $1.442695020e+00, v17;
	(erf) = vpow2.f32 v16;
	[tilespmem:$0x1FF80] =	vst v26;
	v26 =	vsel vm6, $0xFFFFFFFF, v63  }
0x300: {  	v10 =	vsel vm6, v60, v10;
	vm9 =	vgt.f32 v29, v15;
	[tilespmem:$0x1FFC0] =	vst v26;
	v26 =	vimm.s32 $0x0  }
0x301: {  	[tilespmem:$0x1FEF0] =	vst v19;
	v18 =	vsel vm9, $0xFFFFFFFF, v31;
	v19 =	vsel vm7, $0xFFFFFFFF, v26;
	vm7 =	vgt.f32 v34, v13  }
0x302: {  	v32 =	vsel vm9, v29, v15;
	v15 =	vsel vm9, v15, v29;
	v36 =	vsel vm7, v13, v34  }
0x303: {  	(erf) = vpow2.f32 v17;
	v13 =	vsel vm7, v34, v13;
	vm8 =	vgt.f32 v36, v12  }
0x304: {  	vm0 =	vgt.f32 v15, v10;
	v13 =	vsub.f32 v13, v11;
	v37 =	vsel vm8, v12, v36  }
0x305: {  	v17 =	vsel vm0, $0xFFFFFFFF, v39;
	v12 =	vsel vm8, v36, v12;
	vm9 =	vgt.f32 v37, v14  }
0x306: {  	v44 =	vld [tilespmem:$0x1FD70];
	v13 =	vmul.f32 $1.442695020e+00, v13;
	v12 =	vsub.f32 v12, v11;
	v38 =	vsel vm9, v37, v14  }
0x307: {  	v10 =	vsel vm0, v15, v10;
	v14 =	vsel vm9, v14, v37;
	v40 =	vsub.f32 v38, v11  }
0x308: {  	v46 =	vld [tilespmem:$0x1FD90];
	(erf) = vpow2.f32 v13;
	v12 =	vmul.f32 $1.442695020e+00, v12;
	vm6 =	vgt.f32 v14, v32  }
0x309: {  	v63 =	vld [tilespmem:$0x1FE60];
	v41 =	vsel vm6, v14, v32;
	v14 =	vsel vm6, v32, v14;
	v15 =	vmul.f32 $1.442695020e+00, v40  }
0x30a: {  	v54 =	vld [tilespmem:$0x1FDE0];
	(erf) = vpow2.f32 v12;
	v42 =	vsub.f32 v41, v11;
	vm0 =	vgt.f32 v14, v10  }
0x30b: {  	v13 =	vsel vm0, $0xFFFFFFFF, v43;
	v10 =	vsel vm0, v14, v10;
	vm0 =	vnez.u8 v44  }
0x30c: {  	v49 =	vld [tilespmem:$0x1FDA0];
	[tilespmem:$0x1FFF0] =	vst v13;
	v13 =	vsel vm0, v1, v9;
	(erf) = vpow2.f32 v15;
	v10 =	vsub.f32 v10, v11  }
0x30d: {  	v52 =	vld [tilespmem:$0x1FDC0];
	v12 =	vmul.f32 $1.442695020e+00, v42;
	v1 =	vsel vm0, v9, v1;
	vm0 =	vnez.u8 v46  }
0x30e: {  	v53 =	vld [tilespmem:$0x1FDD0];
	v15 =	vnsel vm2, $0x3A, v7;
	v7 =	vsel vm2, $0x3A, v7;
	vm2 =	vnez.u8 v63  }
0x30f: {  	v55 =	vld [tilespmem:$0x1FDF0];
	v14 =	vpop (erf);
	v11 =	vsel vm1, v3, v13;
	v3 =	vsel vm1, v13, v3;
	vm1 =	vnez.u8 v54  }
0x310: {  	v57 =	vld [tilespmem:$0x1FE00];
	v47 =	vpop (erf);
	v9 =	vsel vm0, v2, v11;
	(erf) = vpow2.f32 v12;
	v10 =	vmul.f32 $1.442695020e+00, v10  }
0x311: {  	v48 =	vadd.f32 v47, v14;
	v2 =	vsel vm0, v11, v2;
	vm0 =	vnez.u8 v49  }
0x312: {  	v58 =	vld [tilespmem:$0x1FE10];
	v11 =	vsel vm0, v9, v4;
	v4 =	vsel vm0, v4, v9;
	vm0 =	vnez.u8 v52  }
0x313: {  	v59 =	vld [tilespmem:$0x1FE20];
	v12 =	vsel vm0, v4, v5;
	v4 =	vsel vm0, v5, v4;
	vm0 =	vnez.u8 v53  }
0x314: {  	v60 =	vld [tilespmem:$0x1FE30];
	(erf) = vpow2.f32 v10;
	v16 =	vsel vm0, v8, v15;
	v4 =	vsel vm1, v4, v6  }
0x315: {  	v61 =	vld [tilespmem:$0x1FE40];
	v9 =	vpop (erf);
	vm1 =	vnez.u8 v55;
	v8 =	vsel vm0, v15, v8;
	vm0 =	vnez.u8 v57  }
0x316: {  	[tilespmem:$0x1FF50] =	vst v24;
	v24 =	vld [tilespmem:$0x1FE90];
	v51 =	vadd.f32 v9, v48;
	v6 =	vsel vm1, v1, v16;
	v1 =	vsel vm1, v16, v1  }
0x317: {  	v62 =	vld [tilespmem:$0x1FE50];
	[tilespmem:$0x1FFE0] =	vst v17;
	v5 =	vpop (erf);
	vm1 =	vnez.u8 v58;
	v17 =	vsel vm0, v3, v6;
	v3 =	vsel vm0, v6, v3  }
0x318: {  	[tilespmem:$0x1FF10] =	vst v22;
	v22 =	vld [tilespmem:$0x1FE70];
	vm0 =	vnez.u8 v59;
	v10 =	vadd.f32 v5, v51;
	v16 =	vsel vm1, v2, v17  }
0x319: {  	[tilespmem:$0x1FEB0] =	vst v23;
	v23 =	vld [tilespmem:$0x1FE80];
	v2 =	vsel vm1, v17, v2;
	vm1 =	vnez.u8 v60;
	v17 =	vsel vm0, v16, v11  }
0x31a: {  	v30 =	vld [tilespmem:$0x1FEE0];
	v56 =	vpop (erf);
	v11 =	vsel vm0, v11, v16;
	v16 =	vnsel vm1, $0x3B, v7;
	vm0 =	vnez.u8 v61  }
0x31b: {  	[tilespmem:$0x1FF70] =	vst v25;
	v25 =	vld [tilespmem:$0x1FEA0];
	v7 =	vsel vm1, $0x3B, v7;
	vm1 =	vnez.u8 v24;
	v10 =	vadd.f32 v56, v10  }
0x31c: {  	[tilespmem:$0x1FFD0] =	vst v18;
	v18 =	vsel vm0, v11, v12;
	v11 =	vsel vm0, v12, v11;
	vm0 =	vnez.u8 v62  }
0x31d: {  	v27 =	vld [tilespmem:$0x1FEB0];
	[tilespmem:$0x1FF90] =	vst v19;
	v6 =	vpop (erf);
	v19 =	vsel vm0, v8, v16;
	v4 =	vsel vm2, v11, v4;
	vm2 =	vnez.u8 v22  }
0x31e: {  	v28 =	vld [tilespmem:$0x1FEC0];
	v8 =	vsel vm0, v16, v8;
	vm0 =	vnez.u8 v23;
	v10 =	vadd.f32 v6, v10  }
0x31f: {  	v31 =	vld [tilespmem:$0x1FEF0];
	v11 =	vsel vm2, v1, v19;
	v1 =	vsel vm2, v19, v1;
	vm2 =	vnez.u8 v30  }
0x320: {  	v29 =	vld [tilespmem:$0x1FED0];
	v12 =	vpop (erf);
	v16 =	vsel vm0, v3, v11;
	v3 =	vsel vm0, v11, v3;
	vm0 =	vnez.u8 v25  }
0x321: {  	v10 =	vadd.f32 v12, v10;
	v19 =	vsel vm1, v2, v16;
	v2 =	vsel vm1, v16, v2  }
0x322: {  	[tilespmem:$0x1FFB0] =	vst v20;
	v32 =	vld [tilespmem:$0x1FF00];
	v20 =	vpop (erf);
	v11 =	vsel vm0, v19, v17;
	v26 =	vsel vm0, v17, v19;
	vm0 =	vnez.u8 v27  }
0x323: {  	v33 =	vld [tilespmem:$0x1FF10];
	vm1 =	vnez.u8 v28;
	v10 =	vadd.f32 v20, v10;
	v17 =	vnsel vm0, $0x3C, v7  }
0x324: {  	v16 =	vsel vm1, v18, v26;
	v7 =	vsel vm0, $0x3C, v7;
	vm0 =	vnez.u8 v31  }
0x325: {  	v34 =	vld [tilespmem:$0x1FF20];
	(erf) = vrcp.f32 v10;
	v10 =	vsel vm1, v26, v18;
	vm1 =	vnez.u8 v29  }
0x326: {  	v36 =	vld [tilespmem:$0x1FF30];
	v4 =	vsel vm2, v16, v4;
	v18 =	vsel vm1, v8, v17;
	v8 =	vsel vm1, v17, v8  }
0x327: {  	v37 =	vld [tilespmem:$0x1FF40];
	v16 =	vsel vm0, v1, v18;
	v1 =	vsel vm0, v18, v1;
	vm0 =	vnez.u8 v32  }
0x328: {  	v39 =	vld [tilespmem:$0x1FF50];
	v17 =	vsel vm0, v3, v16;
	v3 =	vsel vm0, v16, v3;
	vm0 =	vnez.u8 v33  }
0x329: {  	v54 =	vld [tilespmem:$0x1FFA0];
	v16 =	vsel vm0, v17, v2;
	v2 =	vsel vm0, v2, v17  }
0x32a: {  	v59 =	vld [tilespmem:$0x1FFC0];
	v17 =	vsel vm11, v2, v11;
	v2 =	vsel vm11, v11, v2;
	vm11 =	vnez.u8 v34  }
0x32b: {  	v57 =	vld [tilespmem:$0x1FFB0];
	vm1 =	vnez.u8 v36;
	v11 =	vnsel vm11, $0x3D, v7;
	v35 =	vsel vm10, v2, v10  }
0x32c: {  	v2 =	vsel vm10, v10, v2;
	vm10 =	vnez.u8 v37;
	v38 =	vsel vm11, $0x3D, v7  }
0x32d: {  	v60 =	vld [tilespmem:$0x1FFD0];
	vm11 =	vnez.u8 v39;
	v10 =	vsel vm1, v8, v11;
	v2 =	vsel vm10, v2, v4  }
0x32e: {  	v8 =	vsel vm1, v11, v8;
	v41 =	vsel vm12, $0x3E, v38;
	v4 =	vnsel vm12, $0x3E, v38  }
0x32f: {  	v45 =	vld [tilespmem:$0x1FF60];
	vm10 =	vnez.u8 v54;
	vm12 =	vnez.u8 v59;
	v7 =	vsel vm11, v1, v10  }
0x330: {  	v1 =	vsel vm11, v10, v1;
	v44 =	vsel vm3, $0x3F, v41;
	vm11 =	vnez.u8 v57  }
0x331: {  	v63 =	vld [tilespmem:$0x1FFE0];
	v40 =	vsel vm13, v7, v3;
	v3 =	vsel vm13, v3, v7;
	v42 =	vpop (erf);
	v7 =	vnsel vm3, $0x3F, v41  }
0x332: {  	v49 =	vld [tilespmem:$0x1FF70];
	vm13 =	vnez.u8 v60;
	v43 =	vsel vm14, v3, v16;
	v14 =	vmul.f32 v42, v14  }
0x333: {  	v51 =	vld [tilespmem:$0x1FF80];
	v3 =	vsel vm14, v16, v3;
	v13 =	vmul.f32 v42, v47;
	v9 =	vmul.f32 v42, v9  }
0x334: {  	vm14 =	vnez.u8 v45;
	v5 =	vmul.f32 v42, v5;
	v56 =	vmul.f32 v42, v56  }
0x335: {  	v53 =	vld [tilespmem:$0x1FF90];
	v6 =	vmul.f32 v42, v6;
	v62 =	vmul.f32 v42, v12;
	v16 =	vsel vm14, v4, v8  }
0x336: {  	v4 =	vsel vm14, v8, v4;
	vm14 =	vnez.u8 v63;
	v46 =	vsel vm4, v7, v16  }
0x337: {  	v47 =	vsel vm15, v4, v1;
	v1 =	vsel vm15, v1, v4;
	vm15 =	vnez.u8 v49  }
0x338: {  	v48 =	vsel vm4, v16, v7;
	vm4 =	vnez.u8 v51;
	v7 =	vsel vm15, v3, v17  }
0x339: {  	[tilespmem:s15+$0x10000] =	vst v44;
	v50 =	vsel vm5, v48, v47;
	v3 =	vsel vm15, v17, v3;
	v4 =	vsel vm5, v47, v48  }
0x33a: {  	[tilespmem:s15+$0x12000] =	vst v14;
	v8 =	vsel vm4, v1, v40;
	v1 =	vsel vm4, v40, v1;
	vm5 =	vnez.u8 v53  }
0x33b: {  	[tilespmem:s15+$0x12100] =	vst v9;
	v52 =	vsel vm7, v4, v8;
	v9 =	vsel vm5, v1, v43;
	v1 =	vsel vm5, v43, v1  }
0x33c: {  	[tilespmem:s15+$0x12080] =	vst v13;
	v4 =	vsel vm7, v8, v4;
	v8 =	vsel vm10, v3, v35;
	v3 =	vsel vm10, v35, v3  }
0x33d: {  	[tilespmem:s15+$0x12180] =	vst v5;
	v55 =	vsel vm8, v4, v9;
	v4 =	vsel vm8, v9, v4;
	v9 =	vsel vm11, v1, v7  }
0x33e: {  	[tilespmem:s15+$0x12200] =	vst v56;
	v1 =	vsel vm11, v7, v1;
	v2 =	vsel vm12, v3, v2;
	v58 =	vsel vm9, v4, v9  }
0x33f: {  	[tilespmem:s15+$0x12280] =	vst v6;
	v3 =	vsel vm9, v9, v4;
	v4 =	vsel vm13, v1, v8;
	v1 =	vsel vm13, v8, v1  }
0x340: {  	[tilespmem:s15+$0x12300] =	vst v62;
	v61 =	vsel vm6, v3, v4;
	v1 =	vsel vm14, v1, v2;
	v2 =	vsel vm6, v4, v3;
	v3 =	vld [tilespmem:$0x1FFF0]  }
0x341: {  	[tilespmem:s15+$0x10080] =	vst v46  }
0x342: {  	[tilespmem:s15+$0x10100] =	vst v50  }
0x343: {  	p0 =	sne.s32 s14, $0x3F0;
	[tilespmem:s15+$0x10180] =	vst v52  }
.Ltmp0:
0x344: {  	[tilespmem:s15+$0x10200] =	vst v55;
	(pc) =	sbr.rel @p0 .LBB2_2-.Ltmp0, $4  }
0x345: {  	[tilespmem:s15+$0x10280] =	vst v58;
	vm15 =	vnez.u8 v3  }
0x346: {  	[tilespmem:s15+$0x10300] =	vst v61;
	v1 =	vsel vm15, v2, v1;
	v2 =	vmul.f32 v42, v20  }
0x347: {  	[tilespmem:s16+$0x10000] =	vst v1  }
0x348: {  	s13 =	sadd.s32 $0x80, s13;
	s14 =	sadd.s32 $0x10, s14;
	[tilespmem:s16+$0x12000] =	vst v2  }
0x349: {  	[hbm4b:s4+s2] =	stream.linear.scatter [tilespmem:s10], [sflag:$0x1], $0x2000, $0x38;
	[tilespmem:$0x14000] =	vst v63  }
0x34a: {  	s12 =	sadd.s32 $0x1, s12;
	_ =	swait.ge [sflag:s9], $0x2000  }
0x34b: {  	p0 =	sne.s32 s12, s6;
	[sflag:s9] =	ssyncset.done $0x0  }
.Ltmp1:
0x34c: {  	[sflag:s9] =	ssyncadd.s32 $0xFFFFE000;
	(pc) =	sbr.rel @p0 .LBB2_1-.Ltmp1, $4  }
0x34d: {  	[hbm4b:s5+s2] =	stream.linear.scatter [tilespmem:s11], [sflag:$0x1], $0x2000, $0x38;
	[tilespmem:$0x14000] =	vst v63  }
0x34e: {  	_ =	swait.ge [sflag:s9], $0x2000  }
0x34f: {  	[sflag:s9] =	ssyncset.done $0x0  }
0x350: {  	[sflag:s9] =	ssyncadd.s32 $0xFFFFE000  }
0x351: {  	_ =	sfence.sel $0x180000  }
0x352: {  	[bflag:$0x0] =	sbarrier.arrive $0xFFFF  }
0x353: {  	p0 =	sne.s32 s1, $0x0;
	_ =	strace $0x90000047  }
0x354: {  	s0 =	sadd.s32 @!p0 $0x100000, s0;
	[bflag:$0x2] =	sbarrier.arrive $0xFFFF  }
0x355: {  	[sflag:s0] =	ssyncadd.tile.s32 @!p0 $0x1;
	_ =	shalt  }
.Lfunc_end2:
_tile_overlayer_lowered:
.L_overlay_start_2:
0x356: {  	(tag) =	ssettag $0x2  }
0x357: {  	s0 =	rddreg [dreg:$0x0];
	s2 =	stileid.u32  }
0x358: {  	s1 =	rddreg [dreg:$0x1];
	p0 =	sne.s32 s2, $0x0  }
0x359: {  	s3 =	rddreg [dreg:$0x2];
	[bflag:$0x3] =	sbarrier.arrive $0xFFFF;
	s2 =	simm.s32 @!p0 $0x1C01  }
0x35a: {  	[timem:s3], [sflag:s2] =	dma.local @!p0 [hbm:s0], s1  }
0x35b: {  	s0 =	simm.s32 @!p0 $0x1  }
0x35c: {  	_ =	swait.ge @!p0 [sflag:s0], s1  }
0x35d: {  	s1 =	ssub.s32 @!p0 $0x0, s1;
	[sflag:s0] =	ssyncset.done @!p0 $0x0  }
0x35e: {  	[sflag:s0] =	ssyncadd.s32 @!p0 s1  }
0x35f: {  	[bflag:$0x3] =	sbarrier.arrive $0xFFFF  }
0x360: {  	_ =	shalt  }

</sc_bundles>
